<compile_context>
chip_gen: v7x
topology: tpu7x:2x2x1
jax: 0.10.2.dev20260603
libtpu: 0.0.44.dev20260713+nightly
codegen_flags: <defaults>
</compile_context>

<pallas_src>
import functools

import jax
import jax.numpy as jnp
from jax import lax
from jax.experimental import pallas as pl
from jax.experimental.pallas import tpu as pltpu
from jax.experimental.pallas import tpu_sc as plsc

B, S, E, V = 4096, 200, 64, 100000
GROUP = 5
AVOCAB = 52
NC, NS, L = 2, 16, 16
NW = NC * NS
BPW = B // NW
SPAD = 208
NJ = E // L
NSLOT = 4


def _rsqrt16(v):
  i = plsc.bitcast(v, jnp.int32)
  y = plsc.bitcast(
      jnp.full((L,), 0x5F3759DF, jnp.int32) - lax.shift_right_logical(i, 1),
      jnp.float32)
  h = v * 0.5
  for _ in range(3):
    y = y * (1.5 - h * y * y)
  return y


def _body(ids_hbm, word_hbm, pos_hbm, anum_hbm, asset_hbm, g_hbm, be_hbm,
          out_hbm, posasset, asset, anum, gam, bet, ids_all, rows4, outb2,
          sg0, sg1, sg2, sg3, so0, so1):
  wid = lax.axis_index("s") * NC + lax.axis_index("c")
  base = wid * BPW
  sem_g = (sg0, sg1, sg2, sg3)
  sem_o = (so0, so1)

  def gather_copy(r, c):
    return pltpu.make_async_copy(
        word_hbm.at[ids_all.at[r, pl.ds(0, S)]], rows4.at[c], sem_g[c])

  def out_copy(r, co):
    return pltpu.make_async_copy(outb2.at[co], out_hbm.at[base + r], sem_o[co])

  @pl.loop(0, BPW)
  def _(rr):
    ids_all[rr, pl.ds(SPAD - L, L)] = jnp.zeros((L,), jnp.int32)
  pltpu.sync_copy(ids_hbm.at[pl.ds(base, BPW)], ids_all.at[:, pl.ds(0, S)])
  pltpu.sync_copy(pos_hbm.at[pl.ds(0, S)], posasset)
  pltpu.sync_copy(asset_hbm, asset)
  pltpu.sync_copy(anum_hbm, anum)
  pltpu.sync_copy(g_hbm, gam)
  pltpu.sync_copy(be_hbm, bet)

  @pl.loop(0, S)
  def _(t):
    a = t // GROUP
    for j in range(NJ):
      sl = pl.ds(j * L, L)
      posasset[t, sl] = posasset[t, sl] + asset[a, sl]

  gvec = [gam[pl.ds(j * L, L)] for j in range(NJ)]
  bvec = [bet[pl.ds(j * L, L)] for j in range(NJ)]

  for c in range(NSLOT - 1):
    gather_copy(c, c).start()

  @pl.loop(0, BPW // NSLOT)
  def _(h):
    for c in range(NSLOT):
      r = NSLOT * h + c
      f = (c + NSLOT - 1) % NSLOT
      co = c % 2

      @pl.when(r + NSLOT - 1 < BPW)
      def _():
        gather_copy(r + NSLOT - 1, f).start()

      gather_copy(r, c).wait()

      cnt = jnp.zeros((L,), jnp.int32)
      one = jnp.ones((L,), jnp.int32)
      zero = jnp.zeros((L,), jnp.int32)
      for k in range(SPAD // L):
        cnt = cnt + jnp.where(ids_all[r, pl.ds(k * L, L)] != 0, one, zero)
      aidx = jnp.sum(cnt) // GROUP
      avec = [anum[aidx, pl.ds(j * L, L)] for j in range(NJ)]

      @pl.when(r >= 2)
      def _():
        out_copy(r - 2, co).wait()

      @plsc.parallel_loop(0, S, unroll=2)
      def _(t):
        x = [rows4[c, t, pl.ds(j * L, L)] + posasset[t, pl.ds(j * L, L)]
             + avec[j] for j in range(NJ)]
        sv = (x[0] + x[1]) + (x[2] + x[3])
        tot = jnp.sum(sv)
        q = [xj * xj for xj in x]
        qv = (q[0] + q[1]) + (q[2] + q[3])
        tot2 = jnp.sum(qv)
        mean = tot * (1.0 / E)
        var = tot2 * (1.0 / E) - mean * mean
        inv = _rsqrt16(jnp.broadcast_to(var + 1e-5, (L,)))
        for j in range(NJ):
          outb2[co, t, pl.ds(j * L, L)] = (x[j] - mean) * inv * gvec[j] + bvec[j]

      out_copy(r, co).start()

  out_copy(BPW - 2, 0).wait()
  out_copy(BPW - 1, 1).wait()


_mesh = plsc.VectorSubcoreMesh(
    core_axis_name="c", subcore_axis_name="s", num_cores=NC, num_subcores=NS)

_kern = functools.partial(
    pl.kernel,
    out_type=jax.ShapeDtypeStruct((B, S, E), jnp.float32),
    mesh=_mesh,
    compiler_params=pltpu.CompilerParams(
        needs_layout_passes=False, use_tc_tiling_on_sc=False),
    scratch_types=[
        pltpu.VMEM((S, E), jnp.float32),
        pltpu.VMEM((AVOCAB, E), jnp.float32),
        pltpu.VMEM((AVOCAB, E), jnp.float32),
        pltpu.VMEM((E,), jnp.float32),
        pltpu.VMEM((E,), jnp.float32),
        pltpu.VMEM((BPW, SPAD), jnp.int32),
        pltpu.VMEM((NSLOT, S, E), jnp.float32),
        pltpu.VMEM((2, S, E), jnp.float32),
        pltpu.SemaphoreType.DMA,
        pltpu.SemaphoreType.DMA,
        pltpu.SemaphoreType.DMA,
        pltpu.SemaphoreType.DMA,
        pltpu.SemaphoreType.DMA,
        pltpu.SemaphoreType.DMA,
    ],
)(_body)


@jax.jit
def kernel(input_ids, word_table, pos_table, asset_num_table, asset_table,
           attr_table, ln_gamma, ln_beta):
  del attr_table
  ids = input_ids.astype(jnp.int32)
  return _kern(ids, word_table, pos_table, asset_num_table, asset_table,
               ln_gamma, ln_beta)

# --- scband reference (transcript-rebuilt; emitter-appended) ---
"""Pipeline reference for scband-layout-embed-7138235646115 (READ-ONLY COPY).

The authoritative reference and input builder live on the scoring server;
editing this copy changes nothing except your own understanding.
"""

import jax, jax.numpy as jnp
import numpy as np

VOCAB = 100000
MAXPOS = 256
EMBED = 64
BATCH = 4096
SEQ = 200
LAYOUT_DIM = 2
GROUP = LAYOUT_DIM * 2 + 1  # 5
PAD = 0
ASSET_VOCAB = MAXPOS // GROUP + 1  # 52


def setup_inputs(seed: int = 0) -> dict:
    key = jax.random.key(seed)
    ks = jax.random.split(key, 7)
    input_ids = jax.random.randint(ks[0], (BATCH, SEQ), 0, VOCAB)
    word_table = jax.random.normal(ks[1], (VOCAB, EMBED), dtype=jnp.float32) * 0.02
    pos_table = jax.random.normal(ks[2], (MAXPOS, EMBED), dtype=jnp.float32) * 0.02
    asset_num_table = jax.random.normal(ks[3], (ASSET_VOCAB, EMBED), dtype=jnp.float32) * 0.02
    asset_table = jax.random.normal(ks[4], (ASSET_VOCAB, EMBED), dtype=jnp.float32) * 0.02
    attr_table = jax.random.normal(ks[5], (GROUP, EMBED), dtype=jnp.float32) * 0.02
    ln_gamma = jnp.ones((EMBED,), dtype=jnp.float32)
    ln_beta = jnp.zeros((EMBED,), dtype=jnp.float32)
    return {
        'input_ids': input_ids,
        'word_table': word_table,
        'pos_table': pos_table,
        'asset_num_table': asset_num_table,
        'asset_table': asset_table,
        'attr_table': attr_table,
        'ln_gamma': ln_gamma,
        'ln_beta': ln_beta,
    }


def reference(input_ids, word_table, pos_table, asset_num_table, asset_table, attr_table, ln_gamma, ln_beta):
    seq_length = input_ids.shape[1]
    position_ids = jnp.arange(MAXPOS)[None, :][:, :seq_length]  # [1, S]
    asset_ids = position_ids // GROUP  # [1, S]
    asset_num = jnp.sum(input_ids != PAD, axis=1)[:, None] // GROUP  # [B, 1]
    attribute_ids = position_ids % GROUP  # [1, S]
    word_embeddings = jnp.take(word_table, input_ids, axis=0)           # [B, S, E]
    position_embeddings = jnp.take(pos_table, position_ids, axis=0)     # [1, S, E]
    asset_embeddings = jnp.take(asset_table, asset_ids, axis=0)         # [1, S, E]
    # attribute embeddings are computed in the torch forward but NOT added to the sum
    attribute_embeddings = jnp.take(attr_table, attribute_ids, axis=0)  # [1, S, E] (unused)
    asset_num_embeddings = jnp.take(asset_num_table, asset_num, axis=0) # [B, 1, E]
    x = word_embeddings + position_embeddings + asset_num_embeddings + asset_embeddings
    mean = jnp.mean(x, axis=-1, keepdims=True)
    var = jnp.var(x, axis=-1, keepdims=True)
    x = (x - mean) / jnp.sqrt(var + 1e-5) * ln_gamma + ln_beta
    # hidden_size=None -> no dense projection; dropout is identity in eval mode
    return x

if __name__ == "__main__":
    import jax
    _d = setup_inputs()
    print(jax.jit(kernel)(*tuple(_d.values())))

</pallas_src>

<mosaic_0001>
#map = affine_map<(d0, d1) -> (0, 0)>
#map1 = affine_map<(d0, d1) -> (0)>
#map2 = affine_map<(d0, d1) -> (0, 0, 0)>
module attributes {stable_mosaic.version = 14 : i64} {
  func.func @_body(%arg0: i32, %arg1: i32, %arg2: memref<4096x200xi32, #tpu.memory_space<hbm>>, %arg3: memref<100000x64xf32, #tpu.memory_space<hbm>>, %arg4: memref<256x64xf32, #tpu.memory_space<hbm>>, %arg5: memref<52x64xf32, #tpu.memory_space<hbm>>, %arg6: memref<52x64xf32, #tpu.memory_space<hbm>>, %arg7: memref<64xf32, #tpu.memory_space<hbm>>, %arg8: memref<64xf32, #tpu.memory_space<hbm>>, %arg9: memref<4096x200x64xf32, #tpu.memory_space<hbm>>, %arg10: memref<200x64xf32, #tpu.memory_space<vmem>>, %arg11: memref<52x64xf32, #tpu.memory_space<vmem>>, %arg12: memref<52x64xf32, #tpu.memory_space<vmem>>, %arg13: memref<64xf32, #tpu.memory_space<vmem>>, %arg14: memref<64xf32, #tpu.memory_space<vmem>>, %arg15: memref<128x208xi32, #tpu.memory_space<vmem>>, %arg16: memref<4x200x64xf32, #tpu.memory_space<vmem>>, %arg17: memref<2x200x64xf32, #tpu.memory_space<vmem>>, %arg18: memref<!tpu.dma_semaphore, #tpu.memory_space<semaphore_mem>>, %arg19: memref<!tpu.dma_semaphore, #tpu.memory_space<semaphore_mem>>, %arg20: memref<!tpu.dma_semaphore, #tpu.memory_space<semaphore_mem>>, %arg21: memref<!tpu.dma_semaphore, #tpu.memory_space<semaphore_mem>>, %arg22: memref<!tpu.dma_semaphore, #tpu.memory_space<semaphore_mem>>, %arg23: memref<!tpu.dma_semaphore, #tpu.memory_space<semaphore_mem>>) attributes {dimension_semantics = [#tpu.dimension_semantics<core_parallel>, #tpu.dimension_semantics<subcore_parallel>], iteration_bounds = array<i64: 2, 16>, scalar_prefetch = 0 : i64, scratch_operands = 14 : i64, tpu.core_type = #tpu.core_type<sc_vector_subcore>, window_params = [{transform_indices = #map}, {transform_indices = #map}, {transform_indices = #map}, {transform_indices = #map}, {transform_indices = #map}, {transform_indices = #map1}, {transform_indices = #map1}, {transform_indices = #map2}]} {
    %mul3A = arith.constant 2 : i32
    %mul3A_0 = arith.muli %arg1, %mul3A : i32
    %add3A = arith.addi %mul3A_0, %arg0 : i32
    %mul3A_1 = arith.constant 128 : i32
    %mul3A_2 = arith.muli %add3A, %mul3A_1 : i32
    %scan3A = arith.constant 0 : i32
    %scan3A_3 = arith.constant 128 : i32
    %scan3A_4 = arith.addi %scan3A, %scan3A_3 : i32
    %scan3A_5 = arith.constant 1 : i32
    scf.for %scan3A_104 = %scan3A to %scan3A_4 step %scan3A_5  : i32 {
      %mul3A_105 = arith.constant 1 : i32
      %mul3A_106 = arith.muli %scan3A_104, %mul3A_105 : i32
      %add3A_107 = arith.constant 0 : i32
      %add3A_108 = arith.addi %add3A_107, %mul3A_106 : i32
      %broadcast_in_dim3A = arith.constant 0 : i32
      %broadcast_in_dim3A_109 = vector.broadcast %broadcast_in_dim3A : i32 to vector<16xi32>
      %swap3A = arith.index_cast %add3A_108 : i32 to index
      %swap3A_110 = arith.constant 192 : index
      %swap3A_111 = tpu.vector_load %arg15[%swap3A, %swap3A_110] {strides = array<i32>} : memref<128x208xi32, #tpu.memory_space<vmem>>, vector<16xi32>,
      tpu.vector_store %arg15[%swap3A, %swap3A_110], %broadcast_in_dim3A_109 {strides = array<i32>} : memref<128x208xi32, #tpu.memory_space<vmem>>, vector<16xi32>,
    }
    %scan3A_6 = arith.constant 128 : i32
    "tpu.region"() ({
      %run_scoped3A = tpu.sem_alloc : memref<!tpu.dma_semaphore, #tpu.memory_space<semaphore_mem>>
      %dma_start3A_104 = arith.constant 0 : i32
      %dma_start3A_105 = arith.constant 0 : i32
      %dma_start3A_106 = tpu.memref_slice %arg15[%dma_start3A_104, %dma_start3A_105] : memref<128x208xi32, #tpu.memory_space<vmem>> -> memref<128x200xi32, #tpu.memory_space<vmem>>
      %dma_start3A_107 = arith.constant 0 : i32
      %dma_start3A_108 = tpu.memref_slice %arg2[%mul3A_2, %dma_start3A_107] : memref<4096x200xi32, #tpu.memory_space<hbm>> -> memref<128x200xi32, #tpu.memory_space<hbm>>
      %dma_start3A_109 = arith.constant 0 : i32
      %dma_start3A_110 = arith.constant 0 : i32
      %dma_start3A_111 = tpu.memref_slice %arg15[%dma_start3A_109, %dma_start3A_110] : memref<128x208xi32, #tpu.memory_space<vmem>> -> memref<128x200xi32, #tpu.memory_space<vmem>>
      %dma_start3A_112 = arith.constant 0 : i32
      %dma_start3A_113 = tpu.memref_slice %arg2[%mul3A_2, %dma_start3A_112] : memref<4096x200xi32, #tpu.memory_space<hbm>> -> memref<128x200xi32, #tpu.memory_space<hbm>>
      tpu.enqueue_dma source(%dma_start3A_113 : memref<128x200xi32, #tpu.memory_space<hbm>>) target(%dma_start3A_111 : memref<128x200xi32, #tpu.memory_space<vmem>>) target_semaphore(%run_scoped3A : memref<!tpu.dma_semaphore, #tpu.memory_space<semaphore_mem>>)
      %dma_wait3A_114 = arith.constant 0 : i32
      %dma_wait3A_115 = arith.constant 0 : i32
      %dma_wait3A_116 = tpu.memref_slice %arg15[%dma_wait3A_114, %dma_wait3A_115] : memref<128x208xi32, #tpu.memory_space<vmem>> -> memref<128x200xi32, #tpu.memory_space<vmem>>
      %dma_wait3A_117 = arith.constant 0 : i32
      %dma_wait3A_118 = tpu.memref_slice %arg2[%mul3A_2, %dma_wait3A_117] : memref<4096x200xi32, #tpu.memory_space<hbm>> -> memref<128x200xi32, #tpu.memory_space<hbm>>
      %dma_wait3A_119 = arith.constant 0 : i32
      %dma_wait3A_120 = arith.constant 0 : i32
      %dma_wait3A_121 = tpu.memref_slice %arg15[%dma_wait3A_119, %dma_wait3A_120] : memref<128x208xi32, #tpu.memory_space<vmem>> -> memref<128x200xi32, #tpu.memory_space<vmem>>
      %dma_wait3A_122 = arith.constant 0 : i32
      %dma_wait3A_123 = tpu.memref_slice %arg2[%mul3A_2, %dma_wait3A_122] : memref<4096x200xi32, #tpu.memory_space<hbm>> -> memref<128x200xi32, #tpu.memory_space<hbm>>
      tpu.wait_dma2 semaphore(%run_scoped3A : memref<!tpu.dma_semaphore, #tpu.memory_space<semaphore_mem>>) src(%dma_wait3A_123 : memref<128x200xi32, #tpu.memory_space<hbm>>) dst(%dma_wait3A_121 : memref<128x200xi32, #tpu.memory_space<vmem>>)
      tpu.yield
    }) : () -> ()
    "tpu.region"() ({
      %run_scoped3A = tpu.sem_alloc : memref<!tpu.dma_semaphore, #tpu.memory_space<semaphore_mem>>
      %dma_start3A_104 = arith.constant 0 : i32
      %dma_start3A_105 = arith.constant 0 : i32
      %dma_start3A_106 = tpu.memref_slice %arg4[%dma_start3A_104, %dma_start3A_105] : memref<256x64xf32, #tpu.memory_space<hbm>> -> memref<200x64xf32, #tpu.memory_space<hbm>>
      %dma_start3A_107 = arith.constant 0 : i32
      %dma_start3A_108 = arith.constant 0 : i32
      %dma_start3A_109 = tpu.memref_slice %arg4[%dma_start3A_107, %dma_start3A_108] : memref<256x64xf32, #tpu.memory_space<hbm>> -> memref<200x64xf32, #tpu.memory_space<hbm>>
      tpu.enqueue_dma source(%dma_start3A_109 : memref<200x64xf32, #tpu.memory_space<hbm>>) target(%arg10 : memref<200x64xf32, #tpu.memory_space<vmem>>) target_semaphore(%run_scoped3A : memref<!tpu.dma_semaphore, #tpu.memory_space<semaphore_mem>>)
      %dma_wait3A_110 = arith.constant 0 : i32
      %dma_wait3A_111 = arith.constant 0 : i32
      %dma_wait3A_112 = tpu.memref_slice %arg4[%dma_wait3A_110, %dma_wait3A_111] : memref<256x64xf32, #tpu.memory_space<hbm>> -> memref<200x64xf32, #tpu.memory_space<hbm>>
      %dma_wait3A_113 = arith.constant 0 : i32
      %dma_wait3A_114 = arith.constant 0 : i32
      %dma_wait3A_115 = tpu.memref_slice %arg4[%dma_wait3A_113, %dma_wait3A_114] : memref<256x64xf32, #tpu.memory_space<hbm>> -> memref<200x64xf32, #tpu.memory_space<hbm>>
      tpu.wait_dma2 semaphore(%run_scoped3A : memref<!tpu.dma_semaphore, #tpu.memory_space<semaphore_mem>>) src(%dma_wait3A_115 : memref<200x64xf32, #tpu.memory_space<hbm>>) dst(%arg10 : memref<200x64xf32, #tpu.memory_space<vmem>>)
      tpu.yield
    }) : () -> ()
    "tpu.region"() ({
      %run_scoped3A = tpu.sem_alloc : memref<!tpu.dma_semaphore, #tpu.memory_space<semaphore_mem>>
      tpu.enqueue_dma source(%arg6 : memref<52x64xf32, #tpu.memory_space<hbm>>) target(%arg11 : memref<52x64xf32, #tpu.memory_space<vmem>>) target_semaphore(%run_scoped3A : memref<!tpu.dma_semaphore, #tpu.memory_space<semaphore_mem>>)
      tpu.wait_dma2 semaphore(%run_scoped3A : memref<!tpu.dma_semaphore, #tpu.memory_space<semaphore_mem>>) src(%arg6 : memref<52x64xf32, #tpu.memory_space<hbm>>) dst(%arg11 : memref<52x64xf32, #tpu.memory_space<vmem>>)
      tpu.yield
    }) : () -> ()
    "tpu.region"() ({
      %run_scoped3A = tpu.sem_alloc : memref<!tpu.dma_semaphore, #tpu.memory_space<semaphore_mem>>
      tpu.enqueue_dma source(%arg5 : memref<52x64xf32, #tpu.memory_space<hbm>>) target(%arg12 : memref<52x64xf32, #tpu.memory_space<vmem>>) target_semaphore(%run_scoped3A : memref<!tpu.dma_semaphore, #tpu.memory_space<semaphore_mem>>)
      tpu.wait_dma2 semaphore(%run_scoped3A : memref<!tpu.dma_semaphore, #tpu.memory_space<semaphore_mem>>) src(%arg5 : memref<52x64xf32, #tpu.memory_space<hbm>>) dst(%arg12 : memref<52x64xf32, #tpu.memory_space<vmem>>)
      tpu.yield
    }) : () -> ()
    "tpu.region"() ({
      %run_scoped3A = tpu.sem_alloc : memref<!tpu.dma_semaphore, #tpu.memory_space<semaphore_mem>>
      tpu.enqueue_dma source(%arg7 : memref<64xf32, #tpu.memory_space<hbm>>) target(%arg13 : memref<64xf32, #tpu.memory_space<vmem>>) target_semaphore(%run_scoped3A : memref<!tpu.dma_semaphore, #tpu.memory_space<semaphore_mem>>)
      tpu.wait_dma2 semaphore(%run_scoped3A : memref<!tpu.dma_semaphore, #tpu.memory_space<semaphore_mem>>) src(%arg7 : memref<64xf32, #tpu.memory_space<hbm>>) dst(%arg13 : memref<64xf32, #tpu.memory_space<vmem>>)
      tpu.yield
    }) : () -> ()
    "tpu.region"() ({
      %run_scoped3A = tpu.sem_alloc : memref<!tpu.dma_semaphore, #tpu.memory_space<semaphore_mem>>
      tpu.enqueue_dma source(%arg8 : memref<64xf32, #tpu.memory_space<hbm>>) target(%arg14 : memref<64xf32, #tpu.memory_space<vmem>>) target_semaphore(%run_scoped3A : memref<!tpu.dma_semaphore, #tpu.memory_space<semaphore_mem>>)
      tpu.wait_dma2 semaphore(%run_scoped3A : memref<!tpu.dma_semaphore, #tpu.memory_space<semaphore_mem>>) src(%arg8 : memref<64xf32, #tpu.memory_space<hbm>>) dst(%arg14 : memref<64xf32, #tpu.memory_space<vmem>>)
      tpu.yield
    }) : () -> ()
    %scan3A_7 = arith.constant 0 : i32
    %scan3A_8 = arith.constant 200 : i32
    %scan3A_9 = arith.addi %scan3A_7, %scan3A_8 : i32
    %scan3A_10 = arith.constant 1 : i32
    scf.for %scan3A_104 = %scan3A_7 to %scan3A_9 step %scan3A_10  : i32 {
      %mul3A_105 = arith.constant 1 : i32
      %mul3A_106 = arith.muli %scan3A_104, %mul3A_105 : i32
      %add3A_107 = arith.constant 0 : i32
      %add3A_108 = arith.addi %add3A_107, %mul3A_106 : i32
      %jit3A = arith.constant 5 : i32
      %div3A = arith.divsi %add3A_108, %jit3A : i32
      %sign3A = arith.constant 0 : i32
      %sign3A_109 = arith.cmpi sgt, %add3A_108, %sign3A : i32
      %sign3A_110 = arith.extui %sign3A_109 : i1 to i32
      %sign3A_111 = arith.constant 0 : i32
      %sign3A_112 = arith.cmpi slt, %add3A_108, %sign3A_111 : i32
      %sign3A_113 = arith.extui %sign3A_112 : i1 to i32
      %sign3A_114 = arith.subi %sign3A_110, %sign3A_113 : i32
      %sign3A_115 = arith.constant 0 : i32
      %sign3A_116 = arith.cmpi sgt, %jit3A, %sign3A_115 : i32
      %sign3A_117 = arith.extui %sign3A_116 : i1 to i32
      %sign3A_118 = arith.constant 0 : i32
      %sign3A_119 = arith.cmpi slt, %jit3A, %sign3A_118 : i32
      %sign3A_120 = arith.extui %sign3A_119 : i1 to i32
      %sign3A_121 = arith.subi %sign3A_117, %sign3A_120 : i32
      %ne3A = arith.cmpi ne, %sign3A_114, %sign3A_121 : i32
      %rem3A = arith.remsi %add3A_108, %jit3A : i32
      %ne3A_122 = arith.constant 0 : i32
      %ne3A_123 = arith.cmpi ne, %rem3A, %ne3A_122 : i32
      %and3A = arith.andi %ne3A, %ne3A_123 : i1
      %sub3A = arith.constant 1 : i32
      %sub3A_124 = arith.subi %div3A, %sub3A : i32
      %select_n3A = arith.select %and3A, %sub3A_124, %div3A : i32
      %get3A_125 = arith.index_cast %add3A_108 : i32 to index
      %get3A_126 = arith.constant 0 : index
      %get3A_127 = tpu.vector_load %arg10[%get3A_125, %get3A_126] {strides = array<i32>} : memref<200x64xf32, #tpu.memory_space<vmem>>, vector<16xf32>,
      %get3A_128 = arith.index_cast %select_n3A : i32 to index
      %get3A_129 = arith.constant 0 : index
      %get3A_130 = tpu.vector_load %arg11[%get3A_128, %get3A_129] {strides = array<i32>} : memref<52x64xf32, #tpu.memory_space<vmem>>, vector<16xf32>,
      %add3A_131 = arith.addf %get3A_127, %get3A_130 : vector<16xf32>
      %swap3A = arith.index_cast %add3A_108 : i32 to index
      %swap3A_132 = arith.constant 0 : index
      %swap3A_133 = tpu.vector_load %arg10[%swap3A, %swap3A_132] {strides = array<i32>} : memref<200x64xf32, #tpu.memory_space<vmem>>, vector<16xf32>,
      tpu.vector_store %arg10[%swap3A, %swap3A_132], %add3A_131 {strides = array<i32>} : memref<200x64xf32, #tpu.memory_space<vmem>>, vector<16xf32>,
      %get3A_134 = arith.index_cast %add3A_108 : i32 to index
      %get3A_135 = arith.constant 16 : index
      %get3A_136 = tpu.vector_load %arg10[%get3A_134, %get3A_135] {strides = array<i32>} : memref<200x64xf32, #tpu.memory_space<vmem>>, vector<16xf32>,
      %get3A_137 = arith.index_cast %select_n3A : i32 to index
      %get3A_138 = arith.constant 16 : index
      %get3A_139 = tpu.vector_load %arg11[%get3A_137, %get3A_138] {strides = array<i32>} : memref<52x64xf32, #tpu.memory_space<vmem>>, vector<16xf32>,
      %add3A_140 = arith.addf %get3A_136, %get3A_139 : vector<16xf32>
      %swap3A_141 = arith.index_cast %add3A_108 : i32 to index
      %swap3A_142 = arith.constant 16 : index
      %swap3A_143 = tpu.vector_load %arg10[%swap3A_141, %swap3A_142] {strides = array<i32>} : memref<200x64xf32, #tpu.memory_space<vmem>>, vector<16xf32>,
      tpu.vector_store %arg10[%swap3A_141, %swap3A_142], %add3A_140 {strides = array<i32>} : memref<200x64xf32, #tpu.memory_space<vmem>>, vector<16xf32>,
      %get3A_144 = arith.index_cast %add3A_108 : i32 to index
      %get3A_145 = arith.constant 32 : index
      %get3A_146 = tpu.vector_load %arg10[%get3A_144, %get3A_145] {strides = array<i32>} : memref<200x64xf32, #tpu.memory_space<vmem>>, vector<16xf32>,
      %get3A_147 = arith.index_cast %select_n3A : i32 to index
      %get3A_148 = arith.constant 32 : index
      %get3A_149 = tpu.vector_load %arg11[%get3A_147, %get3A_148] {strides = array<i32>} : memref<52x64xf32, #tpu.memory_space<vmem>>, vector<16xf32>,
      %add3A_150 = arith.addf %get3A_146, %get3A_149 : vector<16xf32>
      %swap3A_151 = arith.index_cast %add3A_108 : i32 to index
      %swap3A_152 = arith.constant 32 : index
      %swap3A_153 = tpu.vector_load %arg10[%swap3A_151, %swap3A_152] {strides = array<i32>} : memref<200x64xf32, #tpu.memory_space<vmem>>, vector<16xf32>,
      tpu.vector_store %arg10[%swap3A_151, %swap3A_152], %add3A_150 {strides = array<i32>} : memref<200x64xf32, #tpu.memory_space<vmem>>, vector<16xf32>,
      %get3A_154 = arith.index_cast %add3A_108 : i32 to index
      %get3A_155 = arith.constant 48 : index
      %get3A_156 = tpu.vector_load %arg10[%get3A_154, %get3A_155] {strides = array<i32>} : memref<200x64xf32, #tpu.memory_space<vmem>>, vector<16xf32>,
      %get3A_157 = arith.index_cast %select_n3A : i32 to index
      %get3A_158 = arith.constant 48 : index
      %get3A_159 = tpu.vector_load %arg11[%get3A_157, %get3A_158] {strides = array<i32>} : memref<52x64xf32, #tpu.memory_space<vmem>>, vector<16xf32>,
      %add3A_160 = arith.addf %get3A_156, %get3A_159 : vector<16xf32>
      %swap3A_161 = arith.index_cast %add3A_108 : i32 to index
      %swap3A_162 = arith.constant 48 : index
      %swap3A_163 = tpu.vector_load %arg10[%swap3A_161, %swap3A_162] {strides = array<i32>} : memref<200x64xf32, #tpu.memory_space<vmem>>, vector<16xf32>,
      tpu.vector_store %arg10[%swap3A_161, %swap3A_162], %add3A_160 {strides = array<i32>} : memref<200x64xf32, #tpu.memory_space<vmem>>, vector<16xf32>,
    }
    %scan3A_11 = arith.constant 200 : i32
    %get3A = arith.constant 0 : index
    %get3A_12 = tpu.vector_load %arg13[%get3A] {strides = array<i32>} : memref<64xf32, #tpu.memory_space<vmem>>, vector<16xf32>,
    %get3A_13 = arith.constant 16 : index
    %get3A_14 = tpu.vector_load %arg13[%get3A_13] {strides = array<i32>} : memref<64xf32, #tpu.memory_space<vmem>>, vector<16xf32>,
    %get3A_15 = arith.constant 32 : index
    %get3A_16 = tpu.vector_load %arg13[%get3A_15] {strides = array<i32>} : memref<64xf32, #tpu.memory_space<vmem>>, vector<16xf32>,
    %get3A_17 = arith.constant 48 : index
    %get3A_18 = tpu.vector_load %arg13[%get3A_17] {strides = array<i32>} : memref<64xf32, #tpu.memory_space<vmem>>, vector<16xf32>,
    %get3A_19 = arith.constant 0 : index
    %get3A_20 = tpu.vector_load %arg14[%get3A_19] {strides = array<i32>} : memref<64xf32, #tpu.memory_space<vmem>>, vector<16xf32>,
    %get3A_21 = arith.constant 16 : index
    %get3A_22 = tpu.vector_load %arg14[%get3A_21] {strides = array<i32>} : memref<64xf32, #tpu.memory_space<vmem>>, vector<16xf32>,
    %get3A_23 = arith.constant 32 : index
    %get3A_24 = tpu.vector_load %arg14[%get3A_23] {strides = array<i32>} : memref<64xf32, #tpu.memory_space<vmem>>, vector<16xf32>,
    %get3A_25 = arith.constant 48 : index
    %get3A_26 = tpu.vector_load %arg14[%get3A_25] {strides = array<i32>} : memref<64xf32, #tpu.memory_space<vmem>>, vector<16xf32>,
    %dma_start3A = arith.constant 0 : i32
    %dma_start3A_27 = arith.constant 0 : i32
    %dma_start3A_28 = arith.constant 0 : i32
    %dma_start3A_29 = arith.constant 0 : i32
    %dma_start3A_30 = tpu.memref_slice %arg16[%dma_start3A_27, %dma_start3A_28, %dma_start3A_29] : memref<4x200x64xf32, #tpu.memory_space<vmem>> -> memref<1x200x64xf32, #tpu.memory_space<vmem>>
    %dma_start3A_31 = tpu.memref_squeeze %dma_start3A_30 : memref<1x200x64xf32, #tpu.memory_space<vmem>> -> memref<200x64xf32, #tpu.memory_space<vmem>>
    %dma_start3A_32 = arith.constant 0 : i32
    %dma_start3A_33 = tpu.memref_slice %arg15[%dma_start3A, %dma_start3A_32] : memref<128x208xi32, #tpu.memory_space<vmem>> -> memref<1x200xi32, #tpu.memory_space<vmem>>
    %dma_start3A_34 = tpu.memref_squeeze %dma_start3A_33 : memref<1x200xi32, #tpu.memory_space<vmem>> -> memref<200xi32, #tpu.memory_space<vmem>>
    %dma_start3A_35 = arith.constant 0 : i32
    %dma_start3A_36 = arith.constant 0 : i32
    %dma_start3A_37 = tpu.memref_slice %arg3[%dma_start3A_35, %dma_start3A_36] : memref<100000x64xf32, #tpu.memory_space<hbm>> -> memref<100000x64xf32, #tpu.memory_space<hbm>>
    tpu.enqueue_indirect_dma source(%dma_start3A_37 : memref<100000x64xf32, #tpu.memory_space<hbm>>) target(%dma_start3A_31 : memref<200x64xf32, #tpu.memory_space<vmem>>) offsets(%dma_start3A_34 : memref<200xi32, #tpu.memory_space<vmem>>) semaphore(%arg18 : memref<!tpu.dma_semaphore, #tpu.memory_space<semaphore_mem>>)
    %dma_start3A_38 = arith.constant 1 : i32
    %dma_start3A_39 = arith.constant 1 : i32
    %dma_start3A_40 = arith.constant 0 : i32
    %dma_start3A_41 = arith.constant 0 : i32
    %dma_start3A_42 = tpu.memref_slice %arg16[%dma_start3A_39, %dma_start3A_40, %dma_start3A_41] : memref<4x200x64xf32, #tpu.memory_space<vmem>> -> memref<1x200x64xf32, #tpu.memory_space<vmem>>
    %dma_start3A_43 = tpu.memref_squeeze %dma_start3A_42 : memref<1x200x64xf32, #tpu.memory_space<vmem>> -> memref<200x64xf32, #tpu.memory_space<vmem>>
    %dma_start3A_44 = arith.constant 0 : i32
    %dma_start3A_45 = tpu.memref_slice %arg15[%dma_start3A_38, %dma_start3A_44] : memref<128x208xi32, #tpu.memory_space<vmem>> -> memref<1x200xi32, #tpu.memory_space<vmem>>
    %dma_start3A_46 = tpu.memref_squeeze %dma_start3A_45 : memref<1x200xi32, #tpu.memory_space<vmem>> -> memref<200xi32, #tpu.memory_space<vmem>>
    %dma_start3A_47 = arith.constant 0 : i32
    %dma_start3A_48 = arith.constant 0 : i32
    %dma_start3A_49 = tpu.memref_slice %arg3[%dma_start3A_47, %dma_start3A_48] : memref<100000x64xf32, #tpu.memory_space<hbm>> -> memref<100000x64xf32, #tpu.memory_space<hbm>>
    tpu.enqueue_indirect_dma source(%dma_start3A_49 : memref<100000x64xf32, #tpu.memory_space<hbm>>) target(%dma_start3A_43 : memref<200x64xf32, #tpu.memory_space<vmem>>) offsets(%dma_start3A_46 : memref<200xi32, #tpu.memory_space<vmem>>) semaphore(%arg19 : memref<!tpu.dma_semaphore, #tpu.memory_space<semaphore_mem>>)
    %dma_start3A_50 = arith.constant 2 : i32
    %dma_start3A_51 = arith.constant 2 : i32
    %dma_start3A_52 = arith.constant 0 : i32
    %dma_start3A_53 = arith.constant 0 : i32
    %dma_start3A_54 = tpu.memref_slice %arg16[%dma_start3A_51, %dma_start3A_52, %dma_start3A_53] : memref<4x200x64xf32, #tpu.memory_space<vmem>> -> memref<1x200x64xf32, #tpu.memory_space<vmem>>
    %dma_start3A_55 = tpu.memref_squeeze %dma_start3A_54 : memref<1x200x64xf32, #tpu.memory_space<vmem>> -> memref<200x64xf32, #tpu.memory_space<vmem>>
    %dma_start3A_56 = arith.constant 0 : i32
    %dma_start3A_57 = tpu.memref_slice %arg15[%dma_start3A_50, %dma_start3A_56] : memref<128x208xi32, #tpu.memory_space<vmem>> -> memref<1x200xi32, #tpu.memory_space<vmem>>
    %dma_start3A_58 = tpu.memref_squeeze %dma_start3A_57 : memref<1x200xi32, #tpu.memory_space<vmem>> -> memref<200xi32, #tpu.memory_space<vmem>>
    %dma_start3A_59 = arith.constant 0 : i32
    %dma_start3A_60 = arith.constant 0 : i32
    %dma_start3A_61 = tpu.memref_slice %arg3[%dma_start3A_59, %dma_start3A_60] : memref<100000x64xf32, #tpu.memory_space<hbm>> -> memref<100000x64xf32, #tpu.memory_space<hbm>>
    tpu.enqueue_indirect_dma source(%dma_start3A_61 : memref<100000x64xf32, #tpu.memory_space<hbm>>) target(%dma_start3A_55 : memref<200x64xf32, #tpu.memory_space<vmem>>) offsets(%dma_start3A_58 : memref<200xi32, #tpu.memory_space<vmem>>) semaphore(%arg20 : memref<!tpu.dma_semaphore, #tpu.memory_space<semaphore_mem>>)
    %scan3A_62 = arith.constant 0 : i32
    %scan3A_63 = arith.constant 32 : i32
    %scan3A_64 = arith.addi %scan3A_62, %scan3A_63 : i32
    %scan3A_65 = arith.constant 1 : i32
    scf.for %scan3A_104 = %scan3A_62 to %scan3A_64 step %scan3A_65  : i32 {
      %mul3A_105 = arith.constant 1 : i32
      %mul3A_106 = arith.muli %scan3A_104, %mul3A_105 : i32
      %add3A_107 = arith.constant 0 : i32
      %add3A_108 = arith.addi %add3A_107, %mul3A_106 : i32
      %mul3A_109 = arith.constant 4 : i32
      %mul3A_110 = arith.muli %mul3A_109, %add3A_108 : i32
      %add3A_111 = arith.constant 0 : i32
      %add3A_112 = arith.addi %mul3A_110, %add3A_111 : i32
      %add3A_113 = arith.constant 4 : i32
      %add3A_114 = arith.addi %add3A_112, %add3A_113 : i32
      %sub3A = arith.constant 1 : i32
      %sub3A_115 = arith.subi %add3A_114, %sub3A : i32
      %lt3A = arith.constant 128 : i32
      %lt3A_116 = arith.cmpi slt, %sub3A_115, %lt3A : i32
      %convert_element_type3A = arith.extui %lt3A_116 : i1 to i32
      %cond3A = arith.constant 0 : i32
      %cond3A_117 = arith.cmpi ne, %convert_element_type3A, %cond3A : i32
      scf.if %cond3A_117 {
        %add3A_894 = arith.constant 4 : i32
        %add3A_895 = arith.addi %add3A_112, %add3A_894 : i32
        %sub3A_896 = arith.constant 1 : i32
        %sub3A_897 = arith.subi %add3A_895, %sub3A_896 : i32
        %dma_start3A_898 = arith.constant 3 : i32
        %dma_start3A_899 = arith.constant 0 : i32
        %dma_start3A_900 = arith.constant 0 : i32
        %dma_start3A_901 = tpu.memref_slice %arg16[%dma_start3A_898, %dma_start3A_899, %dma_start3A_900] : memref<4x200x64xf32, #tpu.memory_space<vmem>> -> memref<1x200x64xf32, #tpu.memory_space<vmem>>
        %dma_start3A_902 = tpu.memref_squeeze %dma_start3A_901 : memref<1x200x64xf32, #tpu.memory_space<vmem>> -> memref<200x64xf32, #tpu.memory_space<vmem>>
        %dma_start3A_903 = arith.constant 0 : i32
        %dma_start3A_904 = tpu.memref_slice %arg15[%sub3A_897, %dma_start3A_903] : memref<128x208xi32, #tpu.memory_space<vmem>> -> memref<1x200xi32, #tpu.memory_space<vmem>>
        %dma_start3A_905 = tpu.memref_squeeze %dma_start3A_904 : memref<1x200xi32, #tpu.memory_space<vmem>> -> memref<200xi32, #tpu.memory_space<vmem>>
        %dma_start3A_906 = arith.constant 0 : i32
        %dma_start3A_907 = arith.constant 0 : i32
        %dma_start3A_908 = tpu.memref_slice %arg3[%dma_start3A_906, %dma_start3A_907] : memref<100000x64xf32, #tpu.memory_space<hbm>> -> memref<100000x64xf32, #tpu.memory_space<hbm>>
        tpu.enqueue_indirect_dma source(%dma_start3A_908 : memref<100000x64xf32, #tpu.memory_space<hbm>>) target(%dma_start3A_902 : memref<200x64xf32, #tpu.memory_space<vmem>>) offsets(%dma_start3A_905 : memref<200xi32, #tpu.memory_space<vmem>>) semaphore(%arg21 : memref<!tpu.dma_semaphore, #tpu.memory_space<semaphore_mem>>)
      } else {
      }
      %dma_wait3A_118 = arith.constant 0 : i32
      %dma_wait3A_119 = arith.constant 0 : i32
      %dma_wait3A_120 = arith.constant 0 : i32
      %dma_wait3A_121 = tpu.memref_slice %arg16[%dma_wait3A_118, %dma_wait3A_119, %dma_wait3A_120] : memref<4x200x64xf32, #tpu.memory_space<vmem>> -> memref<1x200x64xf32, #tpu.memory_space<vmem>>
      %dma_wait3A_122 = tpu.memref_squeeze %dma_wait3A_121 : memref<1x200x64xf32, #tpu.memory_space<vmem>> -> memref<200x64xf32, #tpu.memory_space<vmem>>
      %dma_wait3A_123 = arith.constant 0 : i32
      %dma_wait3A_124 = tpu.memref_slice %arg15[%add3A_112, %dma_wait3A_123] : memref<128x208xi32, #tpu.memory_space<vmem>> -> memref<1x200xi32, #tpu.memory_space<vmem>>
      %dma_wait3A_125 = tpu.memref_squeeze %dma_wait3A_124 : memref<1x200xi32, #tpu.memory_space<vmem>> -> memref<200xi32, #tpu.memory_space<vmem>>
      %dma_wait3A_126 = arith.constant 0 : i32
      %dma_wait3A_127 = arith.constant 0 : i32
      %dma_wait3A_128 = tpu.memref_slice %arg3[%dma_wait3A_126, %dma_wait3A_127] : memref<100000x64xf32, #tpu.memory_space<hbm>> -> memref<100000x64xf32, #tpu.memory_space<hbm>>
      tpu.wait_indirect_dma semaphore(%arg18 : memref<!tpu.dma_semaphore, #tpu.memory_space<semaphore_mem>>) src(%dma_wait3A_128 : memref<100000x64xf32, #tpu.memory_space<hbm>>) dst(%dma_wait3A_122 : memref<200x64xf32, #tpu.memory_space<vmem>>)
      %broadcast_in_dim3A = arith.constant 0 : i32
      %broadcast_in_dim3A_129 = vector.broadcast %broadcast_in_dim3A : i32 to vector<16xi32>
      %broadcast_in_dim3A_130 = arith.constant 1 : i32
      %broadcast_in_dim3A_131 = vector.broadcast %broadcast_in_dim3A_130 : i32 to vector<16xi32>
      %broadcast_in_dim3A_132 = arith.constant 0 : i32
      %broadcast_in_dim3A_133 = vector.broadcast %broadcast_in_dim3A_132 : i32 to vector<16xi32>
      %get3A_134 = arith.index_cast %add3A_112 : i32 to index
      %get3A_135 = arith.constant 0 : index
      %get3A_136 = tpu.vector_load %arg15[%get3A_134, %get3A_135] {strides = array<i32>} : memref<128x208xi32, #tpu.memory_space<vmem>>, vector<16xi32>,
      %ne3A = arith.constant 0 : i32
      %ne3A_137 = vector.broadcast %ne3A : i32 to vector<16xi32>
      %ne3A_138 = arith.cmpi ne, %get3A_136, %ne3A_137 : vector<16xi32>
      %select_n3A = arith.select %ne3A_138, %broadcast_in_dim3A_131, %broadcast_in_dim3A_133 : vector<16xi1>, vector<16xi32>
      %add3A_139 = arith.addi %broadcast_in_dim3A_129, %select_n3A : vector<16xi32>
      %get3A_140 = arith.index_cast %add3A_112 : i32 to index
      %get3A_141 = arith.constant 16 : index
      %get3A_142 = tpu.vector_load %arg15[%get3A_140, %get3A_141] {strides = array<i32>} : memref<128x208xi32, #tpu.memory_space<vmem>>, vector<16xi32>,
      %ne3A_143 = arith.constant 0 : i32
      %ne3A_144 = vector.broadcast %ne3A_143 : i32 to vector<16xi32>
      %ne3A_145 = arith.cmpi ne, %get3A_142, %ne3A_144 : vector<16xi32>
      %select_n3A_146 = arith.select %ne3A_145, %broadcast_in_dim3A_131, %broadcast_in_dim3A_133 : vector<16xi1>, vector<16xi32>
      %add3A_147 = arith.addi %add3A_139, %select_n3A_146 : vector<16xi32>
      %get3A_148 = arith.index_cast %add3A_112 : i32 to index
      %get3A_149 = arith.constant 32 : index
      %get3A_150 = tpu.vector_load %arg15[%get3A_148, %get3A_149] {strides = array<i32>} : memref<128x208xi32, #tpu.memory_space<vmem>>, vector<16xi32>,
      %ne3A_151 = arith.constant 0 : i32
      %ne3A_152 = vector.broadcast %ne3A_151 : i32 to vector<16xi32>
      %ne3A_153 = arith.cmpi ne, %get3A_150, %ne3A_152 : vector<16xi32>
      %select_n3A_154 = arith.select %ne3A_153, %broadcast_in_dim3A_131, %broadcast_in_dim3A_133 : vector<16xi1>, vector<16xi32>
      %add3A_155 = arith.addi %add3A_147, %select_n3A_154 : vector<16xi32>
      %get3A_156 = arith.index_cast %add3A_112 : i32 to index
      %get3A_157 = arith.constant 48 : index
      %get3A_158 = tpu.vector_load %arg15[%get3A_156, %get3A_157] {strides = array<i32>} : memref<128x208xi32, #tpu.memory_space<vmem>>, vector<16xi32>,
      %ne3A_159 = arith.constant 0 : i32
      %ne3A_160 = vector.broadcast %ne3A_159 : i32 to vector<16xi32>
      %ne3A_161 = arith.cmpi ne, %get3A_158, %ne3A_160 : vector<16xi32>
      %select_n3A_162 = arith.select %ne3A_161, %broadcast_in_dim3A_131, %broadcast_in_dim3A_133 : vector<16xi1>, vector<16xi32>
      %add3A_163 = arith.addi %add3A_155, %select_n3A_162 : vector<16xi32>
      %get3A_164 = arith.index_cast %add3A_112 : i32 to index
      %get3A_165 = arith.constant 64 : index
      %get3A_166 = tpu.vector_load %arg15[%get3A_164, %get3A_165] {strides = array<i32>} : memref<128x208xi32, #tpu.memory_space<vmem>>, vector<16xi32>,
      %ne3A_167 = arith.constant 0 : i32
      %ne3A_168 = vector.broadcast %ne3A_167 : i32 to vector<16xi32>
      %ne3A_169 = arith.cmpi ne, %get3A_166, %ne3A_168 : vector<16xi32>
      %select_n3A_170 = arith.select %ne3A_169, %broadcast_in_dim3A_131, %broadcast_in_dim3A_133 : vector<16xi1>, vector<16xi32>
      %add3A_171 = arith.addi %add3A_163, %select_n3A_170 : vector<16xi32>
      %get3A_172 = arith.index_cast %add3A_112 : i32 to index
      %get3A_173 = arith.constant 80 : index
      %get3A_174 = tpu.vector_load %arg15[%get3A_172, %get3A_173] {strides = array<i32>} : memref<128x208xi32, #tpu.memory_space<vmem>>, vector<16xi32>,
      %ne3A_175 = arith.constant 0 : i32
      %ne3A_176 = vector.broadcast %ne3A_175 : i32 to vector<16xi32>
      %ne3A_177 = arith.cmpi ne, %get3A_174, %ne3A_176 : vector<16xi32>
      %select_n3A_178 = arith.select %ne3A_177, %broadcast_in_dim3A_131, %broadcast_in_dim3A_133 : vector<16xi1>, vector<16xi32>
      %add3A_179 = arith.addi %add3A_171, %select_n3A_178 : vector<16xi32>
      %get3A_180 = arith.index_cast %add3A_112 : i32 to index
      %get3A_181 = arith.constant 96 : index
      %get3A_182 = tpu.vector_load %arg15[%get3A_180, %get3A_181] {strides = array<i32>} : memref<128x208xi32, #tpu.memory_space<vmem>>, vector<16xi32>,
      %ne3A_183 = arith.constant 0 : i32
      %ne3A_184 = vector.broadcast %ne3A_183 : i32 to vector<16xi32>
      %ne3A_185 = arith.cmpi ne, %get3A_182, %ne3A_184 : vector<16xi32>
      %select_n3A_186 = arith.select %ne3A_185, %broadcast_in_dim3A_131, %broadcast_in_dim3A_133 : vector<16xi1>, vector<16xi32>
      %add3A_187 = arith.addi %add3A_179, %select_n3A_186 : vector<16xi32>
      %get3A_188 = arith.index_cast %add3A_112 : i32 to index
      %get3A_189 = arith.constant 112 : index
      %get3A_190 = tpu.vector_load %arg15[%get3A_188, %get3A_189] {strides = array<i32>} : memref<128x208xi32, #tpu.memory_space<vmem>>, vector<16xi32>,
      %ne3A_191 = arith.constant 0 : i32
      %ne3A_192 = vector.broadcast %ne3A_191 : i32 to vector<16xi32>
      %ne3A_193 = arith.cmpi ne, %get3A_190, %ne3A_192 : vector<16xi32>
      %select_n3A_194 = arith.select %ne3A_193, %broadcast_in_dim3A_131, %broadcast_in_dim3A_133 : vector<16xi1>, vector<16xi32>
      %add3A_195 = arith.addi %add3A_187, %select_n3A_194 : vector<16xi32>
      %get3A_196 = arith.index_cast %add3A_112 : i32 to index
      %get3A_197 = arith.constant 128 : index
      %get3A_198 = tpu.vector_load %arg15[%get3A_196, %get3A_197] {strides = array<i32>} : memref<128x208xi32, #tpu.memory_space<vmem>>, vector<16xi32>,
      %ne3A_199 = arith.constant 0 : i32
      %ne3A_200 = vector.broadcast %ne3A_199 : i32 to vector<16xi32>
      %ne3A_201 = arith.cmpi ne, %get3A_198, %ne3A_200 : vector<16xi32>
      %select_n3A_202 = arith.select %ne3A_201, %broadcast_in_dim3A_131, %broadcast_in_dim3A_133 : vector<16xi1>, vector<16xi32>
      %add3A_203 = arith.addi %add3A_195, %select_n3A_202 : vector<16xi32>
      %get3A_204 = arith.index_cast %add3A_112 : i32 to index
      %get3A_205 = arith.constant 144 : index
      %get3A_206 = tpu.vector_load %arg15[%get3A_204, %get3A_205] {strides = array<i32>} : memref<128x208xi32, #tpu.memory_space<vmem>>, vector<16xi32>,
      %ne3A_207 = arith.constant 0 : i32
      %ne3A_208 = vector.broadcast %ne3A_207 : i32 to vector<16xi32>
      %ne3A_209 = arith.cmpi ne, %get3A_206, %ne3A_208 : vector<16xi32>
      %select_n3A_210 = arith.select %ne3A_209, %broadcast_in_dim3A_131, %broadcast_in_dim3A_133 : vector<16xi1>, vector<16xi32>
      %add3A_211 = arith.addi %add3A_203, %select_n3A_210 : vector<16xi32>
      %get3A_212 = arith.index_cast %add3A_112 : i32 to index
      %get3A_213 = arith.constant 160 : index
      %get3A_214 = tpu.vector_load %arg15[%get3A_212, %get3A_213] {strides = array<i32>} : memref<128x208xi32, #tpu.memory_space<vmem>>, vector<16xi32>,
      %ne3A_215 = arith.constant 0 : i32
      %ne3A_216 = vector.broadcast %ne3A_215 : i32 to vector<16xi32>
      %ne3A_217 = arith.cmpi ne, %get3A_214, %ne3A_216 : vector<16xi32>
      %select_n3A_218 = arith.select %ne3A_217, %broadcast_in_dim3A_131, %broadcast_in_dim3A_133 : vector<16xi1>, vector<16xi32>
      %add3A_219 = arith.addi %add3A_211, %select_n3A_218 : vector<16xi32>
      %get3A_220 = arith.index_cast %add3A_112 : i32 to index
      %get3A_221 = arith.constant 176 : index
      %get3A_222 = tpu.vector_load %arg15[%get3A_220, %get3A_221] {strides = array<i32>} : memref<128x208xi32, #tpu.memory_space<vmem>>, vector<16xi32>,
      %ne3A_223 = arith.constant 0 : i32
      %ne3A_224 = vector.broadcast %ne3A_223 : i32 to vector<16xi32>
      %ne3A_225 = arith.cmpi ne, %get3A_222, %ne3A_224 : vector<16xi32>
      %select_n3A_226 = arith.select %ne3A_225, %broadcast_in_dim3A_131, %broadcast_in_dim3A_133 : vector<16xi1>, vector<16xi32>
      %add3A_227 = arith.addi %add3A_219, %select_n3A_226 : vector<16xi32>
      %get3A_228 = arith.index_cast %add3A_112 : i32 to index
      %get3A_229 = arith.constant 192 : index
      %get3A_230 = tpu.vector_load %arg15[%get3A_228, %get3A_229] {strides = array<i32>} : memref<128x208xi32, #tpu.memory_space<vmem>>, vector<16xi32>,
      %ne3A_231 = arith.constant 0 : i32
      %ne3A_232 = vector.broadcast %ne3A_231 : i32 to vector<16xi32>
      %ne3A_233 = arith.cmpi ne, %get3A_230, %ne3A_232 : vector<16xi32>
      %select_n3A_234 = arith.select %ne3A_233, %broadcast_in_dim3A_131, %broadcast_in_dim3A_133 : vector<16xi1>, vector<16xi32>
      %add3A_235 = arith.addi %add3A_227, %select_n3A_234 : vector<16xi32>
      %reduce_sum3A = arith.constant true
      %reduce_sum3A_236 = vector.broadcast %reduce_sum3A : i1 to vector<16xi1>
      %reduce_sum3A_237 = tpu.scan <sum>, %add3A_235 masked %reduce_sum3A_236 : vector<16xi32>, vector<16xi1> -> vector<16xi32>
      %reduce_sum3A_238 = vector.extract %reduce_sum3A_237[15] : i32 from vector<16xi32>
      %jit3A = arith.constant 5 : i32
      %div3A = arith.divsi %reduce_sum3A_238, %jit3A : i32
      %sign3A = arith.constant 0 : i32
      %sign3A_239 = arith.cmpi sgt, %reduce_sum3A_238, %sign3A : i32
      %sign3A_240 = arith.extui %sign3A_239 : i1 to i32
      %sign3A_241 = arith.constant 0 : i32
      %sign3A_242 = arith.cmpi slt, %reduce_sum3A_238, %sign3A_241 : i32
      %sign3A_243 = arith.extui %sign3A_242 : i1 to i32
      %sign3A_244 = arith.subi %sign3A_240, %sign3A_243 : i32
      %sign3A_245 = arith.constant 0 : i32
      %sign3A_246 = arith.cmpi sgt, %jit3A, %sign3A_245 : i32
      %sign3A_247 = arith.extui %sign3A_246 : i1 to i32
      %sign3A_248 = arith.constant 0 : i32
      %sign3A_249 = arith.cmpi slt, %jit3A, %sign3A_248 : i32
      %sign3A_250 = arith.extui %sign3A_249 : i1 to i32
      %sign3A_251 = arith.subi %sign3A_247, %sign3A_250 : i32
      %ne3A_252 = arith.cmpi ne, %sign3A_244, %sign3A_251 : i32
      %rem3A = arith.remsi %reduce_sum3A_238, %jit3A : i32
      %ne3A_253 = arith.constant 0 : i32
      %ne3A_254 = arith.cmpi ne, %rem3A, %ne3A_253 : i32
      %and3A = arith.andi %ne3A_252, %ne3A_254 : i1
      %sub3A_255 = arith.constant 1 : i32
      %sub3A_256 = arith.subi %div3A, %sub3A_255 : i32
      %select_n3A_257 = arith.select %and3A, %sub3A_256, %div3A : i32
      %get3A_258 = arith.index_cast %select_n3A_257 : i32 to index
      %get3A_259 = arith.constant 0 : index
      %get3A_260 = tpu.vector_load %arg12[%get3A_258, %get3A_259] {strides = array<i32>} : memref<52x64xf32, #tpu.memory_space<vmem>>, vector<16xf32>,
      %get3A_261 = arith.index_cast %select_n3A_257 : i32 to index
      %get3A_262 = arith.constant 16 : index
      %get3A_263 = tpu.vector_load %arg12[%get3A_261, %get3A_262] {strides = array<i32>} : memref<52x64xf32, #tpu.memory_space<vmem>>, vector<16xf32>,
      %get3A_264 = arith.index_cast %select_n3A_257 : i32 to index
      %get3A_265 = arith.constant 32 : index
      %get3A_266 = tpu.vector_load %arg12[%get3A_264, %get3A_265] {strides = array<i32>} : memref<52x64xf32, #tpu.memory_space<vmem>>, vector<16xf32>,
      %get3A_267 = arith.index_cast %select_n3A_257 : i32 to index
      %get3A_268 = arith.constant 48 : index
      %get3A_269 = tpu.vector_load %arg12[%get3A_267, %get3A_268] {strides = array<i32>} : memref<52x64xf32, #tpu.memory_space<vmem>>, vector<16xf32>,
      %ge3A = arith.constant 2 : i32
      %ge3A_270 = arith.cmpi sge, %add3A_112, %ge3A : i32
      %convert_element_type3A_271 = arith.extui %ge3A_270 : i1 to i32
      %cond3A_272 = arith.constant 0 : i32
      %cond3A_273 = arith.cmpi ne, %convert_element_type3A_271, %cond3A_272 : i32
      scf.if %cond3A_273 {
        %sub3A_894 = arith.constant 2 : i32
        %sub3A_895 = arith.subi %add3A_112, %sub3A_894 : i32
        %add3A_896 = arith.addi %mul3A_2, %sub3A_895 : i32
        %dma_wait3A_897 = arith.constant 0 : i32
        %dma_wait3A_898 = arith.constant 0 : i32
        %dma_wait3A_899 = arith.constant 0 : i32
        %dma_wait3A_900 = tpu.memref_slice %arg17[%dma_wait3A_897, %dma_wait3A_898, %dma_wait3A_899] : memref<2x200x64xf32, #tpu.memory_space<vmem>> -> memref<1x200x64xf32, #tpu.memory_space<vmem>>
        %dma_wait3A_901 = tpu.memref_squeeze %dma_wait3A_900 : memref<1x200x64xf32, #tpu.memory_space<vmem>> -> memref<200x64xf32, #tpu.memory_space<vmem>>
        %dma_wait3A_902 = arith.constant 0 : i32
        %dma_wait3A_903 = arith.constant 0 : i32
        %dma_wait3A_904 = tpu.memref_slice %arg9[%add3A_896, %dma_wait3A_902, %dma_wait3A_903] : memref<4096x200x64xf32, #tpu.memory_space<hbm>> -> memref<1x200x64xf32, #tpu.memory_space<hbm>>
        %dma_wait3A_905 = tpu.memref_squeeze %dma_wait3A_904 : memref<1x200x64xf32, #tpu.memory_space<hbm>> -> memref<200x64xf32, #tpu.memory_space<hbm>>
        %dma_wait3A_906 = arith.constant 0 : i32
        %dma_wait3A_907 = arith.constant 0 : i32
        %dma_wait3A_908 = tpu.memref_slice %arg9[%add3A_896, %dma_wait3A_906, %dma_wait3A_907] : memref<4096x200x64xf32, #tpu.memory_space<hbm>> -> memref<1x200x64xf32, #tpu.memory_space<hbm>>
        %dma_wait3A_909 = tpu.memref_squeeze %dma_wait3A_908 : memref<1x200x64xf32, #tpu.memory_space<hbm>> -> memref<200x64xf32, #tpu.memory_space<hbm>>
        %dma_wait3A_910 = arith.constant 0 : i32
        %dma_wait3A_911 = arith.constant 0 : i32
        %dma_wait3A_912 = tpu.memref_slice %arg17[%dma_wait3A_897, %dma_wait3A_910, %dma_wait3A_911] : memref<2x200x64xf32, #tpu.memory_space<vmem>> -> memref<1x200x64xf32, #tpu.memory_space<vmem>>
        %dma_wait3A_913 = tpu.memref_squeeze %dma_wait3A_912 : memref<1x200x64xf32, #tpu.memory_space<vmem>> -> memref<200x64xf32, #tpu.memory_space<vmem>>
        tpu.wait_dma2 semaphore(%arg22 : memref<!tpu.dma_semaphore, #tpu.memory_space<semaphore_mem>>) src(%dma_wait3A_913 : memref<200x64xf32, #tpu.memory_space<vmem>>) dst(%dma_wait3A_909 : memref<200x64xf32, #tpu.memory_space<hbm>>)
      } else {
      }
      %parallel_loop3A = arith.constant 0 : i32
      %parallel_loop3A_274 = arith.constant 200 : i32
      %parallel_loop3A_275 = arith.constant 1 : i32
      scf.for %parallel_loop3A_894 = %parallel_loop3A to %parallel_loop3A_274 step %parallel_loop3A_275  : i32 {
        %parallel_loop3A_895 = arith.constant 0 : i32
        %parallel_loop3A_896 = arith.index_cast %parallel_loop3A_895 : i32 to index
        %parallel_loop3A_897 = arith.index_cast %parallel_loop3A_894 : i32 to index
        %parallel_loop3A_898 = arith.constant 0 : index
        %parallel_loop3A_899 = tpu.vector_load %arg16[%parallel_loop3A_896, %parallel_loop3A_897, %parallel_loop3A_898] {strides = array<i32>} : memref<4x200x64xf32, #tpu.memory_space<vmem>>, vector<16xf32>,
        %parallel_loop3A_900 = arith.index_cast %parallel_loop3A_894 : i32 to index
        %parallel_loop3A_901 = arith.constant 0 : index
        %parallel_loop3A_902 = tpu.vector_load %arg10[%parallel_loop3A_900, %parallel_loop3A_901] {strides = array<i32>} : memref<200x64xf32, #tpu.memory_space<vmem>>, vector<16xf32>,
        %parallel_loop3A_903 = arith.addf %parallel_loop3A_899, %parallel_loop3A_902 : vector<16xf32>
        %parallel_loop3A_904 = arith.addf %parallel_loop3A_903, %get3A_260 : vector<16xf32>
        %parallel_loop3A_905 = arith.constant 0 : i32
        %parallel_loop3A_906 = arith.index_cast %parallel_loop3A_905 : i32 to index
        %parallel_loop3A_907 = arith.index_cast %parallel_loop3A_894 : i32 to index
        %parallel_loop3A_908 = arith.constant 16 : index
        %parallel_loop3A_909 = tpu.vector_load %arg16[%parallel_loop3A_906, %parallel_loop3A_907, %parallel_loop3A_908] {strides = array<i32>} : memref<4x200x64xf32, #tpu.memory_space<vmem>>, vector<16xf32>,
        %parallel_loop3A_910 = arith.index_cast %parallel_loop3A_894 : i32 to index
        %parallel_loop3A_911 = arith.constant 16 : index
        %parallel_loop3A_912 = tpu.vector_load %arg10[%parallel_loop3A_910, %parallel_loop3A_911] {strides = array<i32>} : memref<200x64xf32, #tpu.memory_space<vmem>>, vector<16xf32>,
        %parallel_loop3A_913 = arith.addf %parallel_loop3A_909, %parallel_loop3A_912 : vector<16xf32>
        %parallel_loop3A_914 = arith.addf %parallel_loop3A_913, %get3A_263 : vector<16xf32>
        %parallel_loop3A_915 = arith.constant 0 : i32
        %parallel_loop3A_916 = arith.index_cast %parallel_loop3A_915 : i32 to index
        %parallel_loop3A_917 = arith.index_cast %parallel_loop3A_894 : i32 to index
        %parallel_loop3A_918 = arith.constant 32 : index
        %parallel_loop3A_919 = tpu.vector_load %arg16[%parallel_loop3A_916, %parallel_loop3A_917, %parallel_loop3A_918] {strides = array<i32>} : memref<4x200x64xf32, #tpu.memory_space<vmem>>, vector<16xf32>,
        %parallel_loop3A_920 = arith.index_cast %parallel_loop3A_894 : i32 to index
        %parallel_loop3A_921 = arith.constant 32 : index
        %parallel_loop3A_922 = tpu.vector_load %arg10[%parallel_loop3A_920, %parallel_loop3A_921] {strides = array<i32>} : memref<200x64xf32, #tpu.memory_space<vmem>>, vector<16xf32>,
        %parallel_loop3A_923 = arith.addf %parallel_loop3A_919, %parallel_loop3A_922 : vector<16xf32>
        %parallel_loop3A_924 = arith.addf %parallel_loop3A_923, %get3A_266 : vector<16xf32>
        %parallel_loop3A_925 = arith.constant 0 : i32
        %parallel_loop3A_926 = arith.index_cast %parallel_loop3A_925 : i32 to index
        %parallel_loop3A_927 = arith.index_cast %parallel_loop3A_894 : i32 to index
        %parallel_loop3A_928 = arith.constant 48 : index
        %parallel_loop3A_929 = tpu.vector_load %arg16[%parallel_loop3A_926, %parallel_loop3A_927, %parallel_loop3A_928] {strides = array<i32>} : memref<4x200x64xf32, #tpu.memory_space<vmem>>, vector<16xf32>,
        %parallel_loop3A_930 = arith.index_cast %parallel_loop3A_894 : i32 to index
        %parallel_loop3A_931 = arith.constant 48 : index
        %parallel_loop3A_932 = tpu.vector_load %arg10[%parallel_loop3A_930, %parallel_loop3A_931] {strides = array<i32>} : memref<200x64xf32, #tpu.memory_space<vmem>>, vector<16xf32>,
        %parallel_loop3A_933 = arith.addf %parallel_loop3A_929, %parallel_loop3A_932 : vector<16xf32>
        %parallel_loop3A_934 = arith.addf %parallel_loop3A_933, %get3A_269 : vector<16xf32>
        %parallel_loop3A_935 = arith.addf %parallel_loop3A_904, %parallel_loop3A_914 : vector<16xf32>
        %parallel_loop3A_936 = arith.addf %parallel_loop3A_924, %parallel_loop3A_934 : vector<16xf32>
        %parallel_loop3A_937 = arith.addf %parallel_loop3A_935, %parallel_loop3A_936 : vector<16xf32>
        %parallel_loop3A_938 = arith.constant true
        %parallel_loop3A_939 = vector.broadcast %parallel_loop3A_938 : i1 to vector<16xi1>
        %parallel_loop3A_940 = tpu.scan <sum>, %parallel_loop3A_937 masked %parallel_loop3A_939 : vector<16xf32>, vector<16xi1> -> vector<16xf32>
        %parallel_loop3A_941 = vector.extract %parallel_loop3A_940[15] : f32 from vector<16xf32>
        %parallel_loop3A_942 = arith.mulf %parallel_loop3A_904, %parallel_loop3A_904 : vector<16xf32>
        %parallel_loop3A_943 = arith.mulf %parallel_loop3A_914, %parallel_loop3A_914 : vector<16xf32>
        %parallel_loop3A_944 = arith.mulf %parallel_loop3A_924, %parallel_loop3A_924 : vector<16xf32>
        %parallel_loop3A_945 = arith.mulf %parallel_loop3A_934, %parallel_loop3A_934 : vector<16xf32>
        %parallel_loop3A_946 = arith.addf %parallel_loop3A_942, %parallel_loop3A_943 : vector<16xf32>
        %parallel_loop3A_947 = arith.addf %parallel_loop3A_944, %parallel_loop3A_945 : vector<16xf32>
        %parallel_loop3A_948 = arith.addf %parallel_loop3A_946, %parallel_loop3A_947 : vector<16xf32>
        %parallel_loop3A_949 = arith.constant true
        %parallel_loop3A_950 = vector.broadcast %parallel_loop3A_949 : i1 to vector<16xi1>
        %parallel_loop3A_951 = tpu.scan <sum>, %parallel_loop3A_948 masked %parallel_loop3A_950 : vector<16xf32>, vector<16xi1> -> vector<16xf32>
        %parallel_loop3A_952 = vector.extract %parallel_loop3A_951[15] : f32 from vector<16xf32>
        %parallel_loop3A_953 = arith.constant 1.562500e-02 : f32
        %parallel_loop3A_954 = arith.mulf %parallel_loop3A_941, %parallel_loop3A_953 : f32
        %parallel_loop3A_955 = arith.constant 1.562500e-02 : f32
        %parallel_loop3A_956 = arith.mulf %parallel_loop3A_952, %parallel_loop3A_955 : f32
        %parallel_loop3A_957 = arith.mulf %parallel_loop3A_954, %parallel_loop3A_954 : f32
        %parallel_loop3A_958 = arith.subf %parallel_loop3A_956, %parallel_loop3A_957 : f32
        %parallel_loop3A_959 = arith.constant 9.99999974E-6 : f32
        %parallel_loop3A_960 = arith.addf %parallel_loop3A_958, %parallel_loop3A_959 : f32
        %parallel_loop3A_961 = vector.broadcast %parallel_loop3A_960 : f32 to vector<16xf32>
        %parallel_loop3A_962 = vector.bitcast %parallel_loop3A_961 : vector<16xf32> to vector<16xi32>
        %parallel_loop3A_963 = arith.constant 1597463007 : i32
        %parallel_loop3A_964 = vector.broadcast %parallel_loop3A_963 : i32 to vector<16xi32>
        %parallel_loop3A_965 = arith.constant 1 : i32
        %parallel_loop3A_966 = vector.broadcast %parallel_loop3A_965 : i32 to vector<16xi32>
        %parallel_loop3A_967 = arith.shrui %parallel_loop3A_962, %parallel_loop3A_966 : vector<16xi32>
        %parallel_loop3A_968 = arith.subi %parallel_loop3A_964, %parallel_loop3A_967 : vector<16xi32>
        %parallel_loop3A_969 = vector.bitcast %parallel_loop3A_968 : vector<16xi32> to vector<16xf32>
        %parallel_loop3A_970 = arith.constant 5.000000e-01 : f32
        %parallel_loop3A_971 = vector.broadcast %parallel_loop3A_970 : f32 to vector<16xf32>
        %parallel_loop3A_972 = arith.mulf %parallel_loop3A_961, %parallel_loop3A_971 : vector<16xf32>
        %parallel_loop3A_973 = arith.mulf %parallel_loop3A_972, %parallel_loop3A_969 : vector<16xf32>
        %parallel_loop3A_974 = arith.mulf %parallel_loop3A_973, %parallel_loop3A_969 : vector<16xf32>
        %parallel_loop3A_975 = arith.constant 1.500000e+00 : f32
        %parallel_loop3A_976 = vector.broadcast %parallel_loop3A_975 : f32 to vector<16xf32>
        %parallel_loop3A_977 = arith.subf %parallel_loop3A_976, %parallel_loop3A_974 : vector<16xf32>
        %parallel_loop3A_978 = arith.mulf %parallel_loop3A_969, %parallel_loop3A_977 : vector<16xf32>
        %parallel_loop3A_979 = arith.mulf %parallel_loop3A_972, %parallel_loop3A_978 : vector<16xf32>
        %parallel_loop3A_980 = arith.mulf %parallel_loop3A_979, %parallel_loop3A_978 : vector<16xf32>
        %parallel_loop3A_981 = arith.constant 1.500000e+00 : f32
        %parallel_loop3A_982 = vector.broadcast %parallel_loop3A_981 : f32 to vector<16xf32>
        %parallel_loop3A_983 = arith.subf %parallel_loop3A_982, %parallel_loop3A_980 : vector<16xf32>
        %parallel_loop3A_984 = arith.mulf %parallel_loop3A_978, %parallel_loop3A_983 : vector<16xf32>
        %parallel_loop3A_985 = arith.mulf %parallel_loop3A_972, %parallel_loop3A_984 : vector<16xf32>
        %parallel_loop3A_986 = arith.mulf %parallel_loop3A_985, %parallel_loop3A_984 : vector<16xf32>
        %parallel_loop3A_987 = arith.constant 1.500000e+00 : f32
        %parallel_loop3A_988 = vector.broadcast %parallel_loop3A_987 : f32 to vector<16xf32>
        %parallel_loop3A_989 = arith.subf %parallel_loop3A_988, %parallel_loop3A_986 : vector<16xf32>
        %parallel_loop3A_990 = arith.mulf %parallel_loop3A_984, %parallel_loop3A_989 : vector<16xf32>
        %parallel_loop3A_991 = vector.broadcast %parallel_loop3A_954 : f32 to vector<16xf32>
        %parallel_loop3A_992 = arith.subf %parallel_loop3A_904, %parallel_loop3A_991 : vector<16xf32>
        %parallel_loop3A_993 = arith.mulf %parallel_loop3A_992, %parallel_loop3A_990 : vector<16xf32>
        %parallel_loop3A_994 = arith.mulf %parallel_loop3A_993, %get3A_12 : vector<16xf32>
        %parallel_loop3A_995 = arith.addf %parallel_loop3A_994, %get3A_20 : vector<16xf32>
        %parallel_loop3A_996 = arith.constant 0 : i32
        %parallel_loop3A_997 = arith.index_cast %parallel_loop3A_996 : i32 to index
        %parallel_loop3A_998 = arith.index_cast %parallel_loop3A_894 : i32 to index
        %parallel_loop3A_999 = arith.constant 0 : index
        %parallel_loop3A_1000 = tpu.vector_load %arg17[%parallel_loop3A_997, %parallel_loop3A_998, %parallel_loop3A_999] {strides = array<i32>} : memref<2x200x64xf32, #tpu.memory_space<vmem>>, vector<16xf32>,
        tpu.vector_store %arg17[%parallel_loop3A_997, %parallel_loop3A_998, %parallel_loop3A_999], %parallel_loop3A_995 {strides = array<i32>} : memref<2x200x64xf32, #tpu.memory_space<vmem>>, vector<16xf32>,
        %parallel_loop3A_1001 = vector.broadcast %parallel_loop3A_954 : f32 to vector<16xf32>
        %parallel_loop3A_1002 = arith.subf %parallel_loop3A_914, %parallel_loop3A_1001 : vector<16xf32>
        %parallel_loop3A_1003 = arith.mulf %parallel_loop3A_1002, %parallel_loop3A_990 : vector<16xf32>
        %parallel_loop3A_1004 = arith.mulf %parallel_loop3A_1003, %get3A_14 : vector<16xf32>
        %parallel_loop3A_1005 = arith.addf %parallel_loop3A_1004, %get3A_22 : vector<16xf32>
        %parallel_loop3A_1006 = arith.constant 0 : i32
        %parallel_loop3A_1007 = arith.index_cast %parallel_loop3A_1006 : i32 to index
        %parallel_loop3A_1008 = arith.index_cast %parallel_loop3A_894 : i32 to index
        %parallel_loop3A_1009 = arith.constant 16 : index
        %parallel_loop3A_1010 = tpu.vector_load %arg17[%parallel_loop3A_1007, %parallel_loop3A_1008, %parallel_loop3A_1009] {strides = array<i32>} : memref<2x200x64xf32, #tpu.memory_space<vmem>>, vector<16xf32>,
        tpu.vector_store %arg17[%parallel_loop3A_1007, %parallel_loop3A_1008, %parallel_loop3A_1009], %parallel_loop3A_1005 {strides = array<i32>} : memref<2x200x64xf32, #tpu.memory_space<vmem>>, vector<16xf32>,
        %parallel_loop3A_1011 = vector.broadcast %parallel_loop3A_954 : f32 to vector<16xf32>
        %parallel_loop3A_1012 = arith.subf %parallel_loop3A_924, %parallel_loop3A_1011 : vector<16xf32>
        %parallel_loop3A_1013 = arith.mulf %parallel_loop3A_1012, %parallel_loop3A_990 : vector<16xf32>
        %parallel_loop3A_1014 = arith.mulf %parallel_loop3A_1013, %get3A_16 : vector<16xf32>
        %parallel_loop3A_1015 = arith.addf %parallel_loop3A_1014, %get3A_24 : vector<16xf32>
        %parallel_loop3A_1016 = arith.constant 0 : i32
        %parallel_loop3A_1017 = arith.index_cast %parallel_loop3A_1016 : i32 to index
        %parallel_loop3A_1018 = arith.index_cast %parallel_loop3A_894 : i32 to index
        %parallel_loop3A_1019 = arith.constant 32 : index
        %parallel_loop3A_1020 = tpu.vector_load %arg17[%parallel_loop3A_1017, %parallel_loop3A_1018, %parallel_loop3A_1019] {strides = array<i32>} : memref<2x200x64xf32, #tpu.memory_space<vmem>>, vector<16xf32>,
        tpu.vector_store %arg17[%parallel_loop3A_1017, %parallel_loop3A_1018, %parallel_loop3A_1019], %parallel_loop3A_1015 {strides = array<i32>} : memref<2x200x64xf32, #tpu.memory_space<vmem>>, vector<16xf32>,
        %parallel_loop3A_1021 = vector.broadcast %parallel_loop3A_954 : f32 to vector<16xf32>
        %parallel_loop3A_1022 = arith.subf %parallel_loop3A_934, %parallel_loop3A_1021 : vector<16xf32>
        %parallel_loop3A_1023 = arith.mulf %parallel_loop3A_1022, %parallel_loop3A_990 : vector<16xf32>
        %parallel_loop3A_1024 = arith.mulf %parallel_loop3A_1023, %get3A_18 : vector<16xf32>
        %parallel_loop3A_1025 = arith.addf %parallel_loop3A_1024, %get3A_26 : vector<16xf32>
        %parallel_loop3A_1026 = arith.constant 0 : i32
        %parallel_loop3A_1027 = arith.index_cast %parallel_loop3A_1026 : i32 to index
        %parallel_loop3A_1028 = arith.index_cast %parallel_loop3A_894 : i32 to index
        %parallel_loop3A_1029 = arith.constant 48 : index
        %parallel_loop3A_1030 = tpu.vector_load %arg17[%parallel_loop3A_1027, %parallel_loop3A_1028, %parallel_loop3A_1029] {strides = array<i32>} : memref<2x200x64xf32, #tpu.memory_space<vmem>>, vector<16xf32>,
        tpu.vector_store %arg17[%parallel_loop3A_1027, %parallel_loop3A_1028, %parallel_loop3A_1029], %parallel_loop3A_1025 {strides = array<i32>} : memref<2x200x64xf32, #tpu.memory_space<vmem>>, vector<16xf32>,
      } {sc.loop_unroll_factor = 2 : i64, sc.parallel_access}
      %add3A_276 = arith.addi %mul3A_2, %add3A_112 : i32
      %dma_start3A_277 = arith.constant 0 : i32
      %dma_start3A_278 = arith.constant 0 : i32
      %dma_start3A_279 = arith.constant 0 : i32
      %dma_start3A_280 = tpu.memref_slice %arg17[%dma_start3A_277, %dma_start3A_278, %dma_start3A_279] : memref<2x200x64xf32, #tpu.memory_space<vmem>> -> memref<1x200x64xf32, #tpu.memory_space<vmem>>
      %dma_start3A_281 = tpu.memref_squeeze %dma_start3A_280 : memref<1x200x64xf32, #tpu.memory_space<vmem>> -> memref<200x64xf32, #tpu.memory_space<vmem>>
      %dma_start3A_282 = arith.constant 0 : i32
      %dma_start3A_283 = arith.constant 0 : i32
      %dma_start3A_284 = tpu.memref_slice %arg9[%add3A_276, %dma_start3A_282, %dma_start3A_283] : memref<4096x200x64xf32, #tpu.memory_space<hbm>> -> memref<1x200x64xf32, #tpu.memory_space<hbm>>
      %dma_start3A_285 = tpu.memref_squeeze %dma_start3A_284 : memref<1x200x64xf32, #tpu.memory_space<hbm>> -> memref<200x64xf32, #tpu.memory_space<hbm>>
      %dma_start3A_286 = arith.constant 0 : i32
      %dma_start3A_287 = arith.constant 0 : i32
      %dma_start3A_288 = tpu.memref_slice %arg9[%add3A_276, %dma_start3A_286, %dma_start3A_287] : memref<4096x200x64xf32, #tpu.memory_space<hbm>> -> memref<1x200x64xf32, #tpu.memory_space<hbm>>
      %dma_start3A_289 = tpu.memref_squeeze %dma_start3A_288 : memref<1x200x64xf32, #tpu.memory_space<hbm>> -> memref<200x64xf32, #tpu.memory_space<hbm>>
      %dma_start3A_290 = arith.constant 0 : i32
      %dma_start3A_291 = arith.constant 0 : i32
      %dma_start3A_292 = tpu.memref_slice %arg17[%dma_start3A_277, %dma_start3A_290, %dma_start3A_291] : memref<2x200x64xf32, #tpu.memory_space<vmem>> -> memref<1x200x64xf32, #tpu.memory_space<vmem>>
      %dma_start3A_293 = tpu.memref_squeeze %dma_start3A_292 : memref<1x200x64xf32, #tpu.memory_space<vmem>> -> memref<200x64xf32, #tpu.memory_space<vmem>>
      tpu.enqueue_dma source(%dma_start3A_293 : memref<200x64xf32, #tpu.memory_space<vmem>>) target(%dma_start3A_289 : memref<200x64xf32, #tpu.memory_space<hbm>>) target_semaphore(%arg22 : memref<!tpu.dma_semaphore, #tpu.memory_space<semaphore_mem>>)
      %mul3A_294 = arith.constant 4 : i32
      %mul3A_295 = arith.muli %mul3A_294, %add3A_108 : i32
      %add3A_296 = arith.constant 1 : i32
      %add3A_297 = arith.addi %mul3A_295, %add3A_296 : i32
      %add3A_298 = arith.constant 4 : i32
      %add3A_299 = arith.addi %add3A_297, %add3A_298 : i32
      %sub3A_300 = arith.constant 1 : i32
      %sub3A_301 = arith.subi %add3A_299, %sub3A_300 : i32
      %lt3A_302 = arith.constant 128 : i32
      %lt3A_303 = arith.cmpi slt, %sub3A_301, %lt3A_302 : i32
      %convert_element_type3A_304 = arith.extui %lt3A_303 : i1 to i32
      %cond3A_305 = arith.constant 0 : i32
      %cond3A_306 = arith.cmpi ne, %convert_element_type3A_304, %cond3A_305 : i32
      scf.if %cond3A_306 {
        %add3A_894 = arith.constant 4 : i32
        %add3A_895 = arith.addi %add3A_297, %add3A_894 : i32
        %sub3A_896 = arith.constant 1 : i32
        %sub3A_897 = arith.subi %add3A_895, %sub3A_896 : i32
        %dma_start3A_898 = arith.constant 0 : i32
        %dma_start3A_899 = arith.constant 0 : i32
        %dma_start3A_900 = arith.constant 0 : i32
        %dma_start3A_901 = tpu.memref_slice %arg16[%dma_start3A_898, %dma_start3A_899, %dma_start3A_900] : memref<4x200x64xf32, #tpu.memory_space<vmem>> -> memref<1x200x64xf32, #tpu.memory_space<vmem>>
        %dma_start3A_902 = tpu.memref_squeeze %dma_start3A_901 : memref<1x200x64xf32, #tpu.memory_space<vmem>> -> memref<200x64xf32, #tpu.memory_space<vmem>>
        %dma_start3A_903 = arith.constant 0 : i32
        %dma_start3A_904 = tpu.memref_slice %arg15[%sub3A_897, %dma_start3A_903] : memref<128x208xi32, #tpu.memory_space<vmem>> -> memref<1x200xi32, #tpu.memory_space<vmem>>
        %dma_start3A_905 = tpu.memref_squeeze %dma_start3A_904 : memref<1x200xi32, #tpu.memory_space<vmem>> -> memref<200xi32, #tpu.memory_space<vmem>>
        %dma_start3A_906 = arith.constant 0 : i32
        %dma_start3A_907 = arith.constant 0 : i32
        %dma_start3A_908 = tpu.memref_slice %arg3[%dma_start3A_906, %dma_start3A_907] : memref<100000x64xf32, #tpu.memory_space<hbm>> -> memref<100000x64xf32, #tpu.memory_space<hbm>>
        tpu.enqueue_indirect_dma source(%dma_start3A_908 : memref<100000x64xf32, #tpu.memory_space<hbm>>) target(%dma_start3A_902 : memref<200x64xf32, #tpu.memory_space<vmem>>) offsets(%dma_start3A_905 : memref<200xi32, #tpu.memory_space<vmem>>) semaphore(%arg18 : memref<!tpu.dma_semaphore, #tpu.memory_space<semaphore_mem>>)
      } else {
      }
      %dma_wait3A_307 = arith.constant 1 : i32
      %dma_wait3A_308 = arith.constant 0 : i32
      %dma_wait3A_309 = arith.constant 0 : i32
      %dma_wait3A_310 = tpu.memref_slice %arg16[%dma_wait3A_307, %dma_wait3A_308, %dma_wait3A_309] : memref<4x200x64xf32, #tpu.memory_space<vmem>> -> memref<1x200x64xf32, #tpu.memory_space<vmem>>
      %dma_wait3A_311 = tpu.memref_squeeze %dma_wait3A_310 : memref<1x200x64xf32, #tpu.memory_space<vmem>> -> memref<200x64xf32, #tpu.memory_space<vmem>>
      %dma_wait3A_312 = arith.constant 0 : i32
      %dma_wait3A_313 = tpu.memref_slice %arg15[%add3A_297, %dma_wait3A_312] : memref<128x208xi32, #tpu.memory_space<vmem>> -> memref<1x200xi32, #tpu.memory_space<vmem>>
      %dma_wait3A_314 = tpu.memref_squeeze %dma_wait3A_313 : memref<1x200xi32, #tpu.memory_space<vmem>> -> memref<200xi32, #tpu.memory_space<vmem>>
      %dma_wait3A_315 = arith.constant 0 : i32
      %dma_wait3A_316 = arith.constant 0 : i32
      %dma_wait3A_317 = tpu.memref_slice %arg3[%dma_wait3A_315, %dma_wait3A_316] : memref<100000x64xf32, #tpu.memory_space<hbm>> -> memref<100000x64xf32, #tpu.memory_space<hbm>>
      tpu.wait_indirect_dma semaphore(%arg19 : memref<!tpu.dma_semaphore, #tpu.memory_space<semaphore_mem>>) src(%dma_wait3A_317 : memref<100000x64xf32, #tpu.memory_space<hbm>>) dst(%dma_wait3A_311 : memref<200x64xf32, #tpu.memory_space<vmem>>)
      %broadcast_in_dim3A_318 = arith.constant 0 : i32
      %broadcast_in_dim3A_319 = vector.broadcast %broadcast_in_dim3A_318 : i32 to vector<16xi32>
      %broadcast_in_dim3A_320 = arith.constant 1 : i32
      %broadcast_in_dim3A_321 = vector.broadcast %broadcast_in_dim3A_320 : i32 to vector<16xi32>
      %broadcast_in_dim3A_322 = arith.constant 0 : i32
      %broadcast_in_dim3A_323 = vector.broadcast %broadcast_in_dim3A_322 : i32 to vector<16xi32>
      %get3A_324 = arith.index_cast %add3A_297 : i32 to index
      %get3A_325 = arith.constant 0 : index
      %get3A_326 = tpu.vector_load %arg15[%get3A_324, %get3A_325] {strides = array<i32>} : memref<128x208xi32, #tpu.memory_space<vmem>>, vector<16xi32>,
      %ne3A_327 = arith.constant 0 : i32
      %ne3A_328 = vector.broadcast %ne3A_327 : i32 to vector<16xi32>
      %ne3A_329 = arith.cmpi ne, %get3A_326, %ne3A_328 : vector<16xi32>
      %select_n3A_330 = arith.select %ne3A_329, %broadcast_in_dim3A_321, %broadcast_in_dim3A_323 : vector<16xi1>, vector<16xi32>
      %add3A_331 = arith.addi %broadcast_in_dim3A_319, %select_n3A_330 : vector<16xi32>
      %get3A_332 = arith.index_cast %add3A_297 : i32 to index
      %get3A_333 = arith.constant 16 : index
      %get3A_334 = tpu.vector_load %arg15[%get3A_332, %get3A_333] {strides = array<i32>} : memref<128x208xi32, #tpu.memory_space<vmem>>, vector<16xi32>,
      %ne3A_335 = arith.constant 0 : i32
      %ne3A_336 = vector.broadcast %ne3A_335 : i32 to vector<16xi32>
      %ne3A_337 = arith.cmpi ne, %get3A_334, %ne3A_336 : vector<16xi32>
      %select_n3A_338 = arith.select %ne3A_337, %broadcast_in_dim3A_321, %broadcast_in_dim3A_323 : vector<16xi1>, vector<16xi32>
      %add3A_339 = arith.addi %add3A_331, %select_n3A_338 : vector<16xi32>
      %get3A_340 = arith.index_cast %add3A_297 : i32 to index
      %get3A_341 = arith.constant 32 : index
      %get3A_342 = tpu.vector_load %arg15[%get3A_340, %get3A_341] {strides = array<i32>} : memref<128x208xi32, #tpu.memory_space<vmem>>, vector<16xi32>,
      %ne3A_343 = arith.constant 0 : i32
      %ne3A_344 = vector.broadcast %ne3A_343 : i32 to vector<16xi32>
      %ne3A_345 = arith.cmpi ne, %get3A_342, %ne3A_344 : vector<16xi32>
      %select_n3A_346 = arith.select %ne3A_345, %broadcast_in_dim3A_321, %broadcast_in_dim3A_323 : vector<16xi1>, vector<16xi32>
      %add3A_347 = arith.addi %add3A_339, %select_n3A_346 : vector<16xi32>
      %get3A_348 = arith.index_cast %add3A_297 : i32 to index
      %get3A_349 = arith.constant 48 : index
      %get3A_350 = tpu.vector_load %arg15[%get3A_348, %get3A_349] {strides = array<i32>} : memref<128x208xi32, #tpu.memory_space<vmem>>, vector<16xi32>,
      %ne3A_351 = arith.constant 0 : i32
      %ne3A_352 = vector.broadcast %ne3A_351 : i32 to vector<16xi32>
      %ne3A_353 = arith.cmpi ne, %get3A_350, %ne3A_352 : vector<16xi32>
      %select_n3A_354 = arith.select %ne3A_353, %broadcast_in_dim3A_321, %broadcast_in_dim3A_323 : vector<16xi1>, vector<16xi32>
      %add3A_355 = arith.addi %add3A_347, %select_n3A_354 : vector<16xi32>
      %get3A_356 = arith.index_cast %add3A_297 : i32 to index
      %get3A_357 = arith.constant 64 : index
      %get3A_358 = tpu.vector_load %arg15[%get3A_356, %get3A_357] {strides = array<i32>} : memref<128x208xi32, #tpu.memory_space<vmem>>, vector<16xi32>,
      %ne3A_359 = arith.constant 0 : i32
      %ne3A_360 = vector.broadcast %ne3A_359 : i32 to vector<16xi32>
      %ne3A_361 = arith.cmpi ne, %get3A_358, %ne3A_360 : vector<16xi32>
      %select_n3A_362 = arith.select %ne3A_361, %broadcast_in_dim3A_321, %broadcast_in_dim3A_323 : vector<16xi1>, vector<16xi32>
      %add3A_363 = arith.addi %add3A_355, %select_n3A_362 : vector<16xi32>
      %get3A_364 = arith.index_cast %add3A_297 : i32 to index
      %get3A_365 = arith.constant 80 : index
      %get3A_366 = tpu.vector_load %arg15[%get3A_364, %get3A_365] {strides = array<i32>} : memref<128x208xi32, #tpu.memory_space<vmem>>, vector<16xi32>,
      %ne3A_367 = arith.constant 0 : i32
      %ne3A_368 = vector.broadcast %ne3A_367 : i32 to vector<16xi32>
      %ne3A_369 = arith.cmpi ne, %get3A_366, %ne3A_368 : vector<16xi32>
      %select_n3A_370 = arith.select %ne3A_369, %broadcast_in_dim3A_321, %broadcast_in_dim3A_323 : vector<16xi1>, vector<16xi32>
      %add3A_371 = arith.addi %add3A_363, %select_n3A_370 : vector<16xi32>
      %get3A_372 = arith.index_cast %add3A_297 : i32 to index
      %get3A_373 = arith.constant 96 : index
      %get3A_374 = tpu.vector_load %arg15[%get3A_372, %get3A_373] {strides = array<i32>} : memref<128x208xi32, #tpu.memory_space<vmem>>, vector<16xi32>,
      %ne3A_375 = arith.constant 0 : i32
      %ne3A_376 = vector.broadcast %ne3A_375 : i32 to vector<16xi32>
      %ne3A_377 = arith.cmpi ne, %get3A_374, %ne3A_376 : vector<16xi32>
      %select_n3A_378 = arith.select %ne3A_377, %broadcast_in_dim3A_321, %broadcast_in_dim3A_323 : vector<16xi1>, vector<16xi32>
      %add3A_379 = arith.addi %add3A_371, %select_n3A_378 : vector<16xi32>
      %get3A_380 = arith.index_cast %add3A_297 : i32 to index
      %get3A_381 = arith.constant 112 : index
      %get3A_382 = tpu.vector_load %arg15[%get3A_380, %get3A_381] {strides = array<i32>} : memref<128x208xi32, #tpu.memory_space<vmem>>, vector<16xi32>,
      %ne3A_383 = arith.constant 0 : i32
      %ne3A_384 = vector.broadcast %ne3A_383 : i32 to vector<16xi32>
      %ne3A_385 = arith.cmpi ne, %get3A_382, %ne3A_384 : vector<16xi32>
      %select_n3A_386 = arith.select %ne3A_385, %broadcast_in_dim3A_321, %broadcast_in_dim3A_323 : vector<16xi1>, vector<16xi32>
      %add3A_387 = arith.addi %add3A_379, %select_n3A_386 : vector<16xi32>
      %get3A_388 = arith.index_cast %add3A_297 : i32 to index
      %get3A_389 = arith.constant 128 : index
      %get3A_390 = tpu.vector_load %arg15[%get3A_388, %get3A_389] {strides = array<i32>} : memref<128x208xi32, #tpu.memory_space<vmem>>, vector<16xi32>,
      %ne3A_391 = arith.constant 0 : i32
      %ne3A_392 = vector.broadcast %ne3A_391 : i32 to vector<16xi32>
      %ne3A_393 = arith.cmpi ne, %get3A_390, %ne3A_392 : vector<16xi32>
      %select_n3A_394 = arith.select %ne3A_393, %broadcast_in_dim3A_321, %broadcast_in_dim3A_323 : vector<16xi1>, vector<16xi32>
      %add3A_395 = arith.addi %add3A_387, %select_n3A_394 : vector<16xi32>
      %get3A_396 = arith.index_cast %add3A_297 : i32 to index
      %get3A_397 = arith.constant 144 : index
      %get3A_398 = tpu.vector_load %arg15[%get3A_396, %get3A_397] {strides = array<i32>} : memref<128x208xi32, #tpu.memory_space<vmem>>, vector<16xi32>,
      %ne3A_399 = arith.constant 0 : i32
      %ne3A_400 = vector.broadcast %ne3A_399 : i32 to vector<16xi32>
      %ne3A_401 = arith.cmpi ne, %get3A_398, %ne3A_400 : vector<16xi32>
      %select_n3A_402 = arith.select %ne3A_401, %broadcast_in_dim3A_321, %broadcast_in_dim3A_323 : vector<16xi1>, vector<16xi32>
      %add3A_403 = arith.addi %add3A_395, %select_n3A_402 : vector<16xi32>
      %get3A_404 = arith.index_cast %add3A_297 : i32 to index
      %get3A_405 = arith.constant 160 : index
      %get3A_406 = tpu.vector_load %arg15[%get3A_404, %get3A_405] {strides = array<i32>} : memref<128x208xi32, #tpu.memory_space<vmem>>, vector<16xi32>,
      %ne3A_407 = arith.constant 0 : i32
      %ne3A_408 = vector.broadcast %ne3A_407 : i32 to vector<16xi32>
      %ne3A_409 = arith.cmpi ne, %get3A_406, %ne3A_408 : vector<16xi32>
      %select_n3A_410 = arith.select %ne3A_409, %broadcast_in_dim3A_321, %broadcast_in_dim3A_323 : vector<16xi1>, vector<16xi32>
      %add3A_411 = arith.addi %add3A_403, %select_n3A_410 : vector<16xi32>
      %get3A_412 = arith.index_cast %add3A_297 : i32 to index
      %get3A_413 = arith.constant 176 : index
      %get3A_414 = tpu.vector_load %arg15[%get3A_412, %get3A_413] {strides = array<i32>} : memref<128x208xi32, #tpu.memory_space<vmem>>, vector<16xi32>,
      %ne3A_415 = arith.constant 0 : i32
      %ne3A_416 = vector.broadcast %ne3A_415 : i32 to vector<16xi32>
      %ne3A_417 = arith.cmpi ne, %get3A_414, %ne3A_416 : vector<16xi32>
      %select_n3A_418 = arith.select %ne3A_417, %broadcast_in_dim3A_321, %broadcast_in_dim3A_323 : vector<16xi1>, vector<16xi32>
      %add3A_419 = arith.addi %add3A_411, %select_n3A_418 : vector<16xi32>
      %get3A_420 = arith.index_cast %add3A_297 : i32 to index
      %get3A_421 = arith.constant 192 : index
      %get3A_422 = tpu.vector_load %arg15[%get3A_420, %get3A_421] {strides = array<i32>} : memref<128x208xi32, #tpu.memory_space<vmem>>, vector<16xi32>,
      %ne3A_423 = arith.constant 0 : i32
      %ne3A_424 = vector.broadcast %ne3A_423 : i32 to vector<16xi32>
      %ne3A_425 = arith.cmpi ne, %get3A_422, %ne3A_424 : vector<16xi32>
      %select_n3A_426 = arith.select %ne3A_425, %broadcast_in_dim3A_321, %broadcast_in_dim3A_323 : vector<16xi1>, vector<16xi32>
      %add3A_427 = arith.addi %add3A_419, %select_n3A_426 : vector<16xi32>
      %reduce_sum3A_428 = arith.constant true
      %reduce_sum3A_429 = vector.broadcast %reduce_sum3A_428 : i1 to vector<16xi1>
      %reduce_sum3A_430 = tpu.scan <sum>, %add3A_427 masked %reduce_sum3A_429 : vector<16xi32>, vector<16xi1> -> vector<16xi32>
      %reduce_sum3A_431 = vector.extract %reduce_sum3A_430[15] : i32 from vector<16xi32>
      %jit3A_432 = arith.constant 5 : i32
      %div3A_433 = arith.divsi %reduce_sum3A_431, %jit3A_432 : i32
      %sign3A_434 = arith.constant 0 : i32
      %sign3A_435 = arith.cmpi sgt, %reduce_sum3A_431, %sign3A_434 : i32
      %sign3A_436 = arith.extui %sign3A_435 : i1 to i32
      %sign3A_437 = arith.constant 0 : i32
      %sign3A_438 = arith.cmpi slt, %reduce_sum3A_431, %sign3A_437 : i32
      %sign3A_439 = arith.extui %sign3A_438 : i1 to i32
      %sign3A_440 = arith.subi %sign3A_436, %sign3A_439 : i32
      %sign3A_441 = arith.constant 0 : i32
      %sign3A_442 = arith.cmpi sgt, %jit3A_432, %sign3A_441 : i32
      %sign3A_443 = arith.extui %sign3A_442 : i1 to i32
      %sign3A_444 = arith.constant 0 : i32
      %sign3A_445 = arith.cmpi slt, %jit3A_432, %sign3A_444 : i32
      %sign3A_446 = arith.extui %sign3A_445 : i1 to i32
      %sign3A_447 = arith.subi %sign3A_443, %sign3A_446 : i32
      %ne3A_448 = arith.cmpi ne, %sign3A_440, %sign3A_447 : i32
      %rem3A_449 = arith.remsi %reduce_sum3A_431, %jit3A_432 : i32
      %ne3A_450 = arith.constant 0 : i32
      %ne3A_451 = arith.cmpi ne, %rem3A_449, %ne3A_450 : i32
      %and3A_452 = arith.andi %ne3A_448, %ne3A_451 : i1
      %sub3A_453 = arith.constant 1 : i32
      %sub3A_454 = arith.subi %div3A_433, %sub3A_453 : i32
      %select_n3A_455 = arith.select %and3A_452, %sub3A_454, %div3A_433 : i32
      %get3A_456 = arith.index_cast %select_n3A_455 : i32 to index
      %get3A_457 = arith.constant 0 : index
      %get3A_458 = tpu.vector_load %arg12[%get3A_456, %get3A_457] {strides = array<i32>} : memref<52x64xf32, #tpu.memory_space<vmem>>, vector<16xf32>,
      %get3A_459 = arith.index_cast %select_n3A_455 : i32 to index
      %get3A_460 = arith.constant 16 : index
      %get3A_461 = tpu.vector_load %arg12[%get3A_459, %get3A_460] {strides = array<i32>} : memref<52x64xf32, #tpu.memory_space<vmem>>, vector<16xf32>,
      %get3A_462 = arith.index_cast %select_n3A_455 : i32 to index
      %get3A_463 = arith.constant 32 : index
      %get3A_464 = tpu.vector_load %arg12[%get3A_462, %get3A_463] {strides = array<i32>} : memref<52x64xf32, #tpu.memory_space<vmem>>, vector<16xf32>,
      %get3A_465 = arith.index_cast %select_n3A_455 : i32 to index
      %get3A_466 = arith.constant 48 : index
      %get3A_467 = tpu.vector_load %arg12[%get3A_465, %get3A_466] {strides = array<i32>} : memref<52x64xf32, #tpu.memory_space<vmem>>, vector<16xf32>,
      %ge3A_468 = arith.constant 2 : i32
      %ge3A_469 = arith.cmpi sge, %add3A_297, %ge3A_468 : i32
      %convert_element_type3A_470 = arith.extui %ge3A_469 : i1 to i32
      %cond3A_471 = arith.constant 0 : i32
      %cond3A_472 = arith.cmpi ne, %convert_element_type3A_470, %cond3A_471 : i32
      scf.if %cond3A_472 {
        %sub3A_894 = arith.constant 2 : i32
        %sub3A_895 = arith.subi %add3A_297, %sub3A_894 : i32
        %add3A_896 = arith.addi %mul3A_2, %sub3A_895 : i32
        %dma_wait3A_897 = arith.constant 1 : i32
        %dma_wait3A_898 = arith.constant 0 : i32
        %dma_wait3A_899 = arith.constant 0 : i32
        %dma_wait3A_900 = tpu.memref_slice %arg17[%dma_wait3A_897, %dma_wait3A_898, %dma_wait3A_899] : memref<2x200x64xf32, #tpu.memory_space<vmem>> -> memref<1x200x64xf32, #tpu.memory_space<vmem>>
        %dma_wait3A_901 = tpu.memref_squeeze %dma_wait3A_900 : memref<1x200x64xf32, #tpu.memory_space<vmem>> -> memref<200x64xf32, #tpu.memory_space<vmem>>
        %dma_wait3A_902 = arith.constant 0 : i32
        %dma_wait3A_903 = arith.constant 0 : i32
        %dma_wait3A_904 = tpu.memref_slice %arg9[%add3A_896, %dma_wait3A_902, %dma_wait3A_903] : memref<4096x200x64xf32, #tpu.memory_space<hbm>> -> memref<1x200x64xf32, #tpu.memory_space<hbm>>
        %dma_wait3A_905 = tpu.memref_squeeze %dma_wait3A_904 : memref<1x200x64xf32, #tpu.memory_space<hbm>> -> memref<200x64xf32, #tpu.memory_space<hbm>>
        %dma_wait3A_906 = arith.constant 0 : i32
        %dma_wait3A_907 = arith.constant 0 : i32
        %dma_wait3A_908 = tpu.memref_slice %arg9[%add3A_896, %dma_wait3A_906, %dma_wait3A_907] : memref<4096x200x64xf32, #tpu.memory_space<hbm>> -> memref<1x200x64xf32, #tpu.memory_space<hbm>>
        %dma_wait3A_909 = tpu.memref_squeeze %dma_wait3A_908 : memref<1x200x64xf32, #tpu.memory_space<hbm>> -> memref<200x64xf32, #tpu.memory_space<hbm>>
        %dma_wait3A_910 = arith.constant 0 : i32
        %dma_wait3A_911 = arith.constant 0 : i32
        %dma_wait3A_912 = tpu.memref_slice %arg17[%dma_wait3A_897, %dma_wait3A_910, %dma_wait3A_911] : memref<2x200x64xf32, #tpu.memory_space<vmem>> -> memref<1x200x64xf32, #tpu.memory_space<vmem>>
        %dma_wait3A_913 = tpu.memref_squeeze %dma_wait3A_912 : memref<1x200x64xf32, #tpu.memory_space<vmem>> -> memref<200x64xf32, #tpu.memory_space<vmem>>
        tpu.wait_dma2 semaphore(%arg23 : memref<!tpu.dma_semaphore, #tpu.memory_space<semaphore_mem>>) src(%dma_wait3A_913 : memref<200x64xf32, #tpu.memory_space<vmem>>) dst(%dma_wait3A_909 : memref<200x64xf32, #tpu.memory_space<hbm>>)
      } else {
      }
      %parallel_loop3A_473 = arith.constant 0 : i32
      %parallel_loop3A_474 = arith.constant 200 : i32
      %parallel_loop3A_475 = arith.constant 1 : i32
      scf.for %parallel_loop3A_894 = %parallel_loop3A_473 to %parallel_loop3A_474 step %parallel_loop3A_475  : i32 {
        %parallel_loop3A_895 = arith.constant 1 : i32
        %parallel_loop3A_896 = arith.index_cast %parallel_loop3A_895 : i32 to index
        %parallel_loop3A_897 = arith.index_cast %parallel_loop3A_894 : i32 to index
        %parallel_loop3A_898 = arith.constant 0 : index
        %parallel_loop3A_899 = tpu.vector_load %arg16[%parallel_loop3A_896, %parallel_loop3A_897, %parallel_loop3A_898] {strides = array<i32>} : memref<4x200x64xf32, #tpu.memory_space<vmem>>, vector<16xf32>,
        %parallel_loop3A_900 = arith.index_cast %parallel_loop3A_894 : i32 to index
        %parallel_loop3A_901 = arith.constant 0 : index
        %parallel_loop3A_902 = tpu.vector_load %arg10[%parallel_loop3A_900, %parallel_loop3A_901] {strides = array<i32>} : memref<200x64xf32, #tpu.memory_space<vmem>>, vector<16xf32>,
        %parallel_loop3A_903 = arith.addf %parallel_loop3A_899, %parallel_loop3A_902 : vector<16xf32>
        %parallel_loop3A_904 = arith.addf %parallel_loop3A_903, %get3A_458 : vector<16xf32>
        %parallel_loop3A_905 = arith.constant 1 : i32
        %parallel_loop3A_906 = arith.index_cast %parallel_loop3A_905 : i32 to index
        %parallel_loop3A_907 = arith.index_cast %parallel_loop3A_894 : i32 to index
        %parallel_loop3A_908 = arith.constant 16 : index
        %parallel_loop3A_909 = tpu.vector_load %arg16[%parallel_loop3A_906, %parallel_loop3A_907, %parallel_loop3A_908] {strides = array<i32>} : memref<4x200x64xf32, #tpu.memory_space<vmem>>, vector<16xf32>,
        %parallel_loop3A_910 = arith.index_cast %parallel_loop3A_894 : i32 to index
        %parallel_loop3A_911 = arith.constant 16 : index
        %parallel_loop3A_912 = tpu.vector_load %arg10[%parallel_loop3A_910, %parallel_loop3A_911] {strides = array<i32>} : memref<200x64xf32, #tpu.memory_space<vmem>>, vector<16xf32>,
        %parallel_loop3A_913 = arith.addf %parallel_loop3A_909, %parallel_loop3A_912 : vector<16xf32>
        %parallel_loop3A_914 = arith.addf %parallel_loop3A_913, %get3A_461 : vector<16xf32>
        %parallel_loop3A_915 = arith.constant 1 : i32
        %parallel_loop3A_916 = arith.index_cast %parallel_loop3A_915 : i32 to index
        %parallel_loop3A_917 = arith.index_cast %parallel_loop3A_894 : i32 to index
        %parallel_loop3A_918 = arith.constant 32 : index
        %parallel_loop3A_919 = tpu.vector_load %arg16[%parallel_loop3A_916, %parallel_loop3A_917, %parallel_loop3A_918] {strides = array<i32>} : memref<4x200x64xf32, #tpu.memory_space<vmem>>, vector<16xf32>,
        %parallel_loop3A_920 = arith.index_cast %parallel_loop3A_894 : i32 to index
        %parallel_loop3A_921 = arith.constant 32 : index
        %parallel_loop3A_922 = tpu.vector_load %arg10[%parallel_loop3A_920, %parallel_loop3A_921] {strides = array<i32>} : memref<200x64xf32, #tpu.memory_space<vmem>>, vector<16xf32>,
        %parallel_loop3A_923 = arith.addf %parallel_loop3A_919, %parallel_loop3A_922 : vector<16xf32>
        %parallel_loop3A_924 = arith.addf %parallel_loop3A_923, %get3A_464 : vector<16xf32>
        %parallel_loop3A_925 = arith.constant 1 : i32
        %parallel_loop3A_926 = arith.index_cast %parallel_loop3A_925 : i32 to index
        %parallel_loop3A_927 = arith.index_cast %parallel_loop3A_894 : i32 to index
        %parallel_loop3A_928 = arith.constant 48 : index
        %parallel_loop3A_929 = tpu.vector_load %arg16[%parallel_loop3A_926, %parallel_loop3A_927, %parallel_loop3A_928] {strides = array<i32>} : memref<4x200x64xf32, #tpu.memory_space<vmem>>, vector<16xf32>,
        %parallel_loop3A_930 = arith.index_cast %parallel_loop3A_894 : i32 to index
        %parallel_loop3A_931 = arith.constant 48 : index
        %parallel_loop3A_932 = tpu.vector_load %arg10[%parallel_loop3A_930, %parallel_loop3A_931] {strides = array<i32>} : memref<200x64xf32, #tpu.memory_space<vmem>>, vector<16xf32>,
        %parallel_loop3A_933 = arith.addf %parallel_loop3A_929, %parallel_loop3A_932 : vector<16xf32>
        %parallel_loop3A_934 = arith.addf %parallel_loop3A_933, %get3A_467 : vector<16xf32>
        %parallel_loop3A_935 = arith.addf %parallel_loop3A_904, %parallel_loop3A_914 : vector<16xf32>
        %parallel_loop3A_936 = arith.addf %parallel_loop3A_924, %parallel_loop3A_934 : vector<16xf32>
        %parallel_loop3A_937 = arith.addf %parallel_loop3A_935, %parallel_loop3A_936 : vector<16xf32>
        %parallel_loop3A_938 = arith.constant true
        %parallel_loop3A_939 = vector.broadcast %parallel_loop3A_938 : i1 to vector<16xi1>
        %parallel_loop3A_940 = tpu.scan <sum>, %parallel_loop3A_937 masked %parallel_loop3A_939 : vector<16xf32>, vector<16xi1> -> vector<16xf32>
        %parallel_loop3A_941 = vector.extract %parallel_loop3A_940[15] : f32 from vector<16xf32>
        %parallel_loop3A_942 = arith.mulf %parallel_loop3A_904, %parallel_loop3A_904 : vector<16xf32>
        %parallel_loop3A_943 = arith.mulf %parallel_loop3A_914, %parallel_loop3A_914 : vector<16xf32>
        %parallel_loop3A_944 = arith.mulf %parallel_loop3A_924, %parallel_loop3A_924 : vector<16xf32>
        %parallel_loop3A_945 = arith.mulf %parallel_loop3A_934, %parallel_loop3A_934 : vector<16xf32>
        %parallel_loop3A_946 = arith.addf %parallel_loop3A_942, %parallel_loop3A_943 : vector<16xf32>
        %parallel_loop3A_947 = arith.addf %parallel_loop3A_944, %parallel_loop3A_945 : vector<16xf32>
        %parallel_loop3A_948 = arith.addf %parallel_loop3A_946, %parallel_loop3A_947 : vector<16xf32>
        %parallel_loop3A_949 = arith.constant true
        %parallel_loop3A_950 = vector.broadcast %parallel_loop3A_949 : i1 to vector<16xi1>
        %parallel_loop3A_951 = tpu.scan <sum>, %parallel_loop3A_948 masked %parallel_loop3A_950 : vector<16xf32>, vector<16xi1> -> vector<16xf32>
        %parallel_loop3A_952 = vector.extract %parallel_loop3A_951[15] : f32 from vector<16xf32>
        %parallel_loop3A_953 = arith.constant 1.562500e-02 : f32
        %parallel_loop3A_954 = arith.mulf %parallel_loop3A_941, %parallel_loop3A_953 : f32
        %parallel_loop3A_955 = arith.constant 1.562500e-02 : f32
        %parallel_loop3A_956 = arith.mulf %parallel_loop3A_952, %parallel_loop3A_955 : f32
        %parallel_loop3A_957 = arith.mulf %parallel_loop3A_954, %parallel_loop3A_954 : f32
        %parallel_loop3A_958 = arith.subf %parallel_loop3A_956, %parallel_loop3A_957 : f32
        %parallel_loop3A_959 = arith.constant 9.99999974E-6 : f32
        %parallel_loop3A_960 = arith.addf %parallel_loop3A_958, %parallel_loop3A_959 : f32
        %parallel_loop3A_961 = vector.broadcast %parallel_loop3A_960 : f32 to vector<16xf32>
        %parallel_loop3A_962 = vector.bitcast %parallel_loop3A_961 : vector<16xf32> to vector<16xi32>
        %parallel_loop3A_963 = arith.constant 1597463007 : i32
        %parallel_loop3A_964 = vector.broadcast %parallel_loop3A_963 : i32 to vector<16xi32>
        %parallel_loop3A_965 = arith.constant 1 : i32
        %parallel_loop3A_966 = vector.broadcast %parallel_loop3A_965 : i32 to vector<16xi32>
        %parallel_loop3A_967 = arith.shrui %parallel_loop3A_962, %parallel_loop3A_966 : vector<16xi32>
        %parallel_loop3A_968 = arith.subi %parallel_loop3A_964, %parallel_loop3A_967 : vector<16xi32>
        %parallel_loop3A_969 = vector.bitcast %parallel_loop3A_968 : vector<16xi32> to vector<16xf32>
        %parallel_loop3A_970 = arith.constant 5.000000e-01 : f32
        %parallel_loop3A_971 = vector.broadcast %parallel_loop3A_970 : f32 to vector<16xf32>
        %parallel_loop3A_972 = arith.mulf %parallel_loop3A_961, %parallel_loop3A_971 : vector<16xf32>
        %parallel_loop3A_973 = arith.mulf %parallel_loop3A_972, %parallel_loop3A_969 : vector<16xf32>
        %parallel_loop3A_974 = arith.mulf %parallel_loop3A_973, %parallel_loop3A_969 : vector<16xf32>
        %parallel_loop3A_975 = arith.constant 1.500000e+00 : f32
        %parallel_loop3A_976 = vector.broadcast %parallel_loop3A_975 : f32 to vector<16xf32>
        %parallel_loop3A_977 = arith.subf %parallel_loop3A_976, %parallel_loop3A_974 : vector<16xf32>
        %parallel_loop3A_978 = arith.mulf %parallel_loop3A_969, %parallel_loop3A_977 : vector<16xf32>
        %parallel_loop3A_979 = arith.mulf %parallel_loop3A_972, %parallel_loop3A_978 : vector<16xf32>
        %parallel_loop3A_980 = arith.mulf %parallel_loop3A_979, %parallel_loop3A_978 : vector<16xf32>
        %parallel_loop3A_981 = arith.constant 1.500000e+00 : f32
        %parallel_loop3A_982 = vector.broadcast %parallel_loop3A_981 : f32 to vector<16xf32>
        %parallel_loop3A_983 = arith.subf %parallel_loop3A_982, %parallel_loop3A_980 : vector<16xf32>
        %parallel_loop3A_984 = arith.mulf %parallel_loop3A_978, %parallel_loop3A_983 : vector<16xf32>
        %parallel_loop3A_985 = arith.mulf %parallel_loop3A_972, %parallel_loop3A_984 : vector<16xf32>
        %parallel_loop3A_986 = arith.mulf %parallel_loop3A_985, %parallel_loop3A_984 : vector<16xf32>
        %parallel_loop3A_987 = arith.constant 1.500000e+00 : f32
        %parallel_loop3A_988 = vector.broadcast %parallel_loop3A_987 : f32 to vector<16xf32>
        %parallel_loop3A_989 = arith.subf %parallel_loop3A_988, %parallel_loop3A_986 : vector<16xf32>
        %parallel_loop3A_990 = arith.mulf %parallel_loop3A_984, %parallel_loop3A_989 : vector<16xf32>
        %parallel_loop3A_991 = vector.broadcast %parallel_loop3A_954 : f32 to vector<16xf32>
        %parallel_loop3A_992 = arith.subf %parallel_loop3A_904, %parallel_loop3A_991 : vector<16xf32>
        %parallel_loop3A_993 = arith.mulf %parallel_loop3A_992, %parallel_loop3A_990 : vector<16xf32>
        %parallel_loop3A_994 = arith.mulf %parallel_loop3A_993, %get3A_12 : vector<16xf32>
        %parallel_loop3A_995 = arith.addf %parallel_loop3A_994, %get3A_20 : vector<16xf32>
        %parallel_loop3A_996 = arith.constant 1 : i32
        %parallel_loop3A_997 = arith.index_cast %parallel_loop3A_996 : i32 to index
        %parallel_loop3A_998 = arith.index_cast %parallel_loop3A_894 : i32 to index
        %parallel_loop3A_999 = arith.constant 0 : index
        %parallel_loop3A_1000 = tpu.vector_load %arg17[%parallel_loop3A_997, %parallel_loop3A_998, %parallel_loop3A_999] {strides = array<i32>} : memref<2x200x64xf32, #tpu.memory_space<vmem>>, vector<16xf32>,
        tpu.vector_store %arg17[%parallel_loop3A_997, %parallel_loop3A_998, %parallel_loop3A_999], %parallel_loop3A_995 {strides = array<i32>} : memref<2x200x64xf32, #tpu.memory_space<vmem>>, vector<16xf32>,
        %parallel_loop3A_1001 = vector.broadcast %parallel_loop3A_954 : f32 to vector<16xf32>
        %parallel_loop3A_1002 = arith.subf %parallel_loop3A_914, %parallel_loop3A_1001 : vector<16xf32>
        %parallel_loop3A_1003 = arith.mulf %parallel_loop3A_1002, %parallel_loop3A_990 : vector<16xf32>
        %parallel_loop3A_1004 = arith.mulf %parallel_loop3A_1003, %get3A_14 : vector<16xf32>
        %parallel_loop3A_1005 = arith.addf %parallel_loop3A_1004, %get3A_22 : vector<16xf32>
        %parallel_loop3A_1006 = arith.constant 1 : i32
        %parallel_loop3A_1007 = arith.index_cast %parallel_loop3A_1006 : i32 to index
        %parallel_loop3A_1008 = arith.index_cast %parallel_loop3A_894 : i32 to index
        %parallel_loop3A_1009 = arith.constant 16 : index
        %parallel_loop3A_1010 = tpu.vector_load %arg17[%parallel_loop3A_1007, %parallel_loop3A_1008, %parallel_loop3A_1009] {strides = array<i32>} : memref<2x200x64xf32, #tpu.memory_space<vmem>>, vector<16xf32>,
        tpu.vector_store %arg17[%parallel_loop3A_1007, %parallel_loop3A_1008, %parallel_loop3A_1009], %parallel_loop3A_1005 {strides = array<i32>} : memref<2x200x64xf32, #tpu.memory_space<vmem>>, vector<16xf32>,
        %parallel_loop3A_1011 = vector.broadcast %parallel_loop3A_954 : f32 to vector<16xf32>
        %parallel_loop3A_1012 = arith.subf %parallel_loop3A_924, %parallel_loop3A_1011 : vector<16xf32>
        %parallel_loop3A_1013 = arith.mulf %parallel_loop3A_1012, %parallel_loop3A_990 : vector<16xf32>
        %parallel_loop3A_1014 = arith.mulf %parallel_loop3A_1013, %get3A_16 : vector<16xf32>
        %parallel_loop3A_1015 = arith.addf %parallel_loop3A_1014, %get3A_24 : vector<16xf32>
        %parallel_loop3A_1016 = arith.constant 1 : i32
        %parallel_loop3A_1017 = arith.index_cast %parallel_loop3A_1016 : i32 to index
        %parallel_loop3A_1018 = arith.index_cast %parallel_loop3A_894 : i32 to index
        %parallel_loop3A_1019 = arith.constant 32 : index
        %parallel_loop3A_1020 = tpu.vector_load %arg17[%parallel_loop3A_1017, %parallel_loop3A_1018, %parallel_loop3A_1019] {strides = array<i32>} : memref<2x200x64xf32, #tpu.memory_space<vmem>>, vector<16xf32>,
        tpu.vector_store %arg17[%parallel_loop3A_1017, %parallel_loop3A_1018, %parallel_loop3A_1019], %parallel_loop3A_1015 {strides = array<i32>} : memref<2x200x64xf32, #tpu.memory_space<vmem>>, vector<16xf32>,
        %parallel_loop3A_1021 = vector.broadcast %parallel_loop3A_954 : f32 to vector<16xf32>
        %parallel_loop3A_1022 = arith.subf %parallel_loop3A_934, %parallel_loop3A_1021 : vector<16xf32>
        %parallel_loop3A_1023 = arith.mulf %parallel_loop3A_1022, %parallel_loop3A_990 : vector<16xf32>
        %parallel_loop3A_1024 = arith.mulf %parallel_loop3A_1023, %get3A_18 : vector<16xf32>
        %parallel_loop3A_1025 = arith.addf %parallel_loop3A_1024, %get3A_26 : vector<16xf32>
        %parallel_loop3A_1026 = arith.constant 1 : i32
        %parallel_loop3A_1027 = arith.index_cast %parallel_loop3A_1026 : i32 to index
        %parallel_loop3A_1028 = arith.index_cast %parallel_loop3A_894 : i32 to index
        %parallel_loop3A_1029 = arith.constant 48 : index
        %parallel_loop3A_1030 = tpu.vector_load %arg17[%parallel_loop3A_1027, %parallel_loop3A_1028, %parallel_loop3A_1029] {strides = array<i32>} : memref<2x200x64xf32, #tpu.memory_space<vmem>>, vector<16xf32>,
        tpu.vector_store %arg17[%parallel_loop3A_1027, %parallel_loop3A_1028, %parallel_loop3A_1029], %parallel_loop3A_1025 {strides = array<i32>} : memref<2x200x64xf32, #tpu.memory_space<vmem>>, vector<16xf32>,
      } {sc.loop_unroll_factor = 2 : i64, sc.parallel_access}
      %add3A_476 = arith.addi %mul3A_2, %add3A_297 : i32
      %dma_start3A_477 = arith.constant 1 : i32
      %dma_start3A_478 = arith.constant 0 : i32
      %dma_start3A_479 = arith.constant 0 : i32
      %dma_start3A_480 = tpu.memref_slice %arg17[%dma_start3A_477, %dma_start3A_478, %dma_start3A_479] : memref<2x200x64xf32, #tpu.memory_space<vmem>> -> memref<1x200x64xf32, #tpu.memory_space<vmem>>
      %dma_start3A_481 = tpu.memref_squeeze %dma_start3A_480 : memref<1x200x64xf32, #tpu.memory_space<vmem>> -> memref<200x64xf32, #tpu.memory_space<vmem>>
      %dma_start3A_482 = arith.constant 0 : i32
      %dma_start3A_483 = arith.constant 0 : i32
      %dma_start3A_484 = tpu.memref_slice %arg9[%add3A_476, %dma_start3A_482, %dma_start3A_483] : memref<4096x200x64xf32, #tpu.memory_space<hbm>> -> memref<1x200x64xf32, #tpu.memory_space<hbm>>
      %dma_start3A_485 = tpu.memref_squeeze %dma_start3A_484 : memref<1x200x64xf32, #tpu.memory_space<hbm>> -> memref<200x64xf32, #tpu.memory_space<hbm>>
      %dma_start3A_486 = arith.constant 0 : i32
      %dma_start3A_487 = arith.constant 0 : i32
      %dma_start3A_488 = tpu.memref_slice %arg9[%add3A_476, %dma_start3A_486, %dma_start3A_487] : memref<4096x200x64xf32, #tpu.memory_space<hbm>> -> memref<1x200x64xf32, #tpu.memory_space<hbm>>
      %dma_start3A_489 = tpu.memref_squeeze %dma_start3A_488 : memref<1x200x64xf32, #tpu.memory_space<hbm>> -> memref<200x64xf32, #tpu.memory_space<hbm>>
      %dma_start3A_490 = arith.constant 0 : i32
      %dma_start3A_491 = arith.constant 0 : i32
      %dma_start3A_492 = tpu.memref_slice %arg17[%dma_start3A_477, %dma_start3A_490, %dma_start3A_491] : memref<2x200x64xf32, #tpu.memory_space<vmem>> -> memref<1x200x64xf32, #tpu.memory_space<vmem>>
      %dma_start3A_493 = tpu.memref_squeeze %dma_start3A_492 : memref<1x200x64xf32, #tpu.memory_space<vmem>> -> memref<200x64xf32, #tpu.memory_space<vmem>>
      tpu.enqueue_dma source(%dma_start3A_493 : memref<200x64xf32, #tpu.memory_space<vmem>>) target(%dma_start3A_489 : memref<200x64xf32, #tpu.memory_space<hbm>>) target_semaphore(%arg23 : memref<!tpu.dma_semaphore, #tpu.memory_space<semaphore_mem>>)
      %mul3A_494 = arith.constant 4 : i32
      %mul3A_495 = arith.muli %mul3A_494, %add3A_108 : i32
      %add3A_496 = arith.constant 2 : i32
      %add3A_497 = arith.addi %mul3A_495, %add3A_496 : i32
      %add3A_498 = arith.constant 4 : i32
      %add3A_499 = arith.addi %add3A_497, %add3A_498 : i32
      %sub3A_500 = arith.constant 1 : i32
      %sub3A_501 = arith.subi %add3A_499, %sub3A_500 : i32
      %lt3A_502 = arith.constant 128 : i32
      %lt3A_503 = arith.cmpi slt, %sub3A_501, %lt3A_502 : i32
      %convert_element_type3A_504 = arith.extui %lt3A_503 : i1 to i32
      %cond3A_505 = arith.constant 0 : i32
      %cond3A_506 = arith.cmpi ne, %convert_element_type3A_504, %cond3A_505 : i32
      scf.if %cond3A_506 {
        %add3A_894 = arith.constant 4 : i32
        %add3A_895 = arith.addi %add3A_497, %add3A_894 : i32
        %sub3A_896 = arith.constant 1 : i32
        %sub3A_897 = arith.subi %add3A_895, %sub3A_896 : i32
        %dma_start3A_898 = arith.constant 1 : i32
        %dma_start3A_899 = arith.constant 0 : i32
        %dma_start3A_900 = arith.constant 0 : i32
        %dma_start3A_901 = tpu.memref_slice %arg16[%dma_start3A_898, %dma_start3A_899, %dma_start3A_900] : memref<4x200x64xf32, #tpu.memory_space<vmem>> -> memref<1x200x64xf32, #tpu.memory_space<vmem>>
        %dma_start3A_902 = tpu.memref_squeeze %dma_start3A_901 : memref<1x200x64xf32, #tpu.memory_space<vmem>> -> memref<200x64xf32, #tpu.memory_space<vmem>>
        %dma_start3A_903 = arith.constant 0 : i32
        %dma_start3A_904 = tpu.memref_slice %arg15[%sub3A_897, %dma_start3A_903] : memref<128x208xi32, #tpu.memory_space<vmem>> -> memref<1x200xi32, #tpu.memory_space<vmem>>
        %dma_start3A_905 = tpu.memref_squeeze %dma_start3A_904 : memref<1x200xi32, #tpu.memory_space<vmem>> -> memref<200xi32, #tpu.memory_space<vmem>>
        %dma_start3A_906 = arith.constant 0 : i32
        %dma_start3A_907 = arith.constant 0 : i32
        %dma_start3A_908 = tpu.memref_slice %arg3[%dma_start3A_906, %dma_start3A_907] : memref<100000x64xf32, #tpu.memory_space<hbm>> -> memref<100000x64xf32, #tpu.memory_space<hbm>>
        tpu.enqueue_indirect_dma source(%dma_start3A_908 : memref<100000x64xf32, #tpu.memory_space<hbm>>) target(%dma_start3A_902 : memref<200x64xf32, #tpu.memory_space<vmem>>) offsets(%dma_start3A_905 : memref<200xi32, #tpu.memory_space<vmem>>) semaphore(%arg19 : memref<!tpu.dma_semaphore, #tpu.memory_space<semaphore_mem>>)
      } else {
      }
      %dma_wait3A_507 = arith.constant 2 : i32
      %dma_wait3A_508 = arith.constant 0 : i32
      %dma_wait3A_509 = arith.constant 0 : i32
      %dma_wait3A_510 = tpu.memref_slice %arg16[%dma_wait3A_507, %dma_wait3A_508, %dma_wait3A_509] : memref<4x200x64xf32, #tpu.memory_space<vmem>> -> memref<1x200x64xf32, #tpu.memory_space<vmem>>
      %dma_wait3A_511 = tpu.memref_squeeze %dma_wait3A_510 : memref<1x200x64xf32, #tpu.memory_space<vmem>> -> memref<200x64xf32, #tpu.memory_space<vmem>>
      %dma_wait3A_512 = arith.constant 0 : i32
      %dma_wait3A_513 = tpu.memref_slice %arg15[%add3A_497, %dma_wait3A_512] : memref<128x208xi32, #tpu.memory_space<vmem>> -> memref<1x200xi32, #tpu.memory_space<vmem>>
      %dma_wait3A_514 = tpu.memref_squeeze %dma_wait3A_513 : memref<1x200xi32, #tpu.memory_space<vmem>> -> memref<200xi32, #tpu.memory_space<vmem>>
      %dma_wait3A_515 = arith.constant 0 : i32
      %dma_wait3A_516 = arith.constant 0 : i32
      %dma_wait3A_517 = tpu.memref_slice %arg3[%dma_wait3A_515, %dma_wait3A_516] : memref<100000x64xf32, #tpu.memory_space<hbm>> -> memref<100000x64xf32, #tpu.memory_space<hbm>>
      tpu.wait_indirect_dma semaphore(%arg20 : memref<!tpu.dma_semaphore, #tpu.memory_space<semaphore_mem>>) src(%dma_wait3A_517 : memref<100000x64xf32, #tpu.memory_space<hbm>>) dst(%dma_wait3A_511 : memref<200x64xf32, #tpu.memory_space<vmem>>)
      %broadcast_in_dim3A_518 = arith.constant 0 : i32
      %broadcast_in_dim3A_519 = vector.broadcast %broadcast_in_dim3A_518 : i32 to vector<16xi32>
      %broadcast_in_dim3A_520 = arith.constant 1 : i32
      %broadcast_in_dim3A_521 = vector.broadcast %broadcast_in_dim3A_520 : i32 to vector<16xi32>
      %broadcast_in_dim3A_522 = arith.constant 0 : i32
      %broadcast_in_dim3A_523 = vector.broadcast %broadcast_in_dim3A_522 : i32 to vector<16xi32>
      %get3A_524 = arith.index_cast %add3A_497 : i32 to index
      %get3A_525 = arith.constant 0 : index
      %get3A_526 = tpu.vector_load %arg15[%get3A_524, %get3A_525] {strides = array<i32>} : memref<128x208xi32, #tpu.memory_space<vmem>>, vector<16xi32>,
      %ne3A_527 = arith.constant 0 : i32
      %ne3A_528 = vector.broadcast %ne3A_527 : i32 to vector<16xi32>
      %ne3A_529 = arith.cmpi ne, %get3A_526, %ne3A_528 : vector<16xi32>
      %select_n3A_530 = arith.select %ne3A_529, %broadcast_in_dim3A_521, %broadcast_in_dim3A_523 : vector<16xi1>, vector<16xi32>
      %add3A_531 = arith.addi %broadcast_in_dim3A_519, %select_n3A_530 : vector<16xi32>
      %get3A_532 = arith.index_cast %add3A_497 : i32 to index
      %get3A_533 = arith.constant 16 : index
      %get3A_534 = tpu.vector_load %arg15[%get3A_532, %get3A_533] {strides = array<i32>} : memref<128x208xi32, #tpu.memory_space<vmem>>, vector<16xi32>,
      %ne3A_535 = arith.constant 0 : i32
      %ne3A_536 = vector.broadcast %ne3A_535 : i32 to vector<16xi32>
      %ne3A_537 = arith.cmpi ne, %get3A_534, %ne3A_536 : vector<16xi32>
      %select_n3A_538 = arith.select %ne3A_537, %broadcast_in_dim3A_521, %broadcast_in_dim3A_523 : vector<16xi1>, vector<16xi32>
      %add3A_539 = arith.addi %add3A_531, %select_n3A_538 : vector<16xi32>
      %get3A_540 = arith.index_cast %add3A_497 : i32 to index
      %get3A_541 = arith.constant 32 : index
      %get3A_542 = tpu.vector_load %arg15[%get3A_540, %get3A_541] {strides = array<i32>} : memref<128x208xi32, #tpu.memory_space<vmem>>, vector<16xi32>,
      %ne3A_543 = arith.constant 0 : i32
      %ne3A_544 = vector.broadcast %ne3A_543 : i32 to vector<16xi32>
      %ne3A_545 = arith.cmpi ne, %get3A_542, %ne3A_544 : vector<16xi32>
      %select_n3A_546 = arith.select %ne3A_545, %broadcast_in_dim3A_521, %broadcast_in_dim3A_523 : vector<16xi1>, vector<16xi32>
      %add3A_547 = arith.addi %add3A_539, %select_n3A_546 : vector<16xi32>
      %get3A_548 = arith.index_cast %add3A_497 : i32 to index
      %get3A_549 = arith.constant 48 : index
      %get3A_550 = tpu.vector_load %arg15[%get3A_548, %get3A_549] {strides = array<i32>} : memref<128x208xi32, #tpu.memory_space<vmem>>, vector<16xi32>,
      %ne3A_551 = arith.constant 0 : i32
      %ne3A_552 = vector.broadcast %ne3A_551 : i32 to vector<16xi32>
      %ne3A_553 = arith.cmpi ne, %get3A_550, %ne3A_552 : vector<16xi32>
      %select_n3A_554 = arith.select %ne3A_553, %broadcast_in_dim3A_521, %broadcast_in_dim3A_523 : vector<16xi1>, vector<16xi32>
      %add3A_555 = arith.addi %add3A_547, %select_n3A_554 : vector<16xi32>
      %get3A_556 = arith.index_cast %add3A_497 : i32 to index
      %get3A_557 = arith.constant 64 : index
      %get3A_558 = tpu.vector_load %arg15[%get3A_556, %get3A_557] {strides = array<i32>} : memref<128x208xi32, #tpu.memory_space<vmem>>, vector<16xi32>,
      %ne3A_559 = arith.constant 0 : i32
      %ne3A_560 = vector.broadcast %ne3A_559 : i32 to vector<16xi32>
      %ne3A_561 = arith.cmpi ne, %get3A_558, %ne3A_560 : vector<16xi32>
      %select_n3A_562 = arith.select %ne3A_561, %broadcast_in_dim3A_521, %broadcast_in_dim3A_523 : vector<16xi1>, vector<16xi32>
      %add3A_563 = arith.addi %add3A_555, %select_n3A_562 : vector<16xi32>
      %get3A_564 = arith.index_cast %add3A_497 : i32 to index
      %get3A_565 = arith.constant 80 : index
      %get3A_566 = tpu.vector_load %arg15[%get3A_564, %get3A_565] {strides = array<i32>} : memref<128x208xi32, #tpu.memory_space<vmem>>, vector<16xi32>,
      %ne3A_567 = arith.constant 0 : i32
      %ne3A_568 = vector.broadcast %ne3A_567 : i32 to vector<16xi32>
      %ne3A_569 = arith.cmpi ne, %get3A_566, %ne3A_568 : vector<16xi32>
      %select_n3A_570 = arith.select %ne3A_569, %broadcast_in_dim3A_521, %broadcast_in_dim3A_523 : vector<16xi1>, vector<16xi32>
      %add3A_571 = arith.addi %add3A_563, %select_n3A_570 : vector<16xi32>
      %get3A_572 = arith.index_cast %add3A_497 : i32 to index
      %get3A_573 = arith.constant 96 : index
      %get3A_574 = tpu.vector_load %arg15[%get3A_572, %get3A_573] {strides = array<i32>} : memref<128x208xi32, #tpu.memory_space<vmem>>, vector<16xi32>,
      %ne3A_575 = arith.constant 0 : i32
      %ne3A_576 = vector.broadcast %ne3A_575 : i32 to vector<16xi32>
      %ne3A_577 = arith.cmpi ne, %get3A_574, %ne3A_576 : vector<16xi32>
      %select_n3A_578 = arith.select %ne3A_577, %broadcast_in_dim3A_521, %broadcast_in_dim3A_523 : vector<16xi1>, vector<16xi32>
      %add3A_579 = arith.addi %add3A_571, %select_n3A_578 : vector<16xi32>
      %get3A_580 = arith.index_cast %add3A_497 : i32 to index
      %get3A_581 = arith.constant 112 : index
      %get3A_582 = tpu.vector_load %arg15[%get3A_580, %get3A_581] {strides = array<i32>} : memref<128x208xi32, #tpu.memory_space<vmem>>, vector<16xi32>,
      %ne3A_583 = arith.constant 0 : i32
      %ne3A_584 = vector.broadcast %ne3A_583 : i32 to vector<16xi32>
      %ne3A_585 = arith.cmpi ne, %get3A_582, %ne3A_584 : vector<16xi32>
      %select_n3A_586 = arith.select %ne3A_585, %broadcast_in_dim3A_521, %broadcast_in_dim3A_523 : vector<16xi1>, vector<16xi32>
      %add3A_587 = arith.addi %add3A_579, %select_n3A_586 : vector<16xi32>
      %get3A_588 = arith.index_cast %add3A_497 : i32 to index
      %get3A_589 = arith.constant 128 : index
      %get3A_590 = tpu.vector_load %arg15[%get3A_588, %get3A_589] {strides = array<i32>} : memref<128x208xi32, #tpu.memory_space<vmem>>, vector<16xi32>,
      %ne3A_591 = arith.constant 0 : i32
      %ne3A_592 = vector.broadcast %ne3A_591 : i32 to vector<16xi32>
      %ne3A_593 = arith.cmpi ne, %get3A_590, %ne3A_592 : vector<16xi32>
      %select_n3A_594 = arith.select %ne3A_593, %broadcast_in_dim3A_521, %broadcast_in_dim3A_523 : vector<16xi1>, vector<16xi32>
      %add3A_595 = arith.addi %add3A_587, %select_n3A_594 : vector<16xi32>
      %get3A_596 = arith.index_cast %add3A_497 : i32 to index
      %get3A_597 = arith.constant 144 : index
      %get3A_598 = tpu.vector_load %arg15[%get3A_596, %get3A_597] {strides = array<i32>} : memref<128x208xi32, #tpu.memory_space<vmem>>, vector<16xi32>,
      %ne3A_599 = arith.constant 0 : i32
      %ne3A_600 = vector.broadcast %ne3A_599 : i32 to vector<16xi32>
      %ne3A_601 = arith.cmpi ne, %get3A_598, %ne3A_600 : vector<16xi32>
      %select_n3A_602 = arith.select %ne3A_601, %broadcast_in_dim3A_521, %broadcast_in_dim3A_523 : vector<16xi1>, vector<16xi32>
      %add3A_603 = arith.addi %add3A_595, %select_n3A_602 : vector<16xi32>
      %get3A_604 = arith.index_cast %add3A_497 : i32 to index
      %get3A_605 = arith.constant 160 : index
      %get3A_606 = tpu.vector_load %arg15[%get3A_604, %get3A_605] {strides = array<i32>} : memref<128x208xi32, #tpu.memory_space<vmem>>, vector<16xi32>,
      %ne3A_607 = arith.constant 0 : i32
      %ne3A_608 = vector.broadcast %ne3A_607 : i32 to vector<16xi32>
      %ne3A_609 = arith.cmpi ne, %get3A_606, %ne3A_608 : vector<16xi32>
      %select_n3A_610 = arith.select %ne3A_609, %broadcast_in_dim3A_521, %broadcast_in_dim3A_523 : vector<16xi1>, vector<16xi32>
      %add3A_611 = arith.addi %add3A_603, %select_n3A_610 : vector<16xi32>
      %get3A_612 = arith.index_cast %add3A_497 : i32 to index
      %get3A_613 = arith.constant 176 : index
      %get3A_614 = tpu.vector_load %arg15[%get3A_612, %get3A_613] {strides = array<i32>} : memref<128x208xi32, #tpu.memory_space<vmem>>, vector<16xi32>,
      %ne3A_615 = arith.constant 0 : i32
      %ne3A_616 = vector.broadcast %ne3A_615 : i32 to vector<16xi32>
      %ne3A_617 = arith.cmpi ne, %get3A_614, %ne3A_616 : vector<16xi32>
      %select_n3A_618 = arith.select %ne3A_617, %broadcast_in_dim3A_521, %broadcast_in_dim3A_523 : vector<16xi1>, vector<16xi32>
      %add3A_619 = arith.addi %add3A_611, %select_n3A_618 : vector<16xi32>
      %get3A_620 = arith.index_cast %add3A_497 : i32 to index
      %get3A_621 = arith.constant 192 : index
      %get3A_622 = tpu.vector_load %arg15[%get3A_620, %get3A_621] {strides = array<i32>} : memref<128x208xi32, #tpu.memory_space<vmem>>, vector<16xi32>,
      %ne3A_623 = arith.constant 0 : i32
      %ne3A_624 = vector.broadcast %ne3A_623 : i32 to vector<16xi32>
      %ne3A_625 = arith.cmpi ne, %get3A_622, %ne3A_624 : vector<16xi32>
      %select_n3A_626 = arith.select %ne3A_625, %broadcast_in_dim3A_521, %broadcast_in_dim3A_523 : vector<16xi1>, vector<16xi32>
      %add3A_627 = arith.addi %add3A_619, %select_n3A_626 : vector<16xi32>
      %reduce_sum3A_628 = arith.constant true
      %reduce_sum3A_629 = vector.broadcast %reduce_sum3A_628 : i1 to vector<16xi1>
      %reduce_sum3A_630 = tpu.scan <sum>, %add3A_627 masked %reduce_sum3A_629 : vector<16xi32>, vector<16xi1> -> vector<16xi32>
      %reduce_sum3A_631 = vector.extract %reduce_sum3A_630[15] : i32 from vector<16xi32>
      %jit3A_632 = arith.constant 5 : i32
      %div3A_633 = arith.divsi %reduce_sum3A_631, %jit3A_632 : i32
      %sign3A_634 = arith.constant 0 : i32
      %sign3A_635 = arith.cmpi sgt, %reduce_sum3A_631, %sign3A_634 : i32
      %sign3A_636 = arith.extui %sign3A_635 : i1 to i32
      %sign3A_637 = arith.constant 0 : i32
      %sign3A_638 = arith.cmpi slt, %reduce_sum3A_631, %sign3A_637 : i32
      %sign3A_639 = arith.extui %sign3A_638 : i1 to i32
      %sign3A_640 = arith.subi %sign3A_636, %sign3A_639 : i32
      %sign3A_641 = arith.constant 0 : i32
      %sign3A_642 = arith.cmpi sgt, %jit3A_632, %sign3A_641 : i32
      %sign3A_643 = arith.extui %sign3A_642 : i1 to i32
      %sign3A_644 = arith.constant 0 : i32
      %sign3A_645 = arith.cmpi slt, %jit3A_632, %sign3A_644 : i32
      %sign3A_646 = arith.extui %sign3A_645 : i1 to i32
      %sign3A_647 = arith.subi %sign3A_643, %sign3A_646 : i32
      %ne3A_648 = arith.cmpi ne, %sign3A_640, %sign3A_647 : i32
      %rem3A_649 = arith.remsi %reduce_sum3A_631, %jit3A_632 : i32
      %ne3A_650 = arith.constant 0 : i32
      %ne3A_651 = arith.cmpi ne, %rem3A_649, %ne3A_650 : i32
      %and3A_652 = arith.andi %ne3A_648, %ne3A_651 : i1
      %sub3A_653 = arith.constant 1 : i32
      %sub3A_654 = arith.subi %div3A_633, %sub3A_653 : i32
      %select_n3A_655 = arith.select %and3A_652, %sub3A_654, %div3A_633 : i32
      %get3A_656 = arith.index_cast %select_n3A_655 : i32 to index
      %get3A_657 = arith.constant 0 : index
      %get3A_658 = tpu.vector_load %arg12[%get3A_656, %get3A_657] {strides = array<i32>} : memref<52x64xf32, #tpu.memory_space<vmem>>, vector<16xf32>,
      %get3A_659 = arith.index_cast %select_n3A_655 : i32 to index
      %get3A_660 = arith.constant 16 : index
      %get3A_661 = tpu.vector_load %arg12[%get3A_659, %get3A_660] {strides = array<i32>} : memref<52x64xf32, #tpu.memory_space<vmem>>, vector<16xf32>,
      %get3A_662 = arith.index_cast %select_n3A_655 : i32 to index
      %get3A_663 = arith.constant 32 : index
      %get3A_664 = tpu.vector_load %arg12[%get3A_662, %get3A_663] {strides = array<i32>} : memref<52x64xf32, #tpu.memory_space<vmem>>, vector<16xf32>,
      %get3A_665 = arith.index_cast %select_n3A_655 : i32 to index
      %get3A_666 = arith.constant 48 : index
      %get3A_667 = tpu.vector_load %arg12[%get3A_665, %get3A_666] {strides = array<i32>} : memref<52x64xf32, #tpu.memory_space<vmem>>, vector<16xf32>,
      %ge3A_668 = arith.constant 2 : i32
      %ge3A_669 = arith.cmpi sge, %add3A_497, %ge3A_668 : i32
      %convert_element_type3A_670 = arith.extui %ge3A_669 : i1 to i32
      %cond3A_671 = arith.constant 0 : i32
      %cond3A_672 = arith.cmpi ne, %convert_element_type3A_670, %cond3A_671 : i32
      scf.if %cond3A_672 {
        %sub3A_894 = arith.constant 2 : i32
        %sub3A_895 = arith.subi %add3A_497, %sub3A_894 : i32
        %add3A_896 = arith.addi %mul3A_2, %sub3A_895 : i32
        %dma_wait3A_897 = arith.constant 0 : i32
        %dma_wait3A_898 = arith.constant 0 : i32
        %dma_wait3A_899 = arith.constant 0 : i32
        %dma_wait3A_900 = tpu.memref_slice %arg17[%dma_wait3A_897, %dma_wait3A_898, %dma_wait3A_899] : memref<2x200x64xf32, #tpu.memory_space<vmem>> -> memref<1x200x64xf32, #tpu.memory_space<vmem>>
        %dma_wait3A_901 = tpu.memref_squeeze %dma_wait3A_900 : memref<1x200x64xf32, #tpu.memory_space<vmem>> -> memref<200x64xf32, #tpu.memory_space<vmem>>
        %dma_wait3A_902 = arith.constant 0 : i32
        %dma_wait3A_903 = arith.constant 0 : i32
        %dma_wait3A_904 = tpu.memref_slice %arg9[%add3A_896, %dma_wait3A_902, %dma_wait3A_903] : memref<4096x200x64xf32, #tpu.memory_space<hbm>> -> memref<1x200x64xf32, #tpu.memory_space<hbm>>
        %dma_wait3A_905 = tpu.memref_squeeze %dma_wait3A_904 : memref<1x200x64xf32, #tpu.memory_space<hbm>> -> memref<200x64xf32, #tpu.memory_space<hbm>>
        %dma_wait3A_906 = arith.constant 0 : i32
        %dma_wait3A_907 = arith.constant 0 : i32
        %dma_wait3A_908 = tpu.memref_slice %arg9[%add3A_896, %dma_wait3A_906, %dma_wait3A_907] : memref<4096x200x64xf32, #tpu.memory_space<hbm>> -> memref<1x200x64xf32, #tpu.memory_space<hbm>>
        %dma_wait3A_909 = tpu.memref_squeeze %dma_wait3A_908 : memref<1x200x64xf32, #tpu.memory_space<hbm>> -> memref<200x64xf32, #tpu.memory_space<hbm>>
        %dma_wait3A_910 = arith.constant 0 : i32
        %dma_wait3A_911 = arith.constant 0 : i32
        %dma_wait3A_912 = tpu.memref_slice %arg17[%dma_wait3A_897, %dma_wait3A_910, %dma_wait3A_911] : memref<2x200x64xf32, #tpu.memory_space<vmem>> -> memref<1x200x64xf32, #tpu.memory_space<vmem>>
        %dma_wait3A_913 = tpu.memref_squeeze %dma_wait3A_912 : memref<1x200x64xf32, #tpu.memory_space<vmem>> -> memref<200x64xf32, #tpu.memory_space<vmem>>
        tpu.wait_dma2 semaphore(%arg22 : memref<!tpu.dma_semaphore, #tpu.memory_space<semaphore_mem>>) src(%dma_wait3A_913 : memref<200x64xf32, #tpu.memory_space<vmem>>) dst(%dma_wait3A_909 : memref<200x64xf32, #tpu.memory_space<hbm>>)
      } else {
      }
      %parallel_loop3A_673 = arith.constant 0 : i32
      %parallel_loop3A_674 = arith.constant 200 : i32
      %parallel_loop3A_675 = arith.constant 1 : i32
      scf.for %parallel_loop3A_894 = %parallel_loop3A_673 to %parallel_loop3A_674 step %parallel_loop3A_675  : i32 {
        %parallel_loop3A_895 = arith.constant 2 : i32
        %parallel_loop3A_896 = arith.index_cast %parallel_loop3A_895 : i32 to index
        %parallel_loop3A_897 = arith.index_cast %parallel_loop3A_894 : i32 to index
        %parallel_loop3A_898 = arith.constant 0 : index
        %parallel_loop3A_899 = tpu.vector_load %arg16[%parallel_loop3A_896, %parallel_loop3A_897, %parallel_loop3A_898] {strides = array<i32>} : memref<4x200x64xf32, #tpu.memory_space<vmem>>, vector<16xf32>,
        %parallel_loop3A_900 = arith.index_cast %parallel_loop3A_894 : i32 to index
        %parallel_loop3A_901 = arith.constant 0 : index
        %parallel_loop3A_902 = tpu.vector_load %arg10[%parallel_loop3A_900, %parallel_loop3A_901] {strides = array<i32>} : memref<200x64xf32, #tpu.memory_space<vmem>>, vector<16xf32>,
        %parallel_loop3A_903 = arith.addf %parallel_loop3A_899, %parallel_loop3A_902 : vector<16xf32>
        %parallel_loop3A_904 = arith.addf %parallel_loop3A_903, %get3A_658 : vector<16xf32>
        %parallel_loop3A_905 = arith.constant 2 : i32
        %parallel_loop3A_906 = arith.index_cast %parallel_loop3A_905 : i32 to index
        %parallel_loop3A_907 = arith.index_cast %parallel_loop3A_894 : i32 to index
        %parallel_loop3A_908 = arith.constant 16 : index
        %parallel_loop3A_909 = tpu.vector_load %arg16[%parallel_loop3A_906, %parallel_loop3A_907, %parallel_loop3A_908] {strides = array<i32>} : memref<4x200x64xf32, #tpu.memory_space<vmem>>, vector<16xf32>,
        %parallel_loop3A_910 = arith.index_cast %parallel_loop3A_894 : i32 to index
        %parallel_loop3A_911 = arith.constant 16 : index
        %parallel_loop3A_912 = tpu.vector_load %arg10[%parallel_loop3A_910, %parallel_loop3A_911] {strides = array<i32>} : memref<200x64xf32, #tpu.memory_space<vmem>>, vector<16xf32>,
        %parallel_loop3A_913 = arith.addf %parallel_loop3A_909, %parallel_loop3A_912 : vector<16xf32>
        %parallel_loop3A_914 = arith.addf %parallel_loop3A_913, %get3A_661 : vector<16xf32>
        %parallel_loop3A_915 = arith.constant 2 : i32
        %parallel_loop3A_916 = arith.index_cast %parallel_loop3A_915 : i32 to index
        %parallel_loop3A_917 = arith.index_cast %parallel_loop3A_894 : i32 to index
        %parallel_loop3A_918 = arith.constant 32 : index
        %parallel_loop3A_919 = tpu.vector_load %arg16[%parallel_loop3A_916, %parallel_loop3A_917, %parallel_loop3A_918] {strides = array<i32>} : memref<4x200x64xf32, #tpu.memory_space<vmem>>, vector<16xf32>,
        %parallel_loop3A_920 = arith.index_cast %parallel_loop3A_894 : i32 to index
        %parallel_loop3A_921 = arith.constant 32 : index
        %parallel_loop3A_922 = tpu.vector_load %arg10[%parallel_loop3A_920, %parallel_loop3A_921] {strides = array<i32>} : memref<200x64xf32, #tpu.memory_space<vmem>>, vector<16xf32>,
        %parallel_loop3A_923 = arith.addf %parallel_loop3A_919, %parallel_loop3A_922 : vector<16xf32>
        %parallel_loop3A_924 = arith.addf %parallel_loop3A_923, %get3A_664 : vector<16xf32>
        %parallel_loop3A_925 = arith.constant 2 : i32
        %parallel_loop3A_926 = arith.index_cast %parallel_loop3A_925 : i32 to index
        %parallel_loop3A_927 = arith.index_cast %parallel_loop3A_894 : i32 to index
        %parallel_loop3A_928 = arith.constant 48 : index
        %parallel_loop3A_929 = tpu.vector_load %arg16[%parallel_loop3A_926, %parallel_loop3A_927, %parallel_loop3A_928] {strides = array<i32>} : memref<4x200x64xf32, #tpu.memory_space<vmem>>, vector<16xf32>,
        %parallel_loop3A_930 = arith.index_cast %parallel_loop3A_894 : i32 to index
        %parallel_loop3A_931 = arith.constant 48 : index
        %parallel_loop3A_932 = tpu.vector_load %arg10[%parallel_loop3A_930, %parallel_loop3A_931] {strides = array<i32>} : memref<200x64xf32, #tpu.memory_space<vmem>>, vector<16xf32>,
        %parallel_loop3A_933 = arith.addf %parallel_loop3A_929, %parallel_loop3A_932 : vector<16xf32>
        %parallel_loop3A_934 = arith.addf %parallel_loop3A_933, %get3A_667 : vector<16xf32>
        %parallel_loop3A_935 = arith.addf %parallel_loop3A_904, %parallel_loop3A_914 : vector<16xf32>
        %parallel_loop3A_936 = arith.addf %parallel_loop3A_924, %parallel_loop3A_934 : vector<16xf32>
        %parallel_loop3A_937 = arith.addf %parallel_loop3A_935, %parallel_loop3A_936 : vector<16xf32>
        %parallel_loop3A_938 = arith.constant true
        %parallel_loop3A_939 = vector.broadcast %parallel_loop3A_938 : i1 to vector<16xi1>
        %parallel_loop3A_940 = tpu.scan <sum>, %parallel_loop3A_937 masked %parallel_loop3A_939 : vector<16xf32>, vector<16xi1> -> vector<16xf32>
        %parallel_loop3A_941 = vector.extract %parallel_loop3A_940[15] : f32 from vector<16xf32>
        %parallel_loop3A_942 = arith.mulf %parallel_loop3A_904, %parallel_loop3A_904 : vector<16xf32>
        %parallel_loop3A_943 = arith.mulf %parallel_loop3A_914, %parallel_loop3A_914 : vector<16xf32>
        %parallel_loop3A_944 = arith.mulf %parallel_loop3A_924, %parallel_loop3A_924 : vector<16xf32>
        %parallel_loop3A_945 = arith.mulf %parallel_loop3A_934, %parallel_loop3A_934 : vector<16xf32>
        %parallel_loop3A_946 = arith.addf %parallel_loop3A_942, %parallel_loop3A_943 : vector<16xf32>
        %parallel_loop3A_947 = arith.addf %parallel_loop3A_944, %parallel_loop3A_945 : vector<16xf32>
        %parallel_loop3A_948 = arith.addf %parallel_loop3A_946, %parallel_loop3A_947 : vector<16xf32>
        %parallel_loop3A_949 = arith.constant true
        %parallel_loop3A_950 = vector.broadcast %parallel_loop3A_949 : i1 to vector<16xi1>
        %parallel_loop3A_951 = tpu.scan <sum>, %parallel_loop3A_948 masked %parallel_loop3A_950 : vector<16xf32>, vector<16xi1> -> vector<16xf32>
        %parallel_loop3A_952 = vector.extract %parallel_loop3A_951[15] : f32 from vector<16xf32>
        %parallel_loop3A_953 = arith.constant 1.562500e-02 : f32
        %parallel_loop3A_954 = arith.mulf %parallel_loop3A_941, %parallel_loop3A_953 : f32
        %parallel_loop3A_955 = arith.constant 1.562500e-02 : f32
        %parallel_loop3A_956 = arith.mulf %parallel_loop3A_952, %parallel_loop3A_955 : f32
        %parallel_loop3A_957 = arith.mulf %parallel_loop3A_954, %parallel_loop3A_954 : f32
        %parallel_loop3A_958 = arith.subf %parallel_loop3A_956, %parallel_loop3A_957 : f32
        %parallel_loop3A_959 = arith.constant 9.99999974E-6 : f32
        %parallel_loop3A_960 = arith.addf %parallel_loop3A_958, %parallel_loop3A_959 : f32
        %parallel_loop3A_961 = vector.broadcast %parallel_loop3A_960 : f32 to vector<16xf32>
        %parallel_loop3A_962 = vector.bitcast %parallel_loop3A_961 : vector<16xf32> to vector<16xi32>
        %parallel_loop3A_963 = arith.constant 1597463007 : i32
        %parallel_loop3A_964 = vector.broadcast %parallel_loop3A_963 : i32 to vector<16xi32>
        %parallel_loop3A_965 = arith.constant 1 : i32
        %parallel_loop3A_966 = vector.broadcast %parallel_loop3A_965 : i32 to vector<16xi32>
        %parallel_loop3A_967 = arith.shrui %parallel_loop3A_962, %parallel_loop3A_966 : vector<16xi32>
        %parallel_loop3A_968 = arith.subi %parallel_loop3A_964, %parallel_loop3A_967 : vector<16xi32>
        %parallel_loop3A_969 = vector.bitcast %parallel_loop3A_968 : vector<16xi32> to vector<16xf32>
        %parallel_loop3A_970 = arith.constant 5.000000e-01 : f32
        %parallel_loop3A_971 = vector.broadcast %parallel_loop3A_970 : f32 to vector<16xf32>
        %parallel_loop3A_972 = arith.mulf %parallel_loop3A_961, %parallel_loop3A_971 : vector<16xf32>
        %parallel_loop3A_973 = arith.mulf %parallel_loop3A_972, %parallel_loop3A_969 : vector<16xf32>
        %parallel_loop3A_974 = arith.mulf %parallel_loop3A_973, %parallel_loop3A_969 : vector<16xf32>
        %parallel_loop3A_975 = arith.constant 1.500000e+00 : f32
        %parallel_loop3A_976 = vector.broadcast %parallel_loop3A_975 : f32 to vector<16xf32>
        %parallel_loop3A_977 = arith.subf %parallel_loop3A_976, %parallel_loop3A_974 : vector<16xf32>
        %parallel_loop3A_978 = arith.mulf %parallel_loop3A_969, %parallel_loop3A_977 : vector<16xf32>
        %parallel_loop3A_979 = arith.mulf %parallel_loop3A_972, %parallel_loop3A_978 : vector<16xf32>
        %parallel_loop3A_980 = arith.mulf %parallel_loop3A_979, %parallel_loop3A_978 : vector<16xf32>
        %parallel_loop3A_981 = arith.constant 1.500000e+00 : f32
        %parallel_loop3A_982 = vector.broadcast %parallel_loop3A_981 : f32 to vector<16xf32>
        %parallel_loop3A_983 = arith.subf %parallel_loop3A_982, %parallel_loop3A_980 : vector<16xf32>
        %parallel_loop3A_984 = arith.mulf %parallel_loop3A_978, %parallel_loop3A_983 : vector<16xf32>
        %parallel_loop3A_985 = arith.mulf %parallel_loop3A_972, %parallel_loop3A_984 : vector<16xf32>
        %parallel_loop3A_986 = arith.mulf %parallel_loop3A_985, %parallel_loop3A_984 : vector<16xf32>
        %parallel_loop3A_987 = arith.constant 1.500000e+00 : f32
        %parallel_loop3A_988 = vector.broadcast %parallel_loop3A_987 : f32 to vector<16xf32>
        %parallel_loop3A_989 = arith.subf %parallel_loop3A_988, %parallel_loop3A_986 : vector<16xf32>
        %parallel_loop3A_990 = arith.mulf %parallel_loop3A_984, %parallel_loop3A_989 : vector<16xf32>
        %parallel_loop3A_991 = vector.broadcast %parallel_loop3A_954 : f32 to vector<16xf32>
        %parallel_loop3A_992 = arith.subf %parallel_loop3A_904, %parallel_loop3A_991 : vector<16xf32>
        %parallel_loop3A_993 = arith.mulf %parallel_loop3A_992, %parallel_loop3A_990 : vector<16xf32>
        %parallel_loop3A_994 = arith.mulf %parallel_loop3A_993, %get3A_12 : vector<16xf32>
        %parallel_loop3A_995 = arith.addf %parallel_loop3A_994, %get3A_20 : vector<16xf32>
        %parallel_loop3A_996 = arith.constant 0 : i32
        %parallel_loop3A_997 = arith.index_cast %parallel_loop3A_996 : i32 to index
        %parallel_loop3A_998 = arith.index_cast %parallel_loop3A_894 : i32 to index
        %parallel_loop3A_999 = arith.constant 0 : index
        %parallel_loop3A_1000 = tpu.vector_load %arg17[%parallel_loop3A_997, %parallel_loop3A_998, %parallel_loop3A_999] {strides = array<i32>} : memref<2x200x64xf32, #tpu.memory_space<vmem>>, vector<16xf32>,
        tpu.vector_store %arg17[%parallel_loop3A_997, %parallel_loop3A_998, %parallel_loop3A_999], %parallel_loop3A_995 {strides = array<i32>} : memref<2x200x64xf32, #tpu.memory_space<vmem>>, vector<16xf32>,
        %parallel_loop3A_1001 = vector.broadcast %parallel_loop3A_954 : f32 to vector<16xf32>
        %parallel_loop3A_1002 = arith.subf %parallel_loop3A_914, %parallel_loop3A_1001 : vector<16xf32>
        %parallel_loop3A_1003 = arith.mulf %parallel_loop3A_1002, %parallel_loop3A_990 : vector<16xf32>
        %parallel_loop3A_1004 = arith.mulf %parallel_loop3A_1003, %get3A_14 : vector<16xf32>
        %parallel_loop3A_1005 = arith.addf %parallel_loop3A_1004, %get3A_22 : vector<16xf32>
        %parallel_loop3A_1006 = arith.constant 0 : i32
        %parallel_loop3A_1007 = arith.index_cast %parallel_loop3A_1006 : i32 to index
        %parallel_loop3A_1008 = arith.index_cast %parallel_loop3A_894 : i32 to index
        %parallel_loop3A_1009 = arith.constant 16 : index
        %parallel_loop3A_1010 = tpu.vector_load %arg17[%parallel_loop3A_1007, %parallel_loop3A_1008, %parallel_loop3A_1009] {strides = array<i32>} : memref<2x200x64xf32, #tpu.memory_space<vmem>>, vector<16xf32>,
        tpu.vector_store %arg17[%parallel_loop3A_1007, %parallel_loop3A_1008, %parallel_loop3A_1009], %parallel_loop3A_1005 {strides = array<i32>} : memref<2x200x64xf32, #tpu.memory_space<vmem>>, vector<16xf32>,
        %parallel_loop3A_1011 = vector.broadcast %parallel_loop3A_954 : f32 to vector<16xf32>
        %parallel_loop3A_1012 = arith.subf %parallel_loop3A_924, %parallel_loop3A_1011 : vector<16xf32>
        %parallel_loop3A_1013 = arith.mulf %parallel_loop3A_1012, %parallel_loop3A_990 : vector<16xf32>
        %parallel_loop3A_1014 = arith.mulf %parallel_loop3A_1013, %get3A_16 : vector<16xf32>
        %parallel_loop3A_1015 = arith.addf %parallel_loop3A_1014, %get3A_24 : vector<16xf32>
        %parallel_loop3A_1016 = arith.constant 0 : i32
        %parallel_loop3A_1017 = arith.index_cast %parallel_loop3A_1016 : i32 to index
        %parallel_loop3A_1018 = arith.index_cast %parallel_loop3A_894 : i32 to index
        %parallel_loop3A_1019 = arith.constant 32 : index
        %parallel_loop3A_1020 = tpu.vector_load %arg17[%parallel_loop3A_1017, %parallel_loop3A_1018, %parallel_loop3A_1019] {strides = array<i32>} : memref<2x200x64xf32, #tpu.memory_space<vmem>>, vector<16xf32>,
        tpu.vector_store %arg17[%parallel_loop3A_1017, %parallel_loop3A_1018, %parallel_loop3A_1019], %parallel_loop3A_1015 {strides = array<i32>} : memref<2x200x64xf32, #tpu.memory_space<vmem>>, vector<16xf32>,
        %parallel_loop3A_1021 = vector.broadcast %parallel_loop3A_954 : f32 to vector<16xf32>
        %parallel_loop3A_1022 = arith.subf %parallel_loop3A_934, %parallel_loop3A_1021 : vector<16xf32>
        %parallel_loop3A_1023 = arith.mulf %parallel_loop3A_1022, %parallel_loop3A_990 : vector<16xf32>
        %parallel_loop3A_1024 = arith.mulf %parallel_loop3A_1023, %get3A_18 : vector<16xf32>
        %parallel_loop3A_1025 = arith.addf %parallel_loop3A_1024, %get3A_26 : vector<16xf32>
        %parallel_loop3A_1026 = arith.constant 0 : i32
        %parallel_loop3A_1027 = arith.index_cast %parallel_loop3A_1026 : i32 to index
        %parallel_loop3A_1028 = arith.index_cast %parallel_loop3A_894 : i32 to index
        %parallel_loop3A_1029 = arith.constant 48 : index
        %parallel_loop3A_1030 = tpu.vector_load %arg17[%parallel_loop3A_1027, %parallel_loop3A_1028, %parallel_loop3A_1029] {strides = array<i32>} : memref<2x200x64xf32, #tpu.memory_space<vmem>>, vector<16xf32>,
        tpu.vector_store %arg17[%parallel_loop3A_1027, %parallel_loop3A_1028, %parallel_loop3A_1029], %parallel_loop3A_1025 {strides = array<i32>} : memref<2x200x64xf32, #tpu.memory_space<vmem>>, vector<16xf32>,
      } {sc.loop_unroll_factor = 2 : i64, sc.parallel_access}
      %add3A_676 = arith.addi %mul3A_2, %add3A_497 : i32
      %dma_start3A_677 = arith.constant 0 : i32
      %dma_start3A_678 = arith.constant 0 : i32
      %dma_start3A_679 = arith.constant 0 : i32
      %dma_start3A_680 = tpu.memref_slice %arg17[%dma_start3A_677, %dma_start3A_678, %dma_start3A_679] : memref<2x200x64xf32, #tpu.memory_space<vmem>> -> memref<1x200x64xf32, #tpu.memory_space<vmem>>
      %dma_start3A_681 = tpu.memref_squeeze %dma_start3A_680 : memref<1x200x64xf32, #tpu.memory_space<vmem>> -> memref<200x64xf32, #tpu.memory_space<vmem>>
      %dma_start3A_682 = arith.constant 0 : i32
      %dma_start3A_683 = arith.constant 0 : i32
      %dma_start3A_684 = tpu.memref_slice %arg9[%add3A_676, %dma_start3A_682, %dma_start3A_683] : memref<4096x200x64xf32, #tpu.memory_space<hbm>> -> memref<1x200x64xf32, #tpu.memory_space<hbm>>
      %dma_start3A_685 = tpu.memref_squeeze %dma_start3A_684 : memref<1x200x64xf32, #tpu.memory_space<hbm>> -> memref<200x64xf32, #tpu.memory_space<hbm>>
      %dma_start3A_686 = arith.constant 0 : i32
      %dma_start3A_687 = arith.constant 0 : i32
      %dma_start3A_688 = tpu.memref_slice %arg9[%add3A_676, %dma_start3A_686, %dma_start3A_687] : memref<4096x200x64xf32, #tpu.memory_space<hbm>> -> memref<1x200x64xf32, #tpu.memory_space<hbm>>
      %dma_start3A_689 = tpu.memref_squeeze %dma_start3A_688 : memref<1x200x64xf32, #tpu.memory_space<hbm>> -> memref<200x64xf32, #tpu.memory_space<hbm>>
      %dma_start3A_690 = arith.constant 0 : i32
      %dma_start3A_691 = arith.constant 0 : i32
      %dma_start3A_692 = tpu.memref_slice %arg17[%dma_start3A_677, %dma_start3A_690, %dma_start3A_691] : memref<2x200x64xf32, #tpu.memory_space<vmem>> -> memref<1x200x64xf32, #tpu.memory_space<vmem>>
      %dma_start3A_693 = tpu.memref_squeeze %dma_start3A_692 : memref<1x200x64xf32, #tpu.memory_space<vmem>> -> memref<200x64xf32, #tpu.memory_space<vmem>>
      tpu.enqueue_dma source(%dma_start3A_693 : memref<200x64xf32, #tpu.memory_space<vmem>>) target(%dma_start3A_689 : memref<200x64xf32, #tpu.memory_space<hbm>>) target_semaphore(%arg22 : memref<!tpu.dma_semaphore, #tpu.memory_space<semaphore_mem>>)
      %mul3A_694 = arith.constant 4 : i32
      %mul3A_695 = arith.muli %mul3A_694, %add3A_108 : i32
      %add3A_696 = arith.constant 3 : i32
      %add3A_697 = arith.addi %mul3A_695, %add3A_696 : i32
      %add3A_698 = arith.constant 4 : i32
      %add3A_699 = arith.addi %add3A_697, %add3A_698 : i32
      %sub3A_700 = arith.constant 1 : i32
      %sub3A_701 = arith.subi %add3A_699, %sub3A_700 : i32
      %lt3A_702 = arith.constant 128 : i32
      %lt3A_703 = arith.cmpi slt, %sub3A_701, %lt3A_702 : i32
      %convert_element_type3A_704 = arith.extui %lt3A_703 : i1 to i32
      %cond3A_705 = arith.constant 0 : i32
      %cond3A_706 = arith.cmpi ne, %convert_element_type3A_704, %cond3A_705 : i32
      scf.if %cond3A_706 {
        %add3A_894 = arith.constant 4 : i32
        %add3A_895 = arith.addi %add3A_697, %add3A_894 : i32
        %sub3A_896 = arith.constant 1 : i32
        %sub3A_897 = arith.subi %add3A_895, %sub3A_896 : i32
        %dma_start3A_898 = arith.constant 2 : i32
        %dma_start3A_899 = arith.constant 0 : i32
        %dma_start3A_900 = arith.constant 0 : i32
        %dma_start3A_901 = tpu.memref_slice %arg16[%dma_start3A_898, %dma_start3A_899, %dma_start3A_900] : memref<4x200x64xf32, #tpu.memory_space<vmem>> -> memref<1x200x64xf32, #tpu.memory_space<vmem>>
        %dma_start3A_902 = tpu.memref_squeeze %dma_start3A_901 : memref<1x200x64xf32, #tpu.memory_space<vmem>> -> memref<200x64xf32, #tpu.memory_space<vmem>>
        %dma_start3A_903 = arith.constant 0 : i32
        %dma_start3A_904 = tpu.memref_slice %arg15[%sub3A_897, %dma_start3A_903] : memref<128x208xi32, #tpu.memory_space<vmem>> -> memref<1x200xi32, #tpu.memory_space<vmem>>
        %dma_start3A_905 = tpu.memref_squeeze %dma_start3A_904 : memref<1x200xi32, #tpu.memory_space<vmem>> -> memref<200xi32, #tpu.memory_space<vmem>>
        %dma_start3A_906 = arith.constant 0 : i32
        %dma_start3A_907 = arith.constant 0 : i32
        %dma_start3A_908 = tpu.memref_slice %arg3[%dma_start3A_906, %dma_start3A_907] : memref<100000x64xf32, #tpu.memory_space<hbm>> -> memref<100000x64xf32, #tpu.memory_space<hbm>>
        tpu.enqueue_indirect_dma source(%dma_start3A_908 : memref<100000x64xf32, #tpu.memory_space<hbm>>) target(%dma_start3A_902 : memref<200x64xf32, #tpu.memory_space<vmem>>) offsets(%dma_start3A_905 : memref<200xi32, #tpu.memory_space<vmem>>) semaphore(%arg20 : memref<!tpu.dma_semaphore, #tpu.memory_space<semaphore_mem>>)
      } else {
      }
      %dma_wait3A_707 = arith.constant 3 : i32
      %dma_wait3A_708 = arith.constant 0 : i32
      %dma_wait3A_709 = arith.constant 0 : i32
      %dma_wait3A_710 = tpu.memref_slice %arg16[%dma_wait3A_707, %dma_wait3A_708, %dma_wait3A_709] : memref<4x200x64xf32, #tpu.memory_space<vmem>> -> memref<1x200x64xf32, #tpu.memory_space<vmem>>
      %dma_wait3A_711 = tpu.memref_squeeze %dma_wait3A_710 : memref<1x200x64xf32, #tpu.memory_space<vmem>> -> memref<200x64xf32, #tpu.memory_space<vmem>>
      %dma_wait3A_712 = arith.constant 0 : i32
      %dma_wait3A_713 = tpu.memref_slice %arg15[%add3A_697, %dma_wait3A_712] : memref<128x208xi32, #tpu.memory_space<vmem>> -> memref<1x200xi32, #tpu.memory_space<vmem>>
      %dma_wait3A_714 = tpu.memref_squeeze %dma_wait3A_713 : memref<1x200xi32, #tpu.memory_space<vmem>> -> memref<200xi32, #tpu.memory_space<vmem>>
      %dma_wait3A_715 = arith.constant 0 : i32
      %dma_wait3A_716 = arith.constant 0 : i32
      %dma_wait3A_717 = tpu.memref_slice %arg3[%dma_wait3A_715, %dma_wait3A_716] : memref<100000x64xf32, #tpu.memory_space<hbm>> -> memref<100000x64xf32, #tpu.memory_space<hbm>>
      tpu.wait_indirect_dma semaphore(%arg21 : memref<!tpu.dma_semaphore, #tpu.memory_space<semaphore_mem>>) src(%dma_wait3A_717 : memref<100000x64xf32, #tpu.memory_space<hbm>>) dst(%dma_wait3A_711 : memref<200x64xf32, #tpu.memory_space<vmem>>)
      %broadcast_in_dim3A_718 = arith.constant 0 : i32
      %broadcast_in_dim3A_719 = vector.broadcast %broadcast_in_dim3A_718 : i32 to vector<16xi32>
      %broadcast_in_dim3A_720 = arith.constant 1 : i32
      %broadcast_in_dim3A_721 = vector.broadcast %broadcast_in_dim3A_720 : i32 to vector<16xi32>
      %broadcast_in_dim3A_722 = arith.constant 0 : i32
      %broadcast_in_dim3A_723 = vector.broadcast %broadcast_in_dim3A_722 : i32 to vector<16xi32>
      %get3A_724 = arith.index_cast %add3A_697 : i32 to index
      %get3A_725 = arith.constant 0 : index
      %get3A_726 = tpu.vector_load %arg15[%get3A_724, %get3A_725] {strides = array<i32>} : memref<128x208xi32, #tpu.memory_space<vmem>>, vector<16xi32>,
      %ne3A_727 = arith.constant 0 : i32
      %ne3A_728 = vector.broadcast %ne3A_727 : i32 to vector<16xi32>
      %ne3A_729 = arith.cmpi ne, %get3A_726, %ne3A_728 : vector<16xi32>
      %select_n3A_730 = arith.select %ne3A_729, %broadcast_in_dim3A_721, %broadcast_in_dim3A_723 : vector<16xi1>, vector<16xi32>
      %add3A_731 = arith.addi %broadcast_in_dim3A_719, %select_n3A_730 : vector<16xi32>
      %get3A_732 = arith.index_cast %add3A_697 : i32 to index
      %get3A_733 = arith.constant 16 : index
      %get3A_734 = tpu.vector_load %arg15[%get3A_732, %get3A_733] {strides = array<i32>} : memref<128x208xi32, #tpu.memory_space<vmem>>, vector<16xi32>,
      %ne3A_735 = arith.constant 0 : i32
      %ne3A_736 = vector.broadcast %ne3A_735 : i32 to vector<16xi32>
      %ne3A_737 = arith.cmpi ne, %get3A_734, %ne3A_736 : vector<16xi32>
      %select_n3A_738 = arith.select %ne3A_737, %broadcast_in_dim3A_721, %broadcast_in_dim3A_723 : vector<16xi1>, vector<16xi32>
      %add3A_739 = arith.addi %add3A_731, %select_n3A_738 : vector<16xi32>
      %get3A_740 = arith.index_cast %add3A_697 : i32 to index
      %get3A_741 = arith.constant 32 : index
      %get3A_742 = tpu.vector_load %arg15[%get3A_740, %get3A_741] {strides = array<i32>} : memref<128x208xi32, #tpu.memory_space<vmem>>, vector<16xi32>,
      %ne3A_743 = arith.constant 0 : i32
      %ne3A_744 = vector.broadcast %ne3A_743 : i32 to vector<16xi32>
      %ne3A_745 = arith.cmpi ne, %get3A_742, %ne3A_744 : vector<16xi32>
      %select_n3A_746 = arith.select %ne3A_745, %broadcast_in_dim3A_721, %broadcast_in_dim3A_723 : vector<16xi1>, vector<16xi32>
      %add3A_747 = arith.addi %add3A_739, %select_n3A_746 : vector<16xi32>
      %get3A_748 = arith.index_cast %add3A_697 : i32 to index
      %get3A_749 = arith.constant 48 : index
      %get3A_750 = tpu.vector_load %arg15[%get3A_748, %get3A_749] {strides = array<i32>} : memref<128x208xi32, #tpu.memory_space<vmem>>, vector<16xi32>,
      %ne3A_751 = arith.constant 0 : i32
      %ne3A_752 = vector.broadcast %ne3A_751 : i32 to vector<16xi32>
      %ne3A_753 = arith.cmpi ne, %get3A_750, %ne3A_752 : vector<16xi32>
      %select_n3A_754 = arith.select %ne3A_753, %broadcast_in_dim3A_721, %broadcast_in_dim3A_723 : vector<16xi1>, vector<16xi32>
      %add3A_755 = arith.addi %add3A_747, %select_n3A_754 : vector<16xi32>
      %get3A_756 = arith.index_cast %add3A_697 : i32 to index
      %get3A_757 = arith.constant 64 : index
      %get3A_758 = tpu.vector_load %arg15[%get3A_756, %get3A_757] {strides = array<i32>} : memref<128x208xi32, #tpu.memory_space<vmem>>, vector<16xi32>,
      %ne3A_759 = arith.constant 0 : i32
      %ne3A_760 = vector.broadcast %ne3A_759 : i32 to vector<16xi32>
      %ne3A_761 = arith.cmpi ne, %get3A_758, %ne3A_760 : vector<16xi32>
      %select_n3A_762 = arith.select %ne3A_761, %broadcast_in_dim3A_721, %broadcast_in_dim3A_723 : vector<16xi1>, vector<16xi32>
      %add3A_763 = arith.addi %add3A_755, %select_n3A_762 : vector<16xi32>
      %get3A_764 = arith.index_cast %add3A_697 : i32 to index
      %get3A_765 = arith.constant 80 : index
      %get3A_766 = tpu.vector_load %arg15[%get3A_764, %get3A_765] {strides = array<i32>} : memref<128x208xi32, #tpu.memory_space<vmem>>, vector<16xi32>,
      %ne3A_767 = arith.constant 0 : i32
      %ne3A_768 = vector.broadcast %ne3A_767 : i32 to vector<16xi32>
      %ne3A_769 = arith.cmpi ne, %get3A_766, %ne3A_768 : vector<16xi32>
      %select_n3A_770 = arith.select %ne3A_769, %broadcast_in_dim3A_721, %broadcast_in_dim3A_723 : vector<16xi1>, vector<16xi32>
      %add3A_771 = arith.addi %add3A_763, %select_n3A_770 : vector<16xi32>
      %get3A_772 = arith.index_cast %add3A_697 : i32 to index
      %get3A_773 = arith.constant 96 : index
      %get3A_774 = tpu.vector_load %arg15[%get3A_772, %get3A_773] {strides = array<i32>} : memref<128x208xi32, #tpu.memory_space<vmem>>, vector<16xi32>,
      %ne3A_775 = arith.constant 0 : i32
      %ne3A_776 = vector.broadcast %ne3A_775 : i32 to vector<16xi32>
      %ne3A_777 = arith.cmpi ne, %get3A_774, %ne3A_776 : vector<16xi32>
      %select_n3A_778 = arith.select %ne3A_777, %broadcast_in_dim3A_721, %broadcast_in_dim3A_723 : vector<16xi1>, vector<16xi32>
      %add3A_779 = arith.addi %add3A_771, %select_n3A_778 : vector<16xi32>
      %get3A_780 = arith.index_cast %add3A_697 : i32 to index
      %get3A_781 = arith.constant 112 : index
      %get3A_782 = tpu.vector_load %arg15[%get3A_780, %get3A_781] {strides = array<i32>} : memref<128x208xi32, #tpu.memory_space<vmem>>, vector<16xi32>,
      %ne3A_783 = arith.constant 0 : i32
      %ne3A_784 = vector.broadcast %ne3A_783 : i32 to vector<16xi32>
      %ne3A_785 = arith.cmpi ne, %get3A_782, %ne3A_784 : vector<16xi32>
      %select_n3A_786 = arith.select %ne3A_785, %broadcast_in_dim3A_721, %broadcast_in_dim3A_723 : vector<16xi1>, vector<16xi32>
      %add3A_787 = arith.addi %add3A_779, %select_n3A_786 : vector<16xi32>
      %get3A_788 = arith.index_cast %add3A_697 : i32 to index
      %get3A_789 = arith.constant 128 : index
      %get3A_790 = tpu.vector_load %arg15[%get3A_788, %get3A_789] {strides = array<i32>} : memref<128x208xi32, #tpu.memory_space<vmem>>, vector<16xi32>,
      %ne3A_791 = arith.constant 0 : i32
      %ne3A_792 = vector.broadcast %ne3A_791 : i32 to vector<16xi32>
      %ne3A_793 = arith.cmpi ne, %get3A_790, %ne3A_792 : vector<16xi32>
      %select_n3A_794 = arith.select %ne3A_793, %broadcast_in_dim3A_721, %broadcast_in_dim3A_723 : vector<16xi1>, vector<16xi32>
      %add3A_795 = arith.addi %add3A_787, %select_n3A_794 : vector<16xi32>
      %get3A_796 = arith.index_cast %add3A_697 : i32 to index
      %get3A_797 = arith.constant 144 : index
      %get3A_798 = tpu.vector_load %arg15[%get3A_796, %get3A_797] {strides = array<i32>} : memref<128x208xi32, #tpu.memory_space<vmem>>, vector<16xi32>,
      %ne3A_799 = arith.constant 0 : i32
      %ne3A_800 = vector.broadcast %ne3A_799 : i32 to vector<16xi32>
      %ne3A_801 = arith.cmpi ne, %get3A_798, %ne3A_800 : vector<16xi32>
      %select_n3A_802 = arith.select %ne3A_801, %broadcast_in_dim3A_721, %broadcast_in_dim3A_723 : vector<16xi1>, vector<16xi32>
      %add3A_803 = arith.addi %add3A_795, %select_n3A_802 : vector<16xi32>
      %get3A_804 = arith.index_cast %add3A_697 : i32 to index
      %get3A_805 = arith.constant 160 : index
      %get3A_806 = tpu.vector_load %arg15[%get3A_804, %get3A_805] {strides = array<i32>} : memref<128x208xi32, #tpu.memory_space<vmem>>, vector<16xi32>,
      %ne3A_807 = arith.constant 0 : i32
      %ne3A_808 = vector.broadcast %ne3A_807 : i32 to vector<16xi32>
      %ne3A_809 = arith.cmpi ne, %get3A_806, %ne3A_808 : vector<16xi32>
      %select_n3A_810 = arith.select %ne3A_809, %broadcast_in_dim3A_721, %broadcast_in_dim3A_723 : vector<16xi1>, vector<16xi32>
      %add3A_811 = arith.addi %add3A_803, %select_n3A_810 : vector<16xi32>
      %get3A_812 = arith.index_cast %add3A_697 : i32 to index
      %get3A_813 = arith.constant 176 : index
      %get3A_814 = tpu.vector_load %arg15[%get3A_812, %get3A_813] {strides = array<i32>} : memref<128x208xi32, #tpu.memory_space<vmem>>, vector<16xi32>,
      %ne3A_815 = arith.constant 0 : i32
      %ne3A_816 = vector.broadcast %ne3A_815 : i32 to vector<16xi32>
      %ne3A_817 = arith.cmpi ne, %get3A_814, %ne3A_816 : vector<16xi32>
      %select_n3A_818 = arith.select %ne3A_817, %broadcast_in_dim3A_721, %broadcast_in_dim3A_723 : vector<16xi1>, vector<16xi32>
      %add3A_819 = arith.addi %add3A_811, %select_n3A_818 : vector<16xi32>
      %get3A_820 = arith.index_cast %add3A_697 : i32 to index
      %get3A_821 = arith.constant 192 : index
      %get3A_822 = tpu.vector_load %arg15[%get3A_820, %get3A_821] {strides = array<i32>} : memref<128x208xi32, #tpu.memory_space<vmem>>, vector<16xi32>,
      %ne3A_823 = arith.constant 0 : i32
      %ne3A_824 = vector.broadcast %ne3A_823 : i32 to vector<16xi32>
      %ne3A_825 = arith.cmpi ne, %get3A_822, %ne3A_824 : vector<16xi32>
      %select_n3A_826 = arith.select %ne3A_825, %broadcast_in_dim3A_721, %broadcast_in_dim3A_723 : vector<16xi1>, vector<16xi32>
      %add3A_827 = arith.addi %add3A_819, %select_n3A_826 : vector<16xi32>
      %reduce_sum3A_828 = arith.constant true
      %reduce_sum3A_829 = vector.broadcast %reduce_sum3A_828 : i1 to vector<16xi1>
      %reduce_sum3A_830 = tpu.scan <sum>, %add3A_827 masked %reduce_sum3A_829 : vector<16xi32>, vector<16xi1> -> vector<16xi32>
      %reduce_sum3A_831 = vector.extract %reduce_sum3A_830[15] : i32 from vector<16xi32>
      %jit3A_832 = arith.constant 5 : i32
      %div3A_833 = arith.divsi %reduce_sum3A_831, %jit3A_832 : i32
      %sign3A_834 = arith.constant 0 : i32
      %sign3A_835 = arith.cmpi sgt, %reduce_sum3A_831, %sign3A_834 : i32
      %sign3A_836 = arith.extui %sign3A_835 : i1 to i32
      %sign3A_837 = arith.constant 0 : i32
      %sign3A_838 = arith.cmpi slt, %reduce_sum3A_831, %sign3A_837 : i32
      %sign3A_839 = arith.extui %sign3A_838 : i1 to i32
      %sign3A_840 = arith.subi %sign3A_836, %sign3A_839 : i32
      %sign3A_841 = arith.constant 0 : i32
      %sign3A_842 = arith.cmpi sgt, %jit3A_832, %sign3A_841 : i32
      %sign3A_843 = arith.extui %sign3A_842 : i1 to i32
      %sign3A_844 = arith.constant 0 : i32
      %sign3A_845 = arith.cmpi slt, %jit3A_832, %sign3A_844 : i32
      %sign3A_846 = arith.extui %sign3A_845 : i1 to i32
      %sign3A_847 = arith.subi %sign3A_843, %sign3A_846 : i32
      %ne3A_848 = arith.cmpi ne, %sign3A_840, %sign3A_847 : i32
      %rem3A_849 = arith.remsi %reduce_sum3A_831, %jit3A_832 : i32
      %ne3A_850 = arith.constant 0 : i32
      %ne3A_851 = arith.cmpi ne, %rem3A_849, %ne3A_850 : i32
      %and3A_852 = arith.andi %ne3A_848, %ne3A_851 : i1
      %sub3A_853 = arith.constant 1 : i32
      %sub3A_854 = arith.subi %div3A_833, %sub3A_853 : i32
      %select_n3A_855 = arith.select %and3A_852, %sub3A_854, %div3A_833 : i32
      %get3A_856 = arith.index_cast %select_n3A_855 : i32 to index
      %get3A_857 = arith.constant 0 : index
      %get3A_858 = tpu.vector_load %arg12[%get3A_856, %get3A_857] {strides = array<i32>} : memref<52x64xf32, #tpu.memory_space<vmem>>, vector<16xf32>,
      %get3A_859 = arith.index_cast %select_n3A_855 : i32 to index
      %get3A_860 = arith.constant 16 : index
      %get3A_861 = tpu.vector_load %arg12[%get3A_859, %get3A_860] {strides = array<i32>} : memref<52x64xf32, #tpu.memory_space<vmem>>, vector<16xf32>,
      %get3A_862 = arith.index_cast %select_n3A_855 : i32 to index
      %get3A_863 = arith.constant 32 : index
      %get3A_864 = tpu.vector_load %arg12[%get3A_862, %get3A_863] {strides = array<i32>} : memref<52x64xf32, #tpu.memory_space<vmem>>, vector<16xf32>,
      %get3A_865 = arith.index_cast %select_n3A_855 : i32 to index
      %get3A_866 = arith.constant 48 : index
      %get3A_867 = tpu.vector_load %arg12[%get3A_865, %get3A_866] {strides = array<i32>} : memref<52x64xf32, #tpu.memory_space<vmem>>, vector<16xf32>,
      %ge3A_868 = arith.constant 2 : i32
      %ge3A_869 = arith.cmpi sge, %add3A_697, %ge3A_868 : i32
      %convert_element_type3A_870 = arith.extui %ge3A_869 : i1 to i32
      %cond3A_871 = arith.constant 0 : i32
      %cond3A_872 = arith.cmpi ne, %convert_element_type3A_870, %cond3A_871 : i32
      scf.if %cond3A_872 {
        %sub3A_894 = arith.constant 2 : i32
        %sub3A_895 = arith.subi %add3A_697, %sub3A_894 : i32
        %add3A_896 = arith.addi %mul3A_2, %sub3A_895 : i32
        %dma_wait3A_897 = arith.constant 1 : i32
        %dma_wait3A_898 = arith.constant 0 : i32
        %dma_wait3A_899 = arith.constant 0 : i32
        %dma_wait3A_900 = tpu.memref_slice %arg17[%dma_wait3A_897, %dma_wait3A_898, %dma_wait3A_899] : memref<2x200x64xf32, #tpu.memory_space<vmem>> -> memref<1x200x64xf32, #tpu.memory_space<vmem>>
        %dma_wait3A_901 = tpu.memref_squeeze %dma_wait3A_900 : memref<1x200x64xf32, #tpu.memory_space<vmem>> -> memref<200x64xf32, #tpu.memory_space<vmem>>
        %dma_wait3A_902 = arith.constant 0 : i32
        %dma_wait3A_903 = arith.constant 0 : i32
        %dma_wait3A_904 = tpu.memref_slice %arg9[%add3A_896, %dma_wait3A_902, %dma_wait3A_903] : memref<4096x200x64xf32, #tpu.memory_space<hbm>> -> memref<1x200x64xf32, #tpu.memory_space<hbm>>
        %dma_wait3A_905 = tpu.memref_squeeze %dma_wait3A_904 : memref<1x200x64xf32, #tpu.memory_space<hbm>> -> memref<200x64xf32, #tpu.memory_space<hbm>>
        %dma_wait3A_906 = arith.constant 0 : i32
        %dma_wait3A_907 = arith.constant 0 : i32
        %dma_wait3A_908 = tpu.memref_slice %arg9[%add3A_896, %dma_wait3A_906, %dma_wait3A_907] : memref<4096x200x64xf32, #tpu.memory_space<hbm>> -> memref<1x200x64xf32, #tpu.memory_space<hbm>>
        %dma_wait3A_909 = tpu.memref_squeeze %dma_wait3A_908 : memref<1x200x64xf32, #tpu.memory_space<hbm>> -> memref<200x64xf32, #tpu.memory_space<hbm>>
        %dma_wait3A_910 = arith.constant 0 : i32
        %dma_wait3A_911 = arith.constant 0 : i32
        %dma_wait3A_912 = tpu.memref_slice %arg17[%dma_wait3A_897, %dma_wait3A_910, %dma_wait3A_911] : memref<2x200x64xf32, #tpu.memory_space<vmem>> -> memref<1x200x64xf32, #tpu.memory_space<vmem>>
        %dma_wait3A_913 = tpu.memref_squeeze %dma_wait3A_912 : memref<1x200x64xf32, #tpu.memory_space<vmem>> -> memref<200x64xf32, #tpu.memory_space<vmem>>
        tpu.wait_dma2 semaphore(%arg23 : memref<!tpu.dma_semaphore, #tpu.memory_space<semaphore_mem>>) src(%dma_wait3A_913 : memref<200x64xf32, #tpu.memory_space<vmem>>) dst(%dma_wait3A_909 : memref<200x64xf32, #tpu.memory_space<hbm>>)
      } else {
      }
      %parallel_loop3A_873 = arith.constant 0 : i32
      %parallel_loop3A_874 = arith.constant 200 : i32
      %parallel_loop3A_875 = arith.constant 1 : i32
      scf.for %parallel_loop3A_894 = %parallel_loop3A_873 to %parallel_loop3A_874 step %parallel_loop3A_875  : i32 {
        %parallel_loop3A_895 = arith.constant 3 : i32
        %parallel_loop3A_896 = arith.index_cast %parallel_loop3A_895 : i32 to index
        %parallel_loop3A_897 = arith.index_cast %parallel_loop3A_894 : i32 to index
        %parallel_loop3A_898 = arith.constant 0 : index
        %parallel_loop3A_899 = tpu.vector_load %arg16[%parallel_loop3A_896, %parallel_loop3A_897, %parallel_loop3A_898] {strides = array<i32>} : memref<4x200x64xf32, #tpu.memory_space<vmem>>, vector<16xf32>,
        %parallel_loop3A_900 = arith.index_cast %parallel_loop3A_894 : i32 to index
        %parallel_loop3A_901 = arith.constant 0 : index
        %parallel_loop3A_902 = tpu.vector_load %arg10[%parallel_loop3A_900, %parallel_loop3A_901] {strides = array<i32>} : memref<200x64xf32, #tpu.memory_space<vmem>>, vector<16xf32>,
        %parallel_loop3A_903 = arith.addf %parallel_loop3A_899, %parallel_loop3A_902 : vector<16xf32>
        %parallel_loop3A_904 = arith.addf %parallel_loop3A_903, %get3A_858 : vector<16xf32>
        %parallel_loop3A_905 = arith.constant 3 : i32
        %parallel_loop3A_906 = arith.index_cast %parallel_loop3A_905 : i32 to index
        %parallel_loop3A_907 = arith.index_cast %parallel_loop3A_894 : i32 to index
        %parallel_loop3A_908 = arith.constant 16 : index
        %parallel_loop3A_909 = tpu.vector_load %arg16[%parallel_loop3A_906, %parallel_loop3A_907, %parallel_loop3A_908] {strides = array<i32>} : memref<4x200x64xf32, #tpu.memory_space<vmem>>, vector<16xf32>,
        %parallel_loop3A_910 = arith.index_cast %parallel_loop3A_894 : i32 to index
        %parallel_loop3A_911 = arith.constant 16 : index
        %parallel_loop3A_912 = tpu.vector_load %arg10[%parallel_loop3A_910, %parallel_loop3A_911] {strides = array<i32>} : memref<200x64xf32, #tpu.memory_space<vmem>>, vector<16xf32>,
        %parallel_loop3A_913 = arith.addf %parallel_loop3A_909, %parallel_loop3A_912 : vector<16xf32>
        %parallel_loop3A_914 = arith.addf %parallel_loop3A_913, %get3A_861 : vector<16xf32>
        %parallel_loop3A_915 = arith.constant 3 : i32
        %parallel_loop3A_916 = arith.index_cast %parallel_loop3A_915 : i32 to index
        %parallel_loop3A_917 = arith.index_cast %parallel_loop3A_894 : i32 to index
        %parallel_loop3A_918 = arith.constant 32 : index
        %parallel_loop3A_919 = tpu.vector_load %arg16[%parallel_loop3A_916, %parallel_loop3A_917, %parallel_loop3A_918] {strides = array<i32>} : memref<4x200x64xf32, #tpu.memory_space<vmem>>, vector<16xf32>,
        %parallel_loop3A_920 = arith.index_cast %parallel_loop3A_894 : i32 to index
        %parallel_loop3A_921 = arith.constant 32 : index
        %parallel_loop3A_922 = tpu.vector_load %arg10[%parallel_loop3A_920, %parallel_loop3A_921] {strides = array<i32>} : memref<200x64xf32, #tpu.memory_space<vmem>>, vector<16xf32>,
        %parallel_loop3A_923 = arith.addf %parallel_loop3A_919, %parallel_loop3A_922 : vector<16xf32>
        %parallel_loop3A_924 = arith.addf %parallel_loop3A_923, %get3A_864 : vector<16xf32>
        %parallel_loop3A_925 = arith.constant 3 : i32
        %parallel_loop3A_926 = arith.index_cast %parallel_loop3A_925 : i32 to index
        %parallel_loop3A_927 = arith.index_cast %parallel_loop3A_894 : i32 to index
        %parallel_loop3A_928 = arith.constant 48 : index
        %parallel_loop3A_929 = tpu.vector_load %arg16[%parallel_loop3A_926, %parallel_loop3A_927, %parallel_loop3A_928] {strides = array<i32>} : memref<4x200x64xf32, #tpu.memory_space<vmem>>, vector<16xf32>,
        %parallel_loop3A_930 = arith.index_cast %parallel_loop3A_894 : i32 to index
        %parallel_loop3A_931 = arith.constant 48 : index
        %parallel_loop3A_932 = tpu.vector_load %arg10[%parallel_loop3A_930, %parallel_loop3A_931] {strides = array<i32>} : memref<200x64xf32, #tpu.memory_space<vmem>>, vector<16xf32>,
        %parallel_loop3A_933 = arith.addf %parallel_loop3A_929, %parallel_loop3A_932 : vector<16xf32>
        %parallel_loop3A_934 = arith.addf %parallel_loop3A_933, %get3A_867 : vector<16xf32>
        %parallel_loop3A_935 = arith.addf %parallel_loop3A_904, %parallel_loop3A_914 : vector<16xf32>
        %parallel_loop3A_936 = arith.addf %parallel_loop3A_924, %parallel_loop3A_934 : vector<16xf32>
        %parallel_loop3A_937 = arith.addf %parallel_loop3A_935, %parallel_loop3A_936 : vector<16xf32>
        %parallel_loop3A_938 = arith.constant true
        %parallel_loop3A_939 = vector.broadcast %parallel_loop3A_938 : i1 to vector<16xi1>
        %parallel_loop3A_940 = tpu.scan <sum>, %parallel_loop3A_937 masked %parallel_loop3A_939 : vector<16xf32>, vector<16xi1> -> vector<16xf32>
        %parallel_loop3A_941 = vector.extract %parallel_loop3A_940[15] : f32 from vector<16xf32>
        %parallel_loop3A_942 = arith.mulf %parallel_loop3A_904, %parallel_loop3A_904 : vector<16xf32>
        %parallel_loop3A_943 = arith.mulf %parallel_loop3A_914, %parallel_loop3A_914 : vector<16xf32>
        %parallel_loop3A_944 = arith.mulf %parallel_loop3A_924, %parallel_loop3A_924 : vector<16xf32>
        %parallel_loop3A_945 = arith.mulf %parallel_loop3A_934, %parallel_loop3A_934 : vector<16xf32>
        %parallel_loop3A_946 = arith.addf %parallel_loop3A_942, %parallel_loop3A_943 : vector<16xf32>
        %parallel_loop3A_947 = arith.addf %parallel_loop3A_944, %parallel_loop3A_945 : vector<16xf32>
        %parallel_loop3A_948 = arith.addf %parallel_loop3A_946, %parallel_loop3A_947 : vector<16xf32>
        %parallel_loop3A_949 = arith.constant true
        %parallel_loop3A_950 = vector.broadcast %parallel_loop3A_949 : i1 to vector<16xi1>
        %parallel_loop3A_951 = tpu.scan <sum>, %parallel_loop3A_948 masked %parallel_loop3A_950 : vector<16xf32>, vector<16xi1> -> vector<16xf32>
        %parallel_loop3A_952 = vector.extract %parallel_loop3A_951[15] : f32 from vector<16xf32>
        %parallel_loop3A_953 = arith.constant 1.562500e-02 : f32
        %parallel_loop3A_954 = arith.mulf %parallel_loop3A_941, %parallel_loop3A_953 : f32
        %parallel_loop3A_955 = arith.constant 1.562500e-02 : f32
        %parallel_loop3A_956 = arith.mulf %parallel_loop3A_952, %parallel_loop3A_955 : f32
        %parallel_loop3A_957 = arith.mulf %parallel_loop3A_954, %parallel_loop3A_954 : f32
        %parallel_loop3A_958 = arith.subf %parallel_loop3A_956, %parallel_loop3A_957 : f32
        %parallel_loop3A_959 = arith.constant 9.99999974E-6 : f32
        %parallel_loop3A_960 = arith.addf %parallel_loop3A_958, %parallel_loop3A_959 : f32
        %parallel_loop3A_961 = vector.broadcast %parallel_loop3A_960 : f32 to vector<16xf32>
        %parallel_loop3A_962 = vector.bitcast %parallel_loop3A_961 : vector<16xf32> to vector<16xi32>
        %parallel_loop3A_963 = arith.constant 1597463007 : i32
        %parallel_loop3A_964 = vector.broadcast %parallel_loop3A_963 : i32 to vector<16xi32>
        %parallel_loop3A_965 = arith.constant 1 : i32
        %parallel_loop3A_966 = vector.broadcast %parallel_loop3A_965 : i32 to vector<16xi32>
        %parallel_loop3A_967 = arith.shrui %parallel_loop3A_962, %parallel_loop3A_966 : vector<16xi32>
        %parallel_loop3A_968 = arith.subi %parallel_loop3A_964, %parallel_loop3A_967 : vector<16xi32>
        %parallel_loop3A_969 = vector.bitcast %parallel_loop3A_968 : vector<16xi32> to vector<16xf32>
        %parallel_loop3A_970 = arith.constant 5.000000e-01 : f32
        %parallel_loop3A_971 = vector.broadcast %parallel_loop3A_970 : f32 to vector<16xf32>
        %parallel_loop3A_972 = arith.mulf %parallel_loop3A_961, %parallel_loop3A_971 : vector<16xf32>
        %parallel_loop3A_973 = arith.mulf %parallel_loop3A_972, %parallel_loop3A_969 : vector<16xf32>
        %parallel_loop3A_974 = arith.mulf %parallel_loop3A_973, %parallel_loop3A_969 : vector<16xf32>
        %parallel_loop3A_975 = arith.constant 1.500000e+00 : f32
        %parallel_loop3A_976 = vector.broadcast %parallel_loop3A_975 : f32 to vector<16xf32>
        %parallel_loop3A_977 = arith.subf %parallel_loop3A_976, %parallel_loop3A_974 : vector<16xf32>
        %parallel_loop3A_978 = arith.mulf %parallel_loop3A_969, %parallel_loop3A_977 : vector<16xf32>
        %parallel_loop3A_979 = arith.mulf %parallel_loop3A_972, %parallel_loop3A_978 : vector<16xf32>
        %parallel_loop3A_980 = arith.mulf %parallel_loop3A_979, %parallel_loop3A_978 : vector<16xf32>
        %parallel_loop3A_981 = arith.constant 1.500000e+00 : f32
        %parallel_loop3A_982 = vector.broadcast %parallel_loop3A_981 : f32 to vector<16xf32>
        %parallel_loop3A_983 = arith.subf %parallel_loop3A_982, %parallel_loop3A_980 : vector<16xf32>
        %parallel_loop3A_984 = arith.mulf %parallel_loop3A_978, %parallel_loop3A_983 : vector<16xf32>
        %parallel_loop3A_985 = arith.mulf %parallel_loop3A_972, %parallel_loop3A_984 : vector<16xf32>
        %parallel_loop3A_986 = arith.mulf %parallel_loop3A_985, %parallel_loop3A_984 : vector<16xf32>
        %parallel_loop3A_987 = arith.constant 1.500000e+00 : f32
        %parallel_loop3A_988 = vector.broadcast %parallel_loop3A_987 : f32 to vector<16xf32>
        %parallel_loop3A_989 = arith.subf %parallel_loop3A_988, %parallel_loop3A_986 : vector<16xf32>
        %parallel_loop3A_990 = arith.mulf %parallel_loop3A_984, %parallel_loop3A_989 : vector<16xf32>
        %parallel_loop3A_991 = vector.broadcast %parallel_loop3A_954 : f32 to vector<16xf32>
        %parallel_loop3A_992 = arith.subf %parallel_loop3A_904, %parallel_loop3A_991 : vector<16xf32>
        %parallel_loop3A_993 = arith.mulf %parallel_loop3A_992, %parallel_loop3A_990 : vector<16xf32>
        %parallel_loop3A_994 = arith.mulf %parallel_loop3A_993, %get3A_12 : vector<16xf32>
        %parallel_loop3A_995 = arith.addf %parallel_loop3A_994, %get3A_20 : vector<16xf32>
        %parallel_loop3A_996 = arith.constant 1 : i32
        %parallel_loop3A_997 = arith.index_cast %parallel_loop3A_996 : i32 to index
        %parallel_loop3A_998 = arith.index_cast %parallel_loop3A_894 : i32 to index
        %parallel_loop3A_999 = arith.constant 0 : index
        %parallel_loop3A_1000 = tpu.vector_load %arg17[%parallel_loop3A_997, %parallel_loop3A_998, %parallel_loop3A_999] {strides = array<i32>} : memref<2x200x64xf32, #tpu.memory_space<vmem>>, vector<16xf32>,
        tpu.vector_store %arg17[%parallel_loop3A_997, %parallel_loop3A_998, %parallel_loop3A_999], %parallel_loop3A_995 {strides = array<i32>} : memref<2x200x64xf32, #tpu.memory_space<vmem>>, vector<16xf32>,
        %parallel_loop3A_1001 = vector.broadcast %parallel_loop3A_954 : f32 to vector<16xf32>
        %parallel_loop3A_1002 = arith.subf %parallel_loop3A_914, %parallel_loop3A_1001 : vector<16xf32>
        %parallel_loop3A_1003 = arith.mulf %parallel_loop3A_1002, %parallel_loop3A_990 : vector<16xf32>
        %parallel_loop3A_1004 = arith.mulf %parallel_loop3A_1003, %get3A_14 : vector<16xf32>
        %parallel_loop3A_1005 = arith.addf %parallel_loop3A_1004, %get3A_22 : vector<16xf32>
        %parallel_loop3A_1006 = arith.constant 1 : i32
        %parallel_loop3A_1007 = arith.index_cast %parallel_loop3A_1006 : i32 to index
        %parallel_loop3A_1008 = arith.index_cast %parallel_loop3A_894 : i32 to index
        %parallel_loop3A_1009 = arith.constant 16 : index
        %parallel_loop3A_1010 = tpu.vector_load %arg17[%parallel_loop3A_1007, %parallel_loop3A_1008, %parallel_loop3A_1009] {strides = array<i32>} : memref<2x200x64xf32, #tpu.memory_space<vmem>>, vector<16xf32>,
        tpu.vector_store %arg17[%parallel_loop3A_1007, %parallel_loop3A_1008, %parallel_loop3A_1009], %parallel_loop3A_1005 {strides = array<i32>} : memref<2x200x64xf32, #tpu.memory_space<vmem>>, vector<16xf32>,
        %parallel_loop3A_1011 = vector.broadcast %parallel_loop3A_954 : f32 to vector<16xf32>
        %parallel_loop3A_1012 = arith.subf %parallel_loop3A_924, %parallel_loop3A_1011 : vector<16xf32>
        %parallel_loop3A_1013 = arith.mulf %parallel_loop3A_1012, %parallel_loop3A_990 : vector<16xf32>
        %parallel_loop3A_1014 = arith.mulf %parallel_loop3A_1013, %get3A_16 : vector<16xf32>
        %parallel_loop3A_1015 = arith.addf %parallel_loop3A_1014, %get3A_24 : vector<16xf32>
        %parallel_loop3A_1016 = arith.constant 1 : i32
        %parallel_loop3A_1017 = arith.index_cast %parallel_loop3A_1016 : i32 to index
        %parallel_loop3A_1018 = arith.index_cast %parallel_loop3A_894 : i32 to index
        %parallel_loop3A_1019 = arith.constant 32 : index
        %parallel_loop3A_1020 = tpu.vector_load %arg17[%parallel_loop3A_1017, %parallel_loop3A_1018, %parallel_loop3A_1019] {strides = array<i32>} : memref<2x200x64xf32, #tpu.memory_space<vmem>>, vector<16xf32>,
        tpu.vector_store %arg17[%parallel_loop3A_1017, %parallel_loop3A_1018, %parallel_loop3A_1019], %parallel_loop3A_1015 {strides = array<i32>} : memref<2x200x64xf32, #tpu.memory_space<vmem>>, vector<16xf32>,
        %parallel_loop3A_1021 = vector.broadcast %parallel_loop3A_954 : f32 to vector<16xf32>
        %parallel_loop3A_1022 = arith.subf %parallel_loop3A_934, %parallel_loop3A_1021 : vector<16xf32>
        %parallel_loop3A_1023 = arith.mulf %parallel_loop3A_1022, %parallel_loop3A_990 : vector<16xf32>
        %parallel_loop3A_1024 = arith.mulf %parallel_loop3A_1023, %get3A_18 : vector<16xf32>
        %parallel_loop3A_1025 = arith.addf %parallel_loop3A_1024, %get3A_26 : vector<16xf32>
        %parallel_loop3A_1026 = arith.constant 1 : i32
        %parallel_loop3A_1027 = arith.index_cast %parallel_loop3A_1026 : i32 to index
        %parallel_loop3A_1028 = arith.index_cast %parallel_loop3A_894 : i32 to index
        %parallel_loop3A_1029 = arith.constant 48 : index
        %parallel_loop3A_1030 = tpu.vector_load %arg17[%parallel_loop3A_1027, %parallel_loop3A_1028, %parallel_loop3A_1029] {strides = array<i32>} : memref<2x200x64xf32, #tpu.memory_space<vmem>>, vector<16xf32>,
        tpu.vector_store %arg17[%parallel_loop3A_1027, %parallel_loop3A_1028, %parallel_loop3A_1029], %parallel_loop3A_1025 {strides = array<i32>} : memref<2x200x64xf32, #tpu.memory_space<vmem>>, vector<16xf32>,
      } {sc.loop_unroll_factor = 2 : i64, sc.parallel_access}
      %add3A_876 = arith.addi %mul3A_2, %add3A_697 : i32
      %dma_start3A_877 = arith.constant 1 : i32
      %dma_start3A_878 = arith.constant 0 : i32
      %dma_start3A_879 = arith.constant 0 : i32
      %dma_start3A_880 = tpu.memref_slice %arg17[%dma_start3A_877, %dma_start3A_878, %dma_start3A_879] : memref<2x200x64xf32, #tpu.memory_space<vmem>> -> memref<1x200x64xf32, #tpu.memory_space<vmem>>
      %dma_start3A_881 = tpu.memref_squeeze %dma_start3A_880 : memref<1x200x64xf32, #tpu.memory_space<vmem>> -> memref<200x64xf32, #tpu.memory_space<vmem>>
      %dma_start3A_882 = arith.constant 0 : i32
      %dma_start3A_883 = arith.constant 0 : i32
      %dma_start3A_884 = tpu.memref_slice %arg9[%add3A_876, %dma_start3A_882, %dma_start3A_883] : memref<4096x200x64xf32, #tpu.memory_space<hbm>> -> memref<1x200x64xf32, #tpu.memory_space<hbm>>
      %dma_start3A_885 = tpu.memref_squeeze %dma_start3A_884 : memref<1x200x64xf32, #tpu.memory_space<hbm>> -> memref<200x64xf32, #tpu.memory_space<hbm>>
      %dma_start3A_886 = arith.constant 0 : i32
      %dma_start3A_887 = arith.constant 0 : i32
      %dma_start3A_888 = tpu.memref_slice %arg9[%add3A_876, %dma_start3A_886, %dma_start3A_887] : memref<4096x200x64xf32, #tpu.memory_space<hbm>> -> memref<1x200x64xf32, #tpu.memory_space<hbm>>
      %dma_start3A_889 = tpu.memref_squeeze %dma_start3A_888 : memref<1x200x64xf32, #tpu.memory_space<hbm>> -> memref<200x64xf32, #tpu.memory_space<hbm>>
      %dma_start3A_890 = arith.constant 0 : i32
      %dma_start3A_891 = arith.constant 0 : i32
      %dma_start3A_892 = tpu.memref_slice %arg17[%dma_start3A_877, %dma_start3A_890, %dma_start3A_891] : memref<2x200x64xf32, #tpu.memory_space<vmem>> -> memref<1x200x64xf32, #tpu.memory_space<vmem>>
      %dma_start3A_893 = tpu.memref_squeeze %dma_start3A_892 : memref<1x200x64xf32, #tpu.memory_space<vmem>> -> memref<200x64xf32, #tpu.memory_space<vmem>>
      tpu.enqueue_dma source(%dma_start3A_893 : memref<200x64xf32, #tpu.memory_space<vmem>>) target(%dma_start3A_889 : memref<200x64xf32, #tpu.memory_space<hbm>>) target_semaphore(%arg23 : memref<!tpu.dma_semaphore, #tpu.memory_space<semaphore_mem>>)
    }
    %scan3A_66 = arith.constant 32 : i32
    %add3A_67 = arith.constant 126 : i32
    %add3A_68 = arith.addi %mul3A_2, %add3A_67 : i32
    %dma_wait3A = arith.constant 0 : i32
    %dma_wait3A_69 = arith.constant 0 : i32
    %dma_wait3A_70 = arith.constant 0 : i32
    %dma_wait3A_71 = tpu.memref_slice %arg17[%dma_wait3A, %dma_wait3A_69, %dma_wait3A_70] : memref<2x200x64xf32, #tpu.memory_space<vmem>> -> memref<1x200x64xf32, #tpu.memory_space<vmem>>
    %dma_wait3A_72 = tpu.memref_squeeze %dma_wait3A_71 : memref<1x200x64xf32, #tpu.memory_space<vmem>> -> memref<200x64xf32, #tpu.memory_space<vmem>>
    %dma_wait3A_73 = arith.constant 0 : i32
    %dma_wait3A_74 = arith.constant 0 : i32
    %dma_wait3A_75 = tpu.memref_slice %arg9[%add3A_68, %dma_wait3A_73, %dma_wait3A_74] : memref<4096x200x64xf32, #tpu.memory_space<hbm>> -> memref<1x200x64xf32, #tpu.memory_space<hbm>>
    %dma_wait3A_76 = tpu.memref_squeeze %dma_wait3A_75 : memref<1x200x64xf32, #tpu.memory_space<hbm>> -> memref<200x64xf32, #tpu.memory_space<hbm>>
    %dma_wait3A_77 = arith.constant 0 : i32
    %dma_wait3A_78 = arith.constant 0 : i32
    %dma_wait3A_79 = tpu.memref_slice %arg9[%add3A_68, %dma_wait3A_77, %dma_wait3A_78] : memref<4096x200x64xf32, #tpu.memory_space<hbm>> -> memref<1x200x64xf32, #tpu.memory_space<hbm>>
    %dma_wait3A_80 = tpu.memref_squeeze %dma_wait3A_79 : memref<1x200x64xf32, #tpu.memory_space<hbm>> -> memref<200x64xf32, #tpu.memory_space<hbm>>
    %dma_wait3A_81 = arith.constant 0 : i32
    %dma_wait3A_82 = arith.constant 0 : i32
    %dma_wait3A_83 = tpu.memref_slice %arg17[%dma_wait3A, %dma_wait3A_81, %dma_wait3A_82] : memref<2x200x64xf32, #tpu.memory_space<vmem>> -> memref<1x200x64xf32, #tpu.memory_space<vmem>>
    %dma_wait3A_84 = tpu.memref_squeeze %dma_wait3A_83 : memref<1x200x64xf32, #tpu.memory_space<vmem>> -> memref<200x64xf32, #tpu.memory_space<vmem>>
    tpu.wait_dma2 semaphore(%arg22 : memref<!tpu.dma_semaphore, #tpu.memory_space<semaphore_mem>>) src(%dma_wait3A_84 : memref<200x64xf32, #tpu.memory_space<vmem>>) dst(%dma_wait3A_80 : memref<200x64xf32, #tpu.memory_space<hbm>>)
    %add3A_85 = arith.constant 127 : i32
    %add3A_86 = arith.addi %mul3A_2, %add3A_85 : i32
    %dma_wait3A_87 = arith.constant 1 : i32
    %dma_wait3A_88 = arith.constant 0 : i32
    %dma_wait3A_89 = arith.constant 0 : i32
    %dma_wait3A_90 = tpu.memref_slice %arg17[%dma_wait3A_87, %dma_wait3A_88, %dma_wait3A_89] : memref<2x200x64xf32, #tpu.memory_space<vmem>> -> memref<1x200x64xf32, #tpu.memory_space<vmem>>
    %dma_wait3A_91 = tpu.memref_squeeze %dma_wait3A_90 : memref<1x200x64xf32, #tpu.memory_space<vmem>> -> memref<200x64xf32, #tpu.memory_space<vmem>>
    %dma_wait3A_92 = arith.constant 0 : i32
    %dma_wait3A_93 = arith.constant 0 : i32
    %dma_wait3A_94 = tpu.memref_slice %arg9[%add3A_86, %dma_wait3A_92, %dma_wait3A_93] : memref<4096x200x64xf32, #tpu.memory_space<hbm>> -> memref<1x200x64xf32, #tpu.memory_space<hbm>>
    %dma_wait3A_95 = tpu.memref_squeeze %dma_wait3A_94 : memref<1x200x64xf32, #tpu.memory_space<hbm>> -> memref<200x64xf32, #tpu.memory_space<hbm>>
    %dma_wait3A_96 = arith.constant 0 : i32
    %dma_wait3A_97 = arith.constant 0 : i32
    %dma_wait3A_98 = tpu.memref_slice %arg9[%add3A_86, %dma_wait3A_96, %dma_wait3A_97] : memref<4096x200x64xf32, #tpu.memory_space<hbm>> -> memref<1x200x64xf32, #tpu.memory_space<hbm>>
    %dma_wait3A_99 = tpu.memref_squeeze %dma_wait3A_98 : memref<1x200x64xf32, #tpu.memory_space<hbm>> -> memref<200x64xf32, #tpu.memory_space<hbm>>
    %dma_wait3A_100 = arith.constant 0 : i32
    %dma_wait3A_101 = arith.constant 0 : i32
    %dma_wait3A_102 = tpu.memref_slice %arg17[%dma_wait3A_87, %dma_wait3A_100, %dma_wait3A_101] : memref<2x200x64xf32, #tpu.memory_space<vmem>> -> memref<1x200x64xf32, #tpu.memory_space<vmem>>
    %dma_wait3A_103 = tpu.memref_squeeze %dma_wait3A_102 : memref<1x200x64xf32, #tpu.memory_space<vmem>> -> memref<200x64xf32, #tpu.memory_space<vmem>>
    tpu.wait_dma2 semaphore(%arg23 : memref<!tpu.dma_semaphore, #tpu.memory_space<semaphore_mem>>) src(%dma_wait3A_103 : memref<200x64xf32, #tpu.memory_space<vmem>>) dst(%dma_wait3A_99 : memref<200x64xf32, #tpu.memory_space<hbm>>)
    return
  }
}

</mosaic_0001>

<sc_bundles>
// kernel: kernel.3.cloned.1.call-start
scs
__scs_entry_jumppad:
0x0: {  	(pc) =	sbr.rel $0x88, $3  }
0x1: {  	(tag) =	ssettag $0x0;
	lr =	simm.s32 $0x1  }
0x2: {  	[smem:$0x3F9A] =	sst lr;
	_ =	strace $0xD0000000  }
0x3: {  	_ = 	snop  }
0x4: {  	_ = 	snop  }
0x5: {  	_ = 	snop  }
0x6: {  	_ = 	snop  }
0x7: {  	_ = 	snop  }
__scs_overlays_trampoline_lowered:
0x8: {  	[smem:$0x3FA9] =	sst s0  }
0x9: {  	[smem:$0x3FAA] =	sst s1  }
0xa: {  	[smem:$0x3FAB] =	sst s2  }
0xb: {  	[smem:$0x3FAC] =	sst s3  }
0xc: {  	[smem:$0x3FAD] =	sst s4  }
0xd: {  	[smem:$0x3FAE] =	sst s5  }
0xe: {  	[smem:$0x3FAF] =	sst s6  }
0xf: {  	[smem:$0x3FB0] =	sst s7  }
0x10: {  	[smem:$0x3FB1] =	sst s8  }
0x11: {  	[smem:$0x3FB2] =	sst s9;
	s0 =	simm.s32 @!p0 $0x0  }
0x12: {  	s1 =	sld [smem:$0x3F98];
	s0 =	simm.s32 @p0 $0x1  }
0x13: {  	[smem:$0x3FB3] =	sst s0;
	s0 =	simm.s32 @!p1 $0x0  }
0x14: {  	s2 =	sld [smem:$0x3F97];
	s0 =	simm.s32 @p1 $0x1  }
0x15: {  	[smem:$0x3FB4] =	sst s0;
	s0 =	simm.s32 @!p2 $0x0  }
0x16: {  	s3 =	sld [smem:$0x3FDB];
	s0 =	simm.s32 @p2 $0x1  }
0x17: {  	s4 =	simm.s32 $0x1BF5;
	[smem:$0x3FB6] =	sst s0  }
0x18: {  	s0 =	sld [smem:$0x3F99];
	_ =	swait.ge [sflag:s4], $0x0  }
0x19: {  	s7 =	sld [smem:$0x3F9A]  }
0x1a: {  	s8 =	sadd.s32 $0xFFFFE003, lr  }
0x1b: {  	s9 =	sadd.s32 $0xFFFFFEF7, lr;
	s5 =	simm.s32 $0xFFFFFFFF;
	p2 =	slt.u32 s8, $0xFFFFF086  }
0x1c: {  	p1 =	slt.u32 s9, $0xF7A;
	s5 =	simm.s32 @!p2 $0x0  }
0x1d: {  	s5 =	simm.s32 @p1 $0x1;
	p0 =	seq.s32 s7, s2  }
0x1e: {  	s7 =	smul.u32 @!p0 $0xF7A, s2;
	p2 =	seq.s32 @!p0 s5, $0x0  }
0x1f: {  	s9 =	smul.u32 $0xF7A, s1;
	s8 =	simm.s32 @!p0 $0x1BF5;
	p2 =	por !p2, p0  }
0x20: {  	[sflag:s8] =	ssyncset.s32 @!p0 $0xFFFFF086;
	s6 =	sadd.s32 @!p0 s3, s7;
	s7 =	simm.s32 @!p0 $0x108  }
0x21: {  	s3 =	sadd.s32 s3, s9;
	s6 =	sadd.s32 @!p0 $0x88, s6;
	s7 =	simm.s32 @p2 $0x1082  }
0x22: {  	[simem:s7], [sflag:s8] =	dma.local @!p0 [hbm:s6], $0xF7A  }
0x23: {  	s9 =	sor.u32 $0xD0000000, s2;
	s6 =	simm.s32 $0x108;
	_ =	swait.ge @!p0 [sflag:s8], $0x0  }
0x24: {  	s3 =	sadd.s32 $0x88, s3;
	s6 =	simm.s32 @!p1 $0x1082;
	[sflag:s4] =	ssyncset.s32 $0xFFFFF086  }
0x25: {  	[simem:s6], [sflag:s4] =	dma.local [hbm:s3], $0xF7A  }
0x26: {  	[smem:$0x3F9A] =	sst s1;
	(tag) =	ssettag s2;
	_ =	strace s9  }
0x27: {  	s1 =	sld [smem:$0x3FAA]  }
0x28: {  	s2 =	sld [smem:$0x3FAB]  }
0x29: {  	s4 =	sld [smem:$0x3FAD]  }
0x2a: {  	p0 =	seq.s32 s5, $0x0;
	s5 =	sld [smem:$0x3FAE]  }
0x2b: {  	s6 =	sld [smem:$0x3FAF]  }
0x2c: {  	s7 =	sld [smem:$0x3FB0]  }
0x2d: {  	s3 =	simm.s32 $0x108;
	s8 =	sld [smem:$0x3FB1]  }
0x2e: {  	s3 =	simm.s32 @!p0 $0x1082;
	s9 =	sld [smem:$0x3FB2]  }
0x2f: {  	lr =	sadd.s32 s0, s3;
	s0 =	sld [smem:$0x3FA9]  }
0x30: {  	s3 =	sld [smem:$0x3FAC]  }
0x31: {  	[smem:$0x3FB5] =	sst s10  }
0x32: {  	s10 =	sld [smem:$0x3FB3];
	_ =	sdelay $0x3  }
0x33: {  	p0 =	seq.s32 s10, $0x1;
	s10 =	sld [smem:$0x3FB5];
	_ =	sdelay $0x3  }
0x34: {  	[smem:$0x3FB5] =	sst s10  }
0x35: {  	s10 =	sld [smem:$0x3FB4];
	_ =	sdelay $0x3  }
0x36: {  	p1 =	seq.s32 s10, $0x1;
	s10 =	sld [smem:$0x3FB5];
	_ =	sdelay $0x3  }
0x37: {  	[smem:$0x3FB5] =	sst s10  }
0x38: {  	s10 =	sld [smem:$0x3FB6]  }
0x39: {  	_ = 	snop;
	(pc) =	sbr.ind lr, $3  }
0x3a: {  	_ = 	snop  }
0x3b: {  	_ = 	snop  }
0x3c: {  	p2 =	seq.s32 s10, $0x1;
	s10 =	sld [smem:$0x3FB5]  }
0x3d: {  	_ =	shalt  }
0x3e: {  	_ =	shalt  }
0x3f: {  	_ =	shalt  }
0x40: {  	_ =	shalt  }
0x41: {  	_ =	shalt  }
0x42: {  	_ =	shalt  }
0x43: {  	_ =	shalt  }
0x44: {  	_ =	shalt  }
0x45: {  	_ =	shalt  }
0x46: {  	_ =	shalt  }
0x47: {  	_ =	shalt  }
0x48: {  	_ =	shalt  }
0x49: {  	_ =	shalt  }
0x4a: {  	_ =	shalt  }
0x4b: {  	_ =	shalt  }
0x4c: {  	_ =	shalt  }
0x4d: {  	_ =	shalt  }
0x4e: {  	_ =	shalt  }
0x4f: {  	_ =	shalt  }
0x50: {  	_ =	shalt  }
0x51: {  	_ =	shalt  }
0x52: {  	_ =	shalt  }
0x53: {  	_ =	shalt  }
0x54: {  	_ =	shalt  }
0x55: {  	_ =	shalt  }
0x56: {  	_ =	shalt  }
0x57: {  	_ =	shalt  }
0x58: {  	_ =	shalt  }
0x59: {  	_ =	shalt  }
0x5a: {  	_ =	shalt  }
0x5b: {  	_ =	shalt  }
0x5c: {  	_ =	shalt  }
0x5d: {  	_ =	shalt  }
0x5e: {  	_ =	shalt  }
0x5f: {  	_ =	shalt  }
0x60: {  	_ =	shalt  }
0x61: {  	_ =	shalt  }
0x62: {  	_ =	shalt  }
0x63: {  	_ =	shalt  }
0x64: {  	_ =	shalt  }
0x65: {  	_ =	shalt  }
0x66: {  	_ =	shalt  }
0x67: {  	_ =	shalt  }
0x68: {  	_ =	shalt  }
0x69: {  	_ =	shalt  }
0x6a: {  	_ =	shalt  }
0x6b: {  	_ =	shalt  }
0x6c: {  	_ =	shalt  }
0x6d: {  	_ =	shalt  }
0x6e: {  	_ =	shalt  }
0x6f: {  	_ =	shalt  }
0x70: {  	_ =	shalt  }
0x71: {  	_ =	shalt  }
0x72: {  	_ =	shalt  }
0x73: {  	_ =	shalt  }
0x74: {  	_ =	shalt  }
0x75: {  	_ =	shalt  }
0x76: {  	_ =	shalt  }
0x77: {  	_ =	shalt  }
0x78: {  	_ =	shalt  }
0x79: {  	_ =	shalt  }
0x7a: {  	_ =	shalt  }
0x7b: {  	_ =	shalt  }
0x7c: {  	_ =	shalt  }
0x7d: {  	_ =	shalt  }
0x7e: {  	_ =	shalt  }
0x7f: {  	_ =	shalt  }
0x80: {  	_ =	shalt  }
0x81: {  	_ =	shalt  }
0x82: {  	_ =	shalt  }
0x83: {  	_ =	shalt  }
0x84: {  	_ =	shalt  }
0x85: {  	_ =	shalt  }
0x86: {  	_ =	shalt  }
0x87: {  	_ =	shalt  }
.Lfunc_end0:
.L_simem_size_0:
called_computation.1_lowered:
.L_overlay_start_0:
0x88: {  	s2 =	sld [smem:$0x3FD9]  }
0x89: {  	s3 =	sld [smem:$0x3FFE];
	_ =	sdelay $0x1  }
0x8a: {  	s1 =	srdreg.scid  }
0x8b: {  	s0 =	sand.u32 $0x1, s1  }
0x8c: {  	s17 =	sshll.u32 s0, $0xA;
	s2 =	sadd.s32 s3, s2  }
0x8d: {  	s2 =	sadd.s32 s2, s17  }
0x8e: {  	[smem:$0x3FC1] =	sst s2  }
0x8f: {  	_ = 	snop  }
0x90: {  	s2 =	sld [smem:$0x3FC4]  }
0x91: {  	s18 =	sld [smem:$0x3FC3]  }
0x92: {  	s4 =	sld [smem:$0x3FD0];
	(tm) =	ssettm $0x1  }
0x93: {  	s5 =	sld [smem:$0x3FFB];
	_ =	sdelay $0x3  }
0x94: {  	_ =	strace s5  }
0x95: {  	s5 =	sld [smem:$0x3FFC];
	_ =	sdelay $0x3  }
0x96: {  	_ =	strace s5  }
0x97: {  	s5 =	sld [smem:$0x3FFD];
	_ =	sdelay $0x3  }
0x98: {  	_ =	strace s5  }
0x99: {  	_ =	strace $0x8FFFFFFF  }
0x9a: {  	s19 =	sld [smem:$0x3FDB];
	_ =	sdelay $0x1  }
0x9b: {  	s6 =	simm.s32 $_scs_section_size  }
0x9c: {  	s7 =	simm.s32 $_size__tile_overlayer_lowered;
	s8 =	simm.s32 $_tile_overlayer_lowered  }
0x9d: {  	s22 =	simm.s32 $0x1BFF;
	s21 =	sshll.u32 s8, $0x1;
	s5 =	sadd.s32 s6, s19  }
0x9e: {  	s9 =	simm.s32 $0x0;
	s20 =	sshll.u32 s7, $0x1;
	s7 =	sadd.s32 s21, s5  }
0x9f: {  	[timem:s9], [sflag:s22] =	dma.local [hbm:s7], s20  }
0xa0: {  	_ =	swait.ge [sflag:s22], s20  }
0xa1: {  	s6 =	ssub.s32 $0x0, s20;
	[sflag:s22] =	ssyncset.done $0x0  }
0xa2: {  	[sflag:s22] =	ssyncadd.s32 s6;
	_ =	sdelay $0x1  }
0xa3: {  	s23 =	simm.s32 $0x1B8B  }
0xa4: {  	_ =	swait.ge [sflag:s23], $0x1  }
0xa5: {  	[sflag:s23] =	ssyncset.done $0x0  }
0xa6: {  	s25 =	simm.s32 $0x1B8E;
	s24 =	sld [smem:$0x3FFE];
	[sflag:s23] =	ssyncadd.s32 $0xFFFFFFFF  }
0xa7: {  	s26 =	simm.s32 $execute0_lowered;
	[smem:$0x3FD2] =	sst s25  }
0xa8: {  	s7 =	sshll.u32 s26, $0x1;
	_ =	strace $0x80000046;
	[dreg:$0x1] =	wrdreg $0xFFFFFFFF  }
0xa9: {  	s28 =	simm.s32 $_size_execute0_lowered;
	s5 =	sadd.s32 s5, s7;
	[dreg:$0x0] =	wrdreg $0x0  }
0xaa: {  	s7 =	sshll.u32 s28, $0x1;
	[dreg:$0x2] =	wrdreg s5  }
0xab: {  	[dreg:$0x3] =	wrdreg s7  }
0xac: {  	[dreg:$0x4] =	wrdreg $0xC0  }
0xad: {  	_ =	task [dreg:s9], $0x5FFFF  }
0xae: {  	[dreg:$0x1] =	wrdreg $0xFFFFFFFF  }
0xaf: {  	[dreg:$0x0] =	wrdreg $0x60  }
0xb0: {  	[dreg:$0x2] =	wrdreg s24  }
0xb1: {  	[dreg:$0x3] =	wrdreg s2  }
0xb2: {  	[dreg:$0x4] =	wrdreg s18  }
0xb3: {  	[dreg:$0x5] =	wrdreg s4  }
0xb4: {  	[dreg:$0x6] =	wrdreg $0x9  }
0xb5: {  	_ =	task.clear_ibuf [dreg:s9], $0x7FFFF;
	_ =	strace $0x90000046  }
0xb6: {  	s29 =	simm.s32 $0x9;
	_ =	strace $0x80000048  }
0xb7: {  	_ =	swait.ge [sflag:s29], $0x1  }
0xb8: {  	[sflag:s29] =	ssyncadd.s32 $0xFFFFFFFF  }
0xb9: {  	_ =	strace $0x90000048  }
0xba: {  	_ =	sfence  }
0xbb: {  	s30 =	sld [smem:$0x0];
	_ =	sdelay $0x2  }
0xbc: {  	s31 =	sshll.u32 s1, $0xD;
	s1 =	sshrl.u32 s1, $0x2  }
0xbd: {  	s3 =	sand.u32 $0x4000, s31;
	s1 =	sadd.s32 s1, s30  }
0xbe: {  	s0 =	sor.u32 s3, s0;
	s1 =	sshll.u32 s1, $0x11  }
0xbf: {  	s0 =	sor.u32 s1, s0  }
0xc0: {  	s0 =	sadd.s32 $0x8F2B, s0  }
0xc1: {  	[sflag:s0] =	ssyncadd.remote.s32 $0x1  }
0xc2: {  	_ =	sfence.sel $0xFFFF  }
0xc3: {  	[dreg:$0x0] =	wrdreg $0xFFFFFFFF;
	(pc) =	sbr.abs _section_cstart, $3  }
0xc4: {  	[dreg:$0x1] =	wrdreg $0xFFFFFFFF  }
0xc5: {  	_ =	task.clear_ibuf [dreg:s9], $0x2FFFF;
	_ =	strace $0x9FFFFFFF  }
0xc6: {  	(tm) =	ssettm $0x7FFFFFFF  }
0xc7: {  	_ =	shalt  }
tec
execute0_lowered:
.L_overlay_start_1:
0x0: {  	(tag) =	ssettag $0x1  }
0x1: {  	s0 =	rddreg [dreg:$0x0];
	s1 =	srdreg.scid  }
0x2: {  	s2 =	stileid.u32;
	s4 =	rddreg [dreg:$0x3];
	s6 =	simm.s32 $0x0  }
0x3: {  	s13 =	simm.s32 $0x7;
	s18 =	simm.s32 $0xC8;
	s28 =	simm.s32 $0x17C80  }
0x4: {  	s29 =	simm.s32 $0x2;
	s30 =	simm.s32 $0x1AE80;
	s31 =	simm.s32 $0x3  }
0x5: {  	s1 =	sand.u32 $0x1, s1;
	s2 =	sshll.u32 s2, $0x8;
	[smem:$0x7FF] =	sst s6  }
0x6: {  	s7 =	sadd.s32 $0x1A400, s0;
	s24 =	sadd.s32 $0xC00, s0;
	s3 =	sshll.u32 s1, $0x7  }
0x7: {  	s8 =	sadd.s32 $0x800, s0;
	_ =	strace $0x80000047;
	s5 =	sor.u32 s3, s2  }
0x8: {  	s1 =	ssub.s32 $0x2, s1;
	[dreg:$0x5] =	wrdreg s24;
	s2 =	smul.u32 $0x19, s5  }
0x9: {  	[dreg:$0x6] =	wrdreg s8;
	s8 =	simm.s32 $0x0;
	s25 =	sshrl.u32 s1, $0x1  }
0xa: {  	s26 =	ssub.s32 s1, s25;
	s2 =	sadd.s32 s2, s0;
	s0 =	sadd.s32 $0xA00, s0  }
0xb: {  	s25 =	simm.s32 $0x14A80;
	s1 =	simm.s32 $0x6;
	[dreg:$0x7] =	wrdreg s0  }
0xc: {  	s11 =	sadd.s32 $0x1400, s2;
	s0 =	smax.u32 s26, $0x1;
	s26 =	simm.s32 $0x1  }
0xd: {  	v0 =	vimm.s32 $0x0;
	s2 =	simm.s32 $0x5;
	[dreg:$0x8] =	wrdreg s0;
	s0 =	simm.s32 $0x4  }
.LBB2_1:
0xe: {  	[dreg:$0x9] =	wrdreg s8;
	s8 =	simm.s32 $0x300  }
.LBB2_2:
0xf: {  	p0 =	sne.s32 s8, $0x19FC0  }
.Ltmp0:
0x10: {  	_ = 	snop;
	(pc) =	sbr.rel @p0 .LBB2_2-.Ltmp0, $3  }
0x11: {  	_ =	sdelay $0x1  }
0x12: {  	s9 =	sshra.s32 s8, $0x2  }
0x13: {  	s8 =	sadd.s32 $0x340, s8;
	[tilespmem:s9+$0x4C80] =	vst v0  }
0x14: {  	s8 =	simm.s32 $0x4C80  }
0x15: {  	s9 =	simm.s32 $0x19;
	s15 =	sadd.s32 $0x0, s11;
	s14 =	simm.s32 $0x4D50  }
.LBB2_4:
0x16: {  	[tilespmem:s8], [sflag:$0x7] =	stream.linear.gather [hbm4b:s15+s6], $0xC8, $0x38;
	[tilespmem:$0x1E080] =	vst v63  }
0x17: {  	s15 =	smov.u32 s9;
	s8 =	smov.u32 s14;
	p0 =	sne.s32 s9, $0xC67  }
.Ltmp1:
0x18: {  	s9 =	sadd.s32 $0x19, s9;
	(pc) =	sbr.rel @p0 .LBB2_4-.Ltmp1, $2  }
0x19: {  	_ =	sdelay $0x2  }
0x1a: {  	s14 =	sadd.s32 $0xD0, s14;
	s15 =	sadd.s32 s15, s11  }
0x1b: {  	[tilespmem:s8], [sflag:$0x7] =	stream.linear.gather [hbm4b:s15+s6], $0xC8, $0x38;
	[tilespmem:$0x1E080] =	vst v63  }
0x1c: {  	_ =	swait.ge [sflag:s13], $0x6400  }
0x1d: {  	[sflag:s13] =	ssyncset.done $0x0  }
0x1e: {  	s15 =	simm.s32 $0x0;
	s3 =	rddreg [dreg:$0x5];
	[sflag:s13] =	ssyncadd.s32 $0xFFFF9C00  }
0x1f: {  	[tilespmem:s15], [sflag:$0x7] =	stream.linear.gather [hbm4b:s3+s15], $0x3200, $0x38;
	[tilespmem:$0x1E080] =	vst v63  }
0x20: {  	_ =	swait.ge [sflag:s13], $0x3200  }
0x21: {  	[sflag:s13] =	ssyncset.done $0x0  }
0x22: {  	s9 =	simm.s32 $0x3200;
	s16 =	rddreg [dreg:$0x7];
	[sflag:s13] =	ssyncadd.s32 $0xFFFFCE00  }
0x23: {  	[tilespmem:s9], [sflag:$0x7] =	stream.linear.gather [hbm4b:s16+s15], $0xD00, $0x38;
	[tilespmem:$0x1E080] =	vst v63  }
0x24: {  	_ =	swait.ge [sflag:s13], $0xD00  }
0x25: {  	[sflag:s13] =	ssyncset.done $0x0  }
0x26: {  	s19 =	simm.s32 $0x3F00;
	s17 =	rddreg [dreg:$0x6];
	[sflag:s13] =	ssyncadd.s32 $0xFFFFF300  }
0x27: {  	[tilespmem:s19], [sflag:$0x7] =	stream.linear.gather [hbm4b:s17+s15], $0xD00, $0x38;
	[tilespmem:$0x1E080] =	vst v63  }
0x28: {  	_ =	swait.ge [sflag:s13], $0xD00  }
0x29: {  	[sflag:s13] =	ssyncset.done $0x0  }
0x2a: {  	[sflag:s13] =	ssyncadd.s32 $0xFFFFF300  }
0x2b: {  	s21 =	simm.s32 $0x4C00;
	s20 =	rddreg [dreg:$0x1]  }
0x2c: {  	[tilespmem:s21], [sflag:$0x7] =	stream.linear.gather [hbm4b:s20+s15], $0x40, $0x38;
	[tilespmem:$0x1E080] =	vst v63  }
0x2d: {  	_ =	swait.ge [sflag:s13], $0x40  }
0x2e: {  	[sflag:s13] =	ssyncset.done $0x0  }
0x2f: {  	[sflag:s13] =	ssyncadd.s32 $0xFFFFFFC0  }
0x30: {  	s23 =	simm.s32 $0x4C40;
	s22 =	rddreg [dreg:$0x2]  }
0x31: {  	[tilespmem:s23], [sflag:$0x7] =	stream.linear.gather [hbm4b:s22+s15], $0x40, $0x38;
	[tilespmem:$0x1E080] =	vst v63  }
0x32: {  	s24 =	smul.u32 $0xCD, s15;
	_ =	swait.ge [sflag:s13], $0x40  }
0x33: {  	[sflag:s13] =	ssyncset.done $0x0  }
0x34: {  	s8 =	simm.s32 $0x20;
	s9 =	sshrl.u32 s24, $0x4;
	[sflag:s13] =	ssyncadd.s32 $0xFFFFFFC0  }
0x35: {  	s9 =	sand.u32 $0xFC0, s9;
	v1 =	vld [tilespmem:s8+$0xFFFFFFE0]  }
0x36: {  	v2 =	vld [tilespmem:s9+$0x3200];
	_ =	sdelay $0x4  }
0x37: {  	v1 =	vadd.f32 v2, v1;
	_ =	sdelay $0x1  }
0x38: {  	[tilespmem:s8+$0xFFFFFFE0] =	vst v1;
	v1 =	vld [tilespmem:s8+$0xFFFFFFF0]  }
0x39: {  	v2 =	vld [tilespmem:s9+$0x3210];
	_ =	sdelay $0x4  }
0x3a: {  	v1 =	vadd.f32 v2, v1;
	_ =	sdelay $0x1  }
0x3b: {  	[tilespmem:s8+$0xFFFFFFF0] =	vst v1;
	v1 =	vld [tilespmem:s8+$0x0]  }
0x3c: {  	v2 =	vld [tilespmem:s9+$0x3220];
	_ =	sdelay $0x4  }
0x3d: {  	v1 =	vadd.f32 v2, v1;
	_ =	sdelay $0x1  }
0x3e: {  	[tilespmem:s8+$0x0] =	vst v1;
	v1 =	vld [tilespmem:s8+$0x10]  }
0x3f: {  	v2 =	vld [tilespmem:s9+$0x3230];
	_ =	sdelay $0x2  }
0x40: {  	s14 =	simm.s32 $0x1  }
0x41: {  	s15 =	smul.u32 $0xCD, s14;
	s14 =	simm.s32 $0x2;
	s9 =	simm.s32 $0x20  }
.LBB2_6:
0x42: {  	p0 =	sne.s32 s14, $0xC7;
	v1 =	vadd.f32 v2, v1  }
0x43: {  	s8 =	sadd.s32 $0x40, s8;
	s15 =	sshrl.u32 s15, $0x4  }
0x44: {  	v2 =	vld [tilespmem:s8+$0xFFFFFFE0];
	s15 =	sand.u32 $0xFC0, s15;
	[tilespmem:s9+$0x10] =	vst v1;
	s9 =	smov.u32 s8  }
0x45: {  	v1 =	vld [tilespmem:s15+$0x3200];
	_ =	sdelay $0x4  }
0x46: {  	v1 =	vadd.f32 v1, v2;
	_ =	sdelay $0x1  }
0x47: {  	[tilespmem:s8+$0xFFFFFFE0] =	vst v1;
	v1 =	vld [tilespmem:s8+$0xFFFFFFF0]  }
0x48: {  	v2 =	vld [tilespmem:s15+$0x3210];
	_ =	sdelay $0x4  }
0x49: {  	v1 =	vadd.f32 v2, v1;
	_ =	sdelay $0x1  }
0x4a: {  	[tilespmem:s8+$0xFFFFFFF0] =	vst v1;
	v1 =	vld [tilespmem:s8+$0x0]  }
0x4b: {  	v2 =	vld [tilespmem:s15+$0x3220];
	_ =	sdelay $0x4  }
0x4c: {  	v1 =	vadd.f32 v2, v1;
	_ =	sdelay $0x1  }
0x4d: {  	[tilespmem:s8+$0x0] =	vst v1;
	v1 =	vld [tilespmem:s8+$0x10]  }
.Ltmp2:
0x4e: {  	v2 =	vld [tilespmem:s15+$0x3230];
	(pc) =	sbr.rel @p0 .LBB2_6-.Ltmp2, $2  }
0x4f: {  	_ =	sdelay $0x2  }
0x50: {  	s15 =	smul.u32 $0xCD, s14;
	s14 =	sadd.s32 $0x1, s14  }
0x51: {  	v1 =	vadd.f32 v2, v1  }
0x52: {  	s8 =	sadd.s32 $0x40, s8;
	s14 =	sshrl.u32 s15, $0x4  }
0x53: {  	v2 =	vld [tilespmem:s8+$0xFFFFFFE0];
	s14 =	sand.u32 $0xFC0, s14;
	[tilespmem:s9+$0x10] =	vst v1  }
0x54: {  	v1 =	vld [tilespmem:s14+$0x3200];
	_ =	sdelay $0x4  }
0x55: {  	v1 =	vadd.f32 v1, v2;
	_ =	sdelay $0x1  }
0x56: {  	[tilespmem:s8+$0xFFFFFFE0] =	vst v1;
	v1 =	vld [tilespmem:s8+$0xFFFFFFF0]  }
0x57: {  	v2 =	vld [tilespmem:s14+$0x3210];
	_ =	sdelay $0x4  }
0x58: {  	v1 =	vadd.f32 v2, v1;
	_ =	sdelay $0x1  }
0x59: {  	[tilespmem:s8+$0xFFFFFFF0] =	vst v1;
	v1 =	vld [tilespmem:s8+$0x0]  }
0x5a: {  	v2 =	vld [tilespmem:s14+$0x3220];
	_ =	sdelay $0x4  }
0x5b: {  	v1 =	vadd.f32 v2, v1;
	_ =	sdelay $0x1  }
0x5c: {  	[tilespmem:s8+$0x0] =	vst v1;
	v1 =	vld [tilespmem:s8+$0x10]  }
0x5d: {  	v2 =	vld [tilespmem:s14+$0x3230];
	_ =	sdelay $0x4  }
0x5e: {  	v1 =	vadd.f32 v2, v1;
	_ =	sdelay $0x1  }
0x5f: {  	[tilespmem:s8+$0x10] =	vst v1  }
0x60: {  	v1 =	vld [tilespmem:$0x4C00]  }
0x61: {  	v2 =	vld [tilespmem:$0x4C10]  }
0x62: {  	v3 =	vld [tilespmem:$0x4C20]  }
0x63: {  	v4 =	vld [tilespmem:$0x4C30]  }
0x64: {  	v5 =	vld [tilespmem:$0x4C40]  }
0x65: {  	v6 =	vld [tilespmem:$0x4C50]  }
0x66: {  	s3 =	simm.s32 $0x4C80;
	s20 =	simm.s32 $0xB480;
	v7 =	vld [tilespmem:$0x4C60]  }
0x67: {  	v8 =	vld [tilespmem:$0x4C70];
	[tilespmem:s20], [sflag:$0x1] =	stream.indirect.gather [hbm4b:s7+s18], $0x40, s3, s18, $0xb8  }
0x68: {  	s21 =	simm.s32 $0x4D50;
	s22 =	simm.s32 $0xE680  }
0x69: {  	[tilespmem:s22], [sflag:$0x2] =	stream.indirect.gather [hbm4b:s7+s18], $0x40, s21, s18, $0xb8;
	[tilespmem:$0x1E080] =	vst v63  }
0x6a: {  	s23 =	simm.s32 $0x4E20;
	s24 =	simm.s32 $0x11880;
	s14 =	simm.s32 $0x0  }
0x6b: {  	[tilespmem:s24], [sflag:$0x3] =	stream.indirect.gather [hbm4b:s7+s18], $0x40, s23, s18, $0xb8;
	[tilespmem:$0x1E080] =	vst v63  }
.LBB2_8:
0x6c: {  	s15 =	sshllo.u32 s14, $0x2  }
0x6d: {  	s8 =	smul.u32 $0x340, s15;
	_ =	sdelay $0x1  }
0x6e: {  	s16 =	sshra.s32 s8, $0x2  }
0x6f: {  	s8 =	sadd.s32 $0x4C80, s16  }
0x70: {  	[tilespmem:s25], [sflag:$0x4] =	stream.indirect.gather [hbm4b:s7+s18], $0x40, s8, s18, $0xb8;
	[tilespmem:$0x1E080] =	vst v63  }
0x71: {  	s10 =	smul.u32 $0xD00, s14;
	_ =	swait.ge [sflag:s26], $0x3200  }
0x72: {  	[sflag:s26] =	ssyncset.done $0x0  }
0x73: {  	s17 =	sshra.s32 s10, $0x2;
	[sflag:s26] =	ssyncadd.s32 $0xFFFFCE00  }
0x74: {  	v9 =	vld [tilespmem:s17+$0x4C80]  }
0x75: {  	v10 =	vld [tilespmem:s17+$0x4C90]  }
0x76: {  	v11 =	vld [tilespmem:s17+$0x4CA0]  }
0x77: {  	v12 =	vld [tilespmem:s17+$0x4CB0]  }
0x78: {  	v13 =	vld [tilespmem:s17+$0x4CC0]  }
0x79: {  	v14 =	vld [tilespmem:s17+$0x4CD0]  }
0x7a: {  	vm0 =	vne.s32 v9, $0x0;
	vm1 =	vne.s32 v10, $0x0;
	v9 =	vld [tilespmem:s17+$0x4CE0]  }
0x7b: {  	vm5 =	vne.s32 v11, $0x0;
	v11 =	vld [tilespmem:s17+$0x4CF0];
	v10 =	vsel vm0, $0x1, v0;
	v15 =	vsel vm1, $0x1, v0  }
0x7c: {  	vm6 =	vne.s32 v12, $0x0;
	v12 =	vld [tilespmem:s17+$0x4D00];
	v10 =	vadd.s32 v10, v15;
	v15 =	vsel vm5, $0x1, v0  }
0x7d: {  	vm7 =	vne.s32 v13, $0x0;
	v13 =	vld [tilespmem:s17+$0x4D10];
	v10 =	vadd.s32 v15, v10;
	v15 =	vsel vm6, $0x1, v0  }
0x7e: {  	vm8 =	vne.s32 v14, $0x0;
	v14 =	vld [tilespmem:s17+$0x4D20];
	v10 =	vadd.s32 v15, v10;
	v15 =	vsel vm7, $0x1, v0  }
0x7f: {  	v10 =	vadd.s32 v15, v10;
	v15 =	vsel vm8, $0x1, v0;
	vm9 =	vne.s32 v9, $0x0;
	v9 =	vld [tilespmem:s17+$0x4D30]  }
0x80: {  	vm10 =	vne.s32 v11, $0x0;
	v11 =	vld [tilespmem:s17+$0x4D40];
	v10 =	vadd.s32 v15, v10;
	v15 =	vsel vm9, $0x1, v0  }
0x81: {  	vm11 =	vne.s32 v12, $0x0;
	v10 =	vadd.s32 v15, v10;
	v15 =	vsel vm10, $0x1, v0  }
0x82: {  	vm12 =	vne.s32 v13, $0x0;
	v12 =	vsel vm11, $0x1, v0;
	v10 =	vadd.s32 v15, v10  }
0x83: {  	vm13 =	vne.s32 v14, $0x0;
	v10 =	vadd.s32 v12, v10;
	v12 =	vsel vm12, $0x1, v0  }
0x84: {  	v10 =	vadd.s32 v12, v10;
	v12 =	vsel vm13, $0x1, v0;
	vm14 =	vne.s32 v9, $0x0  }
0x85: {  	vm15 =	vne.s32 v11, $0x0;
	v9 =	vadd.s32 v12, v10;
	v10 =	vsel vm14, $0x1, v0  }
0x86: {  	v9 =	vadd.s32 v10, v9;
	v10 =	vsel vm15, $0x1, v0  }
0x87: {  	v9 =	vadd.s32 v10, v9  }
0x88: {  	(xrf0) =	vadd.scan.msk.s32 $0xffff, v9;
	_ =	sdelay $0x5  }
0x89: {  	v9, _, _ =	vpop (xrf0)  }
0x8a: {  	(v2sf) =	vpush v9, $0xF;
	_ =	sdelay $0xe  }
0x8b: {  	s12 =	spop (v2sf)  }
0x8c: {  	s9 =	smulhi.u32 $0x66666667, s12;
	s19 =	sshra.s32 s12, $0x1F  }
0x8d: {  	s19 =	smul.u32 $0x66666667, s19;
	_ =	sdelay $0x1  }
0x8e: {  	s9 =	sadd.s32 s19, s9  }
0x8f: {  	s19 =	sshrl.u32 s9, $0x1F;
	s9 =	sshra.s32 s9, $0x1  }
0x90: {  	s9 =	sadd.s32 s19, s9  }
0x91: {  	s19 =	smul.u32 $0xFFFFFFFB, s9  }
0x92: {  	s20 =	ssub.s32 $0x0, s12  }
0x93: {  	p0 =	slt.s32 s12, $0x1;
	p1 =	sne.s32 s19, s20  }
0x94: {  	p0 =	por !p0, !p1  }
0x95: {  	s8 =	simm.s32 $0x1;
	p0 =	por !p0, !p0  }
0x96: {  	s8 =	simm.s32 @!p0 $0x0  }
0x97: {  	s8 =	ssub.s32 s9, s8  }
0x98: {  	s8 =	sshll.u32 s8, $0x8  }
0x99: {  	s8 =	sshra.s32 s8, $0x2  }
0x9a: {  	v9 =	vld [tilespmem:s8+$0x3F00]  }
0x9b: {  	v10 =	vld [tilespmem:s8+$0x3F10]  }
0x9c: {  	p1 =	seq.s32 s14, $0x0;
	v11 =	vld [tilespmem:s8+$0x3F20]  }
0x9d: {  	v12 =	vld [tilespmem:s8+$0x3F30];
	s8 =	simm.s32 @!p1 $0x5  }
0x9e: {  	_ =	swait.ge @!p1 [sflag:s8], $0x3200  }
0x9f: {  	[sflag:s8] =	ssyncset.done @!p1 $0x0  }
0xa0: {  	s21 =	simm.s32 $0xB4C0;
	[sflag:s8] =	ssyncadd.s32 @!p1 $0xFFFFCE00  }
0xa1: {  	s22 =	simm.s32 $0x40;
	v13 =	vld [tilespmem:s21+$0x0]  }
0xa2: {  	v14 =	vld [tilespmem:s22+$0x0]  }
0xa3: {  	v15 =	vld [tilespmem:s21+$0x10]  }
0xa4: {  	v16 =	vld [tilespmem:s22+$0x10]  }
0xa5: {  	v17 =	vld [tilespmem:s21+$0x20]  }
0xa6: {  	v18 =	vld [tilespmem:s22+$0x20]  }
0xa7: {  	v19 =	vld [tilespmem:s21+$0x30]  }
0xa8: {  	v20 =	vld [tilespmem:s22+$0x30]  }
0xa9: {  	v21 =	vld [tilespmem:s21+$0xFFFFFFD0]  }
0xaa: {  	v22 =	vld [tilespmem:s22+$0xFFFFFFD0]  }
0xab: {  	v23 =	vld [tilespmem:s21+$0xFFFFFFE0]  }
0xac: {  	v24 =	vld [tilespmem:s21+$0xFFFFFFF0];
	v13 =	vadd.f32 v14, v13;
	v14 =	vadd.f32 v16, v15  }
0xad: {  	v15 =	vld [tilespmem:s22+$0xFFFFFFE0];
	v16 =	vadd.f32 v18, v17;
	v20 =	vadd.f32 v20, v19  }
0xae: {  	v25 =	vld [tilespmem:s22+$0xFFFFFFC0];
	v19 =	vadd.f32 v13, v9;
	v18 =	vadd.f32 v14, v10  }
0xaf: {  	v14 =	vld [tilespmem:s22+$0xFFFFFFF0];
	v17 =	vadd.f32 v16, v11;
	v13 =	vadd.f32 v20, v12  }
0xb0: {  	v16 =	vld [tilespmem:s21+$0xFFFFFFC0];
	v20 =	vadd.f32 v22, v21;
	v21 =	vadd.f32 v18, v19  }
0xb1: {  	v22 =	vadd.f32 v13, v17;
	v26 =	vmul.f32 v19, v19;
	v27 =	vmul.f32 v18, v18  }
0xb2: {  	v28 =	vmul.f32 v13, v13;
	v15 =	vadd.f32 v15, v23;
	v23 =	vmul.f32 v17, v17  }
0xb3: {  	v21 =	vadd.f32 v22, v21;
	v22 =	vadd.f32 v27, v26  }
0xb4: {  	v24 =	vadd.f32 v14, v24;
	v23 =	vadd.f32 v28, v23  }
0xb5: {  	v25 =	vadd.f32 v25, v16;
	v16 =	vadd.f32 v20, v10  }
0xb6: {  	v14 =	vadd.f32 v15, v11;
	v20 =	vadd.f32 v23, v22  }
0xb7: {  	v25 =	vadd.f32 v25, v9;
	v15 =	vadd.f32 v24, v12  }
0xb8: {  	(xrf2) =	vadd.scan.msk.f32 $0xffff, v21;
	v21 =	vmul.f32 v16, v16  }
0xb9: {  	v24 =	vmul.f32 v14, v14;
	(xrf2) =	vadd.scan.msk.f32 $0xffff, v20;
	v20 =	vadd.f32 v16, v25;
	v23 =	vadd.f32 v15, v14  }
0xba: {  	v22 =	vmul.f32 v25, v25;
	v26 =	vmul.f32 v15, v15  }
0xbb: {  	v20 =	vadd.f32 v23, v20  }
0xbc: {  	v21 =	vadd.f32 v21, v22;
	v22 =	vadd.f32 v26, v24;
	_ =	sdelay $0x1  }
0xbd: {  	(xrf2) =	vadd.scan.msk.f32 $0xffff, v20;
	v20 =	vadd.f32 v22, v21;
	_ =	sdelay $0x3  }
0xbe: {  	s24 =	simm.s32 $0xC0;
	(xrf2) =	vadd.scan.msk.f32 $0xffff, v20;
	v20, _, _ =	vpop (xrf2)  }
0xbf: {  	s23 =	simm.s32 $0xB540;
	v29 =	vld [tilespmem:s24+$0x30];
	(v2sf) =	vpush v20, $0xF;
	v20, _, _ =	vpop (xrf2)  }
0xc0: {  	v31 =	vld [tilespmem:s23+$0xFFFFFFD0];
	(v2sf) =	vpush v20, $0xF  }
0xc1: {  	v27 =	vld [tilespmem:s23+$0x30]  }
0xc2: {  	v23 =	vld [tilespmem:s24+$0x10]  }
0xc3: {  	v21 =	vld [tilespmem:s24+$0x0]  }
0xc4: {  	v20 =	vld [tilespmem:s23+$0x0]  }
0xc5: {  	v22 =	vld [tilespmem:s23+$0x10]  }
0xc6: {  	v26 =	vld [tilespmem:s23+$0x20];
	v24, _, _ =	vpop (xrf2)  }
0xc7: {  	(v2sf) =	vpush v24, $0xF;
	v24 =	vld [tilespmem:s24+$0x20]  }
0xc8: {  	v32 =	vld [tilespmem:s24+$0xFFFFFFD0]  }
0xc9: {  	v34 =	vld [tilespmem:s24+$0xFFFFFFF0];
	v28, _, _ =	vpop (xrf2);
	v20 =	vadd.f32 v21, v20  }
0xca: {  	v21 =	vadd.f32 v23, v22;
	v22 =	vld [tilespmem:s23+$0xFFFFFFE0];
	(v2sf) =	vpush v28, $0xF  }
0xcb: {  	v30 =	vadd.f32 v20, v9;
	v20 =	vld [tilespmem:s23+$0xFFFFFFF0]  }
0xcc: {  	v28 =	vld [tilespmem:s24+$0xFFFFFFC0];
	v23 =	vadd.f32 v24, v26;
	v24 =	vadd.f32 v29, v27  }
0xcd: {  	v31 =	vadd.f32 v32, v31;
	v29 =	vld [tilespmem:s24+$0xFFFFFFE0];
	v27 =	vadd.f32 v21, v10  }
0xce: {  	v26 =	vadd.f32 v23, v11;
	v21 =	vadd.f32 v24, v12;
	v23 =	vld [tilespmem:s23+$0xFFFFFFC0];
	s3 =	spop (v2sf)  }
0xcf: {  	v24 =	vmul.f32 v30, v30;
	v33 =	vmul.f32 v27, v27;
	v36 =	vadd.f32 v27, v30;
	s8 =	smul.f32 $1.562500000e-02, s3;
	s10 =	spop (v2sf)  }
0xd0: {  	v58 =	vadd.f32 v34, v20;
	v56 =	vmul.f32 v26, v26;
	v35 =	vmul.f32 v21, v21;
	s12 =	smul.f32 $1.562500000e-02, s10  }
0xd1: {  	v37 =	vadd.f32 v21, v26;
	v24 =	vadd.f32 v33, v24;
	s20 =	smul.f32 s8, s8  }
0xd2: {  	v29 =	vadd.f32 v29, v22;
	v32 =	vadd.f32 v35, v56  }
0xd3: {  	v57 =	vadd.f32 v37, v36;
	v23 =	vadd.f32 v28, v23;
	s9 =	ssub.f32 s12, s20  }
0xd4: {  	v22 =	vadd.f32 v31, v10;
	v20 =	vadd.f32 v29, v11  }
0xd5: {  	v28 =	vadd.f32 v32, v24;
	(xrf2) =	vadd.scan.msk.f32 $0xffff, v57;
	v24 =	vadd.f32 v23, v9;
	s9 =	sadd.f32 $9.999999740e-06, s9  }
0xd6: {  	v31 =	vmul.f32 v22, v22;
	v23 =	vadd.f32 v58, v12;
	s21 =	spop (v2sf)  }
0xd7: {  	v63 =	vmul.f32 v20, v20;
	s19 =	smul.f32 $1.562500000e-02, s21;
	v59 =	vadd.f32 v22, v24;
	v29 =	vmov s9  }
0xd8: {  	(xrf2) =	vadd.scan.msk.f32 $0xffff, v28;
	v62 =	vadd.f32 v23, v20;
	v28 =	vshrl.u32 v29, $0x1;
	v29 =	vmul.f32 $5.000000000e-01, v29  }
0xd9: {  	v60 =	vmul.f32 v24, v24;
	v40 =	vmul.f32 v23, v23;
	s23 =	spop (v2sf);
	s22 =	smul.f32 s19, s19;
	v28 =	vsub.s32 $0x5F3759DF, v28  }
0xda: {  	s20 =	smul.f32 $1.562500000e-02, s23;
	v32 =	vadd.f32 v62, v59;
	v61 =	vmul.f32 v28, v29  }
0xdb: {  	v31 =	vadd.f32 v31, v60;
	v41 =	vadd.f32 v40, v63  }
0xdc: {  	s24 =	simm.s32 $0xB5C0;
	s9 =	ssub.f32 s20, s22;
	v34 =	vmul.f32 v28, v61  }
0xdd: {  	v48 =	vld [tilespmem:s24+$0x0];
	(xrf2) =	vadd.scan.msk.f32 $0xffff, v32;
	v31 =	vadd.f32 v41, v31  }
0xde: {  	v50 =	vld [tilespmem:s24+$0x10];
	s9 =	sadd.f32 $9.999999740e-06, s9;
	v34 =	vsub.f32 $1.500000000e+00, v34  }
0xdf: {  	v51 =	vld [tilespmem:s24+$0x20];
	v44, _, _ =	vpop (xrf2);
	(xrf2) =	vadd.scan.msk.f32 $0xffff, v31  }
0xe0: {  	v54 =	vld [tilespmem:s24+$0xFFFFFFE0];
	s3 =	simm.s32 $0x140;
	v42 =	vmov s9;
	v28 =	vmul.f32 v28, v34  }
0xe1: {  	v38 =	vld [tilespmem:s3+$0x10];
	v43 =	vshrl.u32 v42, $0x1;
	v32 =	vmul.f32 $5.000000000e-01, v42  }
0xe2: {  	v39 =	vld [tilespmem:s3+$0x20];
	(v2sf) =	vpush v44, $0xF;
	v45, _, _ =	vpop (xrf2);
	v33 =	vsub.s32 $0x5F3759DF, v43;
	v46 =	vmul.f32 v28, v29  }
0xe3: {  	v40 =	vmov s19;
	v41 =	vld [tilespmem:s24+$0x30];
	(v2sf) =	vpush v45, $0xF;
	v31 =	vmul.f32 v33, v32  }
0xe4: {  	v36 =	vmov s8;
	v43 =	vsub.f32 v16, v40;
	v16 =	vld [tilespmem:s3+$0x30];
	v47 =	vmul.f32 v46, v28  }
0xe5: {  	v49 =	vld [tilespmem:s3+$0x0];
	v55 =	vsub.f32 v13, v36;
	v19 =	vsub.f32 v19, v36;
	v31 =	vmul.f32 v33, v31  }
0xe6: {  	v56 =	vld [tilespmem:s24+$0xFFFFFFF0];
	v18 =	vsub.f32 v18, v36;
	v34 =	vsub.f32 $1.500000000e+00, v47  }
0xe7: {  	v57 =	vld [tilespmem:s3+$0xFFFFFFF0];
	v37 =	vadd.f32 v38, v50;
	v52, _, _ =	vpop (xrf2);
	v31 =	vsub.f32 $1.500000000e+00, v31  }
0xe8: {  	v13 =	vadd.f32 v39, v51;
	(v2sf) =	vpush v52, $0xF;
	v47 =	vld [tilespmem:s3+$0xFFFFFFE0];
	v28 =	vmul.f32 v34, v28  }
0xe9: {  	v42 =	vsub.f32 v25, v40;
	v46 =	vld [tilespmem:s3+$0xFFFFFFD0];
	v16 =	vadd.f32 v16, v41;
	v31 =	vmul.f32 v33, v31;
	v25, _, _ =	vpop (xrf2)  }
0xea: {  	v13 =	vadd.f32 v13, v11;
	(v2sf) =	vpush v25, $0xF;
	v25 =	vld [tilespmem:s24+$0xFFFFFFD0];
	v29 =	vmul.f32 v28, v29  }
0xeb: {  	v44 =	vsub.f32 v14, v40;
	v16 =	vadd.f32 v16, v12;
	v53 =	vmul.f32 v31, v32  }
0xec: {  	v40 =	vsub.f32 v15, v40;
	v33 =	vadd.f32 v57, v56;
	v14 =	vmul.f32 v29, v28  }
0xed: {  	v61 =	vadd.f32 v16, v13;
	v34 =	vmul.f32 v53, v31;
	v35 =	vadd.f32 v47, v54  }
0xee: {  	v45 =	vsub.f32 $1.500000000e+00, v14;
	v14 =	vadd.f32 v49, v48  }
0xef: {  	v29 =	vld [tilespmem:s3+$0xFFFFFFC0];
	v34 =	vsub.f32 $1.500000000e+00, v34;
	v25 =	vadd.f32 v46, v25;
	v48 =	vmul.f32 v13, v13  }
0xf0: {  	v15 =	vadd.f32 v14, v9;
	v14 =	vadd.f32 v37, v10;
	v45 =	vmul.f32 v45, v28;
	v28 =	vld [tilespmem:s24+$0xFFFFFFC0]  }
0xf1: {  	s10 =	spop (v2sf);
	v35 =	vadd.f32 v35, v11;
	v49 =	vmul.f32 v16, v16;
	v31 =	vmul.f32 v34, v31  }
0xf2: {  	s8 =	smul.f32 $1.562500000e-02, s10;
	s12 =	spop (v2sf);
	v34 =	vadd.f32 v25, v10;
	v58 =	vmul.f32 v15, v15;
	v59 =	vmul.f32 v14, v14  }
0xf3: {  	s21 =	smul.f32 $1.562500000e-02, s12;
	v62 =	vadd.f32 v49, v48;
	v60 =	vadd.f32 v14, v15  }
0xf4: {  	s22 =	smul.f32 s8, s8;
	v37 =	vadd.f32 v33, v12;
	v39 =	vadd.f32 v59, v58  }
0xf5: {  	v38 =	vmul.f32 v45, v55;
	v46 =	vadd.f32 v61, v60;
	v28 =	vadd.f32 v29, v28  }
0xf6: {  	v52 =	vmul.f32 v35, v35;
	v32 =	vmul.f32 v31, v32;
	s9 =	ssub.f32 s21, s22;
	v39 =	vadd.f32 v62, v39  }
0xf7: {  	v53 =	vmul.f32 v37, v37;
	s23 =	spop (v2sf);
	v29 =	vmul.f32 v38, v4;
	(xrf2) =	vadd.scan.msk.f32 $0xffff, v46;
	v38 =	vadd.f32 v28, v9  }
0xf8: {  	v55 =	vadd.f32 v37, v35;
	v32 =	vmul.f32 v32, v31;
	v19 =	vmul.f32 v45, v19;
	s9 =	sadd.f32 $9.999999740e-06, s9;
	s19 =	smul.f32 $1.562500000e-02, s23;
	(xrf2) =	vadd.scan.msk.f32 $0xffff, v39  }
0xf9: {  	v57 =	vadd.f32 v53, v52;
	v28 =	vmul.f32 v34, v34;
	v63 =	vmul.f32 v38, v38  }
0xfa: {  	v32 =	vsub.f32 $1.500000000e+00, v32;
	v25 =	vmov s9;
	s24 =	smul.f32 s19, s19;
	s3 =	spop (v2sf);
	v54 =	vadd.f32 v34, v38  }
0xfb: {  	v46 =	vmul.f32 $5.000000000e-01, v25;
	v25 =	vshrl.u32 v25, $0x1;
	s20 =	smul.f32 $1.562500000e-02, s3;
	v28 =	vadd.f32 v28, v63  }
0xfc: {  	v31 =	vmul.f32 v32, v31;
	v25 =	vsub.s32 $0x5F3759DF, v25;
	v58 =	vadd.f32 v55, v54  }
0xfd: {  	s10 =	simm.s32 $0xB640;
	v19 =	vmul.f32 v19, v1;
	v56 =	vmul.f32 v25, v46;
	s9 =	ssub.f32 s20, s24;
	v28 =	vadd.f32 v57, v28  }
0xfe: {  	v17 =	vsub.f32 v17, v36;
	v47 =	vld [tilespmem:s10+$0x0];
	v52 =	vmul.f32 v45, v18;
	v61 =	vmul.f32 v31, v42;
	(xrf2) =	vadd.scan.msk.f32 $0xffff, v58  }
0xff: {  	v50 =	vld [tilespmem:s10+$0x10];
	v59 =	vmov s19;
	v39 =	vadd.f32 v29, v8;
	v29 =	vmul.f32 v25, v56;
	s20 =	sadd.f32 $9.999999740e-06, s9  }
0x100: {  	v53 =	vadd.f32 v19, v5;
	v41 =	vsub.f32 v24, v59;
	v18 =	vmul.f32 v61, v1;
	v61 =	vld [tilespmem:s10+$0xFFFFFFD0]  }
0x101: {  	v62 =	vmul.f32 v31, v43;
	v63 =	vld [tilespmem:s10+$0x30];
	v24 =	vsub.f32 $1.500000000e+00, v29;
	v29 =	vmov s20;
	s20 =	simm.s32 $0x1C0;
	(xrf2) =	vadd.scan.msk.f32 $0xffff, v28;
	v28, _, _ =	vpop (xrf2)  }
0x102: {  	v60 =	vshrl.u32 v29, $0x1;
	v48 =	vmul.f32 $5.000000000e-01, v29;
	v49 =	vld [tilespmem:s20+$0x0];
	(v2sf) =	vpush v28, $0xF;
	v28, _, _ =	vpop (xrf2)  }
0x103: {  	v24 =	vmul.f32 v25, v24;
	v51 =	vld [tilespmem:s20+$0x10];
	v32 =	vsub.s32 $0x5F3759DF, v60;
	(v2sf) =	vpush v28, $0xF  }
0x104: {  	v25 =	vsub.f32 v22, v59;
	v29 =	vsub.f32 v23, v59;
	v23 =	vld [tilespmem:s10+$0x20];
	v22 =	vmul.f32 v32, v48  }
0x105: {  	v19 =	vmul.f32 v62, v2;
	v55 =	vld [tilespmem:s20+$0xFFFFFFD0];
	v28 =	vsub.f32 v20, v59;
	v20 =	vmul.f32 v24, v46  }
0x106: {  	v45 =	vmul.f32 v45, v17;
	v54 =	vadd.f32 v18, v5;
	v42 =	vld [tilespmem:s20+$0x20];
	v22 =	vmul.f32 v32, v22  }
0x107: {  	v56 =	vadd.f32 v19, v6;
	v60 =	vld [tilespmem:s20+$0x30];
	v18 =	vadd.f32 v49, v47;
	v20 =	vmul.f32 v20, v24  }
0x108: {  	v44 =	vmul.f32 v31, v44;
	v19 =	vadd.f32 v51, v50;
	v22 =	vsub.f32 $1.500000000e+00, v22;
	v17, _, _ =	vpop (xrf2)  }
0x109: {  	v31 =	vmul.f32 v31, v40;
	v57 =	vld [tilespmem:s10+$0xFFFFFFE0];
	v20 =	vsub.f32 $1.500000000e+00, v20;
	(v2sf) =	vpush v17, $0xF  }
0x10a: {  	v62 =	vld [tilespmem:s20+$0xFFFFFFE0];
	v36 =	vadd.f32 v55, v61;
	v50 =	vmov s8;
	v22 =	vmul.f32 v32, v22  }
0x10b: {  	v58 =	vld [tilespmem:s20+$0xFFFFFFF0];
	v18 =	vadd.f32 v18, v9;
	v17, _, _ =	vpop (xrf2);
	v24 =	vmul.f32 v20, v24;
	v20 =	vadd.f32 v42, v23  }
0x10c: {  	v23 =	vadd.f32 v60, v63;
	v63 =	vld [tilespmem:s10+$0xFFFFFFF0];
	(v2sf) =	vpush v17, $0xF;
	v17 =	vmul.f32 v22, v48  }
0x10d: {  	v32 =	vmul.f32 v31, v4;
	v46 =	vmul.f32 v24, v46;
	v20 =	vadd.f32 v20, v11  }
0x10e: {  	v33 =	vld [tilespmem:s20+$0xFFFFFFC0];
	v51 =	vmul.f32 v17, v22;
	v17 =	vadd.f32 v19, v10;
	v19 =	vadd.f32 v23, v12  }
0x10f: {  	v47 =	vadd.f32 v62, v57;
	v60 =	vmul.f32 v18, v18;
	v23 =	vld [tilespmem:s10+$0xFFFFFFC0];
	v46 =	vmul.f32 v46, v24  }
0x110: {  	v62 =	vmul.f32 v20, v20;
	v31 =	vadd.f32 v17, v18;
	v59 =	vadd.f32 v19, v20  }
0x111: {  	v42 =	vsub.f32 $1.500000000e+00, v51;
	v40 =	vadd.f32 v58, v63;
	v61 =	vmul.f32 v17, v17;
	s12 =	spop (v2sf)  }
0x112: {  	v63 =	vmul.f32 v19, v19;
	v46 =	vsub.f32 $1.500000000e+00, v46;
	v49 =	vadd.f32 v59, v31;
	s23 =	smul.f32 $1.562500000e-02, s12;
	s19 =	spop (v2sf)  }
0x113: {  	v31 =	vmul.f32 v52, v2;
	v52 =	vsub.f32 v21, v50;
	v43 =	vadd.f32 v61, v60;
	s8 =	smul.f32 $1.562500000e-02, s19  }
0x114: {  	v42 =	vmul.f32 v42, v22;
	v55 =	vadd.f32 v63, v62;
	v23 =	vadd.f32 v33, v23;
	s9 =	smul.f32 s23, s23  }
0x115: {  	v44 =	vmul.f32 v44, v3;
	v21 =	vadd.f32 v36, v10;
	v22 =	vadd.f32 v47, v11  }
0x116: {  	v33 =	vmul.f32 v46, v24;
	v46 =	vmul.f32 v42, v48;
	v24 =	vadd.f32 v23, v9;
	s8 =	ssub.f32 s8, s9  }
0x117: {  	v36 =	vmul.f32 v21, v21;
	v62 =	vmul.f32 v22, v22;
	v23 =	vadd.f32 v40, v12  }
0x118: {  	(xrf2) =	vadd.scan.msk.f32 $0xffff, v49;
	v40 =	vadd.f32 v55, v43;
	v46 =	vmul.f32 v46, v42;
	v57 =	vmul.f32 v24, v24;
	s21 =	spop (v2sf);
	s8 =	sadd.f32 $9.999999740e-06, s8  }
0x119: {  	v59 =	vadd.f32 v21, v24;
	v60 =	vadd.f32 v23, v22;
	v63 =	vmul.f32 v23, v23;
	s9 =	smul.f32 $1.562500000e-02, s21  }
0x11a: {  	v55 =	vadd.f32 v36, v57;
	v57 =	vmul.f32 v33, v52;
	v58 =	vmov s8  }
0x11b: {  	(xrf2) =	vadd.scan.msk.f32 $0xffff, v40;
	v48 =	vadd.f32 v60, v59;
	s24 =	spop (v2sf);
	s22 =	smul.f32 s9, s9;
	v61 =	vshrl.u32 v58, $0x1;
	v36 =	vmul.f32 $5.000000000e-01, v58  }
0x11c: {  	v47 =	vadd.f32 v63, v62;
	v40 =	vmul.f32 v57, v4;
	s19 =	smul.f32 $1.562500000e-02, s24;
	v51 =	vsub.s32 $0x5F3759DF, v61  }
0x11d: {  	v60 =	vsub.f32 $1.500000000e+00, v46;
	v46 =	vadd.f32 v44, v7;
	v59 =	vmul.f32 v51, v36  }
0x11e: {  	v58 =	vsub.f32 v30, v50;
	v62 =	vadd.f32 v40, v8;
	s8 =	ssub.f32 s19, s22  }
0x11f: {  	v43 =	vmul.f32 v60, v42;
	v63 =	vmov s9;
	v49 =	vmul.f32 v51, v59  }
0x120: {  	v47 =	vadd.f32 v47, v55;
	v40 =	vsub.f32 v38, v63;
	s22 =	simm.s32 $0x17CC0;
	v61 =	vmul.f32 v33, v58;
	s8 =	sadd.f32 $9.999999740e-06, s8  }
0x121: {  	s21 =	simm.s32 $0x17D40;
	v30 =	vmul.f32 v45, v3;
	v38 =	vsub.f32 v34, v63;
	[tilespmem:s22+$0x30] =	vst v39;
	v59 =	vsub.f32 $1.500000000e+00, v49  }
0x122: {  	[tilespmem:s21+$0x30] =	vst v62;
	v42 =	vmul.f32 v61, v1;
	v62, _, _ =	vpop (xrf2);
	(xrf2) =	vadd.scan.msk.f32 $0xffff, v48;
	v60 =	vmov s8  }
0x123: {  	[tilespmem:s22+$0x0] =	vst v53;
	v61 =	vshrl.u32 v60, $0x1;
	v34 =	vmul.f32 $5.000000000e-01, v60;
	v44 =	vmul.f32 v51, v59  }
0x124: {  	[tilespmem:s22+$0xFFFFFFE0] =	vst v46;
	v39 =	vsub.f32 v35, v63;
	v35 =	vsub.f32 v37, v63;
	v45 =	vsub.s32 $0x5F3759DF, v61  }
0x125: {  	v46 =	vsub.f32 v27, v50;
	v27, _, _ =	vpop (xrf2);
	(xrf2) =	vadd.scan.msk.f32 $0xffff, v47;
	v63 =	vmul.f32 v45, v34;
	v51 =	vmul.f32 v44, v36  }
0x126: {  	v41 =	vmul.f32 v43, v41;
	[tilespmem:s22+$0xFFFFFFC0] =	vst v54;
	v37 =	vsub.f32 v26, v50;
	(v2sf) =	vpush v62, $0xF  }
0x127: {  	s24 =	simm.s32 $0x6;
	s19 =	sshll.u32 s14, $0x2;
	[tilespmem:s22+$0xFFFFFFD0] =	vst v56;
	s8 =	simm.s32 $0xB6C0;
	(v2sf) =	vpush v27, $0xF;
	v27 =	vmul.f32 v45, v63;
	v47 =	vmul.f32 v51, v44  }
.LBB2_9:
0x128: {  	v48 =	vld [tilespmem:s8+$0x0];
	s20 =	sadd.s32 $0x80, s20;
	v49 =	vmul.f32 v43, v25;
	v50 =	vmul.f32 v43, v28;
	v52 =	vadd.f32 v32, v8;
	v26 =	vmovc v13  }
0x129: {  	v29 =	vmul.f32 v43, v29;
	v13 =	vmovc v20;
	v51 =	vld [tilespmem:s20+$0x0];
	v28 =	vsub.f32 $1.500000000e+00, v27;
	v32 =	vsub.f32 $1.500000000e+00, v47;
	v27 =	vmovc v40  }
0x12a: {  	v40 =	vadd.f32 v42, v5;
	v42 =	vmul.f32 v33, v46;
	v33 =	vmul.f32 v33, v37;
	v20 =	vld [tilespmem:s8+$0x10];
	[tilespmem:s22+$0xFFFFFFF0] =	vst v52  }
0x12b: {  	v25 =	vmovc v38;
	v46 =	vadd.f32 v31, v6;
	v43 =	vld [tilespmem:s20+$0x10];
	v45 =	vmul.f32 v45, v28;
	v44 =	vmul.f32 v32, v44  }
0x12c: {  	v30 =	vadd.f32 v30, v7;
	v37 =	vmul.f32 v49, v2;
	v32 =	vmul.f32 v41, v1;
	v38 =	vld [tilespmem:s8+$0x20];
	v31, _, _ =	vpop (xrf2);
	[tilespmem:s21+$0x0] =	vst v40  }
0x12d: {  	v40 =	vld [tilespmem:s20+$0x20];
	(v2sf) =	vpush v31, $0xF;
	v31 =	vmul.f32 v45, v34;
	v36 =	vmul.f32 v44, v36;
	[tilespmem:s22+$0x10] =	vst v46;
	v28 =	vmovc v39  }
0x12e: {  	v41 =	vadd.f32 v32, v5;
	v46 =	vmul.f32 v50, v3;
	v32 =	vmul.f32 v29, v4;
	v39 =	vld [tilespmem:s8+$0x30];
	[tilespmem:s22+$0x20] =	vst v30;
	s22 =	smov.u32 s21  }
0x12f: {  	v37 =	vadd.f32 v37, v6;
	v47 =	vld [tilespmem:s20+$0x30];
	v29, _, _ =	vpop (xrf2);
	v49 =	vmul.f32 v31, v45;
	v36 =	vmul.f32 v36, v44  }
0x130: {  	v30 =	vmul.f32 v33, v3;
	v31 =	vmul.f32 v42, v2;
	v50 =	vld [tilespmem:s20+$0xFFFFFFC0];
	(v2sf) =	vpush v29, $0xF;
	[tilespmem:s21+$0xFFFFFFC0] =	vst v41;
	v29 =	vmovc v35  }
0x131: {  	v35 =	vld [tilespmem:s8+$0xFFFFFFD0];
	v41 =	vsub.f32 $1.500000000e+00, v49;
	v33 =	vsub.f32 $1.500000000e+00, v36;
	[tilespmem:s21+$0xFFFFFFD0] =	vst v37  }
0x132: {  	s24 =	sadd.s32 $0x2, s24;
	v42 =	vadd.f32 v51, v48;
	v46 =	vadd.f32 v46, v7;
	v37 =	vmov s23;
	v36 =	vld [tilespmem:s20+$0xFFFFFFD0]  }
0x133: {  	p0 =	slt.u32 s24, $0xC6;
	v20 =	vadd.f32 v43, v20;
	v43 =	vsub.f32 v16, v37;
	v16 =	vmovc v19;
	v48 =	vld [tilespmem:s8+$0xFFFFFFE0];
	v33 =	vmul.f32 v33, v44  }
0x134: {  	v19 =	vadd.f32 v40, v38;
	v44 =	vld [tilespmem:s20+$0xFFFFFFE0];
	v38 =	vadd.f32 v47, v39;
	v39 =	vmul.f32 v41, v45;
	[tilespmem:s21+$0xFFFFFFE0] =	vst v46  }
0x135: {  	v49 =	vadd.f32 v20, v10;
	v41 =	vadd.f32 v42, v9;
	v40 =	vld [tilespmem:s8+$0xFFFFFFF0];
	s9 =	spop (v2sf);
	v42 =	vmul.f32 v33, v43  }
0x136: {  	v20 =	vadd.f32 v19, v11;
	v43 =	vld [tilespmem:s20+$0xFFFFFFF0];
	v19 =	vadd.f32 v38, v12;
	s23 =	smul.f32 $1.562500000e-02, s9;
	s9 =	spop (v2sf);
	v34 =	vmul.f32 v39, v34  }
0x137: {  	v38 =	vld [tilespmem:s8+$0xFFFFFFC0];
	v35 =	vadd.f32 v36, v35;
	s9 =	smul.f32 $1.562500000e-02, s9;
	v36 =	vsub.f32 v15, v37;
	v42 =	vmul.f32 v42, v4;
	v15 =	vmovc v18  }
0x138: {  	v45 =	vadd.f32 v49, v41;
	v18 =	vmovc v41;
	v46 =	vadd.f32 v19, v20;
	s10 =	smul.f32 s23, s23;
	v34 =	vmul.f32 v34, v39  }
0x139: {  	v47 =	vmul.f32 v49, v49;
	v41 =	vmul.f32 v41, v18;
	v42 =	vadd.f32 v42, v8  }
0x13a: {  	s21 =	sadd.s32 $0x80, s21;
	v51 =	vmul.f32 v19, v19;
	v44 =	vadd.f32 v44, v48;
	v48 =	vmul.f32 v20, v20;
	s9 =	ssub.f32 s9, s10  }
0x13b: {  	v36 =	vmul.f32 v33, v36;
	v40 =	vadd.f32 v43, v40;
	v43 =	vadd.f32 v46, v45;
	[tilespmem:s21+$0x30] =	vst v42  }
0x13c: {  	v41 =	vadd.f32 v47, v41;
	v45 =	vadd.f32 v51, v48;
	s9 =	sadd.f32 $9.999999740e-06, s9;
	s10 =	spop (v2sf)  }
0x13d: {  	v35 =	vadd.f32 v35, v10;
	v42 =	vmul.f32 v36, v1;
	v38 =	vadd.f32 v50, v38;
	(xrf2) =	vadd.scan.msk.f32 $0xffff, v43;
	s10 =	smul.f32 $1.562500000e-02, s10  }
0x13e: {  	v46 =	vadd.f32 v44, v11;
	v41 =	vadd.f32 v45, v41;
	v36 =	vmov s9  }
0x13f: {  	v38 =	vadd.f32 v38, v9;
	s9 =	smul.f32 s10, s10;
	v43 =	vshrl.u32 v36, $0x1;
	v36 =	vmul.f32 $5.000000000e-01, v36;
	s12 =	spop (v2sf)  }
0x140: {  	v47 =	vadd.f32 v40, v12;
	v40 =	vmul.f32 v35, v35;
	(xrf2) =	vadd.scan.msk.f32 $0xffff, v41;
	s12 =	smul.f32 $1.562500000e-02, s12;
	v41 =	vsub.s32 $0x5F3759DF, v43  }
0x141: {  	v43 =	vadd.f32 v35, v38;
	v44 =	vmul.f32 v38, v38;
	v45 =	vmul.f32 v41, v36  }
0x142: {  	v50 =	vmul.f32 v46, v46;
	v48 =	vadd.f32 v47, v46;
	v51 =	vmul.f32 v47, v47;
	s9 =	ssub.f32 s12, s9  }
0x143: {  	v34 =	vsub.f32 $1.500000000e+00, v34;
	v44 =	vadd.f32 v40, v44;
	v45 =	vmul.f32 v41, v45  }
0x144: {  	v50 =	vadd.f32 v51, v50;
	v51 =	vmov s10;
	v52 =	vadd.f32 v48, v43;
	s9 =	sadd.f32 $9.999999740e-06, s9  }
0x145: {  	v40 =	vsub.f32 v24, v51;
	v43 =	vmul.f32 v34, v39;
	v24 =	vmovc v38;
	v45 =	vsub.f32 $1.500000000e+00, v45  }
0x146: {  	v38 =	vsub.f32 v21, v51;
	v21 =	vmovc v35;
	v50 =	vadd.f32 v50, v44;
	(xrf2) =	vadd.scan.msk.f32 $0xffff, v52;
	v34 =	vmov s9  }
.Ltmp3:
0x147: {  	v48, _, _ =	vpop (xrf2);
	v35 =	vshrl.u32 v34, $0x1;
	v34 =	vmul.f32 $5.000000000e-01, v34;
	v44 =	vmul.f32 v41, v45;
	(pc) =	sbr.rel @p0 .LBB2_9-.Ltmp3, $4  }
0x148: {  	v39 =	vsub.f32 v22, v51;
	v22 =	vmovc v46;
	v45 =	vsub.s32 $0x5F3759DF, v35;
	v35 =	vsub.f32 v23, v51;
	v23 =	vmovc v47  }
0x149: {  	v46 =	vsub.f32 v14, v37;
	(xrf2) =	vadd.scan.msk.f32 $0xffff, v50;
	v47 =	vmul.f32 v45, v34;
	v50 =	vmul.f32 v44, v36  }
0x14a: {  	v37 =	vsub.f32 v26, v37;
	v41 =	vmul.f32 v43, v27;
	(v2sf) =	vpush v48, $0xF;
	v14, _, _ =	vpop (xrf2)  }
0x14b: {  	s8 =	sadd.s32 $0x80, s8;
	(v2sf) =	vpush v14, $0xF;
	v27 =	vmul.f32 v45, v47;
	v47 =	vmul.f32 v50, v44;
	v14 =	vmovc v17;
	v17 =	vmovc v49  }
0x14c: {  	_ =	sdelay $0x3  }
0x14d: {  	v9, _, _ =	vpop (xrf2)  }
0x14e: {  	(v2sf) =	vpush v9, $0xF;
	_ =	sdelay $0x1  }
0x14f: {  	v9, _, _ =	vpop (xrf2)  }
0x150: {  	(v2sf) =	vpush v9, $0xF;
	_ =	sdelay $0x6  }
0x151: {  	s8 =	spop (v2sf)  }
0x152: {  	s8 =	smul.f32 $1.562500000e-02, s8;
	s9 =	spop (v2sf)  }
0x153: {  	s9 =	smul.f32 $1.562500000e-02, s9  }
0x154: {  	s10 =	smul.f32 s8, s8;
	_ =	sdelay $0x1  }
0x155: {  	s9 =	ssub.f32 s9, s10;
	s24 =	spop (v2sf)  }
0x156: {  	v10 =	vmul.f32 v43, v28;
	v28 =	vadd.f32 v32, v8;
	v50 =	vadd.f32 v42, v5;
	s10 =	smul.f32 $1.562500000e-02, s24  }
0x157: {  	v26 =	vmul.f32 v33, v46;
	v31 =	vadd.f32 v31, v6;
	v12 =	vsub.f32 $1.500000000e+00, v47;
	s9 =	sadd.f32 $9.999999740e-06, s9  }
0x158: {  	v54 =	vmov s23;
	v30 =	vadd.f32 v30, v7;
	v11 =	vsub.f32 $1.500000000e+00, v27;
	s12 =	smul.f32 s10, s10;
	s20 =	spop (v2sf)  }
0x159: {  	v27 =	vmul.f32 v33, v37;
	v16 =	vsub.f32 v16, v54;
	v12 =	vmul.f32 v12, v44;
	s20 =	smul.f32 $1.562500000e-02, s20  }
0x15a: {  	v15 =	vsub.f32 v15, v54;
	v10 =	vmul.f32 v10, v3;
	v48 =	vmov s9  }
0x15b: {  	v47 =	vmul.f32 v12, v36;
	v49 =	vshrl.u32 v48, $0x1;
	v36 =	vmul.f32 $5.000000000e-01, v48;
	s3 =	ssub.f32 s20, s12  }
0x15c: {  	v26 =	vmul.f32 v26, v2;
	v11 =	vmul.f32 v45, v11;
	v37 =	vsub.s32 $0x5F3759DF, v49  }
0x15d: {  	v14 =	vsub.f32 v14, v54;
	v27 =	vmul.f32 v27, v3;
	v51 =	vmul.f32 v37, v36;
	s9 =	sadd.f32 $9.999999740e-06, s3  }
0x15e: {  	v13 =	vsub.f32 v13, v54;
	v46 =	vmul.f32 v11, v34;
	v33 =	vmul.f32 v47, v12  }
0x15f: {  	v9 =	vmul.f32 v43, v25;
	v42 =	vmul.f32 v37, v51;
	v52 =	vmov s9  }
0x160: {  	v25 =	vmul.f32 v43, v29;
	v53 =	vshrl.u32 v52, $0x1;
	v43 =	vmul.f32 $5.000000000e-01, v52  }
0x161: {  	v32 =	vmul.f32 v46, v11;
	v42 =	vsub.f32 $1.500000000e+00, v42;
	v44 =	vsub.s32 $0x5F3759DF, v53  }
0x162: {  	v29 =	vmul.f32 v41, v1;
	v33 =	vsub.f32 $1.500000000e+00, v33;
	v55 =	vmul.f32 v44, v43  }
0x163: {  	v32 =	vsub.f32 $1.500000000e+00, v32;
	v9 =	vmul.f32 v9, v2;
	v56 =	vmul.f32 v37, v42  }
0x164: {  	v10 =	vadd.f32 v10, v7;
	v12 =	vmul.f32 v33, v12;
	v33 =	vmul.f32 v44, v55  }
0x165: {  	v27 =	vadd.f32 v27, v7;
	v11 =	vmul.f32 v32, v11;
	v37 =	vmul.f32 v56, v36  }
0x166: {  	v25 =	vmul.f32 v25, v4;
	v16 =	vmul.f32 v12, v16;
	v33 =	vsub.f32 $1.500000000e+00, v33  }
0x167: {  	v9 =	vadd.f32 v9, v6;
	v57 =	vmul.f32 v11, v34;
	v37 =	vmul.f32 v37, v56  }
0x168: {  	[tilespmem:s21+$0xFFFFFFE0] =	vst v10;
	v10 =	vadd.f32 v26, v6;
	v15 =	vmul.f32 v12, v15;
	v33 =	vmul.f32 v44, v33  }
0x169: {  	[tilespmem:s21+$0xFFFFFFD0] =	vst v9;
	v9 =	vmul.f32 v12, v14;
	v12 =	vmul.f32 v12, v13;
	v37 =	vsub.f32 $1.500000000e+00, v37  }
0x16a: {  	v29 =	vadd.f32 v29, v5;
	v16 =	vmul.f32 v16, v4;
	v44 =	vmul.f32 v33, v43  }
0x16b: {  	v25 =	vadd.f32 v25, v8;
	v34 =	vmul.f32 v57, v11;
	v32 =	vmul.f32 v37, v56  }
0x16c: {  	[tilespmem:s22+$0xFFFFFFF0] =	vst v28;
	v15 =	vmul.f32 v15, v1;
	v14 =	vmov s8;
	v28 =	vmul.f32 v44, v33  }
0x16d: {  	v9 =	vmul.f32 v9, v2;
	v34 =	vsub.f32 $1.500000000e+00, v34;
	v36 =	vmul.f32 v32, v36  }
0x16e: {  	v12 =	vmul.f32 v12, v3;
	v16 =	vadd.f32 v16, v8;
	v28 =	vsub.f32 $1.500000000e+00, v28  }
0x16f: {  	[tilespmem:s21+$0x0] =	vst v50;
	v15 =	vadd.f32 v15, v5;
	v11 =	vmul.f32 v34, v11;
	v36 =	vmul.f32 v36, v32  }
0x170: {  	[tilespmem:s22+$0x10] =	vst v31;
	v19 =	vsub.f32 v19, v14;
	v18 =	vsub.f32 v18, v14;
	v28 =	vmul.f32 v28, v33  }
0x171: {  	[tilespmem:s22+$0x20] =	vst v30;
	v34 =	vmul.f32 v11, v40;
	v31 =	vmul.f32 v11, v38;
	v13 =	vsub.f32 $1.500000000e+00, v36  }
0x172: {  	[tilespmem:s21+$0x20] =	vst v27;
	v9 =	vadd.f32 v9, v6;
	v30 =	vmul.f32 v11, v39;
	s12 =	sadd.s32 $0x80, s21;
	v26 =	vmul.f32 v28, v43  }
0x173: {  	v12 =	vadd.f32 v12, v7;
	[tilespmem:s12+$0x30] =	vst v16;
	v16 =	vmul.f32 v34, v1;
	v13 =	vmul.f32 v13, v32  }
0x174: {  	[tilespmem:s21+$0xFFFFFFF0] =	vst v25;
	v11 =	vmul.f32 v11, v35;
	v58 =	vmov s10;
	v26 =	vmul.f32 v26, v28  }
0x175: {  	v25 =	vmul.f32 v31, v2;
	[tilespmem:s12+$0x0] =	vst v15;
	v15 =	vadd.f32 v16, v5;
	v16 =	vmul.f32 v13, v19  }
0x176: {  	[tilespmem:s21+$0x10] =	vst v10;
	v10 =	vmul.f32 v30, v3;
	v11 =	vmul.f32 v11, v4;
	v19 =	vsub.f32 $1.500000000e+00, v26  }
0x177: {  	[tilespmem:s21+$0xFFFFFFC0] =	vst v29;
	v24 =	vsub.f32 v24, v58;
	v25 =	vadd.f32 v25, v6;
	v16 =	vmul.f32 v16, v4  }
0x178: {  	v21 =	vsub.f32 v21, v58;
	v10 =	vadd.f32 v10, v7;
	[tilespmem:s12+$0xFFFFFFC0] =	vst v15;
	v15 =	vmul.f32 v19, v28  }
0x179: {  	v22 =	vsub.f32 v22, v58;
	[tilespmem:s12+$0xFFFFFFD0] =	vst v25;
	v18 =	vmul.f32 v13, v18;
	v16 =	vadd.f32 v16, v8  }
0x17a: {  	v11 =	vadd.f32 v11, v8;
	[tilespmem:s12+$0xFFFFFFE0] =	vst v10;
	s20 =	sadd.s32 $0x80, s12;
	v10 =	vsub.f32 v17, v14;
	v17 =	vmul.f32 v15, v24  }
0x17b: {  	v23 =	vsub.f32 v23, v58;
	v18 =	vmul.f32 v18, v1;
	[tilespmem:s20+$0x30] =	vst v16;
	v16 =	vmul.f32 v15, v21  }
0x17c: {  	v14 =	vsub.f32 v20, v14;
	[tilespmem:s12+$0xFFFFFFF0] =	vst v11;
	v19 =	vmul.f32 v15, v22;
	v11 =	vmul.f32 v17, v1  }
0x17d: {  	[tilespmem:s12+$0x10] =	vst v9;
	v18 =	vadd.f32 v18, v5;
	v15 =	vmul.f32 v15, v23;
	v16 =	vmul.f32 v16, v2  }
0x17e: {  	[tilespmem:s12+$0x20] =	vst v12;
	v10 =	vmul.f32 v13, v10;
	v9 =	vadd.f32 v11, v5;
	v11 =	vmul.f32 v19, v3  }
0x17f: {  	v13 =	vmul.f32 v13, v14;
	[tilespmem:s20+$0x0] =	vst v18;
	v14 =	vmul.f32 v15, v4;
	v12 =	vadd.f32 v16, v6  }
0x180: {  	[tilespmem:s20+$0xFFFFFFC0] =	vst v9;
	v9 =	vmul.f32 v10, v2;
	v10 =	vadd.f32 v11, v7  }
0x181: {  	v11 =	vmul.f32 v13, v3;
	[tilespmem:s20+$0xFFFFFFD0] =	vst v12;
	v12 =	vadd.f32 v14, v8  }
0x182: {  	s21 =	sadd.s32 s5, s19;
	[tilespmem:s20+$0xFFFFFFE0] =	vst v10;
	v9 =	vadd.f32 v9, v6  }
0x183: {  	s9 =	smul.u32 $0x640, s21;
	[tilespmem:s20+$0xFFFFFFF0] =	vst v12;
	v10 =	vadd.f32 v11, v7  }
0x184: {  	p0 =	seq.s32 s14, $0x1F;
	[tilespmem:s20+$0x10] =	vst v9  }
0x185: {  	s8 =	sadd.s32 @!p0 $0x4FC0, s17;
	s22 =	sadd.s32 s4, s9;
	[tilespmem:s20+$0x20] =	vst v10  }
0x186: {  	[hbm4b:s22+s6] =	stream.linear.scatter [tilespmem:s28], [sflag:$0x5], $0x3200, $0x38;
	[tilespmem:$0x1E080] =	vst v63  }
0x187: {  	s10 =	simm.s32 @!p0 $0xB480;
	s9 =	simm.s32 @!p0 $0xC8;
	s20 =	sor.u32 $0x1, s19  }
0x188: {  	[tilespmem:s10], [sflag:$0x1] =	stream.indirect.gather @!p0 [hbm4b:s7+s9], $0x40, s8, s9, $0xb8;
	[tilespmem:$0x1E080] =	vst v63  }
0x189: {  	s23 =	smul.u32 $0x340, s20;
	_ =	swait.ge [sflag:s29], $0x3200  }
0x18a: {  	[sflag:s29] =	ssyncset.done $0x0  }
0x18b: {  	s8 =	sshra.s32 s23, $0x2;
	[sflag:s29] =	ssyncadd.s32 $0xFFFFCE00  }
0x18c: {  	v9 =	vld [tilespmem:s8+$0x4C80]  }
0x18d: {  	v10 =	vld [tilespmem:s8+$0x4C90]  }
0x18e: {  	v11 =	vld [tilespmem:s8+$0x4CA0]  }
0x18f: {  	v12 =	vld [tilespmem:s8+$0x4CB0]  }
0x190: {  	v13 =	vld [tilespmem:s8+$0x4CC0]  }
0x191: {  	v14 =	vld [tilespmem:s8+$0x4CD0]  }
0x192: {  	vm0 =	vne.s32 v9, $0x0;
	vm1 =	vne.s32 v10, $0x0;
	v9 =	vld [tilespmem:s8+$0x4CE0]  }
0x193: {  	vm5 =	vne.s32 v11, $0x0;
	v11 =	vld [tilespmem:s8+$0x4CF0];
	v10 =	vsel vm0, $0x1, v0;
	v15 =	vsel vm1, $0x1, v0  }
0x194: {  	vm6 =	vne.s32 v12, $0x0;
	v12 =	vld [tilespmem:s8+$0x4D00];
	v10 =	vadd.s32 v10, v15;
	v15 =	vsel vm5, $0x1, v0  }
0x195: {  	vm7 =	vne.s32 v13, $0x0;
	v13 =	vld [tilespmem:s8+$0x4D10];
	v10 =	vadd.s32 v15, v10;
	v15 =	vsel vm6, $0x1, v0  }
0x196: {  	vm8 =	vne.s32 v14, $0x0;
	v14 =	vld [tilespmem:s8+$0x4D20];
	v10 =	vadd.s32 v15, v10;
	v15 =	vsel vm7, $0x1, v0  }
0x197: {  	v10 =	vadd.s32 v15, v10;
	v15 =	vsel vm8, $0x1, v0;
	vm9 =	vne.s32 v9, $0x0;
	v9 =	vld [tilespmem:s8+$0x4D30]  }
0x198: {  	vm10 =	vne.s32 v11, $0x0;
	v11 =	vld [tilespmem:s8+$0x4D40];
	v10 =	vadd.s32 v15, v10;
	v15 =	vsel vm9, $0x1, v0  }
0x199: {  	vm11 =	vne.s32 v12, $0x0;
	v10 =	vadd.s32 v15, v10;
	v15 =	vsel vm10, $0x1, v0  }
0x19a: {  	vm12 =	vne.s32 v13, $0x0;
	v12 =	vsel vm11, $0x1, v0;
	v10 =	vadd.s32 v15, v10  }
0x19b: {  	vm13 =	vne.s32 v14, $0x0;
	v10 =	vadd.s32 v12, v10;
	v12 =	vsel vm12, $0x1, v0  }
0x19c: {  	v10 =	vadd.s32 v12, v10;
	v12 =	vsel vm13, $0x1, v0;
	vm14 =	vne.s32 v9, $0x0  }
0x19d: {  	vm15 =	vne.s32 v11, $0x0;
	v9 =	vadd.s32 v12, v10;
	v10 =	vsel vm14, $0x1, v0  }
0x19e: {  	v9 =	vadd.s32 v10, v9;
	v10 =	vsel vm15, $0x1, v0  }
0x19f: {  	v9 =	vadd.s32 v10, v9  }
0x1a0: {  	(xrf0) =	vadd.scan.msk.s32 $0xffff, v9;
	_ =	sdelay $0x5  }
0x1a1: {  	v9, _, _ =	vpop (xrf0)  }
0x1a2: {  	(v2sf) =	vpush v9, $0xF;
	_ =	sdelay $0xe  }
0x1a3: {  	s24 =	spop (v2sf)  }
0x1a4: {  	s3 =	smulhi.u32 $0x66666667, s24;
	s12 =	sshra.s32 s24, $0x1F  }
0x1a5: {  	s10 =	smul.u32 $0x66666667, s12;
	_ =	sdelay $0x1  }
0x1a6: {  	s9 =	sadd.s32 s10, s3  }
0x1a7: {  	s10 =	sshrl.u32 s9, $0x1F;
	s9 =	sshra.s32 s9, $0x1  }
0x1a8: {  	s9 =	sadd.s32 s10, s9  }
0x1a9: {  	s10 =	smul.u32 $0xFFFFFFFB, s9  }
0x1aa: {  	s21 =	ssub.s32 $0x0, s24  }
0x1ab: {  	p2 =	slt.s32 s24, $0x1;
	p3 =	sne.s32 s10, s21  }
0x1ac: {  	p2 =	por !p2, !p3  }
0x1ad: {  	s8 =	simm.s32 $0x1;
	p2 =	por !p2, !p2  }
0x1ae: {  	s8 =	simm.s32 @!p2 $0x0  }
0x1af: {  	s8 =	ssub.s32 s9, s8  }
0x1b0: {  	s8 =	sshll.u32 s8, $0x8  }
0x1b1: {  	s8 =	sshra.s32 s8, $0x2  }
0x1b2: {  	v9 =	vld [tilespmem:s8+$0x3F00]  }
0x1b3: {  	v10 =	vld [tilespmem:s8+$0x3F10]  }
0x1b4: {  	v11 =	vld [tilespmem:s8+$0x3F20]  }
0x1b5: {  	v12 =	vld [tilespmem:s8+$0x3F30];
	s8 =	simm.s32 @!p1 $0x6  }
0x1b6: {  	_ =	swait.ge @!p1 [sflag:s8], $0x3200  }
0x1b7: {  	[sflag:s8] =	ssyncset.done @!p1 $0x0  }
0x1b8: {  	s22 =	simm.s32 $0xE6F0;
	[sflag:s8] =	ssyncadd.s32 @!p1 $0xFFFFCE00  }
0x1b9: {  	s23 =	simm.s32 $0x40;
	v13 =	vld [tilespmem:s22+$0xFFFFFFD0]  }
0x1ba: {  	v14 =	vld [tilespmem:s23+$0x0]  }
0x1bb: {  	v15 =	vld [tilespmem:s22+$0xFFFFFFE0]  }
0x1bc: {  	v16 =	vld [tilespmem:s23+$0x10]  }
0x1bd: {  	v17 =	vld [tilespmem:s22+$0xFFFFFFF0]  }
0x1be: {  	v18 =	vld [tilespmem:s23+$0x20]  }
0x1bf: {  	v19 =	vld [tilespmem:s22+$0x0]  }
0x1c0: {  	v20 =	vld [tilespmem:s23+$0x30]  }
0x1c1: {  	v21 =	vld [tilespmem:s22+$0xFFFFFFA0]  }
0x1c2: {  	v22 =	vld [tilespmem:s23+$0xFFFFFFD0]  }
0x1c3: {  	v23 =	vld [tilespmem:s22+$0xFFFFFFB0]  }
0x1c4: {  	v24 =	vld [tilespmem:s22+$0xFFFFFFC0];
	v13 =	vadd.f32 v14, v13;
	v14 =	vadd.f32 v16, v15  }
0x1c5: {  	v15 =	vld [tilespmem:s23+$0xFFFFFFE0];
	v16 =	vadd.f32 v18, v17;
	v20 =	vadd.f32 v20, v19  }
0x1c6: {  	v25 =	vld [tilespmem:s23+$0xFFFFFFC0];
	v19 =	vadd.f32 v13, v9;
	v18 =	vadd.f32 v14, v10  }
0x1c7: {  	v14 =	vld [tilespmem:s23+$0xFFFFFFF0];
	v17 =	vadd.f32 v16, v11;
	v13 =	vadd.f32 v20, v12  }
0x1c8: {  	v16 =	vld [tilespmem:s22+$0xFFFFFF90];
	v20 =	vadd.f32 v22, v21;
	v21 =	vadd.f32 v18, v19  }
0x1c9: {  	v22 =	vadd.f32 v13, v17;
	v26 =	vmul.f32 v19, v19;
	v27 =	vmul.f32 v18, v18  }
0x1ca: {  	v28 =	vmul.f32 v13, v13;
	v15 =	vadd.f32 v15, v23;
	v23 =	vmul.f32 v17, v17  }
0x1cb: {  	v21 =	vadd.f32 v22, v21;
	v22 =	vadd.f32 v27, v26  }
0x1cc: {  	v24 =	vadd.f32 v14, v24;
	v23 =	vadd.f32 v28, v23  }
0x1cd: {  	v25 =	vadd.f32 v25, v16;
	v16 =	vadd.f32 v20, v10  }
0x1ce: {  	v14 =	vadd.f32 v15, v11;
	v20 =	vadd.f32 v23, v22  }
0x1cf: {  	v25 =	vadd.f32 v25, v9;
	v15 =	vadd.f32 v24, v12  }
0x1d0: {  	(xrf2) =	vadd.scan.msk.f32 $0xffff, v21;
	v21 =	vmul.f32 v16, v16  }
0x1d1: {  	v24 =	vmul.f32 v14, v14;
	(xrf2) =	vadd.scan.msk.f32 $0xffff, v20;
	v20 =	vadd.f32 v16, v25;
	v23 =	vadd.f32 v15, v14  }
0x1d2: {  	v22 =	vmul.f32 v25, v25;
	v26 =	vmul.f32 v15, v15  }
0x1d3: {  	v20 =	vadd.f32 v23, v20  }
0x1d4: {  	v21 =	vadd.f32 v21, v22;
	v22 =	vadd.f32 v26, v24;
	_ =	sdelay $0x1  }
0x1d5: {  	(xrf2) =	vadd.scan.msk.f32 $0xffff, v20;
	v20 =	vadd.f32 v22, v21;
	_ =	sdelay $0x3  }
0x1d6: {  	(xrf2) =	vadd.scan.msk.f32 $0xffff, v20;
	v20, _, _ =	vpop (xrf2)  }
0x1d7: {  	(v2sf) =	vpush v20, $0xF;
	v20, _, _ =	vpop (xrf2)  }
0x1d8: {  	s3 =	simm.s32 $0xC0;
	(v2sf) =	vpush v20, $0xF  }
0x1d9: {  	s24 =	simm.s32 $0xE770;
	v29 =	vld [tilespmem:s3+$0x30]  }
0x1da: {  	v31 =	vld [tilespmem:s24+$0xFFFFFFA0]  }
0x1db: {  	v27 =	vld [tilespmem:s24+$0x0]  }
0x1dc: {  	v23 =	vld [tilespmem:s3+$0x10]  }
0x1dd: {  	v21 =	vld [tilespmem:s3+$0x0]  }
0x1de: {  	v20 =	vld [tilespmem:s24+$0xFFFFFFD0];
	v24, _, _ =	vpop (xrf2)  }
0x1df: {  	v22 =	vld [tilespmem:s24+$0xFFFFFFE0];
	(v2sf) =	vpush v24, $0xF  }
0x1e0: {  	v26 =	vld [tilespmem:s24+$0xFFFFFFF0]  }
0x1e1: {  	v24 =	vld [tilespmem:s3+$0x20];
	v28, _, _ =	vpop (xrf2)  }
0x1e2: {  	v59 =	vld [tilespmem:s3+$0xFFFFFFD0];
	(v2sf) =	vpush v28, $0xF  }
0x1e3: {  	v61 =	vld [tilespmem:s3+$0xFFFFFFF0];
	v20 =	vadd.f32 v21, v20  }
0x1e4: {  	v21 =	vadd.f32 v23, v22;
	v22 =	vld [tilespmem:s24+$0xFFFFFFB0]  }
0x1e5: {  	v30 =	vadd.f32 v20, v9;
	v20 =	vld [tilespmem:s24+$0xFFFFFFC0]  }
0x1e6: {  	v28 =	vld [tilespmem:s3+$0xFFFFFFC0];
	v23 =	vadd.f32 v24, v26;
	v24 =	vadd.f32 v29, v27;
	s12 =	spop (v2sf)  }
0x1e7: {  	v31 =	vadd.f32 v59, v31;
	v29 =	vld [tilespmem:s3+$0xFFFFFFE0];
	v27 =	vadd.f32 v21, v10;
	s8 =	smul.f32 $1.562500000e-02, s12;
	s21 =	spop (v2sf)  }
0x1e8: {  	v26 =	vadd.f32 v23, v11;
	v21 =	vadd.f32 v24, v12;
	v23 =	vld [tilespmem:s24+$0xFFFFFF90];
	s22 =	smul.f32 $1.562500000e-02, s21  }
0x1e9: {  	v24 =	vmul.f32 v30, v30;
	v60 =	vmul.f32 v27, v27;
	v40 =	vadd.f32 v27, v30;
	s23 =	smul.f32 s8, s8  }
0x1ea: {  	v43 =	vadd.f32 v61, v20;
	v62 =	vmul.f32 v26, v26;
	v63 =	vmul.f32 v21, v21  }
0x1eb: {  	v41 =	vadd.f32 v21, v26;
	v24 =	vadd.f32 v60, v24;
	s9 =	ssub.f32 s22, s23  }
0x1ec: {  	v29 =	vadd.f32 v29, v22;
	v32 =	vadd.f32 v63, v62  }
0x1ed: {  	v42 =	vadd.f32 v41, v40;
	v23 =	vadd.f32 v28, v23;
	s9 =	sadd.f32 $9.999999740e-06, s9  }
0x1ee: {  	v22 =	vadd.f32 v31, v10;
	v28 =	vadd.f32 v32, v24;
	s24 =	spop (v2sf)  }
0x1ef: {  	v20 =	vadd.f32 v29, v11;
	(xrf2) =	vadd.scan.msk.f32 $0xffff, v42;
	v24 =	vadd.f32 v23, v9;
	s10 =	smul.f32 $1.562500000e-02, s24;
	v29 =	vmov s9  }
0x1f0: {  	v23 =	vadd.f32 v43, v12;
	(xrf2) =	vadd.scan.msk.f32 $0xffff, v28;
	v28 =	vshrl.u32 v29, $0x1;
	v29 =	vmul.f32 $5.000000000e-01, v29  }
0x1f1: {  	v31 =	vmul.f32 v22, v22;
	v48 =	vmul.f32 v20, v20;
	s21 =	spop (v2sf);
	s3 =	smul.f32 s10, s10;
	v28 =	vsub.s32 $0x5F3759DF, v28  }
0x1f2: {  	v44 =	vadd.f32 v22, v24;
	v47 =	vadd.f32 v23, v20;
	s12 =	smul.f32 $1.562500000e-02, s21;
	v46 =	vmul.f32 v28, v29  }
0x1f3: {  	v45 =	vmul.f32 v24, v24;
	v49 =	vmul.f32 v23, v23  }
0x1f4: {  	v32 =	vadd.f32 v47, v44;
	s9 =	ssub.f32 s12, s3;
	v34 =	vmul.f32 v28, v46  }
0x1f5: {  	v31 =	vadd.f32 v31, v45;
	v50 =	vadd.f32 v49, v48  }
0x1f6: {  	(xrf2) =	vadd.scan.msk.f32 $0xffff, v32;
	s9 =	sadd.f32 $9.999999740e-06, s9;
	v34 =	vsub.f32 $1.500000000e+00, v34  }
0x1f7: {  	v31 =	vadd.f32 v50, v31  }
0x1f8: {  	s22 =	simm.s32 $0xE7F0;
	v49 =	vmov s10;
	v51 =	vmov s9;
	v28 =	vmul.f32 v28, v34  }
0x1f9: {  	s23 =	simm.s32 $0x140;
	v61 =	vld [tilespmem:s22+$0xFFFFFFF0];
	v43 =	vsub.f32 v16, v49;
	v53, _, _ =	vpop (xrf2);
	(xrf2) =	vadd.scan.msk.f32 $0xffff, v31;
	v52 =	vshrl.u32 v51, $0x1;
	v32 =	vmul.f32 $5.000000000e-01, v51  }
0x1fa: {  	v16 =	vld [tilespmem:s23+$0x30];
	(v2sf) =	vpush v53, $0xF;
	v54, _, _ =	vpop (xrf2);
	v33 =	vsub.s32 $0x5F3759DF, v52;
	v55 =	vmul.f32 v28, v29  }
0x1fb: {  	v50 =	vld [tilespmem:s22+$0x0];
	(v2sf) =	vpush v54, $0xF;
	v31 =	vmul.f32 v33, v32  }
0x1fc: {  	v63 =	vld [tilespmem:s23+$0x20];
	v56 =	vmul.f32 v55, v28  }
0x1fd: {  	v36 =	vmov s8;
	v57 =	vld [tilespmem:s22+$0xFFFFFFD0];
	v31 =	vmul.f32 v33, v31  }
0x1fe: {  	v19 =	vsub.f32 v19, v36;
	v58 =	vld [tilespmem:s23+$0x0];
	v34 =	vsub.f32 $1.500000000e+00, v56  }
0x1ff: {  	v18 =	vsub.f32 v18, v36;
	v59 =	vld [tilespmem:s22+$0xFFFFFFE0];
	v31 =	vsub.f32 $1.500000000e+00, v31  }
0x200: {  	v60 =	vld [tilespmem:s23+$0x10];
	v16 =	vadd.f32 v16, v50;
	v54 =	vsub.f32 v13, v36;
	v62, _, _ =	vpop (xrf2);
	v28 =	vmul.f32 v34, v28  }
0x201: {  	v53 =	vld [tilespmem:s22+$0xFFFFFFB0];
	v13 =	vadd.f32 v63, v61;
	(v2sf) =	vpush v62, $0xF;
	v31 =	vmul.f32 v33, v31  }
0x202: {  	v42 =	vsub.f32 v25, v49;
	v44 =	vsub.f32 v14, v49;
	v55 =	vld [tilespmem:s23+$0xFFFFFFE0];
	v29 =	vmul.f32 v28, v29  }
0x203: {  	v52 =	vld [tilespmem:s23+$0xFFFFFFD0];
	v16 =	vadd.f32 v16, v12;
	v13 =	vadd.f32 v13, v11;
	v25, _, _ =	vpop (xrf2);
	v48 =	vmul.f32 v31, v32  }
0x204: {  	v40 =	vsub.f32 v15, v49;
	v56 =	vld [tilespmem:s22+$0xFFFFFFC0];
	(v2sf) =	vpush v25, $0xF;
	v14 =	vmul.f32 v29, v28  }
0x205: {  	v37 =	vadd.f32 v60, v59;
	v61 =	vadd.f32 v16, v13;
	v25 =	vld [tilespmem:s22+$0xFFFFFFA0];
	v34 =	vmul.f32 v48, v31  }
0x206: {  	v29 =	vld [tilespmem:s23+$0xFFFFFFC0];
	v51 =	vsub.f32 $1.500000000e+00, v14;
	v14 =	vadd.f32 v58, v57  }
0x207: {  	v49 =	vmul.f32 v16, v16;
	v35 =	vadd.f32 v55, v53;
	v34 =	vsub.f32 $1.500000000e+00, v34;
	v57 =	vld [tilespmem:s23+$0xFFFFFFF0]  }
0x208: {  	v15 =	vadd.f32 v14, v9;
	v14 =	vadd.f32 v37, v10;
	v45 =	vmul.f32 v51, v28;
	v28 =	vld [tilespmem:s22+$0xFFFFFF90]  }
0x209: {  	v48 =	vmul.f32 v13, v13;
	v35 =	vadd.f32 v35, v11;
	s24 =	spop (v2sf);
	v31 =	vmul.f32 v34, v31  }
0x20a: {  	v25 =	vadd.f32 v52, v25;
	s8 =	smul.f32 $1.562500000e-02, s24;
	s3 =	spop (v2sf);
	v58 =	vmul.f32 v15, v15;
	v59 =	vmul.f32 v14, v14  }
0x20b: {  	v62 =	vadd.f32 v49, v48;
	v52 =	vmul.f32 v35, v35;
	s10 =	smul.f32 $1.562500000e-02, s3;
	v60 =	vadd.f32 v14, v15  }
0x20c: {  	s12 =	smul.f32 s8, s8;
	v32 =	vmul.f32 v31, v32;
	v33 =	vadd.f32 v57, v56;
	v39 =	vadd.f32 v59, v58  }
0x20d: {  	v38 =	vmul.f32 v45, v54;
	v46 =	vadd.f32 v61, v60;
	v28 =	vadd.f32 v29, v28  }
0x20e: {  	v34 =	vadd.f32 v25, v10;
	s9 =	ssub.f32 s10, s12;
	v32 =	vmul.f32 v32, v31;
	v39 =	vadd.f32 v62, v39  }
0x20f: {  	v29 =	vmul.f32 v38, v4;
	v37 =	vadd.f32 v33, v12;
	(xrf2) =	vadd.scan.msk.f32 $0xffff, v46;
	v38 =	vadd.f32 v28, v9  }
0x210: {  	v17 =	vsub.f32 v17, v36;
	v19 =	vmul.f32 v45, v19;
	s9 =	sadd.f32 $9.999999740e-06, s9;
	s21 =	spop (v2sf);
	v28 =	vmul.f32 v34, v34;
	(xrf2) =	vadd.scan.msk.f32 $0xffff, v39  }
0x211: {  	s10 =	smul.f32 $1.562500000e-02, s21;
	v32 =	vsub.f32 $1.500000000e+00, v32;
	v53 =	vmul.f32 v37, v37;
	v63 =	vmul.f32 v38, v38  }
0x212: {  	v25 =	vmov s9;
	v55 =	vadd.f32 v37, v35;
	v54 =	vadd.f32 v34, v38  }
0x213: {  	v46 =	vmul.f32 $5.000000000e-01, v25;
	s22 =	smul.f32 s10, s10;
	s23 =	spop (v2sf);
	v57 =	vadd.f32 v53, v52;
	v28 =	vadd.f32 v28, v63  }
0x214: {  	v25 =	vshrl.u32 v25, $0x1;
	v31 =	vmul.f32 v32, v31;
	s12 =	smul.f32 $1.562500000e-02, s23;
	v58 =	vadd.f32 v55, v54  }
0x215: {  	s24 =	simm.s32 $0xE870;
	v19 =	vmul.f32 v19, v1;
	v25 =	vsub.s32 $0x5F3759DF, v25;
	v28 =	vadd.f32 v57, v28  }
0x216: {  	v47 =	vld [tilespmem:s24+$0xFFFFFFD0];
	v59 =	vmov s10;
	v56 =	vmul.f32 v25, v46;
	v61 =	vmul.f32 v31, v42;
	s9 =	ssub.f32 s12, s22;
	(xrf2) =	vadd.scan.msk.f32 $0xffff, v58  }
0x217: {  	v50 =	vld [tilespmem:s24+$0xFFFFFFE0];
	s21 =	simm.s32 $0x1C0;
	v41 =	vsub.f32 v24, v59;
	v62 =	vmul.f32 v31, v43;
	v44 =	vmul.f32 v31, v44  }
0x218: {  	v49 =	vld [tilespmem:s21+$0x0];
	v39 =	vadd.f32 v29, v8;
	v31 =	vmul.f32 v31, v40;
	v29 =	vmul.f32 v25, v56;
	s12 =	sadd.f32 $9.999999740e-06, s9  }
0x219: {  	v51 =	vld [tilespmem:s21+$0x10];
	v52 =	vmul.f32 v45, v18;
	v53 =	vadd.f32 v19, v5;
	v18 =	vmul.f32 v61, v1;
	(xrf2) =	vadd.scan.msk.f32 $0xffff, v28;
	v28, _, _ =	vpop (xrf2)  }
0x21a: {  	v42 =	vld [tilespmem:s21+$0x20];
	v24 =	vsub.f32 $1.500000000e+00, v29;
	v29 =	vmov s12;
	(v2sf) =	vpush v28, $0xF;
	v28, _, _ =	vpop (xrf2)  }
0x21b: {  	v61 =	vld [tilespmem:s21+$0xFFFFFFD0];
	v60 =	vshrl.u32 v29, $0x1;
	v48 =	vmul.f32 $5.000000000e-01, v29;
	(v2sf) =	vpush v28, $0xF  }
0x21c: {  	v19 =	vmul.f32 v62, v2;
	v56 =	vld [tilespmem:s24+$0xFFFFFFB0];
	v54 =	vadd.f32 v18, v5;
	v32 =	vsub.s32 $0x5F3759DF, v60  }
0x21d: {  	v62 =	vld [tilespmem:s21+$0xFFFFFFE0];
	v24 =	vmul.f32 v25, v24;
	v25 =	vsub.f32 v22, v59;
	v22 =	vmul.f32 v32, v48  }
0x21e: {  	v45 =	vmul.f32 v45, v17;
	v55 =	vadd.f32 v19, v6;
	v18 =	vadd.f32 v49, v47;
	v60 =	vld [tilespmem:s24+$0xFFFFFFA0]  }
0x21f: {  	v43 =	vld [tilespmem:s24+$0x0];
	v22 =	vmul.f32 v32, v22;
	v28 =	vsub.f32 v20, v59;
	v20 =	vmul.f32 v24, v46  }
0x220: {  	v44 =	vmul.f32 v44, v3;
	v19 =	vadd.f32 v51, v50;
	v29 =	vsub.f32 v23, v59;
	v23 =	vld [tilespmem:s24+$0xFFFFFFF0];
	v17, _, _ =	vpop (xrf2)  }
0x221: {  	v63 =	vld [tilespmem:s21+$0x30];
	v22 =	vsub.f32 $1.500000000e+00, v22;
	v20 =	vmul.f32 v20, v24;
	(v2sf) =	vpush v17, $0xF  }
0x222: {  	v50 =	vmov s8;
	v18 =	vadd.f32 v18, v9;
	v47 =	vadd.f32 v62, v56  }
0x223: {  	v36 =	vadd.f32 v61, v60;
	v22 =	vmul.f32 v32, v22;
	v20 =	vsub.f32 $1.500000000e+00, v20;
	v17, _, _ =	vpop (xrf2)  }
0x224: {  	v32 =	vmul.f32 v52, v2;
	v52 =	vsub.f32 v21, v50;
	(v2sf) =	vpush v17, $0xF  }
0x225: {  	v58 =	vld [tilespmem:s21+$0xFFFFFFF0];
	v24 =	vmul.f32 v20, v24;
	v20 =	vadd.f32 v42, v23;
	v17 =	vmul.f32 v22, v48  }
0x226: {  	v31 =	vmul.f32 v31, v4;
	v21 =	vadd.f32 v36, v10;
	v23 =	vadd.f32 v63, v43;
	v63 =	vld [tilespmem:s24+$0xFFFFFFC0]  }
0x227: {  	v33 =	vld [tilespmem:s21+$0xFFFFFFC0];
	v46 =	vmul.f32 v24, v46;
	v20 =	vadd.f32 v20, v11;
	v57 =	vmul.f32 v17, v22  }
0x228: {  	v61 =	vmul.f32 v18, v18;
	v17 =	vadd.f32 v19, v10;
	v19 =	vadd.f32 v23, v12;
	v23 =	vld [tilespmem:s24+$0xFFFFFF90]  }
0x229: {  	v36 =	vmul.f32 v21, v21;
	v46 =	vmul.f32 v46, v24;
	v42 =	vsub.f32 $1.500000000e+00, v57;
	s3 =	spop (v2sf)  }
0x22a: {  	v59 =	vadd.f32 v17, v18;
	v60 =	vadd.f32 v19, v20;
	v62 =	vmul.f32 v17, v17;
	s24 =	smul.f32 $1.562500000e-02, s3;
	s10 =	spop (v2sf)  }
0x22b: {  	v40 =	vadd.f32 v58, v63;
	v63 =	vmul.f32 v20, v20;
	v46 =	vsub.f32 $1.500000000e+00, v46;
	s8 =	smul.f32 $1.562500000e-02, s10  }
0x22c: {  	v49 =	vadd.f32 v60, v59;
	v60 =	vmul.f32 v19, v19;
	v43 =	vadd.f32 v62, v61;
	s9 =	smul.f32 s24, s24  }
0x22d: {  	v42 =	vmul.f32 v42, v22;
	v22 =	vadd.f32 v47, v11;
	v23 =	vadd.f32 v33, v23  }
0x22e: {  	v59 =	vsub.f32 v30, v50;
	v33 =	vmul.f32 v46, v24;
	v61 =	vadd.f32 v60, v63;
	s8 =	ssub.f32 s8, s9  }
0x22f: {  	v30 =	vmul.f32 v45, v3;
	v46 =	vmul.f32 v42, v48;
	v24 =	vadd.f32 v23, v9  }
0x230: {  	(xrf2) =	vadd.scan.msk.f32 $0xffff, v49;
	v23 =	vadd.f32 v40, v12;
	v58 =	vmul.f32 v33, v52;
	v40 =	vadd.f32 v61, v43;
	s12 =	spop (v2sf);
	s8 =	sadd.f32 $9.999999740e-06, s8  }
0x231: {  	v46 =	vmul.f32 v46, v42;
	v62 =	vmul.f32 v24, v24;
	v60 =	vadd.f32 v21, v24;
	s9 =	smul.f32 $1.562500000e-02, s12  }
0x232: {  	v61 =	vadd.f32 v23, v22;
	v57 =	vmul.f32 v23, v23;
	v63 =	vmov s8  }
0x233: {  	v56 =	vadd.f32 v36, v62;
	s23 =	spop (v2sf);
	s22 =	smul.f32 s9, s9;
	v62 =	vshrl.u32 v63, $0x1;
	v36 =	vmul.f32 $5.000000000e-01, v63  }
0x234: {  	(xrf2) =	vadd.scan.msk.f32 $0xffff, v40;
	v40 =	vmul.f32 v58, v4;
	v48 =	vadd.f32 v61, v60;
	s10 =	smul.f32 $1.562500000e-02, s23;
	v51 =	vsub.s32 $0x5F3759DF, v62  }
0x235: {  	v61 =	vsub.f32 $1.500000000e+00, v46;
	v46 =	vadd.f32 v44, v7;
	v60 =	vmul.f32 v51, v36  }
0x236: {  	s23 =	simm.s32 $0x1AEF0;
	v63 =	vmul.f32 v22, v22;
	s8 =	ssub.f32 s10, s22;
	v62 =	vmul.f32 v33, v59  }
0x237: {  	v43 =	vmul.f32 v61, v42;
	[tilespmem:s23+$0xFFFFFFB0] =	vst v46;
	v46 =	vsub.f32 v27, v50;
	v49 =	vmul.f32 v51, v60  }
0x238: {  	v47 =	vadd.f32 v57, v63;
	v63 =	vadd.f32 v40, v8;
	v57 =	vmov s9;
	s8 =	sadd.f32 $9.999999740e-06, s8  }
0x239: {  	v42 =	vmul.f32 v62, v1;
	v40 =	vsub.f32 v38, v57;
	v59 =	vsub.f32 $1.500000000e+00, v49  }
0x23a: {  	v38 =	vsub.f32 v34, v57;
	v47 =	vadd.f32 v47, v56;
	v60 =	vmov s8;
	v62, _, _ =	vpop (xrf2);
	(xrf2) =	vadd.scan.msk.f32 $0xffff, v48  }
0x23b: {  	[tilespmem:s23+$0x0] =	vst v39;
	v61 =	vshrl.u32 v60, $0x1;
	v34 =	vmul.f32 $5.000000000e-01, v60;
	v44 =	vmul.f32 v51, v59  }
0x23c: {  	[tilespmem:s23+$0xFFFFFFD0] =	vst v53;
	s22 =	simm.s32 $0x1AF70;
	v39 =	vsub.f32 v35, v57;
	v35 =	vsub.f32 v37, v57;
	v45 =	vsub.s32 $0x5F3759DF, v61  }
0x23d: {  	[tilespmem:s22+$0x0] =	vst v63;
	(xrf2) =	vadd.scan.msk.f32 $0xffff, v47;
	v63 =	vmul.f32 v45, v34;
	v51 =	vmul.f32 v44, v36  }
0x23e: {  	[tilespmem:s23+$0xFFFFFF90] =	vst v54;
	v41 =	vmul.f32 v43, v41;
	v37 =	vsub.f32 v26, v50;
	(v2sf) =	vpush v62, $0xF;
	v27, _, _ =	vpop (xrf2)  }
0x23f: {  	[tilespmem:s23+$0xFFFFFFA0] =	vst v55;
	s9 =	simm.s32 $0xE8F0;
	s8 =	simm.s32 $0x6;
	(v2sf) =	vpush v27, $0xF;
	v27 =	vmul.f32 v45, v63;
	v47 =	vmul.f32 v51, v44  }
.LBB2_11:
0x240: {  	v48 =	vld [tilespmem:s9+$0xFFFFFFD0];
	s21 =	sadd.s32 $0x80, s21;
	v49 =	vmul.f32 v43, v25;
	v50 =	vmul.f32 v43, v28;
	v52 =	vadd.f32 v31, v8;
	v26 =	vmovc v13  }
0x241: {  	v29 =	vmul.f32 v43, v29;
	v13 =	vmovc v20;
	v51 =	vld [tilespmem:s21+$0x0];
	v28 =	vsub.f32 $1.500000000e+00, v27;
	v47 =	vsub.f32 $1.500000000e+00, v47;
	v27 =	vmovc v40  }
0x242: {  	v40 =	vadd.f32 v42, v5;
	v42 =	vmul.f32 v33, v46;
	v33 =	vmul.f32 v33, v37;
	v20 =	vld [tilespmem:s9+$0xFFFFFFE0];
	[tilespmem:s23+$0xFFFFFFC0] =	vst v52  }
0x243: {  	v25 =	vmovc v38;
	v46 =	vadd.f32 v32, v6;
	v43 =	vld [tilespmem:s21+$0x10];
	v45 =	vmul.f32 v45, v28;
	v44 =	vmul.f32 v47, v44  }
0x244: {  	v30 =	vadd.f32 v30, v7;
	v32 =	vmul.f32 v41, v1;
	v37 =	vmul.f32 v49, v2;
	v38 =	vld [tilespmem:s9+$0xFFFFFFF0];
	v31, _, _ =	vpop (xrf2);
	[tilespmem:s22+$0xFFFFFFD0] =	vst v40  }
0x245: {  	v40 =	vld [tilespmem:s21+$0x20];
	(v2sf) =	vpush v31, $0xF;
	v41 =	vmul.f32 v45, v34;
	v36 =	vmul.f32 v44, v36;
	[tilespmem:s23+$0xFFFFFFE0] =	vst v46;
	v28 =	vmovc v39  }
0x246: {  	v32 =	vadd.f32 v32, v5;
	v46 =	vmul.f32 v50, v3;
	v31 =	vmul.f32 v29, v4;
	v39 =	vld [tilespmem:s9+$0x0];
	[tilespmem:s23+$0xFFFFFFF0] =	vst v30;
	s23 =	smov.u32 s22  }
0x247: {  	v37 =	vadd.f32 v37, v6;
	v47 =	vld [tilespmem:s21+$0x30];
	v29, _, _ =	vpop (xrf2);
	v41 =	vmul.f32 v41, v45;
	v36 =	vmul.f32 v36, v44  }
0x248: {  	v30 =	vmul.f32 v33, v3;
	v49 =	vld [tilespmem:s21+$0xFFFFFFC0];
	(v2sf) =	vpush v29, $0xF;
	[tilespmem:s22+$0xFFFFFF90] =	vst v32;
	v32 =	vmul.f32 v42, v2;
	v29 =	vmovc v35  }
0x249: {  	v35 =	vld [tilespmem:s9+$0xFFFFFFA0];
	v41 =	vsub.f32 $1.500000000e+00, v41;
	v33 =	vsub.f32 $1.500000000e+00, v36;
	[tilespmem:s22+$0xFFFFFFA0] =	vst v37  }
0x24a: {  	s8 =	sadd.s32 $0x2, s8;
	v46 =	vadd.f32 v46, v7;
	v42 =	vadd.f32 v51, v48;
	v37 =	vmov s24;
	v36 =	vld [tilespmem:s21+$0xFFFFFFD0]  }
0x24b: {  	p1 =	slt.u32 s8, $0xC6;
	v20 =	vadd.f32 v43, v20;
	v43 =	vsub.f32 v16, v37;
	v16 =	vmovc v19;
	v48 =	vld [tilespmem:s9+$0xFFFFFFB0];
	v33 =	vmul.f32 v33, v44  }
0x24c: {  	v19 =	vadd.f32 v40, v38;
	v44 =	vld [tilespmem:s21+$0xFFFFFFE0];
	v38 =	vadd.f32 v47, v39;
	v39 =	vmul.f32 v41, v45;
	[tilespmem:s22+$0xFFFFFFB0] =	vst v46  }
0x24d: {  	v50 =	vadd.f32 v20, v10;
	v41 =	vadd.f32 v42, v9;
	v40 =	vld [tilespmem:s9+$0xFFFFFFC0];
	s10 =	spop (v2sf);
	v42 =	vmul.f32 v33, v43  }
0x24e: {  	v20 =	vadd.f32 v19, v11;
	v43 =	vld [tilespmem:s21+$0xFFFFFFF0];
	v19 =	vadd.f32 v38, v12;
	s24 =	smul.f32 $1.562500000e-02, s10;
	s10 =	spop (v2sf);
	v34 =	vmul.f32 v39, v34  }
0x24f: {  	v38 =	vld [tilespmem:s9+$0xFFFFFF90];
	v35 =	vadd.f32 v36, v35;
	s10 =	smul.f32 $1.562500000e-02, s10;
	v36 =	vsub.f32 v15, v37;
	v42 =	vmul.f32 v42, v4;
	v15 =	vmovc v18  }
0x250: {  	v45 =	vadd.f32 v50, v41;
	v18 =	vmovc v41;
	v46 =	vadd.f32 v19, v20;
	s12 =	smul.f32 s24, s24;
	v34 =	vmul.f32 v34, v39  }
0x251: {  	v47 =	vmul.f32 v50, v50;
	v41 =	vmul.f32 v41, v18;
	v42 =	vadd.f32 v42, v8  }
0x252: {  	s22 =	sadd.s32 $0x80, s22;
	v51 =	vmul.f32 v19, v19;
	v44 =	vadd.f32 v44, v48;
	v48 =	vmul.f32 v20, v20;
	s10 =	ssub.f32 s10, s12  }
0x253: {  	v36 =	vmul.f32 v33, v36;
	v40 =	vadd.f32 v43, v40;
	v43 =	vadd.f32 v46, v45;
	[tilespmem:s22+$0x0] =	vst v42  }
0x254: {  	v41 =	vadd.f32 v47, v41;
	v45 =	vadd.f32 v51, v48;
	s10 =	sadd.f32 $9.999999740e-06, s10;
	s12 =	spop (v2sf)  }
0x255: {  	v35 =	vadd.f32 v35, v10;
	v42 =	vmul.f32 v36, v1;
	v38 =	vadd.f32 v49, v38;
	(xrf2) =	vadd.scan.msk.f32 $0xffff, v43;
	s12 =	smul.f32 $1.562500000e-02, s12  }
0x256: {  	v46 =	vadd.f32 v44, v11;
	v41 =	vadd.f32 v45, v41;
	v36 =	vmov s10  }
0x257: {  	v38 =	vadd.f32 v38, v9;
	s10 =	smul.f32 s12, s12;
	v43 =	vshrl.u32 v36, $0x1;
	v36 =	vmul.f32 $5.000000000e-01, v36;
	s3 =	spop (v2sf)  }
0x258: {  	v47 =	vadd.f32 v40, v12;
	v40 =	vmul.f32 v35, v35;
	(xrf2) =	vadd.scan.msk.f32 $0xffff, v41;
	s3 =	smul.f32 $1.562500000e-02, s3;
	v41 =	vsub.s32 $0x5F3759DF, v43  }
0x259: {  	v43 =	vadd.f32 v35, v38;
	v44 =	vmul.f32 v38, v38;
	v45 =	vmul.f32 v41, v36  }
0x25a: {  	v49 =	vmul.f32 v46, v46;
	v48 =	vadd.f32 v47, v46;
	v51 =	vmul.f32 v47, v47;
	s3 =	ssub.f32 s3, s10  }
0x25b: {  	v34 =	vsub.f32 $1.500000000e+00, v34;
	v44 =	vadd.f32 v40, v44;
	v45 =	vmul.f32 v41, v45  }
0x25c: {  	v49 =	vadd.f32 v51, v49;
	v51 =	vmov s12;
	v52 =	vadd.f32 v48, v43;
	s3 =	sadd.f32 $9.999999740e-06, s3  }
0x25d: {  	v40 =	vsub.f32 v24, v51;
	v43 =	vmul.f32 v34, v39;
	v24 =	vmovc v38;
	v45 =	vsub.f32 $1.500000000e+00, v45  }
0x25e: {  	v38 =	vsub.f32 v21, v51;
	v21 =	vmovc v35;
	v49 =	vadd.f32 v49, v44;
	(xrf2) =	vadd.scan.msk.f32 $0xffff, v52;
	v34 =	vmov s3  }
.Ltmp4:
0x25f: {  	v48, _, _ =	vpop (xrf2);
	v35 =	vshrl.u32 v34, $0x1;
	v34 =	vmul.f32 $5.000000000e-01, v34;
	v44 =	vmul.f32 v41, v45;
	(pc) =	sbr.rel @p1 .LBB2_11-.Ltmp4, $4  }
0x260: {  	v39 =	vsub.f32 v22, v51;
	v22 =	vmovc v46;
	v45 =	vsub.s32 $0x5F3759DF, v35;
	v35 =	vsub.f32 v23, v51;
	v23 =	vmovc v47  }
0x261: {  	v46 =	vsub.f32 v14, v37;
	(xrf2) =	vadd.scan.msk.f32 $0xffff, v49;
	v47 =	vmul.f32 v45, v34;
	v49 =	vmul.f32 v44, v36  }
0x262: {  	v37 =	vsub.f32 v26, v37;
	v41 =	vmul.f32 v43, v27;
	(v2sf) =	vpush v48, $0xF;
	v14, _, _ =	vpop (xrf2)  }
0x263: {  	s9 =	sadd.s32 $0x80, s9;
	(v2sf) =	vpush v14, $0xF;
	v27 =	vmul.f32 v45, v47;
	v47 =	vmul.f32 v49, v44;
	v14 =	vmovc v17;
	v17 =	vmovc v50  }
0x264: {  	_ =	sdelay $0x3  }
0x265: {  	v9, _, _ =	vpop (xrf2)  }
0x266: {  	(v2sf) =	vpush v9, $0xF;
	_ =	sdelay $0x1  }
0x267: {  	v9, _, _ =	vpop (xrf2)  }
0x268: {  	(v2sf) =	vpush v9, $0xF;
	_ =	sdelay $0x6  }
0x269: {  	s3 =	spop (v2sf)  }
0x26a: {  	s8 =	smul.f32 $1.562500000e-02, s3;
	s10 =	spop (v2sf)  }
0x26b: {  	s3 =	smul.f32 $1.562500000e-02, s10  }
0x26c: {  	s9 =	smul.f32 s8, s8;
	_ =	sdelay $0x1  }
0x26d: {  	s3 =	ssub.f32 s3, s9;
	s12 =	spop (v2sf)  }
0x26e: {  	v10 =	vmul.f32 v43, v28;
	v31 =	vadd.f32 v31, v8;
	v59 =	vadd.f32 v42, v5;
	s9 =	smul.f32 $1.562500000e-02, s12  }
0x26f: {  	v26 =	vmul.f32 v33, v46;
	v32 =	vadd.f32 v32, v6;
	v30 =	vadd.f32 v30, v7;
	s3 =	sadd.f32 $9.999999740e-06, s3  }
0x270: {  	v63 =	vmov s24;
	v11 =	vsub.f32 $1.500000000e+00, v27;
	v12 =	vsub.f32 $1.500000000e+00, v47;
	s10 =	smul.f32 s9, s9;
	s12 =	spop (v2sf)  }
0x271: {  	v27 =	vmul.f32 v33, v37;
	v16 =	vsub.f32 v16, v63;
	v15 =	vsub.f32 v15, v63;
	s21 =	smul.f32 $1.562500000e-02, s12  }
0x272: {  	v10 =	vmul.f32 v10, v3;
	v12 =	vmul.f32 v12, v44;
	v28 =	vmov s3  }
0x273: {  	v26 =	vmul.f32 v26, v2;
	v58 =	vshrl.u32 v28, $0x1;
	v28 =	vmul.f32 $5.000000000e-01, v28;
	s3 =	ssub.f32 s21, s10  }
0x274: {  	v11 =	vmul.f32 v45, v11;
	v36 =	vmul.f32 v12, v36;
	v37 =	vsub.s32 $0x5F3759DF, v58  }
0x275: {  	v14 =	vsub.f32 v14, v63;
	v27 =	vmul.f32 v27, v3;
	v60 =	vmul.f32 v37, v28;
	s3 =	sadd.f32 $9.999999740e-06, s3  }
0x276: {  	v13 =	vsub.f32 v13, v63;
	v57 =	vmul.f32 v11, v34;
	v36 =	vmul.f32 v36, v12  }
0x277: {  	v9 =	vmul.f32 v43, v25;
	v42 =	vmul.f32 v37, v60;
	v61 =	vmov s3  }
0x278: {  	v25 =	vmul.f32 v43, v29;
	v62 =	vshrl.u32 v61, $0x1;
	v43 =	vmul.f32 $5.000000000e-01, v61  }
0x279: {  	v33 =	vmul.f32 v57, v11;
	v42 =	vsub.f32 $1.500000000e+00, v42;
	v44 =	vsub.s32 $0x5F3759DF, v62  }
0x27a: {  	v29 =	vmul.f32 v41, v1;
	v36 =	vsub.f32 $1.500000000e+00, v36;
	v47 =	vmul.f32 v44, v43  }
0x27b: {  	v33 =	vsub.f32 $1.500000000e+00, v33;
	v9 =	vmul.f32 v9, v2;
	v48 =	vmul.f32 v37, v42  }
0x27c: {  	v10 =	vadd.f32 v10, v7;
	v12 =	vmul.f32 v36, v12;
	v36 =	vmul.f32 v44, v47  }
0x27d: {  	v27 =	vadd.f32 v27, v7;
	v11 =	vmul.f32 v33, v11;
	v37 =	vmul.f32 v48, v28  }
0x27e: {  	v25 =	vmul.f32 v25, v4;
	v16 =	vmul.f32 v12, v16;
	v36 =	vsub.f32 $1.500000000e+00, v36  }
0x27f: {  	v9 =	vadd.f32 v9, v6;
	v49 =	vmul.f32 v11, v34;
	v37 =	vmul.f32 v37, v48  }
0x280: {  	[tilespmem:s22+$0xFFFFFFB0] =	vst v10;
	v10 =	vadd.f32 v26, v6;
	v15 =	vmul.f32 v12, v15;
	v36 =	vmul.f32 v44, v36  }
0x281: {  	[tilespmem:s22+$0xFFFFFFA0] =	vst v9;
	v9 =	vmul.f32 v12, v14;
	v12 =	vmul.f32 v12, v13;
	v37 =	vsub.f32 $1.500000000e+00, v37  }
0x282: {  	v29 =	vadd.f32 v29, v5;
	v16 =	vmul.f32 v16, v4;
	v44 =	vmul.f32 v36, v43  }
0x283: {  	v25 =	vadd.f32 v25, v8;
	v34 =	vmul.f32 v49, v11;
	v33 =	vmul.f32 v37, v48  }
0x284: {  	[tilespmem:s23+$0xFFFFFFC0] =	vst v31;
	v15 =	vmul.f32 v15, v1;
	v14 =	vmov s8;
	v31 =	vmul.f32 v44, v36  }
0x285: {  	v9 =	vmul.f32 v9, v2;
	v34 =	vsub.f32 $1.500000000e+00, v34;
	v28 =	vmul.f32 v33, v28  }
0x286: {  	v12 =	vmul.f32 v12, v3;
	v16 =	vadd.f32 v16, v8;
	v31 =	vsub.f32 $1.500000000e+00, v31  }
0x287: {  	[tilespmem:s22+$0xFFFFFFD0] =	vst v59;
	v15 =	vadd.f32 v15, v5;
	v11 =	vmul.f32 v34, v11;
	v28 =	vmul.f32 v28, v33  }
0x288: {  	[tilespmem:s22+$0xFFFFFF90] =	vst v29;
	v19 =	vsub.f32 v19, v14;
	v18 =	vsub.f32 v18, v14;
	v29 =	vmul.f32 v31, v36  }
0x289: {  	[tilespmem:s23+$0xFFFFFFE0] =	vst v32;
	v34 =	vmul.f32 v11, v40;
	v51 =	vmul.f32 v11, v38;
	v13 =	vsub.f32 $1.500000000e+00, v28  }
0x28a: {  	[tilespmem:s23+$0xFFFFFFF0] =	vst v30;
	s23 =	sadd.s32 $0x80, s22;
	v9 =	vadd.f32 v9, v6;
	v30 =	vmul.f32 v11, v39;
	v26 =	vmul.f32 v29, v43  }
0x28b: {  	v12 =	vadd.f32 v12, v7;
	[tilespmem:s23+$0x0] =	vst v16;
	v16 =	vmul.f32 v34, v1;
	v13 =	vmul.f32 v13, v33  }
0x28c: {  	[tilespmem:s22+$0xFFFFFFC0] =	vst v25;
	v11 =	vmul.f32 v11, v35;
	v50 =	vmov s9;
	v26 =	vmul.f32 v26, v29  }
0x28d: {  	[tilespmem:s23+$0xFFFFFFD0] =	vst v15;
	v25 =	vmul.f32 v51, v2;
	v15 =	vadd.f32 v16, v5;
	v16 =	vmul.f32 v13, v19  }
0x28e: {  	[tilespmem:s22+$0xFFFFFFE0] =	vst v10;
	v10 =	vmul.f32 v30, v3;
	v11 =	vmul.f32 v11, v4;
	v19 =	vsub.f32 $1.500000000e+00, v26  }
0x28f: {  	[tilespmem:s22+$0xFFFFFFF0] =	vst v27;
	v24 =	vsub.f32 v24, v50;
	v21 =	vsub.f32 v21, v50;
	v16 =	vmul.f32 v16, v4  }
0x290: {  	v22 =	vsub.f32 v22, v50;
	v10 =	vadd.f32 v10, v7;
	[tilespmem:s23+$0xFFFFFF90] =	vst v15;
	v15 =	vmul.f32 v19, v29  }
0x291: {  	[tilespmem:s23+$0xFFFFFFE0] =	vst v9;
	v23 =	vsub.f32 v23, v50;
	v18 =	vmul.f32 v13, v18;
	v16 =	vadd.f32 v16, v8  }
0x292: {  	s24 =	sadd.s32 $0x80, s23;
	v11 =	vadd.f32 v11, v8;
	[tilespmem:s23+$0xFFFFFFB0] =	vst v10;
	v10 =	vsub.f32 v17, v14;
	v17 =	vmul.f32 v15, v24  }
0x293: {  	v25 =	vadd.f32 v25, v6;
	v18 =	vmul.f32 v18, v1;
	[tilespmem:s24+$0x0] =	vst v16;
	v16 =	vmul.f32 v15, v21  }
0x294: {  	v14 =	vsub.f32 v20, v14;
	[tilespmem:s23+$0xFFFFFFC0] =	vst v11;
	v19 =	vmul.f32 v15, v22;
	v11 =	vmul.f32 v17, v1  }
0x295: {  	[tilespmem:s23+$0xFFFFFFF0] =	vst v12;
	v18 =	vadd.f32 v18, v5;
	v15 =	vmul.f32 v15, v23;
	v16 =	vmul.f32 v16, v2  }
0x296: {  	[tilespmem:s23+$0xFFFFFFA0] =	vst v25;
	v10 =	vmul.f32 v13, v10;
	v9 =	vadd.f32 v11, v5;
	v11 =	vmul.f32 v19, v3  }
0x297: {  	v13 =	vmul.f32 v13, v14;
	[tilespmem:s24+$0xFFFFFFD0] =	vst v18;
	v14 =	vmul.f32 v15, v4;
	v12 =	vadd.f32 v16, v6  }
0x298: {  	[tilespmem:s24+$0xFFFFFF90] =	vst v9;
	v9 =	vmul.f32 v10, v2;
	v10 =	vadd.f32 v11, v7  }
0x299: {  	v11 =	vmul.f32 v13, v3;
	[tilespmem:s24+$0xFFFFFFA0] =	vst v12;
	v12 =	vadd.f32 v14, v8  }
0x29a: {  	s9 =	sadd.s32 s5, s20;
	[tilespmem:s24+$0xFFFFFFB0] =	vst v10;
	v9 =	vadd.f32 v9, v6  }
0x29b: {  	s3 =	smul.u32 $0x640, s9;
	[tilespmem:s24+$0xFFFFFFC0] =	vst v12;
	v10 =	vadd.f32 v11, v7  }
0x29c: {  	[tilespmem:s24+$0xFFFFFFE0] =	vst v9  }
0x29d: {  	s19 =	sor.u32 $0x2, s19;
	s3 =	sadd.s32 s4, s3;
	[tilespmem:s24+$0xFFFFFFF0] =	vst v10  }
0x29e: {  	[hbm4b:s3+s6] =	stream.linear.scatter [tilespmem:s30], [sflag:$0x6], $0x3200, $0x38;
	[tilespmem:$0x1E080] =	vst v63  }
0x29f: {  	s8 =	simm.s32 @!p0 $0xC8;
	s9 =	simm.s32 @!p0 $0xE680;
	s3 =	sadd.s32 @!p0 $0x5090, s17  }
0x2a0: {  	[tilespmem:s9], [sflag:$0x2] =	stream.indirect.gather @!p0 [hbm4b:s7+s8], $0x40, s3, s8, $0xb8;
	[tilespmem:$0x1E080] =	vst v63  }
0x2a1: {  	s10 =	smul.u32 $0x340, s19;
	_ =	swait.ge [sflag:s31], $0x3200  }
0x2a2: {  	[sflag:s31] =	ssyncset.done $0x0  }
0x2a3: {  	s3 =	sshra.s32 s10, $0x2;
	[sflag:s31] =	ssyncadd.s32 $0xFFFFCE00  }
0x2a4: {  	v9 =	vld [tilespmem:s3+$0x4C80]  }
0x2a5: {  	v10 =	vld [tilespmem:s3+$0x4C90]  }
0x2a6: {  	v11 =	vld [tilespmem:s3+$0x4CA0]  }
0x2a7: {  	v12 =	vld [tilespmem:s3+$0x4CB0]  }
0x2a8: {  	v13 =	vld [tilespmem:s3+$0x4CC0]  }
0x2a9: {  	v14 =	vld [tilespmem:s3+$0x4CD0]  }
0x2aa: {  	vm0 =	vne.s32 v9, $0x0;
	vm1 =	vne.s32 v10, $0x0;
	v9 =	vld [tilespmem:s3+$0x4CE0]  }
0x2ab: {  	vm5 =	vne.s32 v11, $0x0;
	v11 =	vld [tilespmem:s3+$0x4CF0];
	v10 =	vsel vm0, $0x1, v0;
	v15 =	vsel vm1, $0x1, v0  }
0x2ac: {  	vm6 =	vne.s32 v12, $0x0;
	v12 =	vld [tilespmem:s3+$0x4D00];
	v10 =	vadd.s32 v10, v15;
	v15 =	vsel vm5, $0x1, v0  }
0x2ad: {  	vm7 =	vne.s32 v13, $0x0;
	v13 =	vld [tilespmem:s3+$0x4D10];
	v10 =	vadd.s32 v15, v10;
	v15 =	vsel vm6, $0x1, v0  }
0x2ae: {  	vm8 =	vne.s32 v14, $0x0;
	v14 =	vld [tilespmem:s3+$0x4D20];
	v10 =	vadd.s32 v15, v10;
	v15 =	vsel vm7, $0x1, v0  }
0x2af: {  	v10 =	vadd.s32 v15, v10;
	v15 =	vsel vm8, $0x1, v0;
	vm9 =	vne.s32 v9, $0x0;
	v9 =	vld [tilespmem:s3+$0x4D30]  }
0x2b0: {  	vm10 =	vne.s32 v11, $0x0;
	v11 =	vld [tilespmem:s3+$0x4D40];
	v10 =	vadd.s32 v15, v10;
	v15 =	vsel vm9, $0x1, v0  }
0x2b1: {  	vm11 =	vne.s32 v12, $0x0;
	v10 =	vadd.s32 v15, v10;
	v15 =	vsel vm10, $0x1, v0  }
0x2b2: {  	vm12 =	vne.s32 v13, $0x0;
	v12 =	vsel vm11, $0x1, v0;
	v10 =	vadd.s32 v15, v10  }
0x2b3: {  	vm13 =	vne.s32 v14, $0x0;
	v10 =	vadd.s32 v12, v10;
	v12 =	vsel vm12, $0x1, v0  }
0x2b4: {  	v10 =	vadd.s32 v12, v10;
	v12 =	vsel vm13, $0x1, v0;
	vm14 =	vne.s32 v9, $0x0  }
0x2b5: {  	vm15 =	vne.s32 v11, $0x0;
	v9 =	vadd.s32 v12, v10;
	v10 =	vsel vm14, $0x1, v0  }
0x2b6: {  	v9 =	vadd.s32 v10, v9;
	v10 =	vsel vm15, $0x1, v0  }
0x2b7: {  	v9 =	vadd.s32 v10, v9  }
0x2b8: {  	(xrf0) =	vadd.scan.msk.s32 $0xffff, v9;
	_ =	sdelay $0x5  }
0x2b9: {  	v9, _, _ =	vpop (xrf0)  }
0x2ba: {  	(v2sf) =	vpush v9, $0xF;
	_ =	sdelay $0xe  }
0x2bb: {  	s12 =	spop (v2sf)  }
0x2bc: {  	s20 =	smulhi.u32 $0x66666667, s12;
	s21 =	sshra.s32 s12, $0x1F  }
0x2bd: {  	s9 =	smul.u32 $0x66666667, s21;
	_ =	sdelay $0x1  }
0x2be: {  	s8 =	sadd.s32 s9, s20  }
0x2bf: {  	s9 =	sshrl.u32 s8, $0x1F;
	s8 =	sshra.s32 s8, $0x1  }
0x2c0: {  	s8 =	sadd.s32 s9, s8  }
0x2c1: {  	s9 =	smul.u32 $0xFFFFFFFB, s8  }
0x2c2: {  	s22 =	ssub.s32 $0x0, s12  }
0x2c3: {  	p1 =	slt.s32 s12, $0x1;
	p2 =	sne.s32 s9, s22  }
0x2c4: {  	p1 =	por !p1, !p2  }
0x2c5: {  	s3 =	simm.s32 $0x1;
	p1 =	por !p1, !p1  }
0x2c6: {  	s3 =	simm.s32 @!p1 $0x0  }
0x2c7: {  	s3 =	ssub.s32 s8, s3  }
0x2c8: {  	s3 =	sshll.u32 s3, $0x8  }
0x2c9: {  	s3 =	sshra.s32 s3, $0x2  }
0x2ca: {  	v9 =	vld [tilespmem:s3+$0x3F00]  }
0x2cb: {  	v10 =	vld [tilespmem:s3+$0x3F10]  }
0x2cc: {  	v11 =	vld [tilespmem:s3+$0x3F20]  }
0x2cd: {  	v12 =	vld [tilespmem:s3+$0x3F30];
	_ =	swait.ge [sflag:s2], $0x3200  }
0x2ce: {  	[sflag:s2] =	ssyncset.done $0x0  }
0x2cf: {  	s20 =	simm.s32 $0x0;
	[sflag:s2] =	ssyncadd.s32 $0xFFFFCE00  }
0x2d0: {  	v13 =	vld [tilespmem:s20+$0x118C0]  }
0x2d1: {  	v14 =	vld [tilespmem:s20+$0x40]  }
0x2d2: {  	v15 =	vld [tilespmem:s20+$0x118D0]  }
0x2d3: {  	v16 =	vld [tilespmem:s20+$0x50]  }
0x2d4: {  	v17 =	vld [tilespmem:s20+$0x118E0]  }
0x2d5: {  	v18 =	vld [tilespmem:s20+$0x60]  }
0x2d6: {  	v19 =	vld [tilespmem:s20+$0x118F0]  }
0x2d7: {  	v20 =	vld [tilespmem:s20+$0x70]  }
0x2d8: {  	v21 =	vld [tilespmem:s20+$0x11880]  }
0x2d9: {  	v22 =	vld [tilespmem:s20+$0x0]  }
0x2da: {  	v23 =	vld [tilespmem:s20+$0x11890]  }
0x2db: {  	v24 =	vld [tilespmem:s20+$0x118A0];
	v13 =	vadd.f32 v14, v13;
	v15 =	vadd.f32 v16, v15  }
0x2dc: {  	v14 =	vld [tilespmem:s20+$0x10];
	v16 =	vadd.f32 v18, v17;
	v20 =	vadd.f32 v20, v19  }
0x2dd: {  	v19 =	vadd.f32 v13, v9;
	v13 =	vld [tilespmem:s20+$0x20];
	v17 =	vadd.f32 v15, v10  }
0x2de: {  	v18 =	vadd.f32 v16, v11;
	v15 =	vld [tilespmem:s20+$0x118B0];
	v20 =	vadd.f32 v20, v12  }
0x2df: {  	v16 =	vadd.f32 v22, v21;
	v21 =	vld [tilespmem:s20+$0x30];
	v22 =	vadd.f32 v17, v19  }
0x2e0: {  	v25 =	vadd.f32 v20, v18;
	v26 =	vmul.f32 v19, v19;
	v27 =	vmul.f32 v17, v17  }
0x2e1: {  	v28 =	vmul.f32 v20, v20;
	v14 =	vadd.f32 v14, v23;
	v23 =	vmul.f32 v18, v18  }
0x2e2: {  	v22 =	vadd.f32 v25, v22;
	v25 =	vadd.f32 v27, v26  }
0x2e3: {  	v13 =	vadd.f32 v13, v24;
	v23 =	vadd.f32 v28, v23  }
0x2e4: {  	v24 =	vadd.f32 v16, v9;
	v15 =	vadd.f32 v21, v15  }
0x2e5: {  	v16 =	vadd.f32 v23, v25;
	v23 =	vadd.f32 v14, v10  }
0x2e6: {  	(xrf2) =	vadd.scan.msk.f32 $0xffff, v22;
	v22 =	vadd.f32 v13, v11;
	v21 =	vadd.f32 v15, v12  }
0x2e7: {  	v13 =	vmul.f32 v24, v24  }
0x2e8: {  	(xrf2) =	vadd.scan.msk.f32 $0xffff, v16;
	v14 =	vadd.f32 v23, v24;
	v15 =	vmul.f32 v23, v23;
	v16 =	vadd.f32 v21, v22  }
0x2e9: {  	v25 =	vmul.f32 v22, v22;
	v26 =	vmul.f32 v21, v21  }
0x2ea: {  	v14 =	vadd.f32 v16, v14  }
0x2eb: {  	v13 =	vadd.f32 v15, v13;
	v15 =	vadd.f32 v26, v25;
	_ =	sdelay $0x1  }
0x2ec: {  	(xrf2) =	vadd.scan.msk.f32 $0xffff, v14;
	v13 =	vadd.f32 v15, v13;
	_ =	sdelay $0x2  }
0x2ed: {  	(xrf2) =	vadd.scan.msk.f32 $0xffff, v13  }
0x2ee: {  	v13, _, _ =	vpop (xrf2)  }
0x2ef: {  	(v2sf) =	vpush v13, $0xF;
	v13, _, _ =	vpop (xrf2)  }
0x2f0: {  	(v2sf) =	vpush v13, $0xF;
	_ =	sdelay $0x1  }
0x2f1: {  	s21 =	simm.s32 $0x80  }
0x2f2: {  	v28 =	vld [tilespmem:s21+$0x118F0]  }
0x2f3: {  	v25 =	vld [tilespmem:s21+$0x50];
	v16, _, _ =	vpop (xrf2)  }
0x2f4: {  	v26 =	vld [tilespmem:s21+$0x60];
	(v2sf) =	vpush v16, $0xF  }
0x2f5: {  	v14 =	vld [tilespmem:s21+$0x40]  }
0x2f6: {  	v13 =	vld [tilespmem:s21+$0x118C0];
	v27, _, _ =	vpop (xrf2)  }
0x2f7: {  	v15 =	vld [tilespmem:s21+$0x118D0];
	(v2sf) =	vpush v27, $0xF  }
0x2f8: {  	v16 =	vld [tilespmem:s21+$0x118E0]  }
0x2f9: {  	v27 =	vld [tilespmem:s21+$0x70]  }
0x2fa: {  	v29 =	vld [tilespmem:s21+$0x11880]  }
0x2fb: {  	v30 =	vld [tilespmem:s21+$0x0];
	v13 =	vadd.f32 v14, v13  }
0x2fc: {  	v31 =	vld [tilespmem:s21+$0x11890]  }
0x2fd: {  	v14 =	vadd.f32 v25, v15;
	v25 =	vld [tilespmem:s21+$0x118A0];
	v15 =	vadd.f32 v13, v9;
	s23 =	spop (v2sf)  }
0x2fe: {  	v16 =	vadd.f32 v26, v16;
	v26 =	vadd.f32 v27, v28;
	v27 =	vld [tilespmem:s21+$0x20];
	s24 =	smul.f32 $1.562500000e-02, s23;
	s9 =	spop (v2sf)  }
0x2ff: {  	v52 =	vld [tilespmem:s21+$0x10];
	v13 =	vadd.f32 v14, v10;
	s3 =	smul.f32 $1.562500000e-02, s9  }
0x300: {  	v53 =	vmul.f32 v15, v15;
	v14 =	vadd.f32 v16, v11;
	v28 =	vld [tilespmem:s21+$0x118B0];
	v16 =	vadd.f32 v26, v12;
	s10 =	smul.f32 s24, s24  }
0x301: {  	v54 =	vmul.f32 v13, v13;
	v26 =	vadd.f32 v30, v29;
	v29 =	vld [tilespmem:s21+$0x30];
	v30 =	vadd.f32 v13, v15  }
0x302: {  	v56 =	vmul.f32 v14, v14;
	v55 =	vadd.f32 v16, v14;
	v57 =	vmul.f32 v16, v16;
	s3 =	ssub.f32 s3, s10  }
0x303: {  	v58 =	vadd.f32 v27, v25;
	v27 =	vadd.f32 v54, v53;
	s12 =	spop (v2sf)  }
0x304: {  	v59 =	vadd.f32 v57, v56;
	v30 =	vadd.f32 v55, v30;
	s3 =	sadd.f32 $9.999999740e-06, s3;
	s9 =	smul.f32 $1.562500000e-02, s12  }
0x305: {  	v31 =	vadd.f32 v52, v31;
	v25 =	vadd.f32 v26, v9  }
0x306: {  	v26 =	vadd.f32 v29, v28;
	v29 =	vadd.f32 v59, v27;
	(xrf2) =	vadd.scan.msk.f32 $0xffff, v30;
	s23 =	spop (v2sf);
	v28 =	vmov s3;
	s22 =	smul.f32 s9, s9  }
0x307: {  	v27 =	vadd.f32 v31, v10;
	s10 =	smul.f32 $1.562500000e-02, s23;
	v30 =	vshrl.u32 v28, $0x1;
	v60 =	vmul.f32 $5.000000000e-01, v28  }
0x308: {  	v31 =	vadd.f32 v26, v12;
	v28 =	vadd.f32 v58, v11;
	v30 =	vsub.s32 $0x5F3759DF, v30  }
0x309: {  	v26 =	vmul.f32 v25, v25;
	(xrf2) =	vadd.scan.msk.f32 $0xffff, v29;
	v61 =	vadd.f32 v27, v25;
	s3 =	ssub.f32 s10, s22;
	v29 =	vmul.f32 v30, v60  }
0x30a: {  	v62 =	vmul.f32 v27, v27;
	v41 =	vmul.f32 v31, v31;
	v40 =	vadd.f32 v31, v28  }
0x30b: {  	v63 =	vmul.f32 v28, v28;
	s3 =	sadd.f32 $9.999999740e-06, s3;
	v29 =	vmul.f32 v30, v29  }
0x30c: {  	v26 =	vadd.f32 v62, v26;
	v32 =	vadd.f32 v40, v61  }
0x30d: {  	v42 =	vadd.f32 v41, v63;
	v43 =	vmov s3;
	v29 =	vsub.f32 $1.500000000e+00, v29  }
0x30e: {  	v44 =	vshrl.u32 v43, $0x1;
	(xrf2) =	vadd.scan.msk.f32 $0xffff, v32;
	v32 =	vmul.f32 $5.000000000e-01, v43  }
0x30f: {  	v26 =	vadd.f32 v42, v26;
	v29 =	vmul.f32 v30, v29;
	v30 =	vsub.s32 $0x5F3759DF, v44  }
0x310: {  	v45, _, _ =	vpop (xrf2);
	v35 =	vmul.f32 v30, v32  }
0x311: {  	(v2sf) =	vpush v45, $0xF;
	v46 =	vmul.f32 v29, v60  }
0x312: {  	s22 =	simm.s32 $0x100;
	(xrf2) =	vadd.scan.msk.f32 $0xffff, v26;
	v47 =	vmul.f32 v30, v35  }
0x313: {  	v50 =	vld [tilespmem:s22+$0x118C0];
	v26, _, _ =	vpop (xrf2);
	v48 =	vmul.f32 v46, v29  }
0x314: {  	v51 =	vld [tilespmem:s22+$0x40];
	(v2sf) =	vpush v26, $0xF;
	v26 =	vsub.f32 $1.500000000e+00, v47  }
0x315: {  	v52 =	vmov s9;
	v55 =	vld [tilespmem:s22+$0x118E0];
	v49 =	vsub.f32 $1.500000000e+00, v48  }
0x316: {  	v41 =	vsub.f32 v23, v52;
	v23 =	vld [tilespmem:s22+$0x60];
	v26 =	vmul.f32 v30, v26  }
0x317: {  	v58 =	vmov s24;
	v29 =	vmul.f32 v49, v29  }
0x318: {  	v39 =	vsub.f32 v24, v52;
	v20 =	vsub.f32 v20, v58;
	v53 =	vld [tilespmem:s22+$0x50];
	v54 =	vmul.f32 v26, v32  }
0x319: {  	v62 =	vsub.f32 v17, v58;
	v42 =	vsub.f32 v22, v52;
	v30 =	vld [tilespmem:s22+$0x118D0];
	v24, _, _ =	vpop (xrf2);
	v33 =	vmul.f32 v29, v60  }
0x31a: {  	v57 =	vld [tilespmem:s22+$0x118F0];
	v43 =	vsub.f32 v21, v52;
	(v2sf) =	vpush v24, $0xF;
	v22 =	vmul.f32 v54, v26  }
0x31b: {  	v21 =	vld [tilespmem:s22+$0x70];
	v17 =	vadd.f32 v51, v50;
	v23 =	vadd.f32 v23, v55;
	v24 =	vmul.f32 v33, v29  }
0x31c: {  	v56, _, _ =	vpop (xrf2);
	v60 =	vsub.f32 v19, v58;
	v22 =	vsub.f32 $1.500000000e+00, v22  }
0x31d: {  	v59 =	vld [tilespmem:s22+$0x11880];
	(v2sf) =	vpush v56, $0xF;
	v24 =	vsub.f32 $1.500000000e+00, v24  }
0x31e: {  	v33 =	vsub.f32 v18, v58;
	v19 =	vadd.f32 v53, v30;
	v26 =	vmul.f32 v22, v26;
	v22 =	vld [tilespmem:s22+$0x20]  }
0x31f: {  	v18 =	vadd.f32 v17, v9;
	v17 =	vadd.f32 v23, v11;
	v24 =	vmul.f32 v24, v29;
	v29 =	vld [tilespmem:s22+$0x118A0]  }
0x320: {  	v61 =	vld [tilespmem:s22+$0x0];
	v21 =	vadd.f32 v21, v57;
	s24 =	spop (v2sf);
	v19 =	vadd.f32 v19, v10  }
0x321: {  	v63 =	vld [tilespmem:s22+$0x11890];
	v54 =	vmul.f32 v18, v18;
	v56 =	vmul.f32 v17, v17;
	s23 =	smul.f32 $1.562500000e-02, s24  }
0x322: {  	v51 =	vld [tilespmem:s22+$0x118B0];
	v55 =	vmul.f32 v19, v19;
	v30 =	vmul.f32 v24, v20;
	v20 =	vadd.f32 v21, v12  }
0x323: {  	v48 =	vld [tilespmem:s22+$0x10];
	v23 =	vmul.f32 v26, v32;
	s9 =	smul.f32 s23, s23;
	s8 =	spop (v2sf);
	v21 =	vmul.f32 v24, v60  }
0x324: {  	v53 =	vld [tilespmem:s22+$0x30];
	v46 =	vmul.f32 v24, v62;
	s3 =	smul.f32 $1.562500000e-02, s8;
	v22 =	vadd.f32 v22, v29;
	v29 =	vmul.f32 v20, v20  }
0x325: {  	v50 =	vmul.f32 v30, v4;
	v30 =	vadd.f32 v19, v18;
	v52 =	vadd.f32 v20, v17  }
0x326: {  	v37 =	vmul.f32 v24, v33;
	v24 =	vadd.f32 v55, v54;
	s3 =	ssub.f32 s3, s9;
	v29 =	vadd.f32 v29, v56  }
0x327: {  	v57 =	vmul.f32 v23, v26;
	v23 =	vadd.f32 v52, v30  }
0x328: {  	v49 =	vadd.f32 v61, v59;
	s3 =	sadd.f32 $9.999999740e-06, s3;
	v60 =	vadd.f32 v29, v24  }
0x329: {  	v35 =	vadd.f32 v48, v63;
	v59 =	vadd.f32 v53, v51;
	s10 =	spop (v2sf);
	(xrf2) =	vadd.scan.msk.f32 $0xffff, v23  }
0x32a: {  	v33 =	vmul.f32 v46, v2;
	v30 =	vmul.f32 v21, v1;
	s8 =	smul.f32 $1.562500000e-02, s10;
	v58 =	vmov s3;
	(xrf2) =	vadd.scan.msk.f32 $0xffff, v60  }
0x32b: {  	v21 =	vadd.f32 v49, v9;
	v61 =	vshrl.u32 v58, $0x1;
	v29 =	vmul.f32 $5.000000000e-01, v58  }
0x32c: {  	v22 =	vadd.f32 v22, v11;
	v24 =	vadd.f32 v35, v10;
	s24 =	spop (v2sf);
	s12 =	smul.f32 s8, s8;
	v35 =	vsub.s32 $0x5F3759DF, v61  }
0x32d: {  	v32 =	vmul.f32 v37, v3;
	v23 =	vadd.f32 v59, v12;
	s9 =	smul.f32 $1.562500000e-02, s24;
	v51 =	vmul.f32 v35, v29  }
0x32e: {  	v62 =	vmul.f32 v21, v21;
	v55 =	vmul.f32 v22, v22  }
0x32f: {  	v47 =	vsub.f32 $1.500000000e+00, v57;
	v56 =	vmul.f32 v23, v23;
	s3 =	ssub.f32 s9, s12;
	v34 =	vmul.f32 v35, v51  }
0x330: {  	v54 =	vadd.f32 v23, v22;
	v52 =	vmul.f32 v24, v24;
	v53 =	vadd.f32 v24, v21  }
0x331: {  	v57 =	vmov s8;
	v58 =	vadd.f32 v56, v55;
	s3 =	sadd.f32 $9.999999740e-06, s3;
	v34 =	vsub.f32 $1.500000000e+00, v34  }
0x332: {  	v60 =	vmul.f32 v47, v26;
	v36 =	vadd.f32 v52, v62;
	v48 =	vadd.f32 v54, v53  }
0x333: {  	v59 =	vmov s3;
	v37 =	vmul.f32 v35, v34;
	v35 =	vsub.f32 v28, v57;
	v28, _, _ =	vpop (xrf2)  }
0x334: {  	v61 =	vshrl.u32 v59, $0x1;
	v26 =	vmul.f32 $5.000000000e-01, v59;
	(v2sf) =	vpush v28, $0xF;
	v28, _, _ =	vpop (xrf2);
	(xrf2) =	vadd.scan.msk.f32 $0xffff, v48  }
0x335: {  	v63 =	vadd.f32 v50, v8;
	v62 =	vadd.f32 v58, v36;
	v38 =	vsub.s32 $0x5F3759DF, v61  }
0x336: {  	v36 =	vsub.f32 v27, v57;
	v46 =	vmul.f32 v38, v26;
	v27 =	vmul.f32 v37, v29  }
0x337: {  	v25 =	vsub.f32 v25, v57;
	v40 =	vmul.f32 v60, v39;
	(xrf2) =	vadd.scan.msk.f32 $0xffff, v62  }
0x338: {  	[tilespmem:s20+$0x17CF0] =	vst v63;
	v34 =	vsub.f32 v31, v57;
	v31 =	vmul.f32 v38, v46;
	v63 =	vmul.f32 v27, v37  }
0x339: {  	v39 =	vmul.f32 v60, v42;
	(v2sf) =	vpush v28, $0xF;
	v27 =	vmul.f32 v60, v41  }
0x33a: {  	s8 =	simm.s32 $0x4;
	s9 =	simm.s32 $0x600;
	v28 =	vsub.f32 $1.500000000e+00, v31;
	v41 =	vsub.f32 $1.500000000e+00, v63;
	v31 =	vmul.f32 v60, v43  }
.LBB2_13:
0x33b: {  	s3 =	sshra.s32 s9, $0x2;
	v40 =	vmul.f32 v40, v1;
	v42 =	vmul.f32 v27, v2;
	v30 =	vadd.f32 v30, v5;
	v27 =	vmovc v36  }
0x33c: {  	v33 =	vadd.f32 v33, v6;
	v36 =	vld [tilespmem:s3+$0x118C0];
	v38 =	vmul.f32 v38, v28;
	v37 =	vmul.f32 v41, v37;
	v28 =	vmovc v35  }
0x33d: {  	v39 =	vmul.f32 v39, v3;
	v41 =	vmul.f32 v31, v4;
	v35 =	vld [tilespmem:s3+$0x40];
	v40 =	vadd.f32 v40, v5;
	[tilespmem:s20+$0x17CC0] =	vst v30  }
0x33e: {  	v42 =	vadd.f32 v42, v6;
	v30 =	vld [tilespmem:s3+$0x118D0];
	v31, _, _ =	vpop (xrf2);
	v44 =	vmul.f32 v38, v26;
	v29 =	vmul.f32 v37, v29;
	[tilespmem:s20+$0x17CD0] =	vst v33  }
0x33f: {  	v39 =	vadd.f32 v39, v7;
	v33 =	vld [tilespmem:s3+$0x50];
	(v2sf) =	vpush v31, $0xF;
	[tilespmem:s20+$0x17C80] =	vst v40;
	v31 =	vmov v34  }
0x340: {  	v41 =	vadd.f32 v41, v8;
	v34 =	vld [tilespmem:s3+$0x118E0];
	v40 =	vmul.f32 v44, v38;
	v29 =	vmul.f32 v29, v37;
	[tilespmem:s20+$0x17C90] =	vst v42  }
0x341: {  	v32 =	vadd.f32 v32, v7;
	v42 =	vld [tilespmem:s3+$0x60];
	v43, _, _ =	vpop (xrf2);
	[tilespmem:s20+$0x17CA0] =	vst v39  }
0x342: {  	v39 =	vld [tilespmem:s3+$0x118F0];
	(v2sf) =	vpush v43, $0xF;
	v29 =	vsub.f32 $1.500000000e+00, v29;
	[tilespmem:s20+$0x17CB0] =	vst v41  }
0x343: {  	v40 =	vsub.f32 $1.500000000e+00, v40;
	v43 =	vmov s23;
	v41 =	vld [tilespmem:s3+$0x70];
	[tilespmem:s20+$0x17CE0] =	vst v32;
	s20 =	smov.u32 s21;
	s21 =	smov.u32 s22;
	s22 =	smov.u32 s3  }
0x344: {  	s8 =	sadd.s32 $0x2, s8;
	v46 =	vsub.f32 v16, v43;
	v32 =	vld [tilespmem:s22+$0x11880];
	v29 =	vmul.f32 v29, v37;
	v37 =	vsub.f32 v15, v43;
	v15 =	vmovc v18  }
0x345: {  	p1 =	slt.u32 s8, $0xC6;
	v38 =	vmul.f32 v40, v38;
	v40 =	vsub.f32 v13, v43;
	v43 =	vsub.f32 v14, v43;
	v13 =	vmovc v19;
	v44 =	vld [tilespmem:s22+$0x0]  }
0x346: {  	v18 =	vadd.f32 v35, v36;
	v14 =	vmovc v17;
	v45 =	vld [tilespmem:s22+$0x11890];
	v35 =	vmul.f32 v29, v37;
	v19 =	vmul.f32 v29, v46  }
0x347: {  	v16 =	vmovc v20;
	v17 =	vadd.f32 v33, v30;
	v30 =	vadd.f32 v42, v34;
	v26 =	vmul.f32 v38, v26;
	v36 =	vld [tilespmem:s22+$0x10];
	s3 =	spop (v2sf)  }
0x348: {  	v18 =	vadd.f32 v18, v9;
	v33 =	vld [tilespmem:s22+$0x118A0];
	v20 =	vadd.f32 v41, v39;
	s23 =	smul.f32 $1.562500000e-02, s3;
	s3 =	spop (v2sf);
	v34 =	vmul.f32 v19, v4  }
0x349: {  	v19 =	vadd.f32 v17, v10;
	v17 =	vadd.f32 v30, v11;
	v26 =	vmul.f32 v26, v38;
	v37 =	vld [tilespmem:s22+$0x20];
	s3 =	smul.f32 $1.562500000e-02, s3  }
0x34a: {  	v40 =	vmul.f32 v29, v40;
	v39 =	vld [tilespmem:s22+$0x118B0];
	v20 =	vadd.f32 v20, v12;
	s10 =	smul.f32 s23, s23;
	v30 =	vadd.f32 v34, v8  }
0x34b: {  	v42 =	vmul.f32 v29, v43;
	v32 =	vadd.f32 v44, v32;
	v41 =	vadd.f32 v19, v18;
	v34 =	vld [tilespmem:s22+$0x30]  }
0x34c: {  	v43 =	vmul.f32 v18, v18;
	v44 =	vmul.f32 v19, v19;
	v29 =	vadd.f32 v20, v17;
	s3 =	ssub.f32 s3, s10;
	[tilespmem:s20+$0x17CF0] =	vst v30  }
0x34d: {  	v36 =	vadd.f32 v36, v45;
	v45 =	vmul.f32 v17, v17;
	v46 =	vmul.f32 v20, v20  }
0x34e: {  	v30 =	vmul.f32 v35, v1;
	v37 =	vadd.f32 v37, v33;
	v29 =	vadd.f32 v29, v41;
	s3 =	sadd.f32 $9.999999740e-06, s3;
	s10 =	spop (v2sf)  }
0x34f: {  	v35 =	vadd.f32 v44, v43;
	v41 =	vadd.f32 v46, v45;
	v33 =	vmul.f32 v40, v2;
	s10 =	smul.f32 $1.562500000e-02, s10  }
0x350: {  	v40 =	vadd.f32 v32, v9;
	v32 =	vadd.f32 v34, v39;
	(xrf2) =	vadd.scan.msk.f32 $0xffff, v29;
	v29 =	vmov s3  }
0x351: {  	v34 =	vadd.f32 v41, v35;
	s3 =	smul.f32 s10, s10;
	v35 =	vshrl.u32 v29, $0x1;
	v29 =	vmul.f32 $5.000000000e-01, v29;
	s12 =	spop (v2sf)  }
0x352: {  	v41 =	vadd.f32 v36, v10;
	v43 =	vadd.f32 v37, v11;
	s12 =	smul.f32 $1.562500000e-02, s12;
	v35 =	vsub.s32 $0x5F3759DF, v35  }
0x353: {  	v44 =	vadd.f32 v32, v12;
	v32 =	vmul.f32 v40, v40;
	(xrf2) =	vadd.scan.msk.f32 $0xffff, v34;
	v34 =	vmul.f32 v35, v29  }
0x354: {  	v36 =	vadd.f32 v41, v40;
	v37 =	vmul.f32 v41, v41;
	v39 =	vmul.f32 v43, v43;
	s3 =	ssub.f32 s12, s3  }
0x355: {  	v45 =	vadd.f32 v44, v43;
	v46 =	vmul.f32 v44, v44;
	v34 =	vmul.f32 v35, v34  }
0x356: {  	v26 =	vsub.f32 $1.500000000e+00, v26;
	v48 =	vmov s10;
	v47 =	vadd.f32 v37, v32;
	s3 =	sadd.f32 $9.999999740e-06, s3  }
0x357: {  	v32 =	vmul.f32 v42, v3;
	v36 =	vadd.f32 v45, v36;
	v34 =	vsub.f32 $1.500000000e+00, v34  }
0x358: {  	v42 =	vmul.f32 v26, v38;
	v45 =	vadd.f32 v46, v39;
	v37 =	vmov s3  }
0x359: {  	(xrf2) =	vadd.scan.msk.f32 $0xffff, v36;
	v36 =	vshrl.u32 v37, $0x1;
	v26 =	vmul.f32 $5.000000000e-01, v37;
	v37 =	vmul.f32 v35, v34  }
0x35a: {  	v34 =	vadd.f32 v45, v47;
	v45 =	vsub.f32 v21, v48;
	v39, _, _ =	vpop (xrf2);
	v38 =	vsub.s32 $0x5F3759DF, v36  }
.Ltmp5:
0x35b: {  	v21 =	vmovc v40;
	v36 =	vsub.f32 v24, v48;
	v46 =	vmul.f32 v38, v26;
	v47 =	vmul.f32 v37, v29;
	(pc) =	sbr.rel @p1 .LBB2_13-.Ltmp5, $4  }
0x35c: {  	v35 =	vsub.f32 v22, v48;
	v40 =	vmul.f32 v42, v25;
	(xrf2) =	vadd.scan.msk.f32 $0xffff, v34;
	v34 =	vsub.f32 v23, v48  }
0x35d: {  	(v2sf) =	vpush v39, $0xF;
	v22, _, _ =	vpop (xrf2);
	v46 =	vmul.f32 v38, v46;
	v47 =	vmul.f32 v47, v37  }
0x35e: {  	v27 =	vmul.f32 v42, v27;
	v24 =	vmovc v41;
	v39 =	vmul.f32 v42, v28;
	(v2sf) =	vpush v22, $0xF;
	v22 =	vmovc v43  }
0x35f: {  	s9 =	sadd.s32 $0x200, s9;
	v31 =	vmul.f32 v42, v31;
	v25 =	vmovc v45;
	v23 =	vmovc v44;
	v28 =	vsub.f32 $1.500000000e+00, v46;
	v41 =	vsub.f32 $1.500000000e+00, v47  }
0x360: {  	_ =	sdelay $0x2  }
0x361: {  	v9, _, _ =	vpop (xrf2)  }
0x362: {  	(v2sf) =	vpush v9, $0xF;
	_ =	sdelay $0x1  }
0x363: {  	v9, _, _ =	vpop (xrf2)  }
0x364: {  	(v2sf) =	vpush v9, $0xF;
	_ =	sdelay $0x8  }
0x365: {  	s3 =	spop (v2sf)  }
0x366: {  	s8 =	smul.f32 $1.562500000e-02, s3;
	s10 =	spop (v2sf)  }
0x367: {  	s3 =	smul.f32 $1.562500000e-02, s10  }
0x368: {  	s10 =	smul.f32 s8, s8;
	s9 =	spop (v2sf)  }
0x369: {  	s9 =	smul.f32 $1.562500000e-02, s9  }
0x36a: {  	v12 =	vmul.f32 v27, v2;
	v27 =	vadd.f32 v30, v5;
	v30 =	vmul.f32 v41, v37;
	s3 =	ssub.f32 s3, s10  }
0x36b: {  	v11 =	vmul.f32 v40, v1;
	s12 =	smul.f32 s9, s9;
	s24 =	spop (v2sf)  }
0x36c: {  	v33 =	vadd.f32 v33, v6;
	v28 =	vmul.f32 v38, v28;
	v29 =	vmul.f32 v30, v29;
	s3 =	sadd.f32 $9.999999740e-06, s3;
	s24 =	smul.f32 $1.562500000e-02, s24  }
0x36d: {  	v56 =	vmul.f32 v39, v3;
	v42 =	vmov s23;
	v32 =	vadd.f32 v32, v7  }
0x36e: {  	v38 =	vmul.f32 v28, v26;
	v29 =	vmul.f32 v29, v30;
	v9 =	vmov s3;
	s12 =	ssub.f32 s24, s12  }
0x36f: {  	v31 =	vmul.f32 v31, v4;
	v57 =	vshrl.u32 v9, $0x1;
	v9 =	vmul.f32 $5.000000000e-01, v9  }
0x370: {  	v38 =	vmul.f32 v38, v28;
	v29 =	vsub.f32 $1.500000000e+00, v29;
	v39 =	vsub.s32 $0x5F3759DF, v57;
	s10 =	sadd.f32 $9.999999740e-06, s12  }
0x371: {  	v16 =	vsub.f32 v16, v42;
	v15 =	vsub.f32 v15, v42;
	v58 =	vmul.f32 v39, v9  }
0x372: {  	v38 =	vsub.f32 $1.500000000e+00, v38;
	v29 =	vmul.f32 v29, v30;
	v10 =	vmov s10  }
0x373: {  	v40 =	vmul.f32 v39, v58;
	v59 =	vshrl.u32 v10, $0x1;
	v10 =	vmul.f32 $5.000000000e-01, v10  }
0x374: {  	v13 =	vsub.f32 v13, v42;
	v28 =	vmul.f32 v38, v28;
	v41 =	vsub.s32 $0x5F3759DF, v59  }
0x375: {  	v16 =	vmul.f32 v29, v16;
	v30 =	vsub.f32 $1.500000000e+00, v40;
	v43 =	vmul.f32 v41, v10  }
0x376: {  	v14 =	vsub.f32 v14, v42;
	v15 =	vmul.f32 v29, v15;
	v26 =	vmul.f32 v28, v26  }
0x377: {  	v11 =	vadd.f32 v11, v5;
	v30 =	vmul.f32 v39, v30;
	v60 =	vmul.f32 v41, v43  }
0x378: {  	v12 =	vadd.f32 v12, v6;
	v13 =	vmul.f32 v29, v13;
	v26 =	vmul.f32 v26, v28  }
0x379: {  	v14 =	vmul.f32 v29, v14;
	v39 =	vmul.f32 v30, v9;
	v38 =	vsub.f32 $1.500000000e+00, v60  }
0x37a: {  	v16 =	vmul.f32 v16, v4;
	v15 =	vmul.f32 v15, v1;
	v26 =	vsub.f32 $1.500000000e+00, v26  }
0x37b: {  	v37 =	vadd.f32 v56, v7;
	v39 =	vmul.f32 v39, v30;
	v38 =	vmul.f32 v41, v38  }
0x37c: {  	v31 =	vadd.f32 v31, v8;
	v13 =	vmul.f32 v13, v2;
	v26 =	vmul.f32 v26, v28  }
0x37d: {  	v14 =	vmul.f32 v14, v3;
	v39 =	vsub.f32 $1.500000000e+00, v39;
	v29 =	vmul.f32 v38, v10  }
0x37e: {  	[tilespmem:s20+$0x17CC0] =	vst v27;
	v16 =	vadd.f32 v16, v8;
	v25 =	vmul.f32 v26, v25;
	v27 =	vmul.f32 v26, v36  }
0x37f: {  	[tilespmem:s20+$0x17C80] =	vst v11;
	v61 =	vmov s9;
	v28 =	vmul.f32 v29, v38;
	v29 =	vmul.f32 v39, v30  }
0x380: {  	[tilespmem:s20+$0x17C90] =	vst v12;
	v11 =	vsub.f32 v22, v61;
	v22 =	vmul.f32 v26, v34;
	v12 =	vsub.f32 v23, v61  }
0x381: {  	v23 =	vmul.f32 v25, v1;
	v28 =	vsub.f32 $1.500000000e+00, v28;
	v9 =	vmul.f32 v29, v9  }
0x382: {  	v15 =	vadd.f32 v15, v5;
	v25 =	vmul.f32 v27, v2;
	v30 =	vmul.f32 v26, v35  }
0x383: {  	[tilespmem:s20+$0x17CD0] =	vst v33;
	v13 =	vadd.f32 v13, v6;
	v26 =	vmul.f32 v28, v38;
	v9 =	vmul.f32 v9, v29  }
0x384: {  	v14 =	vadd.f32 v14, v7;
	[tilespmem:s21+$0x17CF0] =	vst v16;
	v16 =	vadd.f32 v25, v6;
	v27 =	vmul.f32 v30, v3  }
0x385: {  	[tilespmem:s20+$0x17CE0] =	vst v32;
	v28 =	vmov s8;
	v10 =	vmul.f32 v26, v10;
	v9 =	vsub.f32 $1.500000000e+00, v9  }
0x386: {  	[tilespmem:s21+$0x17CD0] =	vst v13;
	v13 =	vadd.f32 v27, v7;
	v20 =	vsub.f32 v20, v28  }
0x387: {  	[tilespmem:s21+$0x17CC0] =	vst v15;
	v15 =	vsub.f32 v18, v28;
	v10 =	vmul.f32 v10, v26;
	v9 =	vmul.f32 v9, v29  }
0x388: {  	v22 =	vmul.f32 v22, v4;
	v18 =	vsub.f32 v19, v28;
	[tilespmem:s21+$0x17CA0] =	vst v13;
	v13 =	vsub.f32 v17, v28  }
0x389: {  	[tilespmem:s20+$0x17CA0] =	vst v37;
	v10 =	vsub.f32 $1.500000000e+00, v10;
	v19 =	vmul.f32 v9, v20;
	v15 =	vmul.f32 v9, v15  }
0x38a: {  	[tilespmem:s20+$0x17CB0] =	vst v31;
	v21 =	vsub.f32 v21, v61;
	v18 =	vmul.f32 v9, v18;
	v9 =	vmul.f32 v9, v13  }
0x38b: {  	v23 =	vadd.f32 v23, v5;
	[tilespmem:s21+$0x17C90] =	vst v16;
	v10 =	vmul.f32 v10, v26;
	v16 =	vmul.f32 v19, v4  }
0x38c: {  	[tilespmem:s21+$0x17CE0] =	vst v14;
	v24 =	vsub.f32 v24, v61;
	v20 =	vadd.f32 v22, v8;
	v15 =	vmul.f32 v15, v1  }
0x38d: {  	[tilespmem:s21+$0x17C80] =	vst v23;
	v9 =	vmul.f32 v9, v3;
	v17 =	vmul.f32 v10, v21;
	v16 =	vadd.f32 v16, v8  }
0x38e: {  	[tilespmem:s21+$0x17CB0] =	vst v20;
	v18 =	vmul.f32 v18, v2;
	v19 =	vmul.f32 v10, v24;
	v15 =	vadd.f32 v15, v5  }
0x38f: {  	v11 =	vmul.f32 v10, v11;
	v9 =	vadd.f32 v9, v7;
	v14 =	vmul.f32 v17, v1;
	[tilespmem:s22+$0x17CF0] =	vst v16  }
0x390: {  	v10 =	vmul.f32 v10, v12;
	v12 =	vmul.f32 v19, v2;
	v16 =	vadd.f32 v18, v6;
	[tilespmem:s22+$0x17CC0] =	vst v15  }
0x391: {  	v11 =	vmul.f32 v11, v3;
	[tilespmem:s22+$0x17CE0] =	vst v9;
	v13 =	vadd.f32 v14, v5  }
0x392: {  	v10 =	vmul.f32 v10, v4;
	v12 =	vadd.f32 v12, v6;
	[tilespmem:s22+$0x17CD0] =	vst v16  }
0x393: {  	s20 =	sadd.s32 s5, s19;
	v11 =	vadd.f32 v11, v7;
	[tilespmem:s22+$0x17C80] =	vst v13  }
0x394: {  	s3 =	smul.u32 $0x640, s20;
	v10 =	vadd.f32 v10, v8;
	[tilespmem:s22+$0x17C90] =	vst v12  }
0x395: {  	[tilespmem:s22+$0x17CA0] =	vst v11  }
0x396: {  	s3 =	sadd.s32 s4, s3;
	[tilespmem:s22+$0x17CB0] =	vst v10  }
0x397: {  	[hbm4b:s3+s6] =	stream.linear.scatter [tilespmem:s28], [sflag:$0x5], $0x3200, $0x38;
	[tilespmem:$0x1E080] =	vst v63  }
0x398: {  	s9 =	simm.s32 @!p0 $0x11880;
	s8 =	simm.s32 @!p0 $0xC8;
	s3 =	sadd.s32 @!p0 $0x5160, s17  }
0x399: {  	[tilespmem:s9], [sflag:$0x3] =	stream.indirect.gather @!p0 [hbm4b:s7+s8], $0x40, s3, s8, $0xb8;
	[tilespmem:$0x1E080] =	vst v63  }
0x39a: {  	_ =	swait.ge [sflag:s0], $0x3200  }
0x39b: {  	[sflag:s0] =	ssyncset.done $0x0  }
0x39c: {  	[sflag:s0] =	ssyncadd.s32 $0xFFFFCE00  }
0x39d: {  	v9 =	vld [tilespmem:s16+$0x4C80]  }
0x39e: {  	v10 =	vld [tilespmem:s16+$0x4C90]  }
0x39f: {  	v11 =	vld [tilespmem:s16+$0x4CA0]  }
0x3a0: {  	v12 =	vld [tilespmem:s16+$0x4CB0]  }
0x3a1: {  	v13 =	vld [tilespmem:s16+$0x4CC0]  }
0x3a2: {  	v14 =	vld [tilespmem:s16+$0x4CD0]  }
0x3a3: {  	vm0 =	vne.s32 v9, $0x0;
	vm1 =	vne.s32 v10, $0x0;
	v9 =	vld [tilespmem:s16+$0x4CE0]  }
0x3a4: {  	vm5 =	vne.s32 v11, $0x0;
	v11 =	vld [tilespmem:s16+$0x4CF0];
	v10 =	vsel vm0, $0x1, v0;
	v15 =	vsel vm1, $0x1, v0  }
0x3a5: {  	vm6 =	vne.s32 v12, $0x0;
	v12 =	vld [tilespmem:s16+$0x4D00];
	v10 =	vadd.s32 v10, v15;
	v15 =	vsel vm5, $0x1, v0  }
0x3a6: {  	vm7 =	vne.s32 v13, $0x0;
	v13 =	vld [tilespmem:s16+$0x4D10];
	v10 =	vadd.s32 v15, v10;
	v15 =	vsel vm6, $0x1, v0  }
0x3a7: {  	vm8 =	vne.s32 v14, $0x0;
	v14 =	vld [tilespmem:s16+$0x4D20];
	v10 =	vadd.s32 v15, v10;
	v15 =	vsel vm7, $0x1, v0  }
0x3a8: {  	v10 =	vadd.s32 v15, v10;
	v15 =	vsel vm8, $0x1, v0;
	vm9 =	vne.s32 v9, $0x0;
	v9 =	vld [tilespmem:s16+$0x4D30]  }
0x3a9: {  	vm10 =	vne.s32 v11, $0x0;
	v11 =	vld [tilespmem:s16+$0x4D40];
	v10 =	vadd.s32 v15, v10;
	v15 =	vsel vm9, $0x1, v0  }
0x3aa: {  	vm11 =	vne.s32 v12, $0x0;
	v10 =	vadd.s32 v15, v10;
	v15 =	vsel vm10, $0x1, v0  }
0x3ab: {  	vm12 =	vne.s32 v13, $0x0;
	v12 =	vsel vm11, $0x1, v0;
	v10 =	vadd.s32 v15, v10  }
0x3ac: {  	vm13 =	vne.s32 v14, $0x0;
	v10 =	vadd.s32 v12, v10;
	v12 =	vsel vm12, $0x1, v0  }
0x3ad: {  	v10 =	vadd.s32 v12, v10;
	v12 =	vsel vm13, $0x1, v0;
	vm14 =	vne.s32 v9, $0x0  }
0x3ae: {  	vm15 =	vne.s32 v11, $0x0;
	v9 =	vadd.s32 v12, v10;
	v10 =	vsel vm14, $0x1, v0  }
0x3af: {  	v9 =	vadd.s32 v10, v9;
	v10 =	vsel vm15, $0x1, v0  }
0x3b0: {  	v9 =	vadd.s32 v10, v9  }
0x3b1: {  	(xrf0) =	vadd.scan.msk.s32 $0xffff, v9;
	_ =	sdelay $0x5  }
0x3b2: {  	v9, _, _ =	vpop (xrf0)  }
0x3b3: {  	(v2sf) =	vpush v9, $0xF;
	_ =	sdelay $0xe  }
0x3b4: {  	s21 =	spop (v2sf)  }
0x3b5: {  	s22 =	smulhi.u32 $0x66666667, s21;
	s23 =	sshra.s32 s21, $0x1F  }
0x3b6: {  	s9 =	smul.u32 $0x66666667, s23;
	_ =	sdelay $0x1  }
0x3b7: {  	s8 =	sadd.s32 s9, s22  }
0x3b8: {  	s9 =	sshrl.u32 s8, $0x1F;
	s8 =	sshra.s32 s8, $0x1  }
0x3b9: {  	s8 =	sadd.s32 s9, s8  }
0x3ba: {  	s9 =	smul.u32 $0xFFFFFFFB, s8  }
0x3bb: {  	s24 =	ssub.s32 $0x0, s21  }
0x3bc: {  	p6 =	slt.s32 s21, $0x1;
	p1 =	sne.s32 s9, s24  }
0x3bd: {  	p0 =	por !p6, !p1  }
0x3be: {  	s3 =	simm.s32 $0x1;
	p0 =	por !p0, !p0  }
0x3bf: {  	s3 =	simm.s32 @!p0 $0x0  }
0x3c0: {  	s3 =	ssub.s32 s8, s3  }
0x3c1: {  	s3 =	sshll.u32 s3, $0x8  }
0x3c2: {  	s3 =	sshra.s32 s3, $0x2  }
0x3c3: {  	v9 =	vld [tilespmem:s3+$0x3F00]  }
0x3c4: {  	v10 =	vld [tilespmem:s3+$0x3F10]  }
0x3c5: {  	v11 =	vld [tilespmem:s3+$0x3F20]  }
0x3c6: {  	v12 =	vld [tilespmem:s3+$0x3F30];
	_ =	swait.ge [sflag:s1], $0x3200  }
0x3c7: {  	[sflag:s1] =	ssyncset.done $0x0  }
0x3c8: {  	s16 =	simm.s32 $0x0;
	[sflag:s1] =	ssyncadd.s32 $0xFFFFCE00  }
0x3c9: {  	v13 =	vld [tilespmem:s16+$0x14AC0]  }
0x3ca: {  	v14 =	vld [tilespmem:s16+$0x40]  }
0x3cb: {  	v15 =	vld [tilespmem:s16+$0x14AD0]  }
0x3cc: {  	v16 =	vld [tilespmem:s16+$0x50]  }
0x3cd: {  	v17 =	vld [tilespmem:s16+$0x14AE0]  }
0x3ce: {  	v18 =	vld [tilespmem:s16+$0x60]  }
0x3cf: {  	v19 =	vld [tilespmem:s16+$0x14AF0]  }
0x3d0: {  	v20 =	vld [tilespmem:s16+$0x70]  }
0x3d1: {  	v21 =	vld [tilespmem:s16+$0x14A80]  }
0x3d2: {  	v22 =	vld [tilespmem:s16+$0x0]  }
0x3d3: {  	v23 =	vld [tilespmem:s16+$0x14A90]  }
0x3d4: {  	v24 =	vld [tilespmem:s16+$0x14AA0];
	v13 =	vadd.f32 v14, v13;
	v15 =	vadd.f32 v16, v15  }
0x3d5: {  	v14 =	vld [tilespmem:s16+$0x10];
	v16 =	vadd.f32 v18, v17;
	v20 =	vadd.f32 v20, v19  }
0x3d6: {  	v19 =	vadd.f32 v13, v9;
	v13 =	vld [tilespmem:s16+$0x20];
	v17 =	vadd.f32 v15, v10  }
0x3d7: {  	v18 =	vadd.f32 v16, v11;
	v15 =	vld [tilespmem:s16+$0x14AB0];
	v20 =	vadd.f32 v20, v12  }
0x3d8: {  	v16 =	vadd.f32 v22, v21;
	v21 =	vld [tilespmem:s16+$0x30];
	v22 =	vadd.f32 v17, v19  }
0x3d9: {  	v25 =	vadd.f32 v20, v18;
	v26 =	vmul.f32 v19, v19;
	v27 =	vmul.f32 v17, v17  }
0x3da: {  	v28 =	vmul.f32 v20, v20;
	v14 =	vadd.f32 v14, v23;
	v23 =	vmul.f32 v18, v18  }
0x3db: {  	v22 =	vadd.f32 v25, v22;
	v25 =	vadd.f32 v27, v26  }
0x3dc: {  	v13 =	vadd.f32 v13, v24;
	v23 =	vadd.f32 v28, v23  }
0x3dd: {  	v24 =	vadd.f32 v16, v9;
	v15 =	vadd.f32 v21, v15  }
0x3de: {  	v16 =	vadd.f32 v23, v25;
	v23 =	vadd.f32 v14, v10  }
0x3df: {  	(xrf2) =	vadd.scan.msk.f32 $0xffff, v22;
	v22 =	vadd.f32 v13, v11;
	v21 =	vadd.f32 v15, v12  }
0x3e0: {  	v13 =	vmul.f32 v24, v24;
	(xrf2) =	vadd.scan.msk.f32 $0xffff, v16;
	v15 =	vmul.f32 v23, v23  }
0x3e1: {  	v25 =	vmul.f32 v22, v22;
	v26 =	vmul.f32 v21, v21  }
0x3e2: {  	v14 =	vadd.f32 v23, v24;
	v16 =	vadd.f32 v21, v22  }
0x3e3: {  	v13 =	vadd.f32 v15, v13;
	v15 =	vadd.f32 v26, v25  }
0x3e4: {  	v14 =	vadd.f32 v16, v14  }
0x3e5: {  	v13 =	vadd.f32 v15, v13  }
0x3e6: {  	(xrf2) =	vadd.scan.msk.f32 $0xffff, v14;
	_ =	sdelay $0x2  }
0x3e7: {  	(xrf2) =	vadd.scan.msk.f32 $0xffff, v13;
	v13, _, _ =	vpop (xrf2)  }
0x3e8: {  	(v2sf) =	vpush v13, $0xF;
	v13, _, _ =	vpop (xrf2)  }
0x3e9: {  	(v2sf) =	vpush v13, $0xF  }
0x3ea: {  	s17 =	simm.s32 $0x80  }
0x3eb: {  	v29 =	vld [tilespmem:s17+$0x14A80]  }
0x3ec: {  	v28 =	vld [tilespmem:s17+$0x14AF0]  }
0x3ed: {  	v25 =	vld [tilespmem:s17+$0x50]  }
0x3ee: {  	v14 =	vld [tilespmem:s17+$0x40];
	v16, _, _ =	vpop (xrf2)  }
0x3ef: {  	v13 =	vld [tilespmem:s17+$0x14AC0];
	(v2sf) =	vpush v16, $0xF  }
0x3f0: {  	v15 =	vld [tilespmem:s17+$0x14AD0]  }
0x3f1: {  	v26 =	vld [tilespmem:s17+$0x60];
	v27, _, _ =	vpop (xrf2)  }
0x3f2: {  	v16 =	vld [tilespmem:s17+$0x14AE0];
	(v2sf) =	vpush v27, $0xF  }
0x3f3: {  	v27 =	vld [tilespmem:s17+$0x70]  }
0x3f4: {  	v30 =	vld [tilespmem:s17+$0x0];
	v13 =	vadd.f32 v14, v13  }
0x3f5: {  	v31 =	vld [tilespmem:s17+$0x14A90];
	v14 =	vadd.f32 v25, v15  }
0x3f6: {  	v62 =	vld [tilespmem:s17+$0x10];
	v15 =	vadd.f32 v13, v9  }
0x3f7: {  	v25 =	vld [tilespmem:s17+$0x14AA0];
	v13 =	vadd.f32 v14, v10;
	v16 =	vadd.f32 v26, v16;
	s10 =	spop (v2sf)  }
0x3f8: {  	v26 =	vadd.f32 v27, v28;
	v27 =	vld [tilespmem:s17+$0x20];
	s12 =	smul.f32 $1.562500000e-02, s10;
	s20 =	spop (v2sf)  }
0x3f9: {  	v63 =	vmul.f32 v15, v15;
	v40 =	vmul.f32 v13, v13;
	v14 =	vadd.f32 v16, v11;
	v28 =	vld [tilespmem:s17+$0x14AB0];
	s3 =	smul.f32 $1.562500000e-02, s20  }
0x3fa: {  	v16 =	vadd.f32 v26, v12;
	v26 =	vadd.f32 v30, v29;
	v29 =	vld [tilespmem:s17+$0x30];
	s21 =	smul.f32 s12, s12  }
0x3fb: {  	v31 =	vadd.f32 v62, v31;
	v44 =	vadd.f32 v40, v63  }
0x3fc: {  	v30 =	vadd.f32 v13, v15;
	v42 =	vmul.f32 v14, v14;
	v43 =	vmul.f32 v16, v16;
	s3 =	ssub.f32 s3, s21  }
0x3fd: {  	v41 =	vadd.f32 v16, v14;
	v27 =	vadd.f32 v27, v25  }
0x3fe: {  	v25 =	vadd.f32 v26, v9;
	v45 =	vadd.f32 v43, v42;
	s22 =	spop (v2sf);
	s3 =	sadd.f32 $9.999999740e-06, s3  }
0x3ff: {  	v30 =	vadd.f32 v41, v30;
	v26 =	vadd.f32 v29, v28;
	s9 =	smul.f32 $1.562500000e-02, s22  }
0x400: {  	v29 =	vadd.f32 v31, v10;
	v31 =	vadd.f32 v27, v11;
	v28 =	vmov s3  }
0x401: {  	v33 =	vadd.f32 v45, v44;
	(xrf2) =	vadd.scan.msk.f32 $0xffff, v30;
	s24 =	spop (v2sf);
	s23 =	smul.f32 s9, s9;
	v30 =	vshrl.u32 v28, $0x1;
	v28 =	vmul.f32 $5.000000000e-01, v28  }
0x402: {  	v32 =	vadd.f32 v26, v12;
	v26 =	vmul.f32 v25, v25;
	s10 =	smul.f32 $1.562500000e-02, s24;
	v27 =	vsub.s32 $0x5F3759DF, v30  }
0x403: {  	v47 =	vmul.f32 v29, v29;
	(xrf2) =	vadd.scan.msk.f32 $0xffff, v33;
	v30 =	vmul.f32 v27, v28  }
0x404: {  	v48 =	vmul.f32 v31, v31;
	v50 =	vmul.f32 v32, v32;
	s3 =	ssub.f32 s10, s23  }
0x405: {  	v46 =	vadd.f32 v29, v25;
	v49 =	vadd.f32 v32, v31;
	v30 =	vmul.f32 v27, v30  }
0x406: {  	v26 =	vadd.f32 v47, v26;
	v51 =	vadd.f32 v50, v48;
	s3 =	sadd.f32 $9.999999740e-06, s3  }
0x407: {  	v30 =	vsub.f32 $1.500000000e+00, v30  }
0x408: {  	v33 =	vadd.f32 v49, v46;
	v26 =	vadd.f32 v51, v26;
	v52 =	vmov s3  }
0x409: {  	v53 =	vshrl.u32 v52, $0x1;
	v54 =	vmul.f32 $5.000000000e-01, v52;
	v27 =	vmul.f32 v27, v30  }
0x40a: {  	v30 =	vsub.s32 $0x5F3759DF, v53  }
0x40b: {  	(xrf2) =	vadd.scan.msk.f32 $0xffff, v33;
	v35 =	vmul.f32 v30, v54;
	v56 =	vmul.f32 v27, v28  }
0x40c: {  	v62 =	vmov s9;
	v55, _, _ =	vpop (xrf2)  }
0x40d: {  	s19 =	simm.s32 $0x100;
	(xrf2) =	vadd.scan.msk.f32 $0xffff, v26;
	(v2sf) =	vpush v55, $0xF;
	v26, _, _ =	vpop (xrf2);
	v57 =	vmul.f32 v30, v35;
	v58 =	vmul.f32 v56, v27  }
0x40e: {  	v60 =	vld [tilespmem:s19+$0x14AC0];
	v41 =	vsub.f32 v23, v62;
	(v2sf) =	vpush v26, $0xF  }
0x40f: {  	v23 =	vld [tilespmem:s19+$0x60];
	v26 =	vsub.f32 $1.500000000e+00, v57;
	v59 =	vsub.f32 $1.500000000e+00, v58  }
0x410: {  	v43 =	vsub.f32 v21, v62;
	v21 =	vld [tilespmem:s19+$0x70]  }
0x411: {  	v48 =	vld [tilespmem:s19+$0x14AE0];
	v26 =	vmul.f32 v30, v26;
	v27 =	vmul.f32 v59, v27  }
0x412: {  	v49 =	vld [tilespmem:s19+$0x14AF0]  }
0x413: {  	v61 =	vld [tilespmem:s19+$0x40];
	v47 =	vmul.f32 v26, v54;
	v28 =	vmul.f32 v27, v28  }
0x414: {  	v63 =	vld [tilespmem:s19+$0x50]  }
0x415: {  	v38 =	vsub.f32 v24, v62;
	v42 =	vsub.f32 v22, v62;
	v24, _, _ =	vpop (xrf2);
	v30 =	vld [tilespmem:s19+$0x14AD0];
	v22 =	vmul.f32 v47, v26  }
0x416: {  	v23 =	vadd.f32 v23, v48;
	(v2sf) =	vpush v24, $0xF;
	v24 =	vmul.f32 v28, v27  }
0x417: {  	v21 =	vadd.f32 v21, v49;
	v22 =	vsub.f32 $1.500000000e+00, v22;
	v28, _, _ =	vpop (xrf2)  }
0x418: {  	v24 =	vsub.f32 $1.500000000e+00, v24;
	(v2sf) =	vpush v28, $0xF;
	v28 =	vmov s12  }
0x419: {  	v45 =	vld [tilespmem:s19+$0x0];
	v44 =	vsub.f32 v19, v28;
	v46 =	vsub.f32 v17, v28  }
0x41a: {  	v36 =	vmul.f32 v22, v26;
	v22 =	vld [tilespmem:s19+$0x20];
	v17 =	vadd.f32 v61, v60;
	v19 =	vadd.f32 v63, v30  }
0x41b: {  	v20 =	vsub.f32 v20, v28;
	v28 =	vsub.f32 v18, v28;
	v24 =	vmul.f32 v24, v27;
	v27 =	vld [tilespmem:s19+$0x14AA0]  }
0x41c: {  	v50 =	vld [tilespmem:s19+$0x14A80];
	v18 =	vadd.f32 v17, v9;
	v19 =	vadd.f32 v19, v10  }
0x41d: {  	v51 =	vld [tilespmem:s19+$0x10];
	s10 =	spop (v2sf);
	v26 =	vmul.f32 v24, v20;
	v20 =	vadd.f32 v21, v12;
	v21 =	vmul.f32 v24, v44  }
0x41e: {  	v55 =	vld [tilespmem:s19+$0x30];
	s20 =	smul.f32 $1.562500000e-02, s10;
	s12 =	spop (v2sf);
	v17 =	vadd.f32 v23, v11;
	v23 =	vmul.f32 v36, v54;
	v46 =	vmul.f32 v24, v46  }
0x41f: {  	v53 =	vld [tilespmem:s19+$0x14AB0];
	s3 =	smul.f32 $1.562500000e-02, s12;
	v56 =	vmul.f32 v18, v18;
	v57 =	vmul.f32 v19, v19  }
0x420: {  	v47 =	vld [tilespmem:s19+$0x14A90];
	s21 =	smul.f32 s20, s20;
	v58 =	vmul.f32 v17, v17;
	v22 =	vadd.f32 v22, v27;
	v27 =	vmul.f32 v20, v20  }
0x421: {  	v52 =	vmul.f32 v26, v4;
	v26 =	vadd.f32 v19, v18;
	v54 =	vadd.f32 v20, v17  }
0x422: {  	v28 =	vmul.f32 v24, v28;
	s3 =	ssub.f32 s3, s21;
	v24 =	vadd.f32 v57, v56;
	v27 =	vadd.f32 v27, v58  }
0x423: {  	v59 =	vmul.f32 v23, v36;
	v23 =	vadd.f32 v54, v26  }
0x424: {  	v30 =	vadd.f32 v45, v50;
	s3 =	sadd.f32 $9.999999740e-06, s3;
	v27 =	vadd.f32 v27, v24  }
0x425: {  	v35 =	vadd.f32 v51, v47;
	v60 =	vadd.f32 v55, v53;
	s22 =	spop (v2sf);
	(xrf2) =	vadd.scan.msk.f32 $0xffff, v23  }
0x426: {  	v26 =	vmul.f32 v21, v1;
	s8 =	smul.f32 $1.562500000e-02, s22;
	v21 =	vadd.f32 v30, v9;
	v30 =	vmov s3;
	(xrf2) =	vadd.scan.msk.f32 $0xffff, v27  }
0x427: {  	v63 =	vadd.f32 v52, v8;
	v61 =	vshrl.u32 v30, $0x1;
	v33 =	vmul.f32 $5.000000000e-01, v30  }
0x428: {  	v47 =	vsub.f32 $1.500000000e+00, v59;
	v22 =	vadd.f32 v22, v11;
	s23 =	smul.f32 s8, s8;
	v62 =	vsub.s32 $0x5F3759DF, v61;
	s24 =	spop (v2sf)  }
0x429: {  	v23 =	vadd.f32 v60, v12;
	v30 =	vmul.f32 v21, v21;
	v51 =	vmul.f32 v62, v33;
	s9 =	smul.f32 $1.562500000e-02, s24  }
0x42a: {  	v48 =	vmov s8;
	v24 =	vadd.f32 v35, v10;
	v55 =	vmul.f32 v22, v22  }
0x42b: {  	v35 =	vsub.f32 v31, v48;
	v57 =	vmul.f32 v23, v23;
	v34 =	vmul.f32 v62, v51;
	s3 =	ssub.f32 s9, s23  }
0x42c: {  	v54 =	vadd.f32 v23, v22;
	v52 =	vmul.f32 v24, v24;
	v53 =	vadd.f32 v24, v21  }
0x42d: {  	v58 =	vadd.f32 v57, v55;
	v34 =	vsub.f32 $1.500000000e+00, v34;
	s3 =	sadd.f32 $9.999999740e-06, s3  }
0x42e: {  	v59 =	vmul.f32 v47, v36;
	v56 =	vadd.f32 v52, v30;
	v44 =	vadd.f32 v54, v53  }
0x42f: {  	v30 =	vmul.f32 v28, v3;
	v39 =	vmul.f32 v62, v34;
	v31, _, _ =	vpop (xrf2);
	v28 =	vmov s3  }
0x430: {  	(v2sf) =	vpush v31, $0xF;
	v31, _, _ =	vpop (xrf2);
	(xrf2) =	vadd.scan.msk.f32 $0xffff, v44;
	v60 =	vshrl.u32 v28, $0x1;
	v28 =	vmul.f32 $5.000000000e-01, v28  }
0x431: {  	v27 =	vmul.f32 v46, v2;
	v46 =	vadd.f32 v58, v56;
	v40 =	vsub.s32 $0x5F3759DF, v60  }
0x432: {  	v36 =	vsub.f32 v29, v48;
	v29 =	vmul.f32 v39, v33;
	v61 =	vmul.f32 v40, v28  }
0x433: {  	v38 =	vmul.f32 v59, v38;
	v37 =	vmul.f32 v59, v42;
	(xrf2) =	vadd.scan.msk.f32 $0xffff, v46  }
0x434: {  	[tilespmem:s16+$0x1AEF0] =	vst v63;
	v25 =	vsub.f32 v25, v48;
	v63 =	vmul.f32 v29, v39;
	v62 =	vmul.f32 v40, v61  }
0x435: {  	v34 =	vsub.f32 v32, v48;
	v29 =	vmul.f32 v59, v41;
	(v2sf) =	vpush v31, $0xF  }
0x436: {  	s8 =	simm.s32 $0x4;
	v32 =	vmul.f32 v59, v43;
	s9 =	simm.s32 $0x600;
	v41 =	vsub.f32 $1.500000000e+00, v63;
	v31 =	vsub.f32 $1.500000000e+00, v62  }
.LBB2_15:
0x437: {  	s3 =	sshra.s32 s9, $0x2;
	v38 =	vmul.f32 v38, v1;
	v42 =	vmul.f32 v29, v2;
	v26 =	vadd.f32 v26, v5;
	v29 =	vmovc v36  }
0x438: {  	v27 =	vadd.f32 v27, v6;
	v36 =	vld [tilespmem:s3+$0x14AC0];
	v40 =	vmul.f32 v40, v31;
	v39 =	vmul.f32 v41, v39;
	v31 =	vmovc v35  }
0x439: {  	v37 =	vmul.f32 v37, v3;
	v41 =	vmul.f32 v32, v4;
	v35 =	vld [tilespmem:s3+$0x40];
	v38 =	vadd.f32 v38, v5;
	[tilespmem:s16+$0x1AEC0] =	vst v26  }
0x43a: {  	v42 =	vadd.f32 v42, v6;
	v26 =	vld [tilespmem:s3+$0x14AD0];
	v32, _, _ =	vpop (xrf2);
	v44 =	vmul.f32 v40, v28;
	v33 =	vmul.f32 v39, v33;
	[tilespmem:s16+$0x1AED0] =	vst v27  }
0x43b: {  	v37 =	vadd.f32 v37, v7;
	v27 =	vld [tilespmem:s3+$0x50];
	(v2sf) =	vpush v32, $0xF;
	[tilespmem:s16+$0x1AE80] =	vst v38;
	v32 =	vmov v34  }
0x43c: {  	v41 =	vadd.f32 v41, v8;
	v34 =	vld [tilespmem:s3+$0x14AE0];
	v38 =	vmul.f32 v44, v40;
	v33 =	vmul.f32 v33, v39;
	[tilespmem:s16+$0x1AE90] =	vst v42  }
0x43d: {  	v30 =	vadd.f32 v30, v7;
	v42 =	vld [tilespmem:s3+$0x60];
	v43, _, _ =	vpop (xrf2);
	[tilespmem:s16+$0x1AEA0] =	vst v37  }
0x43e: {  	v37 =	vld [tilespmem:s3+$0x14AF0];
	(v2sf) =	vpush v43, $0xF;
	v33 =	vsub.f32 $1.500000000e+00, v33;
	[tilespmem:s16+$0x1AEB0] =	vst v41  }
0x43f: {  	v38 =	vsub.f32 $1.500000000e+00, v38;
	v43 =	vmov s20;
	v41 =	vld [tilespmem:s3+$0x70];
	[tilespmem:s16+$0x1AEE0] =	vst v30;
	s16 =	smov.u32 s17;
	s17 =	smov.u32 s19;
	s19 =	smov.u32 s3  }
0x440: {  	s8 =	sadd.s32 $0x2, s8;
	v46 =	vsub.f32 v16, v43;
	v30 =	vld [tilespmem:s19+$0x14A80];
	v33 =	vmul.f32 v33, v39;
	v39 =	vsub.f32 v15, v43;
	v15 =	vmovc v18  }
0x441: {  	p0 =	slt.u32 s8, $0xC6;
	v38 =	vmul.f32 v38, v40;
	v40 =	vsub.f32 v13, v43;
	v43 =	vsub.f32 v14, v43;
	v13 =	vmovc v19;
	v44 =	vld [tilespmem:s19+$0x0]  }
0x442: {  	v18 =	vadd.f32 v35, v36;
	v14 =	vmovc v17;
	v45 =	vld [tilespmem:s19+$0x14A90];
	v35 =	vmul.f32 v33, v39;
	v19 =	vmul.f32 v33, v46  }
0x443: {  	v16 =	vmovc v20;
	v17 =	vadd.f32 v27, v26;
	v26 =	vadd.f32 v42, v34;
	v27 =	vmul.f32 v38, v28;
	v36 =	vld [tilespmem:s19+$0x10];
	s3 =	spop (v2sf)  }
0x444: {  	v18 =	vadd.f32 v18, v9;
	v28 =	vld [tilespmem:s19+$0x14AA0];
	v20 =	vadd.f32 v41, v37;
	s20 =	smul.f32 $1.562500000e-02, s3;
	s3 =	spop (v2sf);
	v34 =	vmul.f32 v19, v4  }
0x445: {  	v19 =	vadd.f32 v17, v10;
	v17 =	vadd.f32 v26, v11;
	v39 =	vmul.f32 v27, v38;
	v37 =	vld [tilespmem:s19+$0x20];
	s3 =	smul.f32 $1.562500000e-02, s3  }
0x446: {  	v27 =	vmul.f32 v33, v40;
	v41 =	vld [tilespmem:s19+$0x14AB0];
	v20 =	vadd.f32 v20, v12;
	s10 =	smul.f32 s20, s20;
	v26 =	vadd.f32 v34, v8  }
0x447: {  	v42 =	vmul.f32 v33, v43;
	v30 =	vadd.f32 v44, v30;
	v40 =	vadd.f32 v19, v18;
	v34 =	vld [tilespmem:s19+$0x30]  }
0x448: {  	v43 =	vmul.f32 v18, v18;
	v44 =	vmul.f32 v19, v19;
	v33 =	vadd.f32 v20, v17;
	s3 =	ssub.f32 s3, s10;
	[tilespmem:s16+$0x1AEF0] =	vst v26  }
0x449: {  	v36 =	vadd.f32 v36, v45;
	v45 =	vmul.f32 v17, v17;
	v46 =	vmul.f32 v20, v20  }
0x44a: {  	v26 =	vmul.f32 v35, v1;
	v28 =	vadd.f32 v37, v28;
	v33 =	vadd.f32 v33, v40;
	s3 =	sadd.f32 $9.999999740e-06, s3;
	s10 =	spop (v2sf)  }
0x44b: {  	v27 =	vmul.f32 v27, v2;
	v35 =	vadd.f32 v44, v43;
	v37 =	vadd.f32 v46, v45;
	s10 =	smul.f32 $1.562500000e-02, s10  }
0x44c: {  	v43 =	vadd.f32 v30, v9;
	v30 =	vadd.f32 v34, v41;
	(xrf2) =	vadd.scan.msk.f32 $0xffff, v33;
	v33 =	vmov s3  }
0x44d: {  	v34 =	vadd.f32 v37, v35;
	s3 =	smul.f32 s10, s10;
	v35 =	vshrl.u32 v33, $0x1;
	v33 =	vmul.f32 $5.000000000e-01, v33;
	s12 =	spop (v2sf)  }
0x44e: {  	v41 =	vadd.f32 v36, v10;
	v44 =	vadd.f32 v28, v11;
	s12 =	smul.f32 $1.562500000e-02, s12;
	v35 =	vsub.s32 $0x5F3759DF, v35  }
0x44f: {  	v28 =	vmul.f32 v43, v43;
	v45 =	vadd.f32 v30, v12;
	(xrf2) =	vadd.scan.msk.f32 $0xffff, v34;
	v30 =	vmul.f32 v35, v33  }
0x450: {  	v36 =	vmul.f32 v41, v41;
	v37 =	vmul.f32 v44, v44;
	v34 =	vadd.f32 v41, v43;
	s3 =	ssub.f32 s12, s3  }
0x451: {  	v40 =	vadd.f32 v45, v44;
	v46 =	vmul.f32 v45, v45;
	v30 =	vmul.f32 v35, v30  }
0x452: {  	v47 =	vmov s10;
	v36 =	vadd.f32 v36, v28;
	v28 =	vsub.f32 $1.500000000e+00, v39;
	s3 =	sadd.f32 $9.999999740e-06, s3  }
0x453: {  	v34 =	vadd.f32 v40, v34;
	v39 =	vsub.f32 $1.500000000e+00, v30;
	v30 =	vmul.f32 v42, v3  }
0x454: {  	v46 =	vadd.f32 v46, v37;
	v42 =	vmul.f32 v28, v38;
	v40 =	vmov s3  }
0x455: {  	(xrf2) =	vadd.scan.msk.f32 $0xffff, v34;
	v34 =	vshrl.u32 v40, $0x1;
	v28 =	vmul.f32 $5.000000000e-01, v40;
	v39 =	vmul.f32 v35, v39  }
0x456: {  	v35 =	vadd.f32 v46, v36;
	v46 =	vsub.f32 v21, v47;
	v37, _, _ =	vpop (xrf2);
	v40 =	vsub.s32 $0x5F3759DF, v34  }
.Ltmp6:
0x457: {  	v36 =	vsub.f32 v24, v47;
	v21 =	vmovc v43;
	v48 =	vmul.f32 v40, v28;
	v49 =	vmul.f32 v39, v33;
	(pc) =	sbr.rel @p0 .LBB2_15-.Ltmp6, $4  }
0x458: {  	v38 =	vmul.f32 v42, v25;
	v34 =	vsub.f32 v23, v47;
	(xrf2) =	vadd.scan.msk.f32 $0xffff, v35;
	v35 =	vsub.f32 v22, v47  }
0x459: {  	(v2sf) =	vpush v37, $0xF;
	v22, _, _ =	vpop (xrf2);
	v43 =	vmul.f32 v40, v48;
	v47 =	vmul.f32 v49, v39  }
0x45a: {  	v29 =	vmul.f32 v42, v29;
	v24 =	vmovc v41;
	v37 =	vmul.f32 v42, v31;
	(v2sf) =	vpush v22, $0xF;
	v22 =	vmovc v44  }
0x45b: {  	s9 =	sadd.s32 $0x200, s9;
	v32 =	vmul.f32 v42, v32;
	v23 =	vmovc v45;
	v25 =	vmovc v46;
	v31 =	vsub.f32 $1.500000000e+00, v43;
	v41 =	vsub.f32 $1.500000000e+00, v47  }
0x45c: {  	_ =	sdelay $0x2  }
0x45d: {  	v9, _, _ =	vpop (xrf2)  }
0x45e: {  	(v2sf) =	vpush v9, $0xF;
	_ =	sdelay $0x1  }
0x45f: {  	v9, _, _ =	vpop (xrf2)  }
0x460: {  	(v2sf) =	vpush v9, $0xF;
	_ =	sdelay $0x8  }
0x461: {  	s3 =	spop (v2sf)  }
0x462: {  	s8 =	smul.f32 $1.562500000e-02, s3;
	s21 =	spop (v2sf)  }
0x463: {  	s3 =	smul.f32 $1.562500000e-02, s21  }
0x464: {  	v9 =	vmul.f32 v41, v39;
	s10 =	smul.f32 s8, s8;
	s9 =	spop (v2sf)  }
0x465: {  	s9 =	smul.f32 $1.562500000e-02, s9  }
0x466: {  	v11 =	vmul.f32 v9, v33;
	s3 =	ssub.f32 s3, s10  }
0x467: {  	s12 =	smul.f32 s9, s9;
	s21 =	spop (v2sf)  }
0x468: {  	v11 =	vmul.f32 v11, v9;
	s21 =	smul.f32 $1.562500000e-02, s21  }
0x469: {  	v55 =	vmov s20;
	v38 =	vmul.f32 v38, v1;
	v26 =	vadd.f32 v26, v5;
	s3 =	sadd.f32 $9.999999740e-06, s3  }
0x46a: {  	v29 =	vmul.f32 v29, v2;
	v27 =	vadd.f32 v27, v6;
	v11 =	vsub.f32 $1.500000000e+00, v11;
	s22 =	ssub.f32 s21, s12  }
0x46b: {  	v37 =	vmul.f32 v37, v3;
	v10 =	vmul.f32 v40, v31;
	v56 =	vmov s3  }
0x46c: {  	v9 =	vmul.f32 v11, v9;
	v11 =	vshrl.u32 v56, $0x1;
	v33 =	vmul.f32 $5.000000000e-01, v56;
	s23 =	sadd.f32 $9.999999740e-06, s22  }
0x46d: {  	v30 =	vadd.f32 v30, v7;
	v12 =	vmul.f32 v10, v28;
	v11 =	vsub.s32 $0x5F3759DF, v11  }
0x46e: {  	v15 =	vsub.f32 v15, v55;
	v58 =	vmul.f32 v11, v33;
	v57 =	vmov s23  }
0x46f: {  	v12 =	vmul.f32 v12, v10;
	v59 =	vshrl.u32 v57, $0x1;
	v39 =	vmul.f32 $5.000000000e-01, v57  }
0x470: {  	v16 =	vsub.f32 v16, v55;
	v40 =	vmul.f32 v11, v58;
	v60 =	vsub.s32 $0x5F3759DF, v59  }
0x471: {  	v13 =	vsub.f32 v13, v55;
	v12 =	vsub.f32 $1.500000000e+00, v12;
	v41 =	vmul.f32 v60, v39  }
0x472: {  	v14 =	vsub.f32 v14, v55;
	v32 =	vmul.f32 v32, v4;
	v61 =	vsub.f32 $1.500000000e+00, v40  }
0x473: {  	v29 =	vadd.f32 v29, v6;
	v10 =	vmul.f32 v12, v10;
	v62 =	vmul.f32 v60, v41  }
0x474: {  	v37 =	vadd.f32 v37, v7;
	v32 =	vadd.f32 v32, v8;
	v11 =	vmul.f32 v11, v61  }
0x475: {  	v63 =	vmul.f32 v10, v28;
	v15 =	vmul.f32 v9, v15;
	v40 =	vsub.f32 $1.500000000e+00, v62  }
0x476: {  	v28 =	vadd.f32 v38, v5;
	v16 =	vmul.f32 v9, v16;
	v41 =	vmul.f32 v11, v33  }
0x477: {  	v50 =	vmov s8;
	v13 =	vmul.f32 v9, v13;
	v12 =	vmul.f32 v60, v40  }
0x478: {  	v20 =	vsub.f32 v20, v50;
	v9 =	vmul.f32 v9, v14;
	v31 =	vmul.f32 v41, v11  }
0x479: {  	v52 =	vsub.f32 v18, v50;
	v14 =	vmul.f32 v63, v10;
	v43 =	vmul.f32 v12, v39  }
0x47a: {  	v16 =	vmul.f32 v16, v4;
	v15 =	vmul.f32 v15, v1;
	v42 =	vsub.f32 $1.500000000e+00, v31  }
0x47b: {  	v14 =	vsub.f32 $1.500000000e+00, v14;
	v13 =	vmul.f32 v13, v2;
	v31 =	vmul.f32 v43, v12  }
0x47c: {  	v19 =	vsub.f32 v19, v50;
	v9 =	vmul.f32 v9, v3;
	v11 =	vmul.f32 v42, v11  }
0x47d: {  	[tilespmem:s16+$0x1AEC0] =	vst v26;
	v10 =	vmul.f32 v14, v10;
	v16 =	vadd.f32 v16, v8;
	v31 =	vsub.f32 $1.500000000e+00, v31  }
0x47e: {  	[tilespmem:s16+$0x1AED0] =	vst v27;
	v15 =	vadd.f32 v15, v5;
	v13 =	vadd.f32 v13, v6;
	v33 =	vmul.f32 v11, v33  }
0x47f: {  	[tilespmem:s16+$0x1AEE0] =	vst v30;
	v9 =	vadd.f32 v9, v7;
	v44 =	vmov s9;
	v12 =	vmul.f32 v31, v12  }
0x480: {  	[tilespmem:s16+$0x1AE90] =	vst v29;
	v21 =	vsub.f32 v21, v44;
	v25 =	vmul.f32 v10, v25;
	v48 =	vmul.f32 v33, v11  }
0x481: {  	[tilespmem:s16+$0x1AEA0] =	vst v37;
	v45 =	vmul.f32 v10, v36;
	v24 =	vsub.f32 v24, v44;
	v49 =	vmul.f32 v12, v39  }
0x482: {  	[tilespmem:s16+$0x1AEB0] =	vst v32;
	v46 =	vmul.f32 v10, v35;
	v47 =	vmul.f32 v25, v1;
	v25 =	vsub.f32 $1.500000000e+00, v48  }
0x483: {  	[tilespmem:s16+$0x1AE80] =	vst v28;
	v22 =	vsub.f32 v22, v44;
	v10 =	vmul.f32 v10, v34;
	v28 =	vmul.f32 v49, v12  }
0x484: {  	v14 =	vsub.f32 v23, v44;
	[tilespmem:s17+$0x1AEF0] =	vst v16;
	v26 =	vmul.f32 v45, v2;
	v11 =	vmul.f32 v25, v11  }
0x485: {  	[tilespmem:s17+$0x1AEC0] =	vst v15;
	v27 =	vmul.f32 v46, v3;
	v10 =	vmul.f32 v10, v4;
	v53 =	vsub.f32 $1.500000000e+00, v28  }
0x486: {  	[tilespmem:s17+$0x1AED0] =	vst v13;
	v23 =	vadd.f32 v47, v5;
	v51 =	vadd.f32 v26, v6;
	v20 =	vmul.f32 v11, v20  }
0x487: {  	[tilespmem:s17+$0x1AEE0] =	vst v9;
	v54 =	vadd.f32 v27, v7;
	v15 =	vmul.f32 v11, v52;
	v12 =	vmul.f32 v53, v12  }
0x488: {  	v10 =	vadd.f32 v10, v8;
	[tilespmem:s17+$0x1AE80] =	vst v23;
	v56 =	vmul.f32 v11, v19;
	v55 =	vmul.f32 v20, v4  }
0x489: {  	[tilespmem:s17+$0x1AE90] =	vst v51;
	v57 =	vsub.f32 v17, v50;
	v15 =	vmul.f32 v15, v1;
	v58 =	vmul.f32 v12, v21  }
0x48a: {  	[tilespmem:s17+$0x1AEB0] =	vst v10;
	v59 =	vmul.f32 v56, v2;
	v10 =	vadd.f32 v55, v8;
	v60 =	vmul.f32 v12, v24  }
0x48b: {  	[tilespmem:s17+$0x1AEA0] =	vst v54;
	v15 =	vadd.f32 v15, v5;
	v9 =	vmul.f32 v12, v22;
	v17 =	vmul.f32 v58, v1  }
0x48c: {  	v62 =	vadd.f32 v59, v6;
	[tilespmem:s19+$0x1AEF0] =	vst v10;
	v10 =	vmul.f32 v12, v14;
	v61 =	vmul.f32 v60, v2  }
0x48d: {  	v11 =	vmul.f32 v11, v57;
	[tilespmem:s19+$0x1AEC0] =	vst v15;
	v9 =	vmul.f32 v9, v3;
	v63 =	vadd.f32 v17, v5  }
0x48e: {  	s14 =	sadd.s32 $0x1, s14;
	[tilespmem:s19+$0x1AED0] =	vst v62;
	v10 =	vmul.f32 v10, v4;
	v12 =	vadd.f32 v61, v6  }
0x48f: {  	p0 =	sne.s32 s14, $0x20;
	v11 =	vmul.f32 v11, v3;
	v9 =	vadd.f32 v9, v7;
	[tilespmem:s19+$0x1AE80] =	vst v63  }
.Ltmp7:
0x490: {  	s24 =	sadd.s32 s5, s15;
	v10 =	vadd.f32 v10, v8;
	[tilespmem:s19+$0x1AE90] =	vst v12;
	(pc) =	sbr.rel @p0 .LBB2_8-.Ltmp7, $4  }
0x491: {  	s3 =	smul.u32 $0x640, s24;
	[tilespmem:s19+$0x1AEA0] =	vst v9;
	v9 =	vadd.f32 v11, v7  }
0x492: {  	[tilespmem:s19+$0x1AEB0] =	vst v10  }
0x493: {  	s3 =	sadd.s32 s4, s3;
	[tilespmem:s19+$0x1AEE0] =	vst v9  }
0x494: {  	[hbm4b:s3+s6] =	stream.linear.scatter [tilespmem:s30], [sflag:$0x6], $0x3200, $0x38;
	[tilespmem:$0x1E080] =	vst v63  }
0x495: {  	_ =	swait.ge [sflag:s2], $0x3200  }
0x496: {  	[sflag:s2] =	ssyncset.done $0x0  }
0x497: {  	[sflag:s2] =	ssyncadd.s32 $0xFFFFCE00  }
0x498: {  	_ =	swait.ge [sflag:s1], $0x3200  }
0x499: {  	s8 =	rddreg [dreg:$0x9]  }
0x49a: {  	s3 =	rddreg [dreg:$0x8];
	s8 =	sadd.s32 $0x1, s8  }
0x49b: {  	p0 =	sne.s32 s8, s3  }
.Ltmp8:
0x49c: {  	_ = 	snop;
	(pc) =	sbr.rel @p0 .LBB2_1-.Ltmp8, $3  }
0x49d: {  	_ =	sdelay $0x1  }
0x49e: {  	[sflag:s1] =	ssyncset.done $0x0  }
0x49f: {  	[sflag:s1] =	ssyncadd.s32 $0xFFFFCE00  }
0x4a0: {  	_ =	sfence.sel $0x180000  }
0x4a1: {  	[bflag:$0x0] =	sbarrier.arrive $0xFFFF  }
0x4a2: {  	_ =	strace $0x90000047  }
0x4a3: {  	s0 =	stileid.u32;
	[bflag:$0x2] =	sbarrier.arrive $0xFFFF  }
0x4a4: {  	p0 =	sne.s32 s0, $0x0;
	s0 =	rddreg [dreg:$0x4]  }
0x4a5: {  	s0 =	sadd.s32 @!p0 $0x100000, s0  }
0x4a6: {  	[sflag:s0] =	ssyncadd.tile.s32 @!p0 $0x1;
	_ =	shalt  }
.Lfunc_end2:
_tile_overlayer_lowered:
.L_overlay_start_2:
0x4a7: {  	(tag) =	ssettag $0x2  }
0x4a8: {  	s0 =	rddreg [dreg:$0x0];
	s2 =	stileid.u32  }
0x4a9: {  	s1 =	rddreg [dreg:$0x1];
	p0 =	sne.s32 s2, $0x0  }
0x4aa: {  	s3 =	rddreg [dreg:$0x2];
	[bflag:$0x3] =	sbarrier.arrive $0xFFFF;
	s2 =	simm.s32 @!p0 $0x1C07  }
0x4ab: {  	[timem:s3], [sflag:s2] =	dma.local @!p0 [hbm:s0], s1  }
0x4ac: {  	s0 =	simm.s32 @!p0 $0x7  }
0x4ad: {  	_ =	swait.ge @!p0 [sflag:s0], s1  }
0x4ae: {  	s1 =	ssub.s32 @!p0 $0x0, s1;
	[sflag:s0] =	ssyncset.done @!p0 $0x0  }
0x4af: {  	[sflag:s0] =	ssyncadd.s32 @!p0 s1  }
0x4b0: {  	[bflag:$0x3] =	sbarrier.arrive $0xFFFF  }
0x4b1: {  	_ =	shalt  }

// kernel: sparse-core-data-format-call.cloned.1.call-start
scs
called_computation_lowered:
.L_overlay_start_0:
0x0: {  	s2 =	sld [smem:$0x3FD9]  }
0x1: {  	s3 =	sld [smem:$0x3FFE];
	_ =	sdelay $0x1  }
0x2: {  	s1 =	srdreg.scid  }
0x3: {  	s0 =	sand.u32 $0x1, s1  }
0x4: {  	s18 =	sshll.u32 s0, $0xA;
	s2 =	sadd.s32 s3, s2  }
0x5: {  	s2 =	sadd.s32 s2, s18  }
0x6: {  	[smem:$0x3FC1] =	sst s2  }
0x7: {  	_ = 	snop  }
0x8: {  	s2 =	sld [smem:$0x3FD0];
	(tm) =	ssettm $0x1  }
0x9: {  	s19 =	sld [smem:$0x3FFB];
	_ =	sdelay $0x3  }
0xa: {  	_ =	strace s19  }
0xb: {  	s3 =	sld [smem:$0x3FFC];
	_ =	sdelay $0x3  }
0xc: {  	_ =	strace s3  }
0xd: {  	s3 =	sld [smem:$0x3FFD];
	_ =	sdelay $0x3  }
0xe: {  	_ =	strace s3  }
0xf: {  	_ =	strace $0x8FFFFFFF  }
0x10: {  	s20 =	sld [smem:$0x3FDB];
	_ =	sdelay $0x1  }
0x11: {  	s4 =	simm.s32 $_scs_section_size  }
0x12: {  	s5 =	simm.s32 $_size__tile_overlayer_lowered;
	s6 =	simm.s32 $_tile_overlayer_lowered  }
0x13: {  	s23 =	simm.s32 $0x1BFF;
	s22 =	sshll.u32 s6, $0x1;
	s3 =	sadd.s32 s4, s20  }
0x14: {  	s7 =	simm.s32 $0x0;
	s21 =	sshll.u32 s5, $0x1;
	s5 =	sadd.s32 s22, s3  }
0x15: {  	[timem:s7], [sflag:s23] =	dma.local [hbm:s5], s21  }
0x16: {  	_ =	swait.ge [sflag:s23], s21  }
0x17: {  	s4 =	ssub.s32 $0x0, s21;
	[sflag:s23] =	ssyncset.done $0x0  }
0x18: {  	[sflag:s23] =	ssyncadd.s32 s4;
	_ =	sdelay $0x1  }
0x19: {  	s24 =	simm.s32 $0x1B8B  }
0x1a: {  	_ =	swait.ge [sflag:s24], $0x1  }
0x1b: {  	[sflag:s24] =	ssyncset.done $0x0  }
0x1c: {  	s26 =	simm.s32 $0x1B8E;
	s25 =	sld [smem:$0x3FFE];
	[sflag:s24] =	ssyncadd.s32 $0xFFFFFFFF  }
0x1d: {  	s27 =	simm.s32 $execute0_lowered;
	[smem:$0x3FD2] =	sst s26  }
0x1e: {  	s5 =	sshll.u32 s27, $0x1;
	_ =	strace $0x80000049;
	[dreg:$0x1] =	wrdreg $0xFFFFFFFF  }
0x1f: {  	s28 =	simm.s32 $_size_execute0_lowered;
	s3 =	sadd.s32 s3, s5;
	[dreg:$0x0] =	wrdreg $0x0  }
0x20: {  	s5 =	sshll.u32 s28, $0x1;
	[dreg:$0x2] =	wrdreg s3  }
0x21: {  	[dreg:$0x3] =	wrdreg s5  }
0x22: {  	[dreg:$0x4] =	wrdreg $0xC0  }
0x23: {  	_ =	task [dreg:s7], $0x5FFFF  }
0x24: {  	[dreg:$0x1] =	wrdreg $0xFFFFFFFF  }
0x25: {  	[dreg:$0x0] =	wrdreg $0x60  }
0x26: {  	[dreg:$0x2] =	wrdreg s25  }
0x27: {  	[dreg:$0x3] =	wrdreg s2  }
0x28: {  	[dreg:$0x4] =	wrdreg $0x9  }
0x29: {  	_ =	task.clear_ibuf [dreg:s7], $0x5FFFF;
	_ =	strace $0x90000049  }
0x2a: {  	s29 =	simm.s32 $0x9;
	_ =	strace $0x8000004B  }
0x2b: {  	_ =	swait.ge [sflag:s29], $0x1  }
0x2c: {  	[sflag:s29] =	ssyncadd.s32 $0xFFFFFFFF  }
0x2d: {  	_ =	strace $0x9000004B  }
0x2e: {  	_ =	sfence  }
0x2f: {  	s30 =	sld [smem:$0x0];
	_ =	sdelay $0x2  }
0x30: {  	s31 =	sshll.u32 s1, $0xD;
	s1 =	sshrl.u32 s1, $0x2  }
0x31: {  	s3 =	sand.u32 $0x4000, s31;
	s1 =	sadd.s32 s1, s30  }
0x32: {  	s0 =	sor.u32 s3, s0;
	s1 =	sshll.u32 s1, $0x11  }
0x33: {  	s0 =	sor.u32 s1, s0  }
0x34: {  	s0 =	sadd.s32 $0x8F2B, s0  }
0x35: {  	[sflag:s0] =	ssyncadd.remote.s32 $0x1  }
0x36: {  	_ =	sfence.sel $0xFFFF  }
0x37: {  	[dreg:$0x0] =	wrdreg $0xFFFFFFFF;
	(pc) =	sbr.abs _section_cstart, $3  }
0x38: {  	[dreg:$0x1] =	wrdreg $0xFFFFFFFF  }
0x39: {  	_ =	task.clear_ibuf [dreg:s7], $0x2FFFF;
	_ =	strace $0x9FFFFFFF  }
0x3a: {  	(tm) =	ssettm $0x7FFFFFFF  }
0x3b: {  	_ =	shalt  }
tec
execute0_lowered:
.L_overlay_start_1:
0x0: {  	(tag) =	ssettag $0x1  }
0x1: {  	s0 =	srdreg.scid  }
0x2: {  	s1 =	sshll.u32 s0, $0x4  }
0x3: {  	s0 =	stileid.u32;
	s1 =	sand.u32 $0x10, s1  }
0x4: {  	s1 =	sor.u32 s0, s1  }
0x5: {  	s6 =	rddreg [dreg:$0x0];
	s4 =	simm.s32 $0x1;
	s2 =	sshll.u32 s1, $0x7  }
0x6: {  	s7 =	simm.s32 $0x2;
	s12 =	simm.s32 $0x0;
	s1 =	ssub.s32 $0x1000, s2  }
0x7: {  	s8 =	simm.s32 $0x8000;
	s13 =	simm.s32 $0x0;
	s3 =	sand.u32 $0xF80, s1  }
0x8: {  	s9 =	simm.s32 $0x0;
	s5 =	sshrl.u32 s1, $0xC;
	p0 =	sne.s32 s3, $0x0  }
.Ltmp0:
0x9: {  	s1 =	rddreg [dreg:$0x2];
	s4 =	simm.s32 @!p0 $0x0;
	(pc) =	sbr.rel .LBB1_1-.Ltmp0, $4  }
0xa: {  	s11 =	simm.s32 $0x0;
	s3 =	rddreg [dreg:$0x1];
	s5 =	sadd.s32 s4, s5  }
0xb: {  	_ =	strace $0x8000004A;
	s4 =	simm.s32 $0x1;
	s5 =	smul.u32 $0xC8, s5  }
0xc: {  	s6 =	sadd.s32 $0x800, s6;
	s10 =	smov.u32 s2;
	[sflag:s4] =	ssyncpa.u1 $0x0  }
0xd: {  	p0 =	por $0x0, $0x0;
	[sflag:s7] =	ssyncpa.u1 $0x0;
	s7 =	sor.u32 $0x1, s5  }
.LBB1_4:
0xe: {  	s16 =	sshll.u32 s13, $0x3;
	s17 =	sand.u32 $0x78, s13  }
0xf: {  	s30 =	sand.u32 $0x7E00, s13;
	s12 =	sshll.u32 s12, $0xF;
	s16 =	sand.u32 $0xC00, s16  }
0x10: {  	[tilespmem:s15+$0x810 ss:$0x81] =	vst.msk $0xffff, v2;
	s31 =	sand.u32 $0x7, s13;
	s16 =	sor.u32 s17, s16;
	s17 =	sadd.s32 s3, s30  }
0x11: {  	[tilespmem:s15+$0x1020 ss:$0x81] =	vst.msk $0xffff, v0;
	s13 =	sshll.u32 s31, $0x12;
	s12 =	sadd.s32 s12, s17;
	s16 =	sshrl.u32 s16, $0x3  }
0x12: {  	[tilespmem:s15+$0x0 ss:$0x81] =	vst.msk $0xffff, v1;
	s13 =	sor.u32 $0x400, s13;
	s12 =	sadd.s32 s16, s12  }
0x13: {  	[hbm4b:s12+s13] =	stream.strided.scatter [tilespmem:s14], [sflag:$0x2], $0x2000, s8, s13, $0x20;
	[tilespmem:$0x8080] =	vst v63  }
.LBB1_5:
0x14: {  	s14 =	sadd.s32 $0x1, s9  }
0x15: {  	s12 =	sadd.s32 $0x1000, s10;
	s16 =	smov.u32 s10;
	p2 =	sgt.s32 s14, $0xC7  }
0x16: {  	s16 =	smov.u32 @p2 s12  }
0x17: {  	s14 =	simm.s32 @p2 $0x0;
	p2 =	sgt.s32 s16, $0xFFF  }
0x18: {  	s16 =	smov.u32 @p2 s2;
	p2 =	sne.s32 s11, s7  }
.Ltmp1:
0x19: {  	p1 =	slt.u32 s11, $0x2;
	(pc) =	sbr.rel @!p2 .LBB1_6-.Ltmp1, $4  }
0x1a: {  	s15 =	simm.s32 @!p1 $0x2  }
0x1b: {  	s13 =	smov.u32 s10;
	p0 =	por !p0, !p0;
	_ =	swait.ge @!p1 [sflag:s15], $0x2000  }
0x1c: {  	s12 =	smov.u32 s9;
	[sflag:s15] =	ssyncset.done @!p1 $0x0;
	s9 =	smov.u32 s14  }
0x1d: {  	s11 =	sadd.s32 $0x1, s11;
	[sflag:s15] =	ssyncadd.s32 @!p1 $0xFFFFE000;
	s10 =	smov.u32 s16  }
.LBB1_1:
0x1e: {  	p1 =	sge.u32 s11, s5  }
0x1f: {  	s14 =	sand.u32 @!p1 $0x1FFFFFF, s9  }
0x20: {  	s15 =	smulhi.u32 @!p1 $0x147AE15, s14;
	_ =	sdelay $0x1  }
0x21: {  	s15 =	smul.u32 @!p1 $0xC8, s15  }
0x22: {  	s16 =	sxor.u32 @!p1 $0xFFFFFFFF, s11;
	s17 =	smul.u32 @!p1 $0xC80, s10  }
0x23: {  	s31 =	sadd.s32 $0xFFFFFFFF, s11;
	s16 =	sshll.u32 @!p1 s16, $0xD;
	s14 =	ssub.s32 @!p1 s14, s15  }
0x24: {  	s15 =	sand.u32 @!p1 $0x2000, s16;
	s16 =	sadd.s32 @!p1 s6, s17;
	s14 =	sshll.u32 @!p1 s14, $0x4  }
0x25: {  	s17 =	simm.s32 @!p1 $0x6400;
	s14 =	sadd.s32 @!p1 s14, s16;
	s16 =	simm.s32 @!p1 $0x40  }
0x26: {  	[tilespmem:s15], [sflag:$0x1] =	stream.strided.gather @!p1 [hbm4b:s14+s16], $0x2000, s17, s16, $0x38;
	[tilespmem:$0x8080] =	vst v63  }
0x27: {  	p1 =	sge.u32 s31, s5  }
.Ltmp2:
0x28: {  	_ = 	snop;
	(pc) =	sbr.rel @p1 .LBB1_5-.Ltmp2, $1  }
0x29: {  	_ =	sdelay $0x3  }
0x2a: {  	s14 =	simm.s32 $0x1  }
0x2b: {  	_ =	swait.ge [sflag:s4], $0x2000;
	s14 =	simm.s32 @!p0 $0x0  }
0x2c: {  	[sflag:s4] =	ssyncset.done $0x0;
	s15 =	sshll.u32 s14, $0xD  }
0x2d: {  	[sflag:s4] =	ssyncadd.s32 $0xFFFFE000;
	s18 =	sor.u32 $0x20, s15  }
0x2e: {  	s14 =	smul.u32 $0x8100, s14;
	v3 =	vld [tilespmem:s18+$0x10]  }
0x2f: {  	s30 =	sand.u32 $0x1, s11;
	v2 =	vld [tilespmem:s18+$0xFFFFFFF0]  }
0x30: {  	s15 =	smul.u32 $0x8100, s30;
	s14 =	sshrl.u32 s14, $0x2;
	v0 =	vld [tilespmem:s18+$0x0]  }
0x31: {  	v1 =	vld [tilespmem:s18+$0xFFFFFFE0];
	s16 =	sor.u32 $0x4000, s14  }
0x32: {  	s31 =	sshrl.u32 s15, $0x2;
	s15 =	sadd.s32 $0x0, s16  }
0x33: {  	s17 =	simm.s32 $0x4;
	s18 =	sadd.s32 $0x40, s18;
	s14 =	sor.u32 $0x4000, s31;
	[tilespmem:s15+$0x1830 ss:$0x81] =	vst.msk $0xffff, v3  }
.LBB1_3:
0x34: {  	v3 =	vld [tilespmem:s18+$0x10];
	p1 =	sne.s32 s17, $0x1FC;
	[tilespmem:s15+$0x810 ss:$0x81] =	vst.msk $0xffff, v2;
	s19 =	smov.u32 s17;
	s17 =	sadd.s32 $0x4, s17  }
.Ltmp3:
0x35: {  	v2 =	vld [tilespmem:s18+$0xFFFFFFF0];
	[tilespmem:s15+$0x1020 ss:$0x81] =	vst.msk $0xffff, v0;
	(pc) =	sbr.rel @p1 .LBB1_3-.Ltmp3, $4  }
0x36: {  	v0 =	vld [tilespmem:s18+$0x0];
	[tilespmem:s15+$0x0 ss:$0x81] =	vst.msk $0xffff, v1  }
0x37: {  	s15 =	sshra.s32 s19, $0x2;
	v1 =	vld [tilespmem:s18+$0xFFFFFFE0]  }
0x38: {  	s15 =	sadd.s32 s15, s16  }
0x39: {  	s18 =	sadd.s32 $0x40, s18;
	[tilespmem:s15+$0x1830 ss:$0x81] =	vst.msk $0xffff, v3  }
.Ltmp4:
0x3a: {  	_ = 	snop;
	(pc) =	sbr.rel .LBB1_4-.Ltmp4, $1  }
0x3b: {  	_ =	sdelay $0x3  }
.LBB1_6:
0x3c: {  	_ =	sfence.sel $0x180000  }
0x3d: {  	s2 =	simm.s32 $0x1;
	[bflag:$0x0] =	sbarrier.arrive $0xFFFF  }
0x3e: {  	s31 =	simm.s32 $0x2;
	[sflag:s2] =	ssyncpa.u1 $0x1  }
0x3f: {  	[sflag:s31] =	ssyncpa.u1 $0x1  }
0x40: {  	p0 =	sne.s32 s0, $0x0;
	_ =	strace $0x9000004A  }
0x41: {  	s0 =	sadd.s32 @!p0 $0x100000, s1;
	[bflag:$0x2] =	sbarrier.arrive $0xFFFF  }
0x42: {  	[sflag:s0] =	ssyncadd.tile.s32 @!p0 $0x1;
	_ =	shalt  }
.Lfunc_end1:
_tile_overlayer_lowered:
.L_overlay_start_2:
0x43: {  	(tag) =	ssettag $0x2  }
0x44: {  	s0 =	rddreg [dreg:$0x0];
	s2 =	stileid.u32  }
0x45: {  	s1 =	rddreg [dreg:$0x1];
	p0 =	sne.s32 s2, $0x0  }
0x46: {  	s3 =	rddreg [dreg:$0x2];
	[bflag:$0x3] =	sbarrier.arrive $0xFFFF;
	s2 =	simm.s32 @!p0 $0x1C01  }
0x47: {  	[timem:s3], [sflag:s2] =	dma.local @!p0 [hbm:s0], s1  }
0x48: {  	s0 =	simm.s32 @!p0 $0x1  }
0x49: {  	_ =	swait.ge @!p0 [sflag:s0], s1  }
0x4a: {  	s1 =	ssub.s32 @!p0 $0x0, s1;
	[sflag:s0] =	ssyncset.done @!p0 $0x0  }
0x4b: {  	[sflag:s0] =	ssyncadd.s32 @!p0 s1  }
0x4c: {  	[bflag:$0x3] =	sbarrier.arrive $0xFFFF  }
0x4d: {  	_ =	shalt  }

</sc_bundles>
